<compile_context>
chip_gen: v7x
topology: tpu7x:2x2x1
jax: 0.10.2.dev20260603
libtpu: 0.0.44.dev20260713+nightly
codegen_flags: <defaults>
</compile_context>

<pallas_src>
import functools

import numpy as np
import jax
import jax.numpy as jnp
from jax import lax
from jax.experimental import pallas as pl
from jax.experimental.pallas import tpu as pltpu
from jax.experimental.pallas import tpu_sc as plsc

_INPUT = 784
_HIDDEN = 100000
_CLASSES = 10
_K = 6
_L = 10
_SAMPLES = 2048
_BATCH = 1024
_NB = 1 << _K
_NJ = _L * _NB
_TBITS = 17
_IDMASK = (1 << _TBITS) - 1

_ROWS_PER_BLOCK = 1000
_NUM_BLOCKS = _HIDDEN // _ROWS_PER_BLOCK


def _build_template() -> np.ndarray:
    t = np.zeros((_NJ, _L * _K), np.float32)
    for l in range(_L):
        for b in range(_NB):
            for k in range(_K):
                t[l * _NB + b, l * _K + k] = 1.0 if (b >> k) & 1 else -1.0
    return t


_TEMPLATE_T = _build_template().T


def _score_body(x_ref, hwt_ref, tt_ref, w_ref, keys_ref, cf_ref):
    i = pl.program_id(0)

    @pl.when(i == 0)
    def _():
        sx = jnp.dot(x_ref[...], hwt_ref[...], preferred_element_type=jnp.float32)
        sgn_x = jnp.where(sx > 0.0, 1.0, -1.0)
        ax = jnp.dot(sgn_x, tt_ref[...], preferred_element_type=jnp.float32)
        cf_ref[...] = jnp.sum(
            jnp.where(ax == float(_K), 1.0, 0.0), axis=0, keepdims=True
        )

    sw = jnp.dot(w_ref[...], hwt_ref[...], preferred_element_type=jnp.float32)
    sgn_w = jnp.where(sw > 0.0, 1.0, -1.0)
    aw = jnp.dot(sgn_w, tt_ref[...], preferred_element_type=jnp.float32)
    onehot = jnp.where(aw == float(_K), 1.0, 0.0)
    score = jnp.sum(onehot * cf_ref[...], axis=1)
    ids = i * _ROWS_PER_BLOCK + lax.iota(jnp.int32, _ROWS_PER_BLOCK)
    keys = score.astype(jnp.int32) * (1 << _TBITS) + (_IDMASK - ids)
    keys_ref[...] = keys.reshape(1, 1, _ROWS_PER_BLOCK)


def _score_call(x, hwt, tt, w1):
    return pl.pallas_call(
        _score_body,
        grid=(_NUM_BLOCKS,),
        in_specs=[
            pl.BlockSpec((_BATCH, _INPUT), lambda i: (0, 0)),
            pl.BlockSpec((_INPUT, _L * _K), lambda i: (0, 0)),
            pl.BlockSpec((_L * _K, _NJ), lambda i: (0, 0)),
            pl.BlockSpec((_ROWS_PER_BLOCK, _INPUT), lambda i: (i, 0)),
        ],
        out_specs=pl.BlockSpec((1, 1, _ROWS_PER_BLOCK), lambda i: (i, 0, 0)),
        out_shape=jax.ShapeDtypeStruct((_NUM_BLOCKS, 1, _ROWS_PER_BLOCK), jnp.int32),
        scratch_shapes=[pltpu.VMEM((1, _NJ), jnp.float32)],
    )(x, hwt, tt, w1)


_NC = 2
_NS = 16
_NW = _NC * _NS
_B_PER_W = _SAMPLES // _NW
_SMALL = 16


@functools.cache
def _get_gather_kernel():
    @functools.partial(
        pl.kernel,
        mesh=plsc.VectorSubcoreMesh(core_axis_name="c", subcore_axis_name="s"),
        out_type=[
            jax.ShapeDtypeStruct((_SAMPLES, _INPUT), jnp.float32),
            jax.ShapeDtypeStruct((_SAMPLES, _SMALL), jnp.float32),
        ],
        scratch_types=[
            pltpu.VMEM((_B_PER_W,), jnp.int32),
            pltpu.VMEM((_B_PER_W, _INPUT), jnp.float32),
            pltpu.VMEM((_B_PER_W, _SMALL), jnp.float32),
            pltpu.SemaphoreType.DMA,
            pltpu.SemaphoreType.DMA,
        ],
    )
    def _gather_kernel(w1_hbm, wp_hbm, idx_hbm, ws_out, sm_out,
                       idx_v, rows_v, sm_v, sem_in, sem_in2):
        wid = lax.axis_index("s") * _NC + lax.axis_index("c")
        base = wid * _B_PER_W
        pltpu.sync_copy(idx_hbm.at[pl.ds(base, _B_PER_W)], idx_v)
        for c in range(_B_PER_W // 16):
            chunk = idx_v[pl.ds(c * 16, 16)]
            for lane in range(16):
                j = c * 16 + lane
                rid = lax.squeeze(lax.slice_in_dim(chunk, lane, lane + 1), (0,))
                pltpu.async_copy(w1_hbm.at[rid], rows_v.at[j], sem_in)
                pltpu.async_copy(wp_hbm.at[rid], sm_v.at[j], sem_in2)
        pltpu.make_async_copy(
            w1_hbm.at[pl.ds(0, _B_PER_W)], rows_v, sem_in).wait()
        pltpu.make_async_copy(
            wp_hbm.at[pl.ds(0, _B_PER_W)], sm_v, sem_in2).wait()
        pltpu.sync_copy(rows_v, ws_out.at[pl.ds(base, _B_PER_W)])
        pltpu.sync_copy(sm_v, sm_out.at[pl.ds(base, _B_PER_W)])

    return _gather_kernel


def _ffn_body(x_ref, ws_ref, sm_ref, bs_ref, b2_ref, out_ref):
    h = lax.dot_general(
        x_ref[...], ws_ref[...],
        (((1,), (1,)), ((), ())),
        preferred_element_type=jnp.float32,
    )
    h = jnp.maximum(h + bs_ref[...], 0.0)
    out = jnp.dot(h, sm_ref[..., :_CLASSES], preferred_element_type=jnp.float32)
    out_ref[...] = out + b2_ref[...]


def _ffn_call(x, ws, sm, bs_row, b2_row):
    return pl.pallas_call(
        _ffn_body,
        in_specs=[
            pl.BlockSpec((_BATCH, _INPUT), lambda: (0, 0)),
            pl.BlockSpec((_SAMPLES, _INPUT), lambda: (0, 0)),
            pl.BlockSpec((_SAMPLES, _SMALL), lambda: (0, 0)),
            pl.BlockSpec((1, _SAMPLES), lambda: (0, 0)),
            pl.BlockSpec((1, _CLASSES), lambda: (0, 0)),
        ],
        out_specs=pl.BlockSpec((_BATCH, _CLASSES), lambda: (0, 0)),
        out_shape=jax.ShapeDtypeStruct((_BATCH, _CLASSES), jnp.float32),
    )(x, ws, sm, bs_row, b2_row)


def kernel(X, W1, b1, W2, b2, hash_w):
    X = X.reshape(-1, _INPUT)
    hwt = hash_w.T
    tt = jnp.asarray(_TEMPLATE_T)
    keys = _score_call(X, hwt, tt, W1).reshape(_HIDDEN)
    vals, _ = lax.top_k(keys, _SAMPLES)
    ids = _IDMASK - (vals & _IDMASK)
    wp = jnp.concatenate(
        [W2.T, b1[:, None], jnp.zeros((_HIDDEN, _SMALL - _CLASSES - 1), jnp.float32)],
        axis=1,
    )
    ws, sm = _get_gather_kernel()(W1, wp, ids)
    bs_row = sm[:, _CLASSES].reshape(1, _SAMPLES)
    return _ffn_call(X, ws, sm, bs_row, b2.reshape(1, _CLASSES))

# --- scband reference (transcript-rebuilt; emitter-appended) ---
"""Pipeline reference for scband-mnistnet-51470888075432 (READ-ONLY COPY).

The authoritative reference and input builder live on the scoring server;
editing this copy changes nothing except your own understanding.
"""

import jax, jax.numpy as jnp
import numpy as np

INPUT_SIZE = 784
HIDDEN = 100000
NUM_CLASSES = 10
K = 6
L = 10
NUM_SAMPLES = 2048
BATCH = 1024


def setup_inputs(seed: int = 0) -> dict:
    key = jax.random.key(seed)
    ks = jax.random.split(key, 6)
    X = jax.random.normal(ks[0], (BATCH, INPUT_SIZE), dtype=jnp.float32)
    W1 = jax.random.normal(ks[1], (HIDDEN, INPUT_SIZE), dtype=jnp.float32) * (1.0 / np.sqrt(INPUT_SIZE))
    b1 = jax.random.normal(ks[2], (HIDDEN,), dtype=jnp.float32) * 0.01
    W2 = jax.random.normal(ks[3], (NUM_CLASSES, HIDDEN), dtype=jnp.float32) * (1.0 / np.sqrt(HIDDEN))
    b2 = jax.random.normal(ks[4], (NUM_CLASSES,), dtype=jnp.float32) * 0.01
    hash_w = jax.random.normal(ks[5], (L * K, INPUT_SIZE), dtype=jnp.float32)
    return {"X": X, "W1": W1, "b1": b1, "W2": W2, "b2": b2, "hash_w": hash_w}


def _lsh_sample_ids(X, W1, hash_w):
    # SimHash LSH: K sign-bits per table, L tables. Neurons landing in buckets
    # that are hit by many queries are retrieved (top NUM_SAMPLES by collision count).
    pw = (2 ** jnp.arange(K)).astype(jnp.int32)
    bits_w = (W1 @ hash_w.T > 0).astype(jnp.int32).reshape(HIDDEN, L, K)
    buckets_w = (bits_w * pw[None, None, :]).sum(axis=-1)  # [HIDDEN, L]
    bits_x = (X @ hash_w.T > 0).astype(jnp.int32).reshape(-1, L, K)
    buckets_x = (bits_x * pw[None, None, :]).sum(axis=-1)  # [N, L]
    offsets = (jnp.arange(L) * (2 ** K)).astype(jnp.int32)
    counts = jnp.bincount((buckets_x + offsets[None, :]).ravel(), length=L * (2 ** K))
    scores = jnp.take(counts, buckets_w + offsets[None, :]).sum(axis=1).astype(jnp.float32)
    _, ids = jax.lax.top_k(scores, NUM_SAMPLES)
    return ids


def reference(X, W1, b1, W2, b2, hash_w):
    X = X.reshape(-1, 28 * 28)
    sample_ids = _lsh_sample_ids(X, W1, hash_w)
    # LSHLayer: sampled hidden layer -> logits only for retrieved neurons
    Ws = jnp.take(W1, sample_ids, axis=0)          # [NUM_SAMPLES, 784] gather
    bs = jnp.take(b1, sample_ids, axis=0)          # [NUM_SAMPLES] gather
    sample_logits = X @ Ws.T + bs[None, :]
    sample_logits = jax.nn.relu(sample_logits)
    weights = jnp.take(W2, sample_ids, axis=1)     # output_fc.weight[:, sample_ids]
    out = sample_logits @ weights.T + b2[None, :]
    return out

if __name__ == "__main__":
    import jax
    _d = setup_inputs()
    print(jax.jit(kernel)(*tuple(_d.values())))

</pallas_src>

<mosaic_0001>
#map = affine_map<(d0, d1) -> (0, 0)>
#map1 = affine_map<(d0, d1) -> (0)>
module attributes {stable_mosaic.version = 14 : i64} {
  func.func @_gather_kernel(%arg0: i32, %arg1: i32, %arg2: memref<100000x784xf32, #tpu.memory_space<hbm>>, %arg3: memref<100000x16xf32, #tpu.memory_space<hbm>>, %arg4: memref<2048xi32, #tpu.memory_space<hbm>>, %arg5: memref<2048x784xf32, #tpu.memory_space<hbm>>, %arg6: memref<2048x16xf32, #tpu.memory_space<hbm>>, %arg7: memref<64xi32, #tpu.memory_space<vmem>>, %arg8: memref<64x784xf32, #tpu.memory_space<vmem>>, %arg9: memref<64x16xf32, #tpu.memory_space<vmem>>, %arg10: memref<!tpu.dma_semaphore, #tpu.memory_space<semaphore_mem>>, %arg11: memref<!tpu.dma_semaphore, #tpu.memory_space<semaphore_mem>>) attributes {dimension_semantics = [#tpu.dimension_semantics<core_parallel>, #tpu.dimension_semantics<subcore_parallel>], iteration_bounds = array<i64: 2, 16>, scalar_prefetch = 0 : i64, scratch_operands = 5 : i64, tpu.core_type = #tpu.core_type<sc_vector_subcore>, window_params = [{transform_indices = #map}, {transform_indices = #map}, {transform_indices = #map1}, {transform_indices = #map}, {transform_indices = #map}]} {
    %mul3A = arith.constant 2 : i32
    %mul3A_0 = arith.muli %arg1, %mul3A : i32
    %add3A = arith.addi %mul3A_0, %arg0 : i32
    %mul3A_1 = arith.constant 64 : i32
    %mul3A_2 = arith.muli %add3A, %mul3A_1 : i32
    "tpu.region"() ({
      %run_scoped3A = tpu.sem_alloc : memref<!tpu.dma_semaphore, #tpu.memory_space<semaphore_mem>>
      %dma_start3A_1814 = tpu.memref_slice %arg4[%mul3A_2] : memref<2048xi32, #tpu.memory_space<hbm>> -> memref<64xi32, #tpu.memory_space<hbm>>
      %dma_start3A_1815 = tpu.memref_slice %arg4[%mul3A_2] : memref<2048xi32, #tpu.memory_space<hbm>> -> memref<64xi32, #tpu.memory_space<hbm>>
      tpu.enqueue_dma source(%dma_start3A_1815 : memref<64xi32, #tpu.memory_space<hbm>>) target(%arg7 : memref<64xi32, #tpu.memory_space<vmem>>) target_semaphore(%run_scoped3A : memref<!tpu.dma_semaphore, #tpu.memory_space<semaphore_mem>>)
      %dma_wait3A_1816 = tpu.memref_slice %arg4[%mul3A_2] : memref<2048xi32, #tpu.memory_space<hbm>> -> memref<64xi32, #tpu.memory_space<hbm>>
      %dma_wait3A_1817 = tpu.memref_slice %arg4[%mul3A_2] : memref<2048xi32, #tpu.memory_space<hbm>> -> memref<64xi32, #tpu.memory_space<hbm>>
      tpu.wait_dma2 semaphore(%run_scoped3A : memref<!tpu.dma_semaphore, #tpu.memory_space<semaphore_mem>>) src(%dma_wait3A_1817 : memref<64xi32, #tpu.memory_space<hbm>>) dst(%arg7 : memref<64xi32, #tpu.memory_space<vmem>>)
      tpu.yield
    }) : () -> ()
    %get3A = arith.constant 0 : index
    %get3A_3 = tpu.vector_load %arg7[%get3A] {strides = array<i32>} : memref<64xi32, #tpu.memory_space<vmem>>, vector<16xi32>,
    %get3A_4 = vector.shape_cast %get3A_3 : vector<16xi32> to vector<16xi32>
    %slice3A = vector.extract_strided_slice %get3A_4 {offsets = [0], sizes = [1], strides = [1]} : vector<16xi32> to vector<1xi32>
    %squeeze3A = vector.extract %slice3A[0] : i32 from vector<1xi32>
    %dma_start3A = arith.constant 0 : i32
    %dma_start3A_5 = arith.constant 0 : i32
    %dma_start3A_6 = tpu.memref_slice %arg8[%dma_start3A, %dma_start3A_5] : memref<64x784xf32, #tpu.memory_space<vmem>> -> memref<1x784xf32, #tpu.memory_space<vmem>>
    %dma_start3A_7 = tpu.memref_squeeze %dma_start3A_6 : memref<1x784xf32, #tpu.memory_space<vmem>> -> memref<784xf32, #tpu.memory_space<vmem>>
    %dma_start3A_8 = arith.constant 0 : i32
    %dma_start3A_9 = tpu.memref_slice %arg2[%squeeze3A, %dma_start3A_8] : memref<100000x784xf32, #tpu.memory_space<hbm>> -> memref<1x784xf32, #tpu.memory_space<hbm>>
    %dma_start3A_10 = tpu.memref_squeeze %dma_start3A_9 : memref<1x784xf32, #tpu.memory_space<hbm>> -> memref<784xf32, #tpu.memory_space<hbm>>
    %dma_start3A_11 = arith.constant 0 : i32
    %dma_start3A_12 = tpu.memref_slice %arg8[%dma_start3A, %dma_start3A_11] : memref<64x784xf32, #tpu.memory_space<vmem>> -> memref<1x784xf32, #tpu.memory_space<vmem>>
    %dma_start3A_13 = tpu.memref_squeeze %dma_start3A_12 : memref<1x784xf32, #tpu.memory_space<vmem>> -> memref<784xf32, #tpu.memory_space<vmem>>
    %dma_start3A_14 = arith.constant 0 : i32
    %dma_start3A_15 = tpu.memref_slice %arg2[%squeeze3A, %dma_start3A_14] : memref<100000x784xf32, #tpu.memory_space<hbm>> -> memref<1x784xf32, #tpu.memory_space<hbm>>
    %dma_start3A_16 = tpu.memref_squeeze %dma_start3A_15 : memref<1x784xf32, #tpu.memory_space<hbm>> -> memref<784xf32, #tpu.memory_space<hbm>>
    tpu.enqueue_dma source(%dma_start3A_16 : memref<784xf32, #tpu.memory_space<hbm>>) target(%dma_start3A_13 : memref<784xf32, #tpu.memory_space<vmem>>) target_semaphore(%arg10 : memref<!tpu.dma_semaphore, #tpu.memory_space<semaphore_mem>>)
    %dma_start3A_17 = arith.constant 0 : i32
    %dma_start3A_18 = arith.constant 0 : i32
    %dma_start3A_19 = tpu.memref_slice %arg9[%dma_start3A_17, %dma_start3A_18] : memref<64x16xf32, #tpu.memory_space<vmem>> -> memref<1x16xf32, #tpu.memory_space<vmem>>
    %dma_start3A_20 = tpu.memref_squeeze %dma_start3A_19 : memref<1x16xf32, #tpu.memory_space<vmem>> -> memref<16xf32, #tpu.memory_space<vmem>>
    %dma_start3A_21 = arith.constant 0 : i32
    %dma_start3A_22 = tpu.memref_slice %arg3[%squeeze3A, %dma_start3A_21] : memref<100000x16xf32, #tpu.memory_space<hbm>> -> memref<1x16xf32, #tpu.memory_space<hbm>>
    %dma_start3A_23 = tpu.memref_squeeze %dma_start3A_22 : memref<1x16xf32, #tpu.memory_space<hbm>> -> memref<16xf32, #tpu.memory_space<hbm>>
    %dma_start3A_24 = arith.constant 0 : i32
    %dma_start3A_25 = tpu.memref_slice %arg9[%dma_start3A_17, %dma_start3A_24] : memref<64x16xf32, #tpu.memory_space<vmem>> -> memref<1x16xf32, #tpu.memory_space<vmem>>
    %dma_start3A_26 = tpu.memref_squeeze %dma_start3A_25 : memref<1x16xf32, #tpu.memory_space<vmem>> -> memref<16xf32, #tpu.memory_space<vmem>>
    %dma_start3A_27 = arith.constant 0 : i32
    %dma_start3A_28 = tpu.memref_slice %arg3[%squeeze3A, %dma_start3A_27] : memref<100000x16xf32, #tpu.memory_space<hbm>> -> memref<1x16xf32, #tpu.memory_space<hbm>>
    %dma_start3A_29 = tpu.memref_squeeze %dma_start3A_28 : memref<1x16xf32, #tpu.memory_space<hbm>> -> memref<16xf32, #tpu.memory_space<hbm>>
    tpu.enqueue_dma source(%dma_start3A_29 : memref<16xf32, #tpu.memory_space<hbm>>) target(%dma_start3A_26 : memref<16xf32, #tpu.memory_space<vmem>>) target_semaphore(%arg11 : memref<!tpu.dma_semaphore, #tpu.memory_space<semaphore_mem>>)
    %slice3A_30 = vector.extract_strided_slice %get3A_4 {offsets = [1], sizes = [1], strides = [1]} : vector<16xi32> to vector<1xi32>
    %squeeze3A_31 = vector.extract %slice3A_30[0] : i32 from vector<1xi32>
    %dma_start3A_32 = arith.constant 1 : i32
    %dma_start3A_33 = arith.constant 0 : i32
    %dma_start3A_34 = tpu.memref_slice %arg8[%dma_start3A_32, %dma_start3A_33] : memref<64x784xf32, #tpu.memory_space<vmem>> -> memref<1x784xf32, #tpu.memory_space<vmem>>
    %dma_start3A_35 = tpu.memref_squeeze %dma_start3A_34 : memref<1x784xf32, #tpu.memory_space<vmem>> -> memref<784xf32, #tpu.memory_space<vmem>>
    %dma_start3A_36 = arith.constant 0 : i32
    %dma_start3A_37 = tpu.memref_slice %arg2[%squeeze3A_31, %dma_start3A_36] : memref<100000x784xf32, #tpu.memory_space<hbm>> -> memref<1x784xf32, #tpu.memory_space<hbm>>
    %dma_start3A_38 = tpu.memref_squeeze %dma_start3A_37 : memref<1x784xf32, #tpu.memory_space<hbm>> -> memref<784xf32, #tpu.memory_space<hbm>>
    %dma_start3A_39 = arith.constant 0 : i32
    %dma_start3A_40 = tpu.memref_slice %arg8[%dma_start3A_32, %dma_start3A_39] : memref<64x784xf32, #tpu.memory_space<vmem>> -> memref<1x784xf32, #tpu.memory_space<vmem>>
    %dma_start3A_41 = tpu.memref_squeeze %dma_start3A_40 : memref<1x784xf32, #tpu.memory_space<vmem>> -> memref<784xf32, #tpu.memory_space<vmem>>
    %dma_start3A_42 = arith.constant 0 : i32
    %dma_start3A_43 = tpu.memref_slice %arg2[%squeeze3A_31, %dma_start3A_42] : memref<100000x784xf32, #tpu.memory_space<hbm>> -> memref<1x784xf32, #tpu.memory_space<hbm>>
    %dma_start3A_44 = tpu.memref_squeeze %dma_start3A_43 : memref<1x784xf32, #tpu.memory_space<hbm>> -> memref<784xf32, #tpu.memory_space<hbm>>
    tpu.enqueue_dma source(%dma_start3A_44 : memref<784xf32, #tpu.memory_space<hbm>>) target(%dma_start3A_41 : memref<784xf32, #tpu.memory_space<vmem>>) target_semaphore(%arg10 : memref<!tpu.dma_semaphore, #tpu.memory_space<semaphore_mem>>)
    %dma_start3A_45 = arith.constant 1 : i32
    %dma_start3A_46 = arith.constant 0 : i32
    %dma_start3A_47 = tpu.memref_slice %arg9[%dma_start3A_45, %dma_start3A_46] : memref<64x16xf32, #tpu.memory_space<vmem>> -> memref<1x16xf32, #tpu.memory_space<vmem>>
    %dma_start3A_48 = tpu.memref_squeeze %dma_start3A_47 : memref<1x16xf32, #tpu.memory_space<vmem>> -> memref<16xf32, #tpu.memory_space<vmem>>
    %dma_start3A_49 = arith.constant 0 : i32
    %dma_start3A_50 = tpu.memref_slice %arg3[%squeeze3A_31, %dma_start3A_49] : memref<100000x16xf32, #tpu.memory_space<hbm>> -> memref<1x16xf32, #tpu.memory_space<hbm>>
    %dma_start3A_51 = tpu.memref_squeeze %dma_start3A_50 : memref<1x16xf32, #tpu.memory_space<hbm>> -> memref<16xf32, #tpu.memory_space<hbm>>
    %dma_start3A_52 = arith.constant 0 : i32
    %dma_start3A_53 = tpu.memref_slice %arg9[%dma_start3A_45, %dma_start3A_52] : memref<64x16xf32, #tpu.memory_space<vmem>> -> memref<1x16xf32, #tpu.memory_space<vmem>>
    %dma_start3A_54 = tpu.memref_squeeze %dma_start3A_53 : memref<1x16xf32, #tpu.memory_space<vmem>> -> memref<16xf32, #tpu.memory_space<vmem>>
    %dma_start3A_55 = arith.constant 0 : i32
    %dma_start3A_56 = tpu.memref_slice %arg3[%squeeze3A_31, %dma_start3A_55] : memref<100000x16xf32, #tpu.memory_space<hbm>> -> memref<1x16xf32, #tpu.memory_space<hbm>>
    %dma_start3A_57 = tpu.memref_squeeze %dma_start3A_56 : memref<1x16xf32, #tpu.memory_space<hbm>> -> memref<16xf32, #tpu.memory_space<hbm>>
    tpu.enqueue_dma source(%dma_start3A_57 : memref<16xf32, #tpu.memory_space<hbm>>) target(%dma_start3A_54 : memref<16xf32, #tpu.memory_space<vmem>>) target_semaphore(%arg11 : memref<!tpu.dma_semaphore, #tpu.memory_space<semaphore_mem>>)
    %slice3A_58 = vector.extract_strided_slice %get3A_4 {offsets = [2], sizes = [1], strides = [1]} : vector<16xi32> to vector<1xi32>
    %squeeze3A_59 = vector.extract %slice3A_58[0] : i32 from vector<1xi32>
    %dma_start3A_60 = arith.constant 2 : i32
    %dma_start3A_61 = arith.constant 0 : i32
    %dma_start3A_62 = tpu.memref_slice %arg8[%dma_start3A_60, %dma_start3A_61] : memref<64x784xf32, #tpu.memory_space<vmem>> -> memref<1x784xf32, #tpu.memory_space<vmem>>
    %dma_start3A_63 = tpu.memref_squeeze %dma_start3A_62 : memref<1x784xf32, #tpu.memory_space<vmem>> -> memref<784xf32, #tpu.memory_space<vmem>>
    %dma_start3A_64 = arith.constant 0 : i32
    %dma_start3A_65 = tpu.memref_slice %arg2[%squeeze3A_59, %dma_start3A_64] : memref<100000x784xf32, #tpu.memory_space<hbm>> -> memref<1x784xf32, #tpu.memory_space<hbm>>
    %dma_start3A_66 = tpu.memref_squeeze %dma_start3A_65 : memref<1x784xf32, #tpu.memory_space<hbm>> -> memref<784xf32, #tpu.memory_space<hbm>>
    %dma_start3A_67 = arith.constant 0 : i32
    %dma_start3A_68 = tpu.memref_slice %arg8[%dma_start3A_60, %dma_start3A_67] : memref<64x784xf32, #tpu.memory_space<vmem>> -> memref<1x784xf32, #tpu.memory_space<vmem>>
    %dma_start3A_69 = tpu.memref_squeeze %dma_start3A_68 : memref<1x784xf32, #tpu.memory_space<vmem>> -> memref<784xf32, #tpu.memory_space<vmem>>
    %dma_start3A_70 = arith.constant 0 : i32
    %dma_start3A_71 = tpu.memref_slice %arg2[%squeeze3A_59, %dma_start3A_70] : memref<100000x784xf32, #tpu.memory_space<hbm>> -> memref<1x784xf32, #tpu.memory_space<hbm>>
    %dma_start3A_72 = tpu.memref_squeeze %dma_start3A_71 : memref<1x784xf32, #tpu.memory_space<hbm>> -> memref<784xf32, #tpu.memory_space<hbm>>
    tpu.enqueue_dma source(%dma_start3A_72 : memref<784xf32, #tpu.memory_space<hbm>>) target(%dma_start3A_69 : memref<784xf32, #tpu.memory_space<vmem>>) target_semaphore(%arg10 : memref<!tpu.dma_semaphore, #tpu.memory_space<semaphore_mem>>)
    %dma_start3A_73 = arith.constant 2 : i32
    %dma_start3A_74 = arith.constant 0 : i32
    %dma_start3A_75 = tpu.memref_slice %arg9[%dma_start3A_73, %dma_start3A_74] : memref<64x16xf32, #tpu.memory_space<vmem>> -> memref<1x16xf32, #tpu.memory_space<vmem>>
    %dma_start3A_76 = tpu.memref_squeeze %dma_start3A_75 : memref<1x16xf32, #tpu.memory_space<vmem>> -> memref<16xf32, #tpu.memory_space<vmem>>
    %dma_start3A_77 = arith.constant 0 : i32
    %dma_start3A_78 = tpu.memref_slice %arg3[%squeeze3A_59, %dma_start3A_77] : memref<100000x16xf32, #tpu.memory_space<hbm>> -> memref<1x16xf32, #tpu.memory_space<hbm>>
    %dma_start3A_79 = tpu.memref_squeeze %dma_start3A_78 : memref<1x16xf32, #tpu.memory_space<hbm>> -> memref<16xf32, #tpu.memory_space<hbm>>
    %dma_start3A_80 = arith.constant 0 : i32
    %dma_start3A_81 = tpu.memref_slice %arg9[%dma_start3A_73, %dma_start3A_80] : memref<64x16xf32, #tpu.memory_space<vmem>> -> memref<1x16xf32, #tpu.memory_space<vmem>>
    %dma_start3A_82 = tpu.memref_squeeze %dma_start3A_81 : memref<1x16xf32, #tpu.memory_space<vmem>> -> memref<16xf32, #tpu.memory_space<vmem>>
    %dma_start3A_83 = arith.constant 0 : i32
    %dma_start3A_84 = tpu.memref_slice %arg3[%squeeze3A_59, %dma_start3A_83] : memref<100000x16xf32, #tpu.memory_space<hbm>> -> memref<1x16xf32, #tpu.memory_space<hbm>>
    %dma_start3A_85 = tpu.memref_squeeze %dma_start3A_84 : memref<1x16xf32, #tpu.memory_space<hbm>> -> memref<16xf32, #tpu.memory_space<hbm>>
    tpu.enqueue_dma source(%dma_start3A_85 : memref<16xf32, #tpu.memory_space<hbm>>) target(%dma_start3A_82 : memref<16xf32, #tpu.memory_space<vmem>>) target_semaphore(%arg11 : memref<!tpu.dma_semaphore, #tpu.memory_space<semaphore_mem>>)
    %slice3A_86 = vector.extract_strided_slice %get3A_4 {offsets = [3], sizes = [1], strides = [1]} : vector<16xi32> to vector<1xi32>
    %squeeze3A_87 = vector.extract %slice3A_86[0] : i32 from vector<1xi32>
    %dma_start3A_88 = arith.constant 3 : i32
    %dma_start3A_89 = arith.constant 0 : i32
    %dma_start3A_90 = tpu.memref_slice %arg8[%dma_start3A_88, %dma_start3A_89] : memref<64x784xf32, #tpu.memory_space<vmem>> -> memref<1x784xf32, #tpu.memory_space<vmem>>
    %dma_start3A_91 = tpu.memref_squeeze %dma_start3A_90 : memref<1x784xf32, #tpu.memory_space<vmem>> -> memref<784xf32, #tpu.memory_space<vmem>>
    %dma_start3A_92 = arith.constant 0 : i32
    %dma_start3A_93 = tpu.memref_slice %arg2[%squeeze3A_87, %dma_start3A_92] : memref<100000x784xf32, #tpu.memory_space<hbm>> -> memref<1x784xf32, #tpu.memory_space<hbm>>
    %dma_start3A_94 = tpu.memref_squeeze %dma_start3A_93 : memref<1x784xf32, #tpu.memory_space<hbm>> -> memref<784xf32, #tpu.memory_space<hbm>>
    %dma_start3A_95 = arith.constant 0 : i32
    %dma_start3A_96 = tpu.memref_slice %arg8[%dma_start3A_88, %dma_start3A_95] : memref<64x784xf32, #tpu.memory_space<vmem>> -> memref<1x784xf32, #tpu.memory_space<vmem>>
    %dma_start3A_97 = tpu.memref_squeeze %dma_start3A_96 : memref<1x784xf32, #tpu.memory_space<vmem>> -> memref<784xf32, #tpu.memory_space<vmem>>
    %dma_start3A_98 = arith.constant 0 : i32
    %dma_start3A_99 = tpu.memref_slice %arg2[%squeeze3A_87, %dma_start3A_98] : memref<100000x784xf32, #tpu.memory_space<hbm>> -> memref<1x784xf32, #tpu.memory_space<hbm>>
    %dma_start3A_100 = tpu.memref_squeeze %dma_start3A_99 : memref<1x784xf32, #tpu.memory_space<hbm>> -> memref<784xf32, #tpu.memory_space<hbm>>
    tpu.enqueue_dma source(%dma_start3A_100 : memref<784xf32, #tpu.memory_space<hbm>>) target(%dma_start3A_97 : memref<784xf32, #tpu.memory_space<vmem>>) target_semaphore(%arg10 : memref<!tpu.dma_semaphore, #tpu.memory_space<semaphore_mem>>)
    %dma_start3A_101 = arith.constant 3 : i32
    %dma_start3A_102 = arith.constant 0 : i32
    %dma_start3A_103 = tpu.memref_slice %arg9[%dma_start3A_101, %dma_start3A_102] : memref<64x16xf32, #tpu.memory_space<vmem>> -> memref<1x16xf32, #tpu.memory_space<vmem>>
    %dma_start3A_104 = tpu.memref_squeeze %dma_start3A_103 : memref<1x16xf32, #tpu.memory_space<vmem>> -> memref<16xf32, #tpu.memory_space<vmem>>
    %dma_start3A_105 = arith.constant 0 : i32
    %dma_start3A_106 = tpu.memref_slice %arg3[%squeeze3A_87, %dma_start3A_105] : memref<100000x16xf32, #tpu.memory_space<hbm>> -> memref<1x16xf32, #tpu.memory_space<hbm>>
    %dma_start3A_107 = tpu.memref_squeeze %dma_start3A_106 : memref<1x16xf32, #tpu.memory_space<hbm>> -> memref<16xf32, #tpu.memory_space<hbm>>
    %dma_start3A_108 = arith.constant 0 : i32
    %dma_start3A_109 = tpu.memref_slice %arg9[%dma_start3A_101, %dma_start3A_108] : memref<64x16xf32, #tpu.memory_space<vmem>> -> memref<1x16xf32, #tpu.memory_space<vmem>>
    %dma_start3A_110 = tpu.memref_squeeze %dma_start3A_109 : memref<1x16xf32, #tpu.memory_space<vmem>> -> memref<16xf32, #tpu.memory_space<vmem>>
    %dma_start3A_111 = arith.constant 0 : i32
    %dma_start3A_112 = tpu.memref_slice %arg3[%squeeze3A_87, %dma_start3A_111] : memref<100000x16xf32, #tpu.memory_space<hbm>> -> memref<1x16xf32, #tpu.memory_space<hbm>>
    %dma_start3A_113 = tpu.memref_squeeze %dma_start3A_112 : memref<1x16xf32, #tpu.memory_space<hbm>> -> memref<16xf32, #tpu.memory_space<hbm>>
    tpu.enqueue_dma source(%dma_start3A_113 : memref<16xf32, #tpu.memory_space<hbm>>) target(%dma_start3A_110 : memref<16xf32, #tpu.memory_space<vmem>>) target_semaphore(%arg11 : memref<!tpu.dma_semaphore, #tpu.memory_space<semaphore_mem>>)
    %slice3A_114 = vector.extract_strided_slice %get3A_4 {offsets = [4], sizes = [1], strides = [1]} : vector<16xi32> to vector<1xi32>
    %squeeze3A_115 = vector.extract %slice3A_114[0] : i32 from vector<1xi32>
    %dma_start3A_116 = arith.constant 4 : i32
    %dma_start3A_117 = arith.constant 0 : i32
    %dma_start3A_118 = tpu.memref_slice %arg8[%dma_start3A_116, %dma_start3A_117] : memref<64x784xf32, #tpu.memory_space<vmem>> -> memref<1x784xf32, #tpu.memory_space<vmem>>
    %dma_start3A_119 = tpu.memref_squeeze %dma_start3A_118 : memref<1x784xf32, #tpu.memory_space<vmem>> -> memref<784xf32, #tpu.memory_space<vmem>>
    %dma_start3A_120 = arith.constant 0 : i32
    %dma_start3A_121 = tpu.memref_slice %arg2[%squeeze3A_115, %dma_start3A_120] : memref<100000x784xf32, #tpu.memory_space<hbm>> -> memref<1x784xf32, #tpu.memory_space<hbm>>
    %dma_start3A_122 = tpu.memref_squeeze %dma_start3A_121 : memref<1x784xf32, #tpu.memory_space<hbm>> -> memref<784xf32, #tpu.memory_space<hbm>>
    %dma_start3A_123 = arith.constant 0 : i32
    %dma_start3A_124 = tpu.memref_slice %arg8[%dma_start3A_116, %dma_start3A_123] : memref<64x784xf32, #tpu.memory_space<vmem>> -> memref<1x784xf32, #tpu.memory_space<vmem>>
    %dma_start3A_125 = tpu.memref_squeeze %dma_start3A_124 : memref<1x784xf32, #tpu.memory_space<vmem>> -> memref<784xf32, #tpu.memory_space<vmem>>
    %dma_start3A_126 = arith.constant 0 : i32
    %dma_start3A_127 = tpu.memref_slice %arg2[%squeeze3A_115, %dma_start3A_126] : memref<100000x784xf32, #tpu.memory_space<hbm>> -> memref<1x784xf32, #tpu.memory_space<hbm>>
    %dma_start3A_128 = tpu.memref_squeeze %dma_start3A_127 : memref<1x784xf32, #tpu.memory_space<hbm>> -> memref<784xf32, #tpu.memory_space<hbm>>
    tpu.enqueue_dma source(%dma_start3A_128 : memref<784xf32, #tpu.memory_space<hbm>>) target(%dma_start3A_125 : memref<784xf32, #tpu.memory_space<vmem>>) target_semaphore(%arg10 : memref<!tpu.dma_semaphore, #tpu.memory_space<semaphore_mem>>)
    %dma_start3A_129 = arith.constant 4 : i32
    %dma_start3A_130 = arith.constant 0 : i32
    %dma_start3A_131 = tpu.memref_slice %arg9[%dma_start3A_129, %dma_start3A_130] : memref<64x16xf32, #tpu.memory_space<vmem>> -> memref<1x16xf32, #tpu.memory_space<vmem>>
    %dma_start3A_132 = tpu.memref_squeeze %dma_start3A_131 : memref<1x16xf32, #tpu.memory_space<vmem>> -> memref<16xf32, #tpu.memory_space<vmem>>
    %dma_start3A_133 = arith.constant 0 : i32
    %dma_start3A_134 = tpu.memref_slice %arg3[%squeeze3A_115, %dma_start3A_133] : memref<100000x16xf32, #tpu.memory_space<hbm>> -> memref<1x16xf32, #tpu.memory_space<hbm>>
    %dma_start3A_135 = tpu.memref_squeeze %dma_start3A_134 : memref<1x16xf32, #tpu.memory_space<hbm>> -> memref<16xf32, #tpu.memory_space<hbm>>
    %dma_start3A_136 = arith.constant 0 : i32
    %dma_start3A_137 = tpu.memref_slice %arg9[%dma_start3A_129, %dma_start3A_136] : memref<64x16xf32, #tpu.memory_space<vmem>> -> memref<1x16xf32, #tpu.memory_space<vmem>>
    %dma_start3A_138 = tpu.memref_squeeze %dma_start3A_137 : memref<1x16xf32, #tpu.memory_space<vmem>> -> memref<16xf32, #tpu.memory_space<vmem>>
    %dma_start3A_139 = arith.constant 0 : i32
    %dma_start3A_140 = tpu.memref_slice %arg3[%squeeze3A_115, %dma_start3A_139] : memref<100000x16xf32, #tpu.memory_space<hbm>> -> memref<1x16xf32, #tpu.memory_space<hbm>>
    %dma_start3A_141 = tpu.memref_squeeze %dma_start3A_140 : memref<1x16xf32, #tpu.memory_space<hbm>> -> memref<16xf32, #tpu.memory_space<hbm>>
    tpu.enqueue_dma source(%dma_start3A_141 : memref<16xf32, #tpu.memory_space<hbm>>) target(%dma_start3A_138 : memref<16xf32, #tpu.memory_space<vmem>>) target_semaphore(%arg11 : memref<!tpu.dma_semaphore, #tpu.memory_space<semaphore_mem>>)
    %slice3A_142 = vector.extract_strided_slice %get3A_4 {offsets = [5], sizes = [1], strides = [1]} : vector<16xi32> to vector<1xi32>
    %squeeze3A_143 = vector.extract %slice3A_142[0] : i32 from vector<1xi32>
    %dma_start3A_144 = arith.constant 5 : i32
    %dma_start3A_145 = arith.constant 0 : i32
    %dma_start3A_146 = tpu.memref_slice %arg8[%dma_start3A_144, %dma_start3A_145] : memref<64x784xf32, #tpu.memory_space<vmem>> -> memref<1x784xf32, #tpu.memory_space<vmem>>
    %dma_start3A_147 = tpu.memref_squeeze %dma_start3A_146 : memref<1x784xf32, #tpu.memory_space<vmem>> -> memref<784xf32, #tpu.memory_space<vmem>>
    %dma_start3A_148 = arith.constant 0 : i32
    %dma_start3A_149 = tpu.memref_slice %arg2[%squeeze3A_143, %dma_start3A_148] : memref<100000x784xf32, #tpu.memory_space<hbm>> -> memref<1x784xf32, #tpu.memory_space<hbm>>
    %dma_start3A_150 = tpu.memref_squeeze %dma_start3A_149 : memref<1x784xf32, #tpu.memory_space<hbm>> -> memref<784xf32, #tpu.memory_space<hbm>>
    %dma_start3A_151 = arith.constant 0 : i32
    %dma_start3A_152 = tpu.memref_slice %arg8[%dma_start3A_144, %dma_start3A_151] : memref<64x784xf32, #tpu.memory_space<vmem>> -> memref<1x784xf32, #tpu.memory_space<vmem>>
    %dma_start3A_153 = tpu.memref_squeeze %dma_start3A_152 : memref<1x784xf32, #tpu.memory_space<vmem>> -> memref<784xf32, #tpu.memory_space<vmem>>
    %dma_start3A_154 = arith.constant 0 : i32
    %dma_start3A_155 = tpu.memref_slice %arg2[%squeeze3A_143, %dma_start3A_154] : memref<100000x784xf32, #tpu.memory_space<hbm>> -> memref<1x784xf32, #tpu.memory_space<hbm>>
    %dma_start3A_156 = tpu.memref_squeeze %dma_start3A_155 : memref<1x784xf32, #tpu.memory_space<hbm>> -> memref<784xf32, #tpu.memory_space<hbm>>
    tpu.enqueue_dma source(%dma_start3A_156 : memref<784xf32, #tpu.memory_space<hbm>>) target(%dma_start3A_153 : memref<784xf32, #tpu.memory_space<vmem>>) target_semaphore(%arg10 : memref<!tpu.dma_semaphore, #tpu.memory_space<semaphore_mem>>)
    %dma_start3A_157 = arith.constant 5 : i32
    %dma_start3A_158 = arith.constant 0 : i32
    %dma_start3A_159 = tpu.memref_slice %arg9[%dma_start3A_157, %dma_start3A_158] : memref<64x16xf32, #tpu.memory_space<vmem>> -> memref<1x16xf32, #tpu.memory_space<vmem>>
    %dma_start3A_160 = tpu.memref_squeeze %dma_start3A_159 : memref<1x16xf32, #tpu.memory_space<vmem>> -> memref<16xf32, #tpu.memory_space<vmem>>
    %dma_start3A_161 = arith.constant 0 : i32
    %dma_start3A_162 = tpu.memref_slice %arg3[%squeeze3A_143, %dma_start3A_161] : memref<100000x16xf32, #tpu.memory_space<hbm>> -> memref<1x16xf32, #tpu.memory_space<hbm>>
    %dma_start3A_163 = tpu.memref_squeeze %dma_start3A_162 : memref<1x16xf32, #tpu.memory_space<hbm>> -> memref<16xf32, #tpu.memory_space<hbm>>
    %dma_start3A_164 = arith.constant 0 : i32
    %dma_start3A_165 = tpu.memref_slice %arg9[%dma_start3A_157, %dma_start3A_164] : memref<64x16xf32, #tpu.memory_space<vmem>> -> memref<1x16xf32, #tpu.memory_space<vmem>>
    %dma_start3A_166 = tpu.memref_squeeze %dma_start3A_165 : memref<1x16xf32, #tpu.memory_space<vmem>> -> memref<16xf32, #tpu.memory_space<vmem>>
    %dma_start3A_167 = arith.constant 0 : i32
    %dma_start3A_168 = tpu.memref_slice %arg3[%squeeze3A_143, %dma_start3A_167] : memref<100000x16xf32, #tpu.memory_space<hbm>> -> memref<1x16xf32, #tpu.memory_space<hbm>>
    %dma_start3A_169 = tpu.memref_squeeze %dma_start3A_168 : memref<1x16xf32, #tpu.memory_space<hbm>> -> memref<16xf32, #tpu.memory_space<hbm>>
    tpu.enqueue_dma source(%dma_start3A_169 : memref<16xf32, #tpu.memory_space<hbm>>) target(%dma_start3A_166 : memref<16xf32, #tpu.memory_space<vmem>>) target_semaphore(%arg11 : memref<!tpu.dma_semaphore, #tpu.memory_space<semaphore_mem>>)
    %slice3A_170 = vector.extract_strided_slice %get3A_4 {offsets = [6], sizes = [1], strides = [1]} : vector<16xi32> to vector<1xi32>
    %squeeze3A_171 = vector.extract %slice3A_170[0] : i32 from vector<1xi32>
    %dma_start3A_172 = arith.constant 6 : i32
    %dma_start3A_173 = arith.constant 0 : i32
    %dma_start3A_174 = tpu.memref_slice %arg8[%dma_start3A_172, %dma_start3A_173] : memref<64x784xf32, #tpu.memory_space<vmem>> -> memref<1x784xf32, #tpu.memory_space<vmem>>
    %dma_start3A_175 = tpu.memref_squeeze %dma_start3A_174 : memref<1x784xf32, #tpu.memory_space<vmem>> -> memref<784xf32, #tpu.memory_space<vmem>>
    %dma_start3A_176 = arith.constant 0 : i32
    %dma_start3A_177 = tpu.memref_slice %arg2[%squeeze3A_171, %dma_start3A_176] : memref<100000x784xf32, #tpu.memory_space<hbm>> -> memref<1x784xf32, #tpu.memory_space<hbm>>
    %dma_start3A_178 = tpu.memref_squeeze %dma_start3A_177 : memref<1x784xf32, #tpu.memory_space<hbm>> -> memref<784xf32, #tpu.memory_space<hbm>>
    %dma_start3A_179 = arith.constant 0 : i32
    %dma_start3A_180 = tpu.memref_slice %arg8[%dma_start3A_172, %dma_start3A_179] : memref<64x784xf32, #tpu.memory_space<vmem>> -> memref<1x784xf32, #tpu.memory_space<vmem>>
    %dma_start3A_181 = tpu.memref_squeeze %dma_start3A_180 : memref<1x784xf32, #tpu.memory_space<vmem>> -> memref<784xf32, #tpu.memory_space<vmem>>
    %dma_start3A_182 = arith.constant 0 : i32
    %dma_start3A_183 = tpu.memref_slice %arg2[%squeeze3A_171, %dma_start3A_182] : memref<100000x784xf32, #tpu.memory_space<hbm>> -> memref<1x784xf32, #tpu.memory_space<hbm>>
    %dma_start3A_184 = tpu.memref_squeeze %dma_start3A_183 : memref<1x784xf32, #tpu.memory_space<hbm>> -> memref<784xf32, #tpu.memory_space<hbm>>
    tpu.enqueue_dma source(%dma_start3A_184 : memref<784xf32, #tpu.memory_space<hbm>>) target(%dma_start3A_181 : memref<784xf32, #tpu.memory_space<vmem>>) target_semaphore(%arg10 : memref<!tpu.dma_semaphore, #tpu.memory_space<semaphore_mem>>)
    %dma_start3A_185 = arith.constant 6 : i32
    %dma_start3A_186 = arith.constant 0 : i32
    %dma_start3A_187 = tpu.memref_slice %arg9[%dma_start3A_185, %dma_start3A_186] : memref<64x16xf32, #tpu.memory_space<vmem>> -> memref<1x16xf32, #tpu.memory_space<vmem>>
    %dma_start3A_188 = tpu.memref_squeeze %dma_start3A_187 : memref<1x16xf32, #tpu.memory_space<vmem>> -> memref<16xf32, #tpu.memory_space<vmem>>
    %dma_start3A_189 = arith.constant 0 : i32
    %dma_start3A_190 = tpu.memref_slice %arg3[%squeeze3A_171, %dma_start3A_189] : memref<100000x16xf32, #tpu.memory_space<hbm>> -> memref<1x16xf32, #tpu.memory_space<hbm>>
    %dma_start3A_191 = tpu.memref_squeeze %dma_start3A_190 : memref<1x16xf32, #tpu.memory_space<hbm>> -> memref<16xf32, #tpu.memory_space<hbm>>
    %dma_start3A_192 = arith.constant 0 : i32
    %dma_start3A_193 = tpu.memref_slice %arg9[%dma_start3A_185, %dma_start3A_192] : memref<64x16xf32, #tpu.memory_space<vmem>> -> memref<1x16xf32, #tpu.memory_space<vmem>>
    %dma_start3A_194 = tpu.memref_squeeze %dma_start3A_193 : memref<1x16xf32, #tpu.memory_space<vmem>> -> memref<16xf32, #tpu.memory_space<vmem>>
    %dma_start3A_195 = arith.constant 0 : i32
    %dma_start3A_196 = tpu.memref_slice %arg3[%squeeze3A_171, %dma_start3A_195] : memref<100000x16xf32, #tpu.memory_space<hbm>> -> memref<1x16xf32, #tpu.memory_space<hbm>>
    %dma_start3A_197 = tpu.memref_squeeze %dma_start3A_196 : memref<1x16xf32, #tpu.memory_space<hbm>> -> memref<16xf32, #tpu.memory_space<hbm>>
    tpu.enqueue_dma source(%dma_start3A_197 : memref<16xf32, #tpu.memory_space<hbm>>) target(%dma_start3A_194 : memref<16xf32, #tpu.memory_space<vmem>>) target_semaphore(%arg11 : memref<!tpu.dma_semaphore, #tpu.memory_space<semaphore_mem>>)
    %slice3A_198 = vector.extract_strided_slice %get3A_4 {offsets = [7], sizes = [1], strides = [1]} : vector<16xi32> to vector<1xi32>
    %squeeze3A_199 = vector.extract %slice3A_198[0] : i32 from vector<1xi32>
    %dma_start3A_200 = arith.constant 7 : i32
    %dma_start3A_201 = arith.constant 0 : i32
    %dma_start3A_202 = tpu.memref_slice %arg8[%dma_start3A_200, %dma_start3A_201] : memref<64x784xf32, #tpu.memory_space<vmem>> -> memref<1x784xf32, #tpu.memory_space<vmem>>
    %dma_start3A_203 = tpu.memref_squeeze %dma_start3A_202 : memref<1x784xf32, #tpu.memory_space<vmem>> -> memref<784xf32, #tpu.memory_space<vmem>>
    %dma_start3A_204 = arith.constant 0 : i32
    %dma_start3A_205 = tpu.memref_slice %arg2[%squeeze3A_199, %dma_start3A_204] : memref<100000x784xf32, #tpu.memory_space<hbm>> -> memref<1x784xf32, #tpu.memory_space<hbm>>
    %dma_start3A_206 = tpu.memref_squeeze %dma_start3A_205 : memref<1x784xf32, #tpu.memory_space<hbm>> -> memref<784xf32, #tpu.memory_space<hbm>>
    %dma_start3A_207 = arith.constant 0 : i32
    %dma_start3A_208 = tpu.memref_slice %arg8[%dma_start3A_200, %dma_start3A_207] : memref<64x784xf32, #tpu.memory_space<vmem>> -> memref<1x784xf32, #tpu.memory_space<vmem>>
    %dma_start3A_209 = tpu.memref_squeeze %dma_start3A_208 : memref<1x784xf32, #tpu.memory_space<vmem>> -> memref<784xf32, #tpu.memory_space<vmem>>
    %dma_start3A_210 = arith.constant 0 : i32
    %dma_start3A_211 = tpu.memref_slice %arg2[%squeeze3A_199, %dma_start3A_210] : memref<100000x784xf32, #tpu.memory_space<hbm>> -> memref<1x784xf32, #tpu.memory_space<hbm>>
    %dma_start3A_212 = tpu.memref_squeeze %dma_start3A_211 : memref<1x784xf32, #tpu.memory_space<hbm>> -> memref<784xf32, #tpu.memory_space<hbm>>
    tpu.enqueue_dma source(%dma_start3A_212 : memref<784xf32, #tpu.memory_space<hbm>>) target(%dma_start3A_209 : memref<784xf32, #tpu.memory_space<vmem>>) target_semaphore(%arg10 : memref<!tpu.dma_semaphore, #tpu.memory_space<semaphore_mem>>)
    %dma_start3A_213 = arith.constant 7 : i32
    %dma_start3A_214 = arith.constant 0 : i32
    %dma_start3A_215 = tpu.memref_slice %arg9[%dma_start3A_213, %dma_start3A_214] : memref<64x16xf32, #tpu.memory_space<vmem>> -> memref<1x16xf32, #tpu.memory_space<vmem>>
    %dma_start3A_216 = tpu.memref_squeeze %dma_start3A_215 : memref<1x16xf32, #tpu.memory_space<vmem>> -> memref<16xf32, #tpu.memory_space<vmem>>
    %dma_start3A_217 = arith.constant 0 : i32
    %dma_start3A_218 = tpu.memref_slice %arg3[%squeeze3A_199, %dma_start3A_217] : memref<100000x16xf32, #tpu.memory_space<hbm>> -> memref<1x16xf32, #tpu.memory_space<hbm>>
    %dma_start3A_219 = tpu.memref_squeeze %dma_start3A_218 : memref<1x16xf32, #tpu.memory_space<hbm>> -> memref<16xf32, #tpu.memory_space<hbm>>
    %dma_start3A_220 = arith.constant 0 : i32
    %dma_start3A_221 = tpu.memref_slice %arg9[%dma_start3A_213, %dma_start3A_220] : memref<64x16xf32, #tpu.memory_space<vmem>> -> memref<1x16xf32, #tpu.memory_space<vmem>>
    %dma_start3A_222 = tpu.memref_squeeze %dma_start3A_221 : memref<1x16xf32, #tpu.memory_space<vmem>> -> memref<16xf32, #tpu.memory_space<vmem>>
    %dma_start3A_223 = arith.constant 0 : i32
    %dma_start3A_224 = tpu.memref_slice %arg3[%squeeze3A_199, %dma_start3A_223] : memref<100000x16xf32, #tpu.memory_space<hbm>> -> memref<1x16xf32, #tpu.memory_space<hbm>>
    %dma_start3A_225 = tpu.memref_squeeze %dma_start3A_224 : memref<1x16xf32, #tpu.memory_space<hbm>> -> memref<16xf32, #tpu.memory_space<hbm>>
    tpu.enqueue_dma source(%dma_start3A_225 : memref<16xf32, #tpu.memory_space<hbm>>) target(%dma_start3A_222 : memref<16xf32, #tpu.memory_space<vmem>>) target_semaphore(%arg11 : memref<!tpu.dma_semaphore, #tpu.memory_space<semaphore_mem>>)
    %slice3A_226 = vector.extract_strided_slice %get3A_4 {offsets = [8], sizes = [1], strides = [1]} : vector<16xi32> to vector<1xi32>
    %squeeze3A_227 = vector.extract %slice3A_226[0] : i32 from vector<1xi32>
    %dma_start3A_228 = arith.constant 8 : i32
    %dma_start3A_229 = arith.constant 0 : i32
    %dma_start3A_230 = tpu.memref_slice %arg8[%dma_start3A_228, %dma_start3A_229] : memref<64x784xf32, #tpu.memory_space<vmem>> -> memref<1x784xf32, #tpu.memory_space<vmem>>
    %dma_start3A_231 = tpu.memref_squeeze %dma_start3A_230 : memref<1x784xf32, #tpu.memory_space<vmem>> -> memref<784xf32, #tpu.memory_space<vmem>>
    %dma_start3A_232 = arith.constant 0 : i32
    %dma_start3A_233 = tpu.memref_slice %arg2[%squeeze3A_227, %dma_start3A_232] : memref<100000x784xf32, #tpu.memory_space<hbm>> -> memref<1x784xf32, #tpu.memory_space<hbm>>
    %dma_start3A_234 = tpu.memref_squeeze %dma_start3A_233 : memref<1x784xf32, #tpu.memory_space<hbm>> -> memref<784xf32, #tpu.memory_space<hbm>>
    %dma_start3A_235 = arith.constant 0 : i32
    %dma_start3A_236 = tpu.memref_slice %arg8[%dma_start3A_228, %dma_start3A_235] : memref<64x784xf32, #tpu.memory_space<vmem>> -> memref<1x784xf32, #tpu.memory_space<vmem>>
    %dma_start3A_237 = tpu.memref_squeeze %dma_start3A_236 : memref<1x784xf32, #tpu.memory_space<vmem>> -> memref<784xf32, #tpu.memory_space<vmem>>
    %dma_start3A_238 = arith.constant 0 : i32
    %dma_start3A_239 = tpu.memref_slice %arg2[%squeeze3A_227, %dma_start3A_238] : memref<100000x784xf32, #tpu.memory_space<hbm>> -> memref<1x784xf32, #tpu.memory_space<hbm>>
    %dma_start3A_240 = tpu.memref_squeeze %dma_start3A_239 : memref<1x784xf32, #tpu.memory_space<hbm>> -> memref<784xf32, #tpu.memory_space<hbm>>
    tpu.enqueue_dma source(%dma_start3A_240 : memref<784xf32, #tpu.memory_space<hbm>>) target(%dma_start3A_237 : memref<784xf32, #tpu.memory_space<vmem>>) target_semaphore(%arg10 : memref<!tpu.dma_semaphore, #tpu.memory_space<semaphore_mem>>)
    %dma_start3A_241 = arith.constant 8 : i32
    %dma_start3A_242 = arith.constant 0 : i32
    %dma_start3A_243 = tpu.memref_slice %arg9[%dma_start3A_241, %dma_start3A_242] : memref<64x16xf32, #tpu.memory_space<vmem>> -> memref<1x16xf32, #tpu.memory_space<vmem>>
    %dma_start3A_244 = tpu.memref_squeeze %dma_start3A_243 : memref<1x16xf32, #tpu.memory_space<vmem>> -> memref<16xf32, #tpu.memory_space<vmem>>
    %dma_start3A_245 = arith.constant 0 : i32
    %dma_start3A_246 = tpu.memref_slice %arg3[%squeeze3A_227, %dma_start3A_245] : memref<100000x16xf32, #tpu.memory_space<hbm>> -> memref<1x16xf32, #tpu.memory_space<hbm>>
    %dma_start3A_247 = tpu.memref_squeeze %dma_start3A_246 : memref<1x16xf32, #tpu.memory_space<hbm>> -> memref<16xf32, #tpu.memory_space<hbm>>
    %dma_start3A_248 = arith.constant 0 : i32
    %dma_start3A_249 = tpu.memref_slice %arg9[%dma_start3A_241, %dma_start3A_248] : memref<64x16xf32, #tpu.memory_space<vmem>> -> memref<1x16xf32, #tpu.memory_space<vmem>>
    %dma_start3A_250 = tpu.memref_squeeze %dma_start3A_249 : memref<1x16xf32, #tpu.memory_space<vmem>> -> memref<16xf32, #tpu.memory_space<vmem>>
    %dma_start3A_251 = arith.constant 0 : i32
    %dma_start3A_252 = tpu.memref_slice %arg3[%squeeze3A_227, %dma_start3A_251] : memref<100000x16xf32, #tpu.memory_space<hbm>> -> memref<1x16xf32, #tpu.memory_space<hbm>>
    %dma_start3A_253 = tpu.memref_squeeze %dma_start3A_252 : memref<1x16xf32, #tpu.memory_space<hbm>> -> memref<16xf32, #tpu.memory_space<hbm>>
    tpu.enqueue_dma source(%dma_start3A_253 : memref<16xf32, #tpu.memory_space<hbm>>) target(%dma_start3A_250 : memref<16xf32, #tpu.memory_space<vmem>>) target_semaphore(%arg11 : memref<!tpu.dma_semaphore, #tpu.memory_space<semaphore_mem>>)
    %slice3A_254 = vector.extract_strided_slice %get3A_4 {offsets = [9], sizes = [1], strides = [1]} : vector<16xi32> to vector<1xi32>
    %squeeze3A_255 = vector.extract %slice3A_254[0] : i32 from vector<1xi32>
    %dma_start3A_256 = arith.constant 9 : i32
    %dma_start3A_257 = arith.constant 0 : i32
    %dma_start3A_258 = tpu.memref_slice %arg8[%dma_start3A_256, %dma_start3A_257] : memref<64x784xf32, #tpu.memory_space<vmem>> -> memref<1x784xf32, #tpu.memory_space<vmem>>
    %dma_start3A_259 = tpu.memref_squeeze %dma_start3A_258 : memref<1x784xf32, #tpu.memory_space<vmem>> -> memref<784xf32, #tpu.memory_space<vmem>>
    %dma_start3A_260 = arith.constant 0 : i32
    %dma_start3A_261 = tpu.memref_slice %arg2[%squeeze3A_255, %dma_start3A_260] : memref<100000x784xf32, #tpu.memory_space<hbm>> -> memref<1x784xf32, #tpu.memory_space<hbm>>
    %dma_start3A_262 = tpu.memref_squeeze %dma_start3A_261 : memref<1x784xf32, #tpu.memory_space<hbm>> -> memref<784xf32, #tpu.memory_space<hbm>>
    %dma_start3A_263 = arith.constant 0 : i32
    %dma_start3A_264 = tpu.memref_slice %arg8[%dma_start3A_256, %dma_start3A_263] : memref<64x784xf32, #tpu.memory_space<vmem>> -> memref<1x784xf32, #tpu.memory_space<vmem>>
    %dma_start3A_265 = tpu.memref_squeeze %dma_start3A_264 : memref<1x784xf32, #tpu.memory_space<vmem>> -> memref<784xf32, #tpu.memory_space<vmem>>
    %dma_start3A_266 = arith.constant 0 : i32
    %dma_start3A_267 = tpu.memref_slice %arg2[%squeeze3A_255, %dma_start3A_266] : memref<100000x784xf32, #tpu.memory_space<hbm>> -> memref<1x784xf32, #tpu.memory_space<hbm>>
    %dma_start3A_268 = tpu.memref_squeeze %dma_start3A_267 : memref<1x784xf32, #tpu.memory_space<hbm>> -> memref<784xf32, #tpu.memory_space<hbm>>
    tpu.enqueue_dma source(%dma_start3A_268 : memref<784xf32, #tpu.memory_space<hbm>>) target(%dma_start3A_265 : memref<784xf32, #tpu.memory_space<vmem>>) target_semaphore(%arg10 : memref<!tpu.dma_semaphore, #tpu.memory_space<semaphore_mem>>)
    %dma_start3A_269 = arith.constant 9 : i32
    %dma_start3A_270 = arith.constant 0 : i32
    %dma_start3A_271 = tpu.memref_slice %arg9[%dma_start3A_269, %dma_start3A_270] : memref<64x16xf32, #tpu.memory_space<vmem>> -> memref<1x16xf32, #tpu.memory_space<vmem>>
    %dma_start3A_272 = tpu.memref_squeeze %dma_start3A_271 : memref<1x16xf32, #tpu.memory_space<vmem>> -> memref<16xf32, #tpu.memory_space<vmem>>
    %dma_start3A_273 = arith.constant 0 : i32
    %dma_start3A_274 = tpu.memref_slice %arg3[%squeeze3A_255, %dma_start3A_273] : memref<100000x16xf32, #tpu.memory_space<hbm>> -> memref<1x16xf32, #tpu.memory_space<hbm>>
    %dma_start3A_275 = tpu.memref_squeeze %dma_start3A_274 : memref<1x16xf32, #tpu.memory_space<hbm>> -> memref<16xf32, #tpu.memory_space<hbm>>
    %dma_start3A_276 = arith.constant 0 : i32
    %dma_start3A_277 = tpu.memref_slice %arg9[%dma_start3A_269, %dma_start3A_276] : memref<64x16xf32, #tpu.memory_space<vmem>> -> memref<1x16xf32, #tpu.memory_space<vmem>>
    %dma_start3A_278 = tpu.memref_squeeze %dma_start3A_277 : memref<1x16xf32, #tpu.memory_space<vmem>> -> memref<16xf32, #tpu.memory_space<vmem>>
    %dma_start3A_279 = arith.constant 0 : i32
    %dma_start3A_280 = tpu.memref_slice %arg3[%squeeze3A_255, %dma_start3A_279] : memref<100000x16xf32, #tpu.memory_space<hbm>> -> memref<1x16xf32, #tpu.memory_space<hbm>>
    %dma_start3A_281 = tpu.memref_squeeze %dma_start3A_280 : memref<1x16xf32, #tpu.memory_space<hbm>> -> memref<16xf32, #tpu.memory_space<hbm>>
    tpu.enqueue_dma source(%dma_start3A_281 : memref<16xf32, #tpu.memory_space<hbm>>) target(%dma_start3A_278 : memref<16xf32, #tpu.memory_space<vmem>>) target_semaphore(%arg11 : memref<!tpu.dma_semaphore, #tpu.memory_space<semaphore_mem>>)
    %slice3A_282 = vector.extract_strided_slice %get3A_4 {offsets = [10], sizes = [1], strides = [1]} : vector<16xi32> to vector<1xi32>
    %squeeze3A_283 = vector.extract %slice3A_282[0] : i32 from vector<1xi32>
    %dma_start3A_284 = arith.constant 10 : i32
    %dma_start3A_285 = arith.constant 0 : i32
    %dma_start3A_286 = tpu.memref_slice %arg8[%dma_start3A_284, %dma_start3A_285] : memref<64x784xf32, #tpu.memory_space<vmem>> -> memref<1x784xf32, #tpu.memory_space<vmem>>
    %dma_start3A_287 = tpu.memref_squeeze %dma_start3A_286 : memref<1x784xf32, #tpu.memory_space<vmem>> -> memref<784xf32, #tpu.memory_space<vmem>>
    %dma_start3A_288 = arith.constant 0 : i32
    %dma_start3A_289 = tpu.memref_slice %arg2[%squeeze3A_283, %dma_start3A_288] : memref<100000x784xf32, #tpu.memory_space<hbm>> -> memref<1x784xf32, #tpu.memory_space<hbm>>
    %dma_start3A_290 = tpu.memref_squeeze %dma_start3A_289 : memref<1x784xf32, #tpu.memory_space<hbm>> -> memref<784xf32, #tpu.memory_space<hbm>>
    %dma_start3A_291 = arith.constant 0 : i32
    %dma_start3A_292 = tpu.memref_slice %arg8[%dma_start3A_284, %dma_start3A_291] : memref<64x784xf32, #tpu.memory_space<vmem>> -> memref<1x784xf32, #tpu.memory_space<vmem>>
    %dma_start3A_293 = tpu.memref_squeeze %dma_start3A_292 : memref<1x784xf32, #tpu.memory_space<vmem>> -> memref<784xf32, #tpu.memory_space<vmem>>
    %dma_start3A_294 = arith.constant 0 : i32
    %dma_start3A_295 = tpu.memref_slice %arg2[%squeeze3A_283, %dma_start3A_294] : memref<100000x784xf32, #tpu.memory_space<hbm>> -> memref<1x784xf32, #tpu.memory_space<hbm>>
    %dma_start3A_296 = tpu.memref_squeeze %dma_start3A_295 : memref<1x784xf32, #tpu.memory_space<hbm>> -> memref<784xf32, #tpu.memory_space<hbm>>
    tpu.enqueue_dma source(%dma_start3A_296 : memref<784xf32, #tpu.memory_space<hbm>>) target(%dma_start3A_293 : memref<784xf32, #tpu.memory_space<vmem>>) target_semaphore(%arg10 : memref<!tpu.dma_semaphore, #tpu.memory_space<semaphore_mem>>)
    %dma_start3A_297 = arith.constant 10 : i32
    %dma_start3A_298 = arith.constant 0 : i32
    %dma_start3A_299 = tpu.memref_slice %arg9[%dma_start3A_297, %dma_start3A_298] : memref<64x16xf32, #tpu.memory_space<vmem>> -> memref<1x16xf32, #tpu.memory_space<vmem>>
    %dma_start3A_300 = tpu.memref_squeeze %dma_start3A_299 : memref<1x16xf32, #tpu.memory_space<vmem>> -> memref<16xf32, #tpu.memory_space<vmem>>
    %dma_start3A_301 = arith.constant 0 : i32
    %dma_start3A_302 = tpu.memref_slice %arg3[%squeeze3A_283, %dma_start3A_301] : memref<100000x16xf32, #tpu.memory_space<hbm>> -> memref<1x16xf32, #tpu.memory_space<hbm>>
    %dma_start3A_303 = tpu.memref_squeeze %dma_start3A_302 : memref<1x16xf32, #tpu.memory_space<hbm>> -> memref<16xf32, #tpu.memory_space<hbm>>
    %dma_start3A_304 = arith.constant 0 : i32
    %dma_start3A_305 = tpu.memref_slice %arg9[%dma_start3A_297, %dma_start3A_304] : memref<64x16xf32, #tpu.memory_space<vmem>> -> memref<1x16xf32, #tpu.memory_space<vmem>>
    %dma_start3A_306 = tpu.memref_squeeze %dma_start3A_305 : memref<1x16xf32, #tpu.memory_space<vmem>> -> memref<16xf32, #tpu.memory_space<vmem>>
    %dma_start3A_307 = arith.constant 0 : i32
    %dma_start3A_308 = tpu.memref_slice %arg3[%squeeze3A_283, %dma_start3A_307] : memref<100000x16xf32, #tpu.memory_space<hbm>> -> memref<1x16xf32, #tpu.memory_space<hbm>>
    %dma_start3A_309 = tpu.memref_squeeze %dma_start3A_308 : memref<1x16xf32, #tpu.memory_space<hbm>> -> memref<16xf32, #tpu.memory_space<hbm>>
    tpu.enqueue_dma source(%dma_start3A_309 : memref<16xf32, #tpu.memory_space<hbm>>) target(%dma_start3A_306 : memref<16xf32, #tpu.memory_space<vmem>>) target_semaphore(%arg11 : memref<!tpu.dma_semaphore, #tpu.memory_space<semaphore_mem>>)
    %slice3A_310 = vector.extract_strided_slice %get3A_4 {offsets = [11], sizes = [1], strides = [1]} : vector<16xi32> to vector<1xi32>
    %squeeze3A_311 = vector.extract %slice3A_310[0] : i32 from vector<1xi32>
    %dma_start3A_312 = arith.constant 11 : i32
    %dma_start3A_313 = arith.constant 0 : i32
    %dma_start3A_314 = tpu.memref_slice %arg8[%dma_start3A_312, %dma_start3A_313] : memref<64x784xf32, #tpu.memory_space<vmem>> -> memref<1x784xf32, #tpu.memory_space<vmem>>
    %dma_start3A_315 = tpu.memref_squeeze %dma_start3A_314 : memref<1x784xf32, #tpu.memory_space<vmem>> -> memref<784xf32, #tpu.memory_space<vmem>>
    %dma_start3A_316 = arith.constant 0 : i32
    %dma_start3A_317 = tpu.memref_slice %arg2[%squeeze3A_311, %dma_start3A_316] : memref<100000x784xf32, #tpu.memory_space<hbm>> -> memref<1x784xf32, #tpu.memory_space<hbm>>
    %dma_start3A_318 = tpu.memref_squeeze %dma_start3A_317 : memref<1x784xf32, #tpu.memory_space<hbm>> -> memref<784xf32, #tpu.memory_space<hbm>>
    %dma_start3A_319 = arith.constant 0 : i32
    %dma_start3A_320 = tpu.memref_slice %arg8[%dma_start3A_312, %dma_start3A_319] : memref<64x784xf32, #tpu.memory_space<vmem>> -> memref<1x784xf32, #tpu.memory_space<vmem>>
    %dma_start3A_321 = tpu.memref_squeeze %dma_start3A_320 : memref<1x784xf32, #tpu.memory_space<vmem>> -> memref<784xf32, #tpu.memory_space<vmem>>
    %dma_start3A_322 = arith.constant 0 : i32
    %dma_start3A_323 = tpu.memref_slice %arg2[%squeeze3A_311, %dma_start3A_322] : memref<100000x784xf32, #tpu.memory_space<hbm>> -> memref<1x784xf32, #tpu.memory_space<hbm>>
    %dma_start3A_324 = tpu.memref_squeeze %dma_start3A_323 : memref<1x784xf32, #tpu.memory_space<hbm>> -> memref<784xf32, #tpu.memory_space<hbm>>
    tpu.enqueue_dma source(%dma_start3A_324 : memref<784xf32, #tpu.memory_space<hbm>>) target(%dma_start3A_321 : memref<784xf32, #tpu.memory_space<vmem>>) target_semaphore(%arg10 : memref<!tpu.dma_semaphore, #tpu.memory_space<semaphore_mem>>)
    %dma_start3A_325 = arith.constant 11 : i32
    %dma_start3A_326 = arith.constant 0 : i32
    %dma_start3A_327 = tpu.memref_slice %arg9[%dma_start3A_325, %dma_start3A_326] : memref<64x16xf32, #tpu.memory_space<vmem>> -> memref<1x16xf32, #tpu.memory_space<vmem>>
    %dma_start3A_328 = tpu.memref_squeeze %dma_start3A_327 : memref<1x16xf32, #tpu.memory_space<vmem>> -> memref<16xf32, #tpu.memory_space<vmem>>
    %dma_start3A_329 = arith.constant 0 : i32
    %dma_start3A_330 = tpu.memref_slice %arg3[%squeeze3A_311, %dma_start3A_329] : memref<100000x16xf32, #tpu.memory_space<hbm>> -> memref<1x16xf32, #tpu.memory_space<hbm>>
    %dma_start3A_331 = tpu.memref_squeeze %dma_start3A_330 : memref<1x16xf32, #tpu.memory_space<hbm>> -> memref<16xf32, #tpu.memory_space<hbm>>
    %dma_start3A_332 = arith.constant 0 : i32
    %dma_start3A_333 = tpu.memref_slice %arg9[%dma_start3A_325, %dma_start3A_332] : memref<64x16xf32, #tpu.memory_space<vmem>> -> memref<1x16xf32, #tpu.memory_space<vmem>>
    %dma_start3A_334 = tpu.memref_squeeze %dma_start3A_333 : memref<1x16xf32, #tpu.memory_space<vmem>> -> memref<16xf32, #tpu.memory_space<vmem>>
    %dma_start3A_335 = arith.constant 0 : i32
    %dma_start3A_336 = tpu.memref_slice %arg3[%squeeze3A_311, %dma_start3A_335] : memref<100000x16xf32, #tpu.memory_space<hbm>> -> memref<1x16xf32, #tpu.memory_space<hbm>>
    %dma_start3A_337 = tpu.memref_squeeze %dma_start3A_336 : memref<1x16xf32, #tpu.memory_space<hbm>> -> memref<16xf32, #tpu.memory_space<hbm>>
    tpu.enqueue_dma source(%dma_start3A_337 : memref<16xf32, #tpu.memory_space<hbm>>) target(%dma_start3A_334 : memref<16xf32, #tpu.memory_space<vmem>>) target_semaphore(%arg11 : memref<!tpu.dma_semaphore, #tpu.memory_space<semaphore_mem>>)
    %slice3A_338 = vector.extract_strided_slice %get3A_4 {offsets = [12], sizes = [1], strides = [1]} : vector<16xi32> to vector<1xi32>
    %squeeze3A_339 = vector.extract %slice3A_338[0] : i32 from vector<1xi32>
    %dma_start3A_340 = arith.constant 12 : i32
    %dma_start3A_341 = arith.constant 0 : i32
    %dma_start3A_342 = tpu.memref_slice %arg8[%dma_start3A_340, %dma_start3A_341] : memref<64x784xf32, #tpu.memory_space<vmem>> -> memref<1x784xf32, #tpu.memory_space<vmem>>
    %dma_start3A_343 = tpu.memref_squeeze %dma_start3A_342 : memref<1x784xf32, #tpu.memory_space<vmem>> -> memref<784xf32, #tpu.memory_space<vmem>>
    %dma_start3A_344 = arith.constant 0 : i32
    %dma_start3A_345 = tpu.memref_slice %arg2[%squeeze3A_339, %dma_start3A_344] : memref<100000x784xf32, #tpu.memory_space<hbm>> -> memref<1x784xf32, #tpu.memory_space<hbm>>
    %dma_start3A_346 = tpu.memref_squeeze %dma_start3A_345 : memref<1x784xf32, #tpu.memory_space<hbm>> -> memref<784xf32, #tpu.memory_space<hbm>>
    %dma_start3A_347 = arith.constant 0 : i32
    %dma_start3A_348 = tpu.memref_slice %arg8[%dma_start3A_340, %dma_start3A_347] : memref<64x784xf32, #tpu.memory_space<vmem>> -> memref<1x784xf32, #tpu.memory_space<vmem>>
    %dma_start3A_349 = tpu.memref_squeeze %dma_start3A_348 : memref<1x784xf32, #tpu.memory_space<vmem>> -> memref<784xf32, #tpu.memory_space<vmem>>
    %dma_start3A_350 = arith.constant 0 : i32
    %dma_start3A_351 = tpu.memref_slice %arg2[%squeeze3A_339, %dma_start3A_350] : memref<100000x784xf32, #tpu.memory_space<hbm>> -> memref<1x784xf32, #tpu.memory_space<hbm>>
    %dma_start3A_352 = tpu.memref_squeeze %dma_start3A_351 : memref<1x784xf32, #tpu.memory_space<hbm>> -> memref<784xf32, #tpu.memory_space<hbm>>
    tpu.enqueue_dma source(%dma_start3A_352 : memref<784xf32, #tpu.memory_space<hbm>>) target(%dma_start3A_349 : memref<784xf32, #tpu.memory_space<vmem>>) target_semaphore(%arg10 : memref<!tpu.dma_semaphore, #tpu.memory_space<semaphore_mem>>)
    %dma_start3A_353 = arith.constant 12 : i32
    %dma_start3A_354 = arith.constant 0 : i32
    %dma_start3A_355 = tpu.memref_slice %arg9[%dma_start3A_353, %dma_start3A_354] : memref<64x16xf32, #tpu.memory_space<vmem>> -> memref<1x16xf32, #tpu.memory_space<vmem>>
    %dma_start3A_356 = tpu.memref_squeeze %dma_start3A_355 : memref<1x16xf32, #tpu.memory_space<vmem>> -> memref<16xf32, #tpu.memory_space<vmem>>
    %dma_start3A_357 = arith.constant 0 : i32
    %dma_start3A_358 = tpu.memref_slice %arg3[%squeeze3A_339, %dma_start3A_357] : memref<100000x16xf32, #tpu.memory_space<hbm>> -> memref<1x16xf32, #tpu.memory_space<hbm>>
    %dma_start3A_359 = tpu.memref_squeeze %dma_start3A_358 : memref<1x16xf32, #tpu.memory_space<hbm>> -> memref<16xf32, #tpu.memory_space<hbm>>
    %dma_start3A_360 = arith.constant 0 : i32
    %dma_start3A_361 = tpu.memref_slice %arg9[%dma_start3A_353, %dma_start3A_360] : memref<64x16xf32, #tpu.memory_space<vmem>> -> memref<1x16xf32, #tpu.memory_space<vmem>>
    %dma_start3A_362 = tpu.memref_squeeze %dma_start3A_361 : memref<1x16xf32, #tpu.memory_space<vmem>> -> memref<16xf32, #tpu.memory_space<vmem>>
    %dma_start3A_363 = arith.constant 0 : i32
    %dma_start3A_364 = tpu.memref_slice %arg3[%squeeze3A_339, %dma_start3A_363] : memref<100000x16xf32, #tpu.memory_space<hbm>> -> memref<1x16xf32, #tpu.memory_space<hbm>>
    %dma_start3A_365 = tpu.memref_squeeze %dma_start3A_364 : memref<1x16xf32, #tpu.memory_space<hbm>> -> memref<16xf32, #tpu.memory_space<hbm>>
    tpu.enqueue_dma source(%dma_start3A_365 : memref<16xf32, #tpu.memory_space<hbm>>) target(%dma_start3A_362 : memref<16xf32, #tpu.memory_space<vmem>>) target_semaphore(%arg11 : memref<!tpu.dma_semaphore, #tpu.memory_space<semaphore_mem>>)
    %slice3A_366 = vector.extract_strided_slice %get3A_4 {offsets = [13], sizes = [1], strides = [1]} : vector<16xi32> to vector<1xi32>
    %squeeze3A_367 = vector.extract %slice3A_366[0] : i32 from vector<1xi32>
    %dma_start3A_368 = arith.constant 13 : i32
    %dma_start3A_369 = arith.constant 0 : i32
    %dma_start3A_370 = tpu.memref_slice %arg8[%dma_start3A_368, %dma_start3A_369] : memref<64x784xf32, #tpu.memory_space<vmem>> -> memref<1x784xf32, #tpu.memory_space<vmem>>
    %dma_start3A_371 = tpu.memref_squeeze %dma_start3A_370 : memref<1x784xf32, #tpu.memory_space<vmem>> -> memref<784xf32, #tpu.memory_space<vmem>>
    %dma_start3A_372 = arith.constant 0 : i32
    %dma_start3A_373 = tpu.memref_slice %arg2[%squeeze3A_367, %dma_start3A_372] : memref<100000x784xf32, #tpu.memory_space<hbm>> -> memref<1x784xf32, #tpu.memory_space<hbm>>
    %dma_start3A_374 = tpu.memref_squeeze %dma_start3A_373 : memref<1x784xf32, #tpu.memory_space<hbm>> -> memref<784xf32, #tpu.memory_space<hbm>>
    %dma_start3A_375 = arith.constant 0 : i32
    %dma_start3A_376 = tpu.memref_slice %arg8[%dma_start3A_368, %dma_start3A_375] : memref<64x784xf32, #tpu.memory_space<vmem>> -> memref<1x784xf32, #tpu.memory_space<vmem>>
    %dma_start3A_377 = tpu.memref_squeeze %dma_start3A_376 : memref<1x784xf32, #tpu.memory_space<vmem>> -> memref<784xf32, #tpu.memory_space<vmem>>
    %dma_start3A_378 = arith.constant 0 : i32
    %dma_start3A_379 = tpu.memref_slice %arg2[%squeeze3A_367, %dma_start3A_378] : memref<100000x784xf32, #tpu.memory_space<hbm>> -> memref<1x784xf32, #tpu.memory_space<hbm>>
    %dma_start3A_380 = tpu.memref_squeeze %dma_start3A_379 : memref<1x784xf32, #tpu.memory_space<hbm>> -> memref<784xf32, #tpu.memory_space<hbm>>
    tpu.enqueue_dma source(%dma_start3A_380 : memref<784xf32, #tpu.memory_space<hbm>>) target(%dma_start3A_377 : memref<784xf32, #tpu.memory_space<vmem>>) target_semaphore(%arg10 : memref<!tpu.dma_semaphore, #tpu.memory_space<semaphore_mem>>)
    %dma_start3A_381 = arith.constant 13 : i32
    %dma_start3A_382 = arith.constant 0 : i32
    %dma_start3A_383 = tpu.memref_slice %arg9[%dma_start3A_381, %dma_start3A_382] : memref<64x16xf32, #tpu.memory_space<vmem>> -> memref<1x16xf32, #tpu.memory_space<vmem>>
    %dma_start3A_384 = tpu.memref_squeeze %dma_start3A_383 : memref<1x16xf32, #tpu.memory_space<vmem>> -> memref<16xf32, #tpu.memory_space<vmem>>
    %dma_start3A_385 = arith.constant 0 : i32
    %dma_start3A_386 = tpu.memref_slice %arg3[%squeeze3A_367, %dma_start3A_385] : memref<100000x16xf32, #tpu.memory_space<hbm>> -> memref<1x16xf32, #tpu.memory_space<hbm>>
    %dma_start3A_387 = tpu.memref_squeeze %dma_start3A_386 : memref<1x16xf32, #tpu.memory_space<hbm>> -> memref<16xf32, #tpu.memory_space<hbm>>
    %dma_start3A_388 = arith.constant 0 : i32
    %dma_start3A_389 = tpu.memref_slice %arg9[%dma_start3A_381, %dma_start3A_388] : memref<64x16xf32, #tpu.memory_space<vmem>> -> memref<1x16xf32, #tpu.memory_space<vmem>>
    %dma_start3A_390 = tpu.memref_squeeze %dma_start3A_389 : memref<1x16xf32, #tpu.memory_space<vmem>> -> memref<16xf32, #tpu.memory_space<vmem>>
    %dma_start3A_391 = arith.constant 0 : i32
    %dma_start3A_392 = tpu.memref_slice %arg3[%squeeze3A_367, %dma_start3A_391] : memref<100000x16xf32, #tpu.memory_space<hbm>> -> memref<1x16xf32, #tpu.memory_space<hbm>>
    %dma_start3A_393 = tpu.memref_squeeze %dma_start3A_392 : memref<1x16xf32, #tpu.memory_space<hbm>> -> memref<16xf32, #tpu.memory_space<hbm>>
    tpu.enqueue_dma source(%dma_start3A_393 : memref<16xf32, #tpu.memory_space<hbm>>) target(%dma_start3A_390 : memref<16xf32, #tpu.memory_space<vmem>>) target_semaphore(%arg11 : memref<!tpu.dma_semaphore, #tpu.memory_space<semaphore_mem>>)
    %slice3A_394 = vector.extract_strided_slice %get3A_4 {offsets = [14], sizes = [1], strides = [1]} : vector<16xi32> to vector<1xi32>
    %squeeze3A_395 = vector.extract %slice3A_394[0] : i32 from vector<1xi32>
    %dma_start3A_396 = arith.constant 14 : i32
    %dma_start3A_397 = arith.constant 0 : i32
    %dma_start3A_398 = tpu.memref_slice %arg8[%dma_start3A_396, %dma_start3A_397] : memref<64x784xf32, #tpu.memory_space<vmem>> -> memref<1x784xf32, #tpu.memory_space<vmem>>
    %dma_start3A_399 = tpu.memref_squeeze %dma_start3A_398 : memref<1x784xf32, #tpu.memory_space<vmem>> -> memref<784xf32, #tpu.memory_space<vmem>>
    %dma_start3A_400 = arith.constant 0 : i32
    %dma_start3A_401 = tpu.memref_slice %arg2[%squeeze3A_395, %dma_start3A_400] : memref<100000x784xf32, #tpu.memory_space<hbm>> -> memref<1x784xf32, #tpu.memory_space<hbm>>
    %dma_start3A_402 = tpu.memref_squeeze %dma_start3A_401 : memref<1x784xf32, #tpu.memory_space<hbm>> -> memref<784xf32, #tpu.memory_space<hbm>>
    %dma_start3A_403 = arith.constant 0 : i32
    %dma_start3A_404 = tpu.memref_slice %arg8[%dma_start3A_396, %dma_start3A_403] : memref<64x784xf32, #tpu.memory_space<vmem>> -> memref<1x784xf32, #tpu.memory_space<vmem>>
    %dma_start3A_405 = tpu.memref_squeeze %dma_start3A_404 : memref<1x784xf32, #tpu.memory_space<vmem>> -> memref<784xf32, #tpu.memory_space<vmem>>
    %dma_start3A_406 = arith.constant 0 : i32
    %dma_start3A_407 = tpu.memref_slice %arg2[%squeeze3A_395, %dma_start3A_406] : memref<100000x784xf32, #tpu.memory_space<hbm>> -> memref<1x784xf32, #tpu.memory_space<hbm>>
    %dma_start3A_408 = tpu.memref_squeeze %dma_start3A_407 : memref<1x784xf32, #tpu.memory_space<hbm>> -> memref<784xf32, #tpu.memory_space<hbm>>
    tpu.enqueue_dma source(%dma_start3A_408 : memref<784xf32, #tpu.memory_space<hbm>>) target(%dma_start3A_405 : memref<784xf32, #tpu.memory_space<vmem>>) target_semaphore(%arg10 : memref<!tpu.dma_semaphore, #tpu.memory_space<semaphore_mem>>)
    %dma_start3A_409 = arith.constant 14 : i32
    %dma_start3A_410 = arith.constant 0 : i32
    %dma_start3A_411 = tpu.memref_slice %arg9[%dma_start3A_409, %dma_start3A_410] : memref<64x16xf32, #tpu.memory_space<vmem>> -> memref<1x16xf32, #tpu.memory_space<vmem>>
    %dma_start3A_412 = tpu.memref_squeeze %dma_start3A_411 : memref<1x16xf32, #tpu.memory_space<vmem>> -> memref<16xf32, #tpu.memory_space<vmem>>
    %dma_start3A_413 = arith.constant 0 : i32
    %dma_start3A_414 = tpu.memref_slice %arg3[%squeeze3A_395, %dma_start3A_413] : memref<100000x16xf32, #tpu.memory_space<hbm>> -> memref<1x16xf32, #tpu.memory_space<hbm>>
    %dma_start3A_415 = tpu.memref_squeeze %dma_start3A_414 : memref<1x16xf32, #tpu.memory_space<hbm>> -> memref<16xf32, #tpu.memory_space<hbm>>
    %dma_start3A_416 = arith.constant 0 : i32
    %dma_start3A_417 = tpu.memref_slice %arg9[%dma_start3A_409, %dma_start3A_416] : memref<64x16xf32, #tpu.memory_space<vmem>> -> memref<1x16xf32, #tpu.memory_space<vmem>>
    %dma_start3A_418 = tpu.memref_squeeze %dma_start3A_417 : memref<1x16xf32, #tpu.memory_space<vmem>> -> memref<16xf32, #tpu.memory_space<vmem>>
    %dma_start3A_419 = arith.constant 0 : i32
    %dma_start3A_420 = tpu.memref_slice %arg3[%squeeze3A_395, %dma_start3A_419] : memref<100000x16xf32, #tpu.memory_space<hbm>> -> memref<1x16xf32, #tpu.memory_space<hbm>>
    %dma_start3A_421 = tpu.memref_squeeze %dma_start3A_420 : memref<1x16xf32, #tpu.memory_space<hbm>> -> memref<16xf32, #tpu.memory_space<hbm>>
    tpu.enqueue_dma source(%dma_start3A_421 : memref<16xf32, #tpu.memory_space<hbm>>) target(%dma_start3A_418 : memref<16xf32, #tpu.memory_space<vmem>>) target_semaphore(%arg11 : memref<!tpu.dma_semaphore, #tpu.memory_space<semaphore_mem>>)
    %slice3A_422 = vector.extract_strided_slice %get3A_4 {offsets = [15], sizes = [1], strides = [1]} : vector<16xi32> to vector<1xi32>
    %squeeze3A_423 = vector.extract %slice3A_422[0] : i32 from vector<1xi32>
    %dma_start3A_424 = arith.constant 15 : i32
    %dma_start3A_425 = arith.constant 0 : i32
    %dma_start3A_426 = tpu.memref_slice %arg8[%dma_start3A_424, %dma_start3A_425] : memref<64x784xf32, #tpu.memory_space<vmem>> -> memref<1x784xf32, #tpu.memory_space<vmem>>
    %dma_start3A_427 = tpu.memref_squeeze %dma_start3A_426 : memref<1x784xf32, #tpu.memory_space<vmem>> -> memref<784xf32, #tpu.memory_space<vmem>>
    %dma_start3A_428 = arith.constant 0 : i32
    %dma_start3A_429 = tpu.memref_slice %arg2[%squeeze3A_423, %dma_start3A_428] : memref<100000x784xf32, #tpu.memory_space<hbm>> -> memref<1x784xf32, #tpu.memory_space<hbm>>
    %dma_start3A_430 = tpu.memref_squeeze %dma_start3A_429 : memref<1x784xf32, #tpu.memory_space<hbm>> -> memref<784xf32, #tpu.memory_space<hbm>>
    %dma_start3A_431 = arith.constant 0 : i32
    %dma_start3A_432 = tpu.memref_slice %arg8[%dma_start3A_424, %dma_start3A_431] : memref<64x784xf32, #tpu.memory_space<vmem>> -> memref<1x784xf32, #tpu.memory_space<vmem>>
    %dma_start3A_433 = tpu.memref_squeeze %dma_start3A_432 : memref<1x784xf32, #tpu.memory_space<vmem>> -> memref<784xf32, #tpu.memory_space<vmem>>
    %dma_start3A_434 = arith.constant 0 : i32
    %dma_start3A_435 = tpu.memref_slice %arg2[%squeeze3A_423, %dma_start3A_434] : memref<100000x784xf32, #tpu.memory_space<hbm>> -> memref<1x784xf32, #tpu.memory_space<hbm>>
    %dma_start3A_436 = tpu.memref_squeeze %dma_start3A_435 : memref<1x784xf32, #tpu.memory_space<hbm>> -> memref<784xf32, #tpu.memory_space<hbm>>
    tpu.enqueue_dma source(%dma_start3A_436 : memref<784xf32, #tpu.memory_space<hbm>>) target(%dma_start3A_433 : memref<784xf32, #tpu.memory_space<vmem>>) target_semaphore(%arg10 : memref<!tpu.dma_semaphore, #tpu.memory_space<semaphore_mem>>)
    %dma_start3A_437 = arith.constant 15 : i32
    %dma_start3A_438 = arith.constant 0 : i32
    %dma_start3A_439 = tpu.memref_slice %arg9[%dma_start3A_437, %dma_start3A_438] : memref<64x16xf32, #tpu.memory_space<vmem>> -> memref<1x16xf32, #tpu.memory_space<vmem>>
    %dma_start3A_440 = tpu.memref_squeeze %dma_start3A_439 : memref<1x16xf32, #tpu.memory_space<vmem>> -> memref<16xf32, #tpu.memory_space<vmem>>
    %dma_start3A_441 = arith.constant 0 : i32
    %dma_start3A_442 = tpu.memref_slice %arg3[%squeeze3A_423, %dma_start3A_441] : memref<100000x16xf32, #tpu.memory_space<hbm>> -> memref<1x16xf32, #tpu.memory_space<hbm>>
    %dma_start3A_443 = tpu.memref_squeeze %dma_start3A_442 : memref<1x16xf32, #tpu.memory_space<hbm>> -> memref<16xf32, #tpu.memory_space<hbm>>
    %dma_start3A_444 = arith.constant 0 : i32
    %dma_start3A_445 = tpu.memref_slice %arg9[%dma_start3A_437, %dma_start3A_444] : memref<64x16xf32, #tpu.memory_space<vmem>> -> memref<1x16xf32, #tpu.memory_space<vmem>>
    %dma_start3A_446 = tpu.memref_squeeze %dma_start3A_445 : memref<1x16xf32, #tpu.memory_space<vmem>> -> memref<16xf32, #tpu.memory_space<vmem>>
    %dma_start3A_447 = arith.constant 0 : i32
    %dma_start3A_448 = tpu.memref_slice %arg3[%squeeze3A_423, %dma_start3A_447] : memref<100000x16xf32, #tpu.memory_space<hbm>> -> memref<1x16xf32, #tpu.memory_space<hbm>>
    %dma_start3A_449 = tpu.memref_squeeze %dma_start3A_448 : memref<1x16xf32, #tpu.memory_space<hbm>> -> memref<16xf32, #tpu.memory_space<hbm>>
    tpu.enqueue_dma source(%dma_start3A_449 : memref<16xf32, #tpu.memory_space<hbm>>) target(%dma_start3A_446 : memref<16xf32, #tpu.memory_space<vmem>>) target_semaphore(%arg11 : memref<!tpu.dma_semaphore, #tpu.memory_space<semaphore_mem>>)
    %get3A_450 = arith.constant 16 : index
    %get3A_451 = tpu.vector_load %arg7[%get3A_450] {strides = array<i32>} : memref<64xi32, #tpu.memory_space<vmem>>, vector<16xi32>,
    %get3A_452 = vector.shape_cast %get3A_451 : vector<16xi32> to vector<16xi32>
    %slice3A_453 = vector.extract_strided_slice %get3A_452 {offsets = [0], sizes = [1], strides = [1]} : vector<16xi32> to vector<1xi32>
    %squeeze3A_454 = vector.extract %slice3A_453[0] : i32 from vector<1xi32>
    %dma_start3A_455 = arith.constant 16 : i32
    %dma_start3A_456 = arith.constant 0 : i32
    %dma_start3A_457 = tpu.memref_slice %arg8[%dma_start3A_455, %dma_start3A_456] : memref<64x784xf32, #tpu.memory_space<vmem>> -> memref<1x784xf32, #tpu.memory_space<vmem>>
    %dma_start3A_458 = tpu.memref_squeeze %dma_start3A_457 : memref<1x784xf32, #tpu.memory_space<vmem>> -> memref<784xf32, #tpu.memory_space<vmem>>
    %dma_start3A_459 = arith.constant 0 : i32
    %dma_start3A_460 = tpu.memref_slice %arg2[%squeeze3A_454, %dma_start3A_459] : memref<100000x784xf32, #tpu.memory_space<hbm>> -> memref<1x784xf32, #tpu.memory_space<hbm>>
    %dma_start3A_461 = tpu.memref_squeeze %dma_start3A_460 : memref<1x784xf32, #tpu.memory_space<hbm>> -> memref<784xf32, #tpu.memory_space<hbm>>
    %dma_start3A_462 = arith.constant 0 : i32
    %dma_start3A_463 = tpu.memref_slice %arg8[%dma_start3A_455, %dma_start3A_462] : memref<64x784xf32, #tpu.memory_space<vmem>> -> memref<1x784xf32, #tpu.memory_space<vmem>>
    %dma_start3A_464 = tpu.memref_squeeze %dma_start3A_463 : memref<1x784xf32, #tpu.memory_space<vmem>> -> memref<784xf32, #tpu.memory_space<vmem>>
    %dma_start3A_465 = arith.constant 0 : i32
    %dma_start3A_466 = tpu.memref_slice %arg2[%squeeze3A_454, %dma_start3A_465] : memref<100000x784xf32, #tpu.memory_space<hbm>> -> memref<1x784xf32, #tpu.memory_space<hbm>>
    %dma_start3A_467 = tpu.memref_squeeze %dma_start3A_466 : memref<1x784xf32, #tpu.memory_space<hbm>> -> memref<784xf32, #tpu.memory_space<hbm>>
    tpu.enqueue_dma source(%dma_start3A_467 : memref<784xf32, #tpu.memory_space<hbm>>) target(%dma_start3A_464 : memref<784xf32, #tpu.memory_space<vmem>>) target_semaphore(%arg10 : memref<!tpu.dma_semaphore, #tpu.memory_space<semaphore_mem>>)
    %dma_start3A_468 = arith.constant 16 : i32
    %dma_start3A_469 = arith.constant 0 : i32
    %dma_start3A_470 = tpu.memref_slice %arg9[%dma_start3A_468, %dma_start3A_469] : memref<64x16xf32, #tpu.memory_space<vmem>> -> memref<1x16xf32, #tpu.memory_space<vmem>>
    %dma_start3A_471 = tpu.memref_squeeze %dma_start3A_470 : memref<1x16xf32, #tpu.memory_space<vmem>> -> memref<16xf32, #tpu.memory_space<vmem>>
    %dma_start3A_472 = arith.constant 0 : i32
    %dma_start3A_473 = tpu.memref_slice %arg3[%squeeze3A_454, %dma_start3A_472] : memref<100000x16xf32, #tpu.memory_space<hbm>> -> memref<1x16xf32, #tpu.memory_space<hbm>>
    %dma_start3A_474 = tpu.memref_squeeze %dma_start3A_473 : memref<1x16xf32, #tpu.memory_space<hbm>> -> memref<16xf32, #tpu.memory_space<hbm>>
    %dma_start3A_475 = arith.constant 0 : i32
    %dma_start3A_476 = tpu.memref_slice %arg9[%dma_start3A_468, %dma_start3A_475] : memref<64x16xf32, #tpu.memory_space<vmem>> -> memref<1x16xf32, #tpu.memory_space<vmem>>
    %dma_start3A_477 = tpu.memref_squeeze %dma_start3A_476 : memref<1x16xf32, #tpu.memory_space<vmem>> -> memref<16xf32, #tpu.memory_space<vmem>>
    %dma_start3A_478 = arith.constant 0 : i32
    %dma_start3A_479 = tpu.memref_slice %arg3[%squeeze3A_454, %dma_start3A_478] : memref<100000x16xf32, #tpu.memory_space<hbm>> -> memref<1x16xf32, #tpu.memory_space<hbm>>
    %dma_start3A_480 = tpu.memref_squeeze %dma_start3A_479 : memref<1x16xf32, #tpu.memory_space<hbm>> -> memref<16xf32, #tpu.memory_space<hbm>>
    tpu.enqueue_dma source(%dma_start3A_480 : memref<16xf32, #tpu.memory_space<hbm>>) target(%dma_start3A_477 : memref<16xf32, #tpu.memory_space<vmem>>) target_semaphore(%arg11 : memref<!tpu.dma_semaphore, #tpu.memory_space<semaphore_mem>>)
    %slice3A_481 = vector.extract_strided_slice %get3A_452 {offsets = [1], sizes = [1], strides = [1]} : vector<16xi32> to vector<1xi32>
    %squeeze3A_482 = vector.extract %slice3A_481[0] : i32 from vector<1xi32>
    %dma_start3A_483 = arith.constant 17 : i32
    %dma_start3A_484 = arith.constant 0 : i32
    %dma_start3A_485 = tpu.memref_slice %arg8[%dma_start3A_483, %dma_start3A_484] : memref<64x784xf32, #tpu.memory_space<vmem>> -> memref<1x784xf32, #tpu.memory_space<vmem>>
    %dma_start3A_486 = tpu.memref_squeeze %dma_start3A_485 : memref<1x784xf32, #tpu.memory_space<vmem>> -> memref<784xf32, #tpu.memory_space<vmem>>
    %dma_start3A_487 = arith.constant 0 : i32
    %dma_start3A_488 = tpu.memref_slice %arg2[%squeeze3A_482, %dma_start3A_487] : memref<100000x784xf32, #tpu.memory_space<hbm>> -> memref<1x784xf32, #tpu.memory_space<hbm>>
    %dma_start3A_489 = tpu.memref_squeeze %dma_start3A_488 : memref<1x784xf32, #tpu.memory_space<hbm>> -> memref<784xf32, #tpu.memory_space<hbm>>
    %dma_start3A_490 = arith.constant 0 : i32
    %dma_start3A_491 = tpu.memref_slice %arg8[%dma_start3A_483, %dma_start3A_490] : memref<64x784xf32, #tpu.memory_space<vmem>> -> memref<1x784xf32, #tpu.memory_space<vmem>>
    %dma_start3A_492 = tpu.memref_squeeze %dma_start3A_491 : memref<1x784xf32, #tpu.memory_space<vmem>> -> memref<784xf32, #tpu.memory_space<vmem>>
    %dma_start3A_493 = arith.constant 0 : i32
    %dma_start3A_494 = tpu.memref_slice %arg2[%squeeze3A_482, %dma_start3A_493] : memref<100000x784xf32, #tpu.memory_space<hbm>> -> memref<1x784xf32, #tpu.memory_space<hbm>>
    %dma_start3A_495 = tpu.memref_squeeze %dma_start3A_494 : memref<1x784xf32, #tpu.memory_space<hbm>> -> memref<784xf32, #tpu.memory_space<hbm>>
    tpu.enqueue_dma source(%dma_start3A_495 : memref<784xf32, #tpu.memory_space<hbm>>) target(%dma_start3A_492 : memref<784xf32, #tpu.memory_space<vmem>>) target_semaphore(%arg10 : memref<!tpu.dma_semaphore, #tpu.memory_space<semaphore_mem>>)
    %dma_start3A_496 = arith.constant 17 : i32
    %dma_start3A_497 = arith.constant 0 : i32
    %dma_start3A_498 = tpu.memref_slice %arg9[%dma_start3A_496, %dma_start3A_497] : memref<64x16xf32, #tpu.memory_space<vmem>> -> memref<1x16xf32, #tpu.memory_space<vmem>>
    %dma_start3A_499 = tpu.memref_squeeze %dma_start3A_498 : memref<1x16xf32, #tpu.memory_space<vmem>> -> memref<16xf32, #tpu.memory_space<vmem>>
    %dma_start3A_500 = arith.constant 0 : i32
    %dma_start3A_501 = tpu.memref_slice %arg3[%squeeze3A_482, %dma_start3A_500] : memref<100000x16xf32, #tpu.memory_space<hbm>> -> memref<1x16xf32, #tpu.memory_space<hbm>>
    %dma_start3A_502 = tpu.memref_squeeze %dma_start3A_501 : memref<1x16xf32, #tpu.memory_space<hbm>> -> memref<16xf32, #tpu.memory_space<hbm>>
    %dma_start3A_503 = arith.constant 0 : i32
    %dma_start3A_504 = tpu.memref_slice %arg9[%dma_start3A_496, %dma_start3A_503] : memref<64x16xf32, #tpu.memory_space<vmem>> -> memref<1x16xf32, #tpu.memory_space<vmem>>
    %dma_start3A_505 = tpu.memref_squeeze %dma_start3A_504 : memref<1x16xf32, #tpu.memory_space<vmem>> -> memref<16xf32, #tpu.memory_space<vmem>>
    %dma_start3A_506 = arith.constant 0 : i32
    %dma_start3A_507 = tpu.memref_slice %arg3[%squeeze3A_482, %dma_start3A_506] : memref<100000x16xf32, #tpu.memory_space<hbm>> -> memref<1x16xf32, #tpu.memory_space<hbm>>
    %dma_start3A_508 = tpu.memref_squeeze %dma_start3A_507 : memref<1x16xf32, #tpu.memory_space<hbm>> -> memref<16xf32, #tpu.memory_space<hbm>>
    tpu.enqueue_dma source(%dma_start3A_508 : memref<16xf32, #tpu.memory_space<hbm>>) target(%dma_start3A_505 : memref<16xf32, #tpu.memory_space<vmem>>) target_semaphore(%arg11 : memref<!tpu.dma_semaphore, #tpu.memory_space<semaphore_mem>>)
    %slice3A_509 = vector.extract_strided_slice %get3A_452 {offsets = [2], sizes = [1], strides = [1]} : vector<16xi32> to vector<1xi32>
    %squeeze3A_510 = vector.extract %slice3A_509[0] : i32 from vector<1xi32>
    %dma_start3A_511 = arith.constant 18 : i32
    %dma_start3A_512 = arith.constant 0 : i32
    %dma_start3A_513 = tpu.memref_slice %arg8[%dma_start3A_511, %dma_start3A_512] : memref<64x784xf32, #tpu.memory_space<vmem>> -> memref<1x784xf32, #tpu.memory_space<vmem>>
    %dma_start3A_514 = tpu.memref_squeeze %dma_start3A_513 : memref<1x784xf32, #tpu.memory_space<vmem>> -> memref<784xf32, #tpu.memory_space<vmem>>
    %dma_start3A_515 = arith.constant 0 : i32
    %dma_start3A_516 = tpu.memref_slice %arg2[%squeeze3A_510, %dma_start3A_515] : memref<100000x784xf32, #tpu.memory_space<hbm>> -> memref<1x784xf32, #tpu.memory_space<hbm>>
    %dma_start3A_517 = tpu.memref_squeeze %dma_start3A_516 : memref<1x784xf32, #tpu.memory_space<hbm>> -> memref<784xf32, #tpu.memory_space<hbm>>
    %dma_start3A_518 = arith.constant 0 : i32
    %dma_start3A_519 = tpu.memref_slice %arg8[%dma_start3A_511, %dma_start3A_518] : memref<64x784xf32, #tpu.memory_space<vmem>> -> memref<1x784xf32, #tpu.memory_space<vmem>>
    %dma_start3A_520 = tpu.memref_squeeze %dma_start3A_519 : memref<1x784xf32, #tpu.memory_space<vmem>> -> memref<784xf32, #tpu.memory_space<vmem>>
    %dma_start3A_521 = arith.constant 0 : i32
    %dma_start3A_522 = tpu.memref_slice %arg2[%squeeze3A_510, %dma_start3A_521] : memref<100000x784xf32, #tpu.memory_space<hbm>> -> memref<1x784xf32, #tpu.memory_space<hbm>>
    %dma_start3A_523 = tpu.memref_squeeze %dma_start3A_522 : memref<1x784xf32, #tpu.memory_space<hbm>> -> memref<784xf32, #tpu.memory_space<hbm>>
    tpu.enqueue_dma source(%dma_start3A_523 : memref<784xf32, #tpu.memory_space<hbm>>) target(%dma_start3A_520 : memref<784xf32, #tpu.memory_space<vmem>>) target_semaphore(%arg10 : memref<!tpu.dma_semaphore, #tpu.memory_space<semaphore_mem>>)
    %dma_start3A_524 = arith.constant 18 : i32
    %dma_start3A_525 = arith.constant 0 : i32
    %dma_start3A_526 = tpu.memref_slice %arg9[%dma_start3A_524, %dma_start3A_525] : memref<64x16xf32, #tpu.memory_space<vmem>> -> memref<1x16xf32, #tpu.memory_space<vmem>>
    %dma_start3A_527 = tpu.memref_squeeze %dma_start3A_526 : memref<1x16xf32, #tpu.memory_space<vmem>> -> memref<16xf32, #tpu.memory_space<vmem>>
    %dma_start3A_528 = arith.constant 0 : i32
    %dma_start3A_529 = tpu.memref_slice %arg3[%squeeze3A_510, %dma_start3A_528] : memref<100000x16xf32, #tpu.memory_space<hbm>> -> memref<1x16xf32, #tpu.memory_space<hbm>>
    %dma_start3A_530 = tpu.memref_squeeze %dma_start3A_529 : memref<1x16xf32, #tpu.memory_space<hbm>> -> memref<16xf32, #tpu.memory_space<hbm>>
    %dma_start3A_531 = arith.constant 0 : i32
    %dma_start3A_532 = tpu.memref_slice %arg9[%dma_start3A_524, %dma_start3A_531] : memref<64x16xf32, #tpu.memory_space<vmem>> -> memref<1x16xf32, #tpu.memory_space<vmem>>
    %dma_start3A_533 = tpu.memref_squeeze %dma_start3A_532 : memref<1x16xf32, #tpu.memory_space<vmem>> -> memref<16xf32, #tpu.memory_space<vmem>>
    %dma_start3A_534 = arith.constant 0 : i32
    %dma_start3A_535 = tpu.memref_slice %arg3[%squeeze3A_510, %dma_start3A_534] : memref<100000x16xf32, #tpu.memory_space<hbm>> -> memref<1x16xf32, #tpu.memory_space<hbm>>
    %dma_start3A_536 = tpu.memref_squeeze %dma_start3A_535 : memref<1x16xf32, #tpu.memory_space<hbm>> -> memref<16xf32, #tpu.memory_space<hbm>>
    tpu.enqueue_dma source(%dma_start3A_536 : memref<16xf32, #tpu.memory_space<hbm>>) target(%dma_start3A_533 : memref<16xf32, #tpu.memory_space<vmem>>) target_semaphore(%arg11 : memref<!tpu.dma_semaphore, #tpu.memory_space<semaphore_mem>>)
    %slice3A_537 = vector.extract_strided_slice %get3A_452 {offsets = [3], sizes = [1], strides = [1]} : vector<16xi32> to vector<1xi32>
    %squeeze3A_538 = vector.extract %slice3A_537[0] : i32 from vector<1xi32>
    %dma_start3A_539 = arith.constant 19 : i32
    %dma_start3A_540 = arith.constant 0 : i32
    %dma_start3A_541 = tpu.memref_slice %arg8[%dma_start3A_539, %dma_start3A_540] : memref<64x784xf32, #tpu.memory_space<vmem>> -> memref<1x784xf32, #tpu.memory_space<vmem>>
    %dma_start3A_542 = tpu.memref_squeeze %dma_start3A_541 : memref<1x784xf32, #tpu.memory_space<vmem>> -> memref<784xf32, #tpu.memory_space<vmem>>
    %dma_start3A_543 = arith.constant 0 : i32
    %dma_start3A_544 = tpu.memref_slice %arg2[%squeeze3A_538, %dma_start3A_543] : memref<100000x784xf32, #tpu.memory_space<hbm>> -> memref<1x784xf32, #tpu.memory_space<hbm>>
    %dma_start3A_545 = tpu.memref_squeeze %dma_start3A_544 : memref<1x784xf32, #tpu.memory_space<hbm>> -> memref<784xf32, #tpu.memory_space<hbm>>
    %dma_start3A_546 = arith.constant 0 : i32
    %dma_start3A_547 = tpu.memref_slice %arg8[%dma_start3A_539, %dma_start3A_546] : memref<64x784xf32, #tpu.memory_space<vmem>> -> memref<1x784xf32, #tpu.memory_space<vmem>>
    %dma_start3A_548 = tpu.memref_squeeze %dma_start3A_547 : memref<1x784xf32, #tpu.memory_space<vmem>> -> memref<784xf32, #tpu.memory_space<vmem>>
    %dma_start3A_549 = arith.constant 0 : i32
    %dma_start3A_550 = tpu.memref_slice %arg2[%squeeze3A_538, %dma_start3A_549] : memref<100000x784xf32, #tpu.memory_space<hbm>> -> memref<1x784xf32, #tpu.memory_space<hbm>>
    %dma_start3A_551 = tpu.memref_squeeze %dma_start3A_550 : memref<1x784xf32, #tpu.memory_space<hbm>> -> memref<784xf32, #tpu.memory_space<hbm>>
    tpu.enqueue_dma source(%dma_start3A_551 : memref<784xf32, #tpu.memory_space<hbm>>) target(%dma_start3A_548 : memref<784xf32, #tpu.memory_space<vmem>>) target_semaphore(%arg10 : memref<!tpu.dma_semaphore, #tpu.memory_space<semaphore_mem>>)
    %dma_start3A_552 = arith.constant 19 : i32
    %dma_start3A_553 = arith.constant 0 : i32
    %dma_start3A_554 = tpu.memref_slice %arg9[%dma_start3A_552, %dma_start3A_553] : memref<64x16xf32, #tpu.memory_space<vmem>> -> memref<1x16xf32, #tpu.memory_space<vmem>>
    %dma_start3A_555 = tpu.memref_squeeze %dma_start3A_554 : memref<1x16xf32, #tpu.memory_space<vmem>> -> memref<16xf32, #tpu.memory_space<vmem>>
    %dma_start3A_556 = arith.constant 0 : i32
    %dma_start3A_557 = tpu.memref_slice %arg3[%squeeze3A_538, %dma_start3A_556] : memref<100000x16xf32, #tpu.memory_space<hbm>> -> memref<1x16xf32, #tpu.memory_space<hbm>>
    %dma_start3A_558 = tpu.memref_squeeze %dma_start3A_557 : memref<1x16xf32, #tpu.memory_space<hbm>> -> memref<16xf32, #tpu.memory_space<hbm>>
    %dma_start3A_559 = arith.constant 0 : i32
    %dma_start3A_560 = tpu.memref_slice %arg9[%dma_start3A_552, %dma_start3A_559] : memref<64x16xf32, #tpu.memory_space<vmem>> -> memref<1x16xf32, #tpu.memory_space<vmem>>
    %dma_start3A_561 = tpu.memref_squeeze %dma_start3A_560 : memref<1x16xf32, #tpu.memory_space<vmem>> -> memref<16xf32, #tpu.memory_space<vmem>>
    %dma_start3A_562 = arith.constant 0 : i32
    %dma_start3A_563 = tpu.memref_slice %arg3[%squeeze3A_538, %dma_start3A_562] : memref<100000x16xf32, #tpu.memory_space<hbm>> -> memref<1x16xf32, #tpu.memory_space<hbm>>
    %dma_start3A_564 = tpu.memref_squeeze %dma_start3A_563 : memref<1x16xf32, #tpu.memory_space<hbm>> -> memref<16xf32, #tpu.memory_space<hbm>>
    tpu.enqueue_dma source(%dma_start3A_564 : memref<16xf32, #tpu.memory_space<hbm>>) target(%dma_start3A_561 : memref<16xf32, #tpu.memory_space<vmem>>) target_semaphore(%arg11 : memref<!tpu.dma_semaphore, #tpu.memory_space<semaphore_mem>>)
    %slice3A_565 = vector.extract_strided_slice %get3A_452 {offsets = [4], sizes = [1], strides = [1]} : vector<16xi32> to vector<1xi32>
    %squeeze3A_566 = vector.extract %slice3A_565[0] : i32 from vector<1xi32>
    %dma_start3A_567 = arith.constant 20 : i32
    %dma_start3A_568 = arith.constant 0 : i32
    %dma_start3A_569 = tpu.memref_slice %arg8[%dma_start3A_567, %dma_start3A_568] : memref<64x784xf32, #tpu.memory_space<vmem>> -> memref<1x784xf32, #tpu.memory_space<vmem>>
    %dma_start3A_570 = tpu.memref_squeeze %dma_start3A_569 : memref<1x784xf32, #tpu.memory_space<vmem>> -> memref<784xf32, #tpu.memory_space<vmem>>
    %dma_start3A_571 = arith.constant 0 : i32
    %dma_start3A_572 = tpu.memref_slice %arg2[%squeeze3A_566, %dma_start3A_571] : memref<100000x784xf32, #tpu.memory_space<hbm>> -> memref<1x784xf32, #tpu.memory_space<hbm>>
    %dma_start3A_573 = tpu.memref_squeeze %dma_start3A_572 : memref<1x784xf32, #tpu.memory_space<hbm>> -> memref<784xf32, #tpu.memory_space<hbm>>
    %dma_start3A_574 = arith.constant 0 : i32
    %dma_start3A_575 = tpu.memref_slice %arg8[%dma_start3A_567, %dma_start3A_574] : memref<64x784xf32, #tpu.memory_space<vmem>> -> memref<1x784xf32, #tpu.memory_space<vmem>>
    %dma_start3A_576 = tpu.memref_squeeze %dma_start3A_575 : memref<1x784xf32, #tpu.memory_space<vmem>> -> memref<784xf32, #tpu.memory_space<vmem>>
    %dma_start3A_577 = arith.constant 0 : i32
    %dma_start3A_578 = tpu.memref_slice %arg2[%squeeze3A_566, %dma_start3A_577] : memref<100000x784xf32, #tpu.memory_space<hbm>> -> memref<1x784xf32, #tpu.memory_space<hbm>>
    %dma_start3A_579 = tpu.memref_squeeze %dma_start3A_578 : memref<1x784xf32, #tpu.memory_space<hbm>> -> memref<784xf32, #tpu.memory_space<hbm>>
    tpu.enqueue_dma source(%dma_start3A_579 : memref<784xf32, #tpu.memory_space<hbm>>) target(%dma_start3A_576 : memref<784xf32, #tpu.memory_space<vmem>>) target_semaphore(%arg10 : memref<!tpu.dma_semaphore, #tpu.memory_space<semaphore_mem>>)
    %dma_start3A_580 = arith.constant 20 : i32
    %dma_start3A_581 = arith.constant 0 : i32
    %dma_start3A_582 = tpu.memref_slice %arg9[%dma_start3A_580, %dma_start3A_581] : memref<64x16xf32, #tpu.memory_space<vmem>> -> memref<1x16xf32, #tpu.memory_space<vmem>>
    %dma_start3A_583 = tpu.memref_squeeze %dma_start3A_582 : memref<1x16xf32, #tpu.memory_space<vmem>> -> memref<16xf32, #tpu.memory_space<vmem>>
    %dma_start3A_584 = arith.constant 0 : i32
    %dma_start3A_585 = tpu.memref_slice %arg3[%squeeze3A_566, %dma_start3A_584] : memref<100000x16xf32, #tpu.memory_space<hbm>> -> memref<1x16xf32, #tpu.memory_space<hbm>>
    %dma_start3A_586 = tpu.memref_squeeze %dma_start3A_585 : memref<1x16xf32, #tpu.memory_space<hbm>> -> memref<16xf32, #tpu.memory_space<hbm>>
    %dma_start3A_587 = arith.constant 0 : i32
    %dma_start3A_588 = tpu.memref_slice %arg9[%dma_start3A_580, %dma_start3A_587] : memref<64x16xf32, #tpu.memory_space<vmem>> -> memref<1x16xf32, #tpu.memory_space<vmem>>
    %dma_start3A_589 = tpu.memref_squeeze %dma_start3A_588 : memref<1x16xf32, #tpu.memory_space<vmem>> -> memref<16xf32, #tpu.memory_space<vmem>>
    %dma_start3A_590 = arith.constant 0 : i32
    %dma_start3A_591 = tpu.memref_slice %arg3[%squeeze3A_566, %dma_start3A_590] : memref<100000x16xf32, #tpu.memory_space<hbm>> -> memref<1x16xf32, #tpu.memory_space<hbm>>
    %dma_start3A_592 = tpu.memref_squeeze %dma_start3A_591 : memref<1x16xf32, #tpu.memory_space<hbm>> -> memref<16xf32, #tpu.memory_space<hbm>>
    tpu.enqueue_dma source(%dma_start3A_592 : memref<16xf32, #tpu.memory_space<hbm>>) target(%dma_start3A_589 : memref<16xf32, #tpu.memory_space<vmem>>) target_semaphore(%arg11 : memref<!tpu.dma_semaphore, #tpu.memory_space<semaphore_mem>>)
    %slice3A_593 = vector.extract_strided_slice %get3A_452 {offsets = [5], sizes = [1], strides = [1]} : vector<16xi32> to vector<1xi32>
    %squeeze3A_594 = vector.extract %slice3A_593[0] : i32 from vector<1xi32>
    %dma_start3A_595 = arith.constant 21 : i32
    %dma_start3A_596 = arith.constant 0 : i32
    %dma_start3A_597 = tpu.memref_slice %arg8[%dma_start3A_595, %dma_start3A_596] : memref<64x784xf32, #tpu.memory_space<vmem>> -> memref<1x784xf32, #tpu.memory_space<vmem>>
    %dma_start3A_598 = tpu.memref_squeeze %dma_start3A_597 : memref<1x784xf32, #tpu.memory_space<vmem>> -> memref<784xf32, #tpu.memory_space<vmem>>
    %dma_start3A_599 = arith.constant 0 : i32
    %dma_start3A_600 = tpu.memref_slice %arg2[%squeeze3A_594, %dma_start3A_599] : memref<100000x784xf32, #tpu.memory_space<hbm>> -> memref<1x784xf32, #tpu.memory_space<hbm>>
    %dma_start3A_601 = tpu.memref_squeeze %dma_start3A_600 : memref<1x784xf32, #tpu.memory_space<hbm>> -> memref<784xf32, #tpu.memory_space<hbm>>
    %dma_start3A_602 = arith.constant 0 : i32
    %dma_start3A_603 = tpu.memref_slice %arg8[%dma_start3A_595, %dma_start3A_602] : memref<64x784xf32, #tpu.memory_space<vmem>> -> memref<1x784xf32, #tpu.memory_space<vmem>>
    %dma_start3A_604 = tpu.memref_squeeze %dma_start3A_603 : memref<1x784xf32, #tpu.memory_space<vmem>> -> memref<784xf32, #tpu.memory_space<vmem>>
    %dma_start3A_605 = arith.constant 0 : i32
    %dma_start3A_606 = tpu.memref_slice %arg2[%squeeze3A_594, %dma_start3A_605] : memref<100000x784xf32, #tpu.memory_space<hbm>> -> memref<1x784xf32, #tpu.memory_space<hbm>>
    %dma_start3A_607 = tpu.memref_squeeze %dma_start3A_606 : memref<1x784xf32, #tpu.memory_space<hbm>> -> memref<784xf32, #tpu.memory_space<hbm>>
    tpu.enqueue_dma source(%dma_start3A_607 : memref<784xf32, #tpu.memory_space<hbm>>) target(%dma_start3A_604 : memref<784xf32, #tpu.memory_space<vmem>>) target_semaphore(%arg10 : memref<!tpu.dma_semaphore, #tpu.memory_space<semaphore_mem>>)
    %dma_start3A_608 = arith.constant 21 : i32
    %dma_start3A_609 = arith.constant 0 : i32
    %dma_start3A_610 = tpu.memref_slice %arg9[%dma_start3A_608, %dma_start3A_609] : memref<64x16xf32, #tpu.memory_space<vmem>> -> memref<1x16xf32, #tpu.memory_space<vmem>>
    %dma_start3A_611 = tpu.memref_squeeze %dma_start3A_610 : memref<1x16xf32, #tpu.memory_space<vmem>> -> memref<16xf32, #tpu.memory_space<vmem>>
    %dma_start3A_612 = arith.constant 0 : i32
    %dma_start3A_613 = tpu.memref_slice %arg3[%squeeze3A_594, %dma_start3A_612] : memref<100000x16xf32, #tpu.memory_space<hbm>> -> memref<1x16xf32, #tpu.memory_space<hbm>>
    %dma_start3A_614 = tpu.memref_squeeze %dma_start3A_613 : memref<1x16xf32, #tpu.memory_space<hbm>> -> memref<16xf32, #tpu.memory_space<hbm>>
    %dma_start3A_615 = arith.constant 0 : i32
    %dma_start3A_616 = tpu.memref_slice %arg9[%dma_start3A_608, %dma_start3A_615] : memref<64x16xf32, #tpu.memory_space<vmem>> -> memref<1x16xf32, #tpu.memory_space<vmem>>
    %dma_start3A_617 = tpu.memref_squeeze %dma_start3A_616 : memref<1x16xf32, #tpu.memory_space<vmem>> -> memref<16xf32, #tpu.memory_space<vmem>>
    %dma_start3A_618 = arith.constant 0 : i32
    %dma_start3A_619 = tpu.memref_slice %arg3[%squeeze3A_594, %dma_start3A_618] : memref<100000x16xf32, #tpu.memory_space<hbm>> -> memref<1x16xf32, #tpu.memory_space<hbm>>
    %dma_start3A_620 = tpu.memref_squeeze %dma_start3A_619 : memref<1x16xf32, #tpu.memory_space<hbm>> -> memref<16xf32, #tpu.memory_space<hbm>>
    tpu.enqueue_dma source(%dma_start3A_620 : memref<16xf32, #tpu.memory_space<hbm>>) target(%dma_start3A_617 : memref<16xf32, #tpu.memory_space<vmem>>) target_semaphore(%arg11 : memref<!tpu.dma_semaphore, #tpu.memory_space<semaphore_mem>>)
    %slice3A_621 = vector.extract_strided_slice %get3A_452 {offsets = [6], sizes = [1], strides = [1]} : vector<16xi32> to vector<1xi32>
    %squeeze3A_622 = vector.extract %slice3A_621[0] : i32 from vector<1xi32>
    %dma_start3A_623 = arith.constant 22 : i32
    %dma_start3A_624 = arith.constant 0 : i32
    %dma_start3A_625 = tpu.memref_slice %arg8[%dma_start3A_623, %dma_start3A_624] : memref<64x784xf32, #tpu.memory_space<vmem>> -> memref<1x784xf32, #tpu.memory_space<vmem>>
    %dma_start3A_626 = tpu.memref_squeeze %dma_start3A_625 : memref<1x784xf32, #tpu.memory_space<vmem>> -> memref<784xf32, #tpu.memory_space<vmem>>
    %dma_start3A_627 = arith.constant 0 : i32
    %dma_start3A_628 = tpu.memref_slice %arg2[%squeeze3A_622, %dma_start3A_627] : memref<100000x784xf32, #tpu.memory_space<hbm>> -> memref<1x784xf32, #tpu.memory_space<hbm>>
    %dma_start3A_629 = tpu.memref_squeeze %dma_start3A_628 : memref<1x784xf32, #tpu.memory_space<hbm>> -> memref<784xf32, #tpu.memory_space<hbm>>
    %dma_start3A_630 = arith.constant 0 : i32
    %dma_start3A_631 = tpu.memref_slice %arg8[%dma_start3A_623, %dma_start3A_630] : memref<64x784xf32, #tpu.memory_space<vmem>> -> memref<1x784xf32, #tpu.memory_space<vmem>>
    %dma_start3A_632 = tpu.memref_squeeze %dma_start3A_631 : memref<1x784xf32, #tpu.memory_space<vmem>> -> memref<784xf32, #tpu.memory_space<vmem>>
    %dma_start3A_633 = arith.constant 0 : i32
    %dma_start3A_634 = tpu.memref_slice %arg2[%squeeze3A_622, %dma_start3A_633] : memref<100000x784xf32, #tpu.memory_space<hbm>> -> memref<1x784xf32, #tpu.memory_space<hbm>>
    %dma_start3A_635 = tpu.memref_squeeze %dma_start3A_634 : memref<1x784xf32, #tpu.memory_space<hbm>> -> memref<784xf32, #tpu.memory_space<hbm>>
    tpu.enqueue_dma source(%dma_start3A_635 : memref<784xf32, #tpu.memory_space<hbm>>) target(%dma_start3A_632 : memref<784xf32, #tpu.memory_space<vmem>>) target_semaphore(%arg10 : memref<!tpu.dma_semaphore, #tpu.memory_space<semaphore_mem>>)
    %dma_start3A_636 = arith.constant 22 : i32
    %dma_start3A_637 = arith.constant 0 : i32
    %dma_start3A_638 = tpu.memref_slice %arg9[%dma_start3A_636, %dma_start3A_637] : memref<64x16xf32, #tpu.memory_space<vmem>> -> memref<1x16xf32, #tpu.memory_space<vmem>>
    %dma_start3A_639 = tpu.memref_squeeze %dma_start3A_638 : memref<1x16xf32, #tpu.memory_space<vmem>> -> memref<16xf32, #tpu.memory_space<vmem>>
    %dma_start3A_640 = arith.constant 0 : i32
    %dma_start3A_641 = tpu.memref_slice %arg3[%squeeze3A_622, %dma_start3A_640] : memref<100000x16xf32, #tpu.memory_space<hbm>> -> memref<1x16xf32, #tpu.memory_space<hbm>>
    %dma_start3A_642 = tpu.memref_squeeze %dma_start3A_641 : memref<1x16xf32, #tpu.memory_space<hbm>> -> memref<16xf32, #tpu.memory_space<hbm>>
    %dma_start3A_643 = arith.constant 0 : i32
    %dma_start3A_644 = tpu.memref_slice %arg9[%dma_start3A_636, %dma_start3A_643] : memref<64x16xf32, #tpu.memory_space<vmem>> -> memref<1x16xf32, #tpu.memory_space<vmem>>
    %dma_start3A_645 = tpu.memref_squeeze %dma_start3A_644 : memref<1x16xf32, #tpu.memory_space<vmem>> -> memref<16xf32, #tpu.memory_space<vmem>>
    %dma_start3A_646 = arith.constant 0 : i32
    %dma_start3A_647 = tpu.memref_slice %arg3[%squeeze3A_622, %dma_start3A_646] : memref<100000x16xf32, #tpu.memory_space<hbm>> -> memref<1x16xf32, #tpu.memory_space<hbm>>
    %dma_start3A_648 = tpu.memref_squeeze %dma_start3A_647 : memref<1x16xf32, #tpu.memory_space<hbm>> -> memref<16xf32, #tpu.memory_space<hbm>>
    tpu.enqueue_dma source(%dma_start3A_648 : memref<16xf32, #tpu.memory_space<hbm>>) target(%dma_start3A_645 : memref<16xf32, #tpu.memory_space<vmem>>) target_semaphore(%arg11 : memref<!tpu.dma_semaphore, #tpu.memory_space<semaphore_mem>>)
    %slice3A_649 = vector.extract_strided_slice %get3A_452 {offsets = [7], sizes = [1], strides = [1]} : vector<16xi32> to vector<1xi32>
    %squeeze3A_650 = vector.extract %slice3A_649[0] : i32 from vector<1xi32>
    %dma_start3A_651 = arith.constant 23 : i32
    %dma_start3A_652 = arith.constant 0 : i32
    %dma_start3A_653 = tpu.memref_slice %arg8[%dma_start3A_651, %dma_start3A_652] : memref<64x784xf32, #tpu.memory_space<vmem>> -> memref<1x784xf32, #tpu.memory_space<vmem>>
    %dma_start3A_654 = tpu.memref_squeeze %dma_start3A_653 : memref<1x784xf32, #tpu.memory_space<vmem>> -> memref<784xf32, #tpu.memory_space<vmem>>
    %dma_start3A_655 = arith.constant 0 : i32
    %dma_start3A_656 = tpu.memref_slice %arg2[%squeeze3A_650, %dma_start3A_655] : memref<100000x784xf32, #tpu.memory_space<hbm>> -> memref<1x784xf32, #tpu.memory_space<hbm>>
    %dma_start3A_657 = tpu.memref_squeeze %dma_start3A_656 : memref<1x784xf32, #tpu.memory_space<hbm>> -> memref<784xf32, #tpu.memory_space<hbm>>
    %dma_start3A_658 = arith.constant 0 : i32
    %dma_start3A_659 = tpu.memref_slice %arg8[%dma_start3A_651, %dma_start3A_658] : memref<64x784xf32, #tpu.memory_space<vmem>> -> memref<1x784xf32, #tpu.memory_space<vmem>>
    %dma_start3A_660 = tpu.memref_squeeze %dma_start3A_659 : memref<1x784xf32, #tpu.memory_space<vmem>> -> memref<784xf32, #tpu.memory_space<vmem>>
    %dma_start3A_661 = arith.constant 0 : i32
    %dma_start3A_662 = tpu.memref_slice %arg2[%squeeze3A_650, %dma_start3A_661] : memref<100000x784xf32, #tpu.memory_space<hbm>> -> memref<1x784xf32, #tpu.memory_space<hbm>>
    %dma_start3A_663 = tpu.memref_squeeze %dma_start3A_662 : memref<1x784xf32, #tpu.memory_space<hbm>> -> memref<784xf32, #tpu.memory_space<hbm>>
    tpu.enqueue_dma source(%dma_start3A_663 : memref<784xf32, #tpu.memory_space<hbm>>) target(%dma_start3A_660 : memref<784xf32, #tpu.memory_space<vmem>>) target_semaphore(%arg10 : memref<!tpu.dma_semaphore, #tpu.memory_space<semaphore_mem>>)
    %dma_start3A_664 = arith.constant 23 : i32
    %dma_start3A_665 = arith.constant 0 : i32
    %dma_start3A_666 = tpu.memref_slice %arg9[%dma_start3A_664, %dma_start3A_665] : memref<64x16xf32, #tpu.memory_space<vmem>> -> memref<1x16xf32, #tpu.memory_space<vmem>>
    %dma_start3A_667 = tpu.memref_squeeze %dma_start3A_666 : memref<1x16xf32, #tpu.memory_space<vmem>> -> memref<16xf32, #tpu.memory_space<vmem>>
    %dma_start3A_668 = arith.constant 0 : i32
    %dma_start3A_669 = tpu.memref_slice %arg3[%squeeze3A_650, %dma_start3A_668] : memref<100000x16xf32, #tpu.memory_space<hbm>> -> memref<1x16xf32, #tpu.memory_space<hbm>>
    %dma_start3A_670 = tpu.memref_squeeze %dma_start3A_669 : memref<1x16xf32, #tpu.memory_space<hbm>> -> memref<16xf32, #tpu.memory_space<hbm>>
    %dma_start3A_671 = arith.constant 0 : i32
    %dma_start3A_672 = tpu.memref_slice %arg9[%dma_start3A_664, %dma_start3A_671] : memref<64x16xf32, #tpu.memory_space<vmem>> -> memref<1x16xf32, #tpu.memory_space<vmem>>
    %dma_start3A_673 = tpu.memref_squeeze %dma_start3A_672 : memref<1x16xf32, #tpu.memory_space<vmem>> -> memref<16xf32, #tpu.memory_space<vmem>>
    %dma_start3A_674 = arith.constant 0 : i32
    %dma_start3A_675 = tpu.memref_slice %arg3[%squeeze3A_650, %dma_start3A_674] : memref<100000x16xf32, #tpu.memory_space<hbm>> -> memref<1x16xf32, #tpu.memory_space<hbm>>
    %dma_start3A_676 = tpu.memref_squeeze %dma_start3A_675 : memref<1x16xf32, #tpu.memory_space<hbm>> -> memref<16xf32, #tpu.memory_space<hbm>>
    tpu.enqueue_dma source(%dma_start3A_676 : memref<16xf32, #tpu.memory_space<hbm>>) target(%dma_start3A_673 : memref<16xf32, #tpu.memory_space<vmem>>) target_semaphore(%arg11 : memref<!tpu.dma_semaphore, #tpu.memory_space<semaphore_mem>>)
    %slice3A_677 = vector.extract_strided_slice %get3A_452 {offsets = [8], sizes = [1], strides = [1]} : vector<16xi32> to vector<1xi32>
    %squeeze3A_678 = vector.extract %slice3A_677[0] : i32 from vector<1xi32>
    %dma_start3A_679 = arith.constant 24 : i32
    %dma_start3A_680 = arith.constant 0 : i32
    %dma_start3A_681 = tpu.memref_slice %arg8[%dma_start3A_679, %dma_start3A_680] : memref<64x784xf32, #tpu.memory_space<vmem>> -> memref<1x784xf32, #tpu.memory_space<vmem>>
    %dma_start3A_682 = tpu.memref_squeeze %dma_start3A_681 : memref<1x784xf32, #tpu.memory_space<vmem>> -> memref<784xf32, #tpu.memory_space<vmem>>
    %dma_start3A_683 = arith.constant 0 : i32
    %dma_start3A_684 = tpu.memref_slice %arg2[%squeeze3A_678, %dma_start3A_683] : memref<100000x784xf32, #tpu.memory_space<hbm>> -> memref<1x784xf32, #tpu.memory_space<hbm>>
    %dma_start3A_685 = tpu.memref_squeeze %dma_start3A_684 : memref<1x784xf32, #tpu.memory_space<hbm>> -> memref<784xf32, #tpu.memory_space<hbm>>
    %dma_start3A_686 = arith.constant 0 : i32
    %dma_start3A_687 = tpu.memref_slice %arg8[%dma_start3A_679, %dma_start3A_686] : memref<64x784xf32, #tpu.memory_space<vmem>> -> memref<1x784xf32, #tpu.memory_space<vmem>>
    %dma_start3A_688 = tpu.memref_squeeze %dma_start3A_687 : memref<1x784xf32, #tpu.memory_space<vmem>> -> memref<784xf32, #tpu.memory_space<vmem>>
    %dma_start3A_689 = arith.constant 0 : i32
    %dma_start3A_690 = tpu.memref_slice %arg2[%squeeze3A_678, %dma_start3A_689] : memref<100000x784xf32, #tpu.memory_space<hbm>> -> memref<1x784xf32, #tpu.memory_space<hbm>>
    %dma_start3A_691 = tpu.memref_squeeze %dma_start3A_690 : memref<1x784xf32, #tpu.memory_space<hbm>> -> memref<784xf32, #tpu.memory_space<hbm>>
    tpu.enqueue_dma source(%dma_start3A_691 : memref<784xf32, #tpu.memory_space<hbm>>) target(%dma_start3A_688 : memref<784xf32, #tpu.memory_space<vmem>>) target_semaphore(%arg10 : memref<!tpu.dma_semaphore, #tpu.memory_space<semaphore_mem>>)
    %dma_start3A_692 = arith.constant 24 : i32
    %dma_start3A_693 = arith.constant 0 : i32
    %dma_start3A_694 = tpu.memref_slice %arg9[%dma_start3A_692, %dma_start3A_693] : memref<64x16xf32, #tpu.memory_space<vmem>> -> memref<1x16xf32, #tpu.memory_space<vmem>>
    %dma_start3A_695 = tpu.memref_squeeze %dma_start3A_694 : memref<1x16xf32, #tpu.memory_space<vmem>> -> memref<16xf32, #tpu.memory_space<vmem>>
    %dma_start3A_696 = arith.constant 0 : i32
    %dma_start3A_697 = tpu.memref_slice %arg3[%squeeze3A_678, %dma_start3A_696] : memref<100000x16xf32, #tpu.memory_space<hbm>> -> memref<1x16xf32, #tpu.memory_space<hbm>>
    %dma_start3A_698 = tpu.memref_squeeze %dma_start3A_697 : memref<1x16xf32, #tpu.memory_space<hbm>> -> memref<16xf32, #tpu.memory_space<hbm>>
    %dma_start3A_699 = arith.constant 0 : i32
    %dma_start3A_700 = tpu.memref_slice %arg9[%dma_start3A_692, %dma_start3A_699] : memref<64x16xf32, #tpu.memory_space<vmem>> -> memref<1x16xf32, #tpu.memory_space<vmem>>
    %dma_start3A_701 = tpu.memref_squeeze %dma_start3A_700 : memref<1x16xf32, #tpu.memory_space<vmem>> -> memref<16xf32, #tpu.memory_space<vmem>>
    %dma_start3A_702 = arith.constant 0 : i32
    %dma_start3A_703 = tpu.memref_slice %arg3[%squeeze3A_678, %dma_start3A_702] : memref<100000x16xf32, #tpu.memory_space<hbm>> -> memref<1x16xf32, #tpu.memory_space<hbm>>
    %dma_start3A_704 = tpu.memref_squeeze %dma_start3A_703 : memref<1x16xf32, #tpu.memory_space<hbm>> -> memref<16xf32, #tpu.memory_space<hbm>>
    tpu.enqueue_dma source(%dma_start3A_704 : memref<16xf32, #tpu.memory_space<hbm>>) target(%dma_start3A_701 : memref<16xf32, #tpu.memory_space<vmem>>) target_semaphore(%arg11 : memref<!tpu.dma_semaphore, #tpu.memory_space<semaphore_mem>>)
    %slice3A_705 = vector.extract_strided_slice %get3A_452 {offsets = [9], sizes = [1], strides = [1]} : vector<16xi32> to vector<1xi32>
    %squeeze3A_706 = vector.extract %slice3A_705[0] : i32 from vector<1xi32>
    %dma_start3A_707 = arith.constant 25 : i32
    %dma_start3A_708 = arith.constant 0 : i32
    %dma_start3A_709 = tpu.memref_slice %arg8[%dma_start3A_707, %dma_start3A_708] : memref<64x784xf32, #tpu.memory_space<vmem>> -> memref<1x784xf32, #tpu.memory_space<vmem>>
    %dma_start3A_710 = tpu.memref_squeeze %dma_start3A_709 : memref<1x784xf32, #tpu.memory_space<vmem>> -> memref<784xf32, #tpu.memory_space<vmem>>
    %dma_start3A_711 = arith.constant 0 : i32
    %dma_start3A_712 = tpu.memref_slice %arg2[%squeeze3A_706, %dma_start3A_711] : memref<100000x784xf32, #tpu.memory_space<hbm>> -> memref<1x784xf32, #tpu.memory_space<hbm>>
    %dma_start3A_713 = tpu.memref_squeeze %dma_start3A_712 : memref<1x784xf32, #tpu.memory_space<hbm>> -> memref<784xf32, #tpu.memory_space<hbm>>
    %dma_start3A_714 = arith.constant 0 : i32
    %dma_start3A_715 = tpu.memref_slice %arg8[%dma_start3A_707, %dma_start3A_714] : memref<64x784xf32, #tpu.memory_space<vmem>> -> memref<1x784xf32, #tpu.memory_space<vmem>>
    %dma_start3A_716 = tpu.memref_squeeze %dma_start3A_715 : memref<1x784xf32, #tpu.memory_space<vmem>> -> memref<784xf32, #tpu.memory_space<vmem>>
    %dma_start3A_717 = arith.constant 0 : i32
    %dma_start3A_718 = tpu.memref_slice %arg2[%squeeze3A_706, %dma_start3A_717] : memref<100000x784xf32, #tpu.memory_space<hbm>> -> memref<1x784xf32, #tpu.memory_space<hbm>>
    %dma_start3A_719 = tpu.memref_squeeze %dma_start3A_718 : memref<1x784xf32, #tpu.memory_space<hbm>> -> memref<784xf32, #tpu.memory_space<hbm>>
    tpu.enqueue_dma source(%dma_start3A_719 : memref<784xf32, #tpu.memory_space<hbm>>) target(%dma_start3A_716 : memref<784xf32, #tpu.memory_space<vmem>>) target_semaphore(%arg10 : memref<!tpu.dma_semaphore, #tpu.memory_space<semaphore_mem>>)
    %dma_start3A_720 = arith.constant 25 : i32
    %dma_start3A_721 = arith.constant 0 : i32
    %dma_start3A_722 = tpu.memref_slice %arg9[%dma_start3A_720, %dma_start3A_721] : memref<64x16xf32, #tpu.memory_space<vmem>> -> memref<1x16xf32, #tpu.memory_space<vmem>>
    %dma_start3A_723 = tpu.memref_squeeze %dma_start3A_722 : memref<1x16xf32, #tpu.memory_space<vmem>> -> memref<16xf32, #tpu.memory_space<vmem>>
    %dma_start3A_724 = arith.constant 0 : i32
    %dma_start3A_725 = tpu.memref_slice %arg3[%squeeze3A_706, %dma_start3A_724] : memref<100000x16xf32, #tpu.memory_space<hbm>> -> memref<1x16xf32, #tpu.memory_space<hbm>>
    %dma_start3A_726 = tpu.memref_squeeze %dma_start3A_725 : memref<1x16xf32, #tpu.memory_space<hbm>> -> memref<16xf32, #tpu.memory_space<hbm>>
    %dma_start3A_727 = arith.constant 0 : i32
    %dma_start3A_728 = tpu.memref_slice %arg9[%dma_start3A_720, %dma_start3A_727] : memref<64x16xf32, #tpu.memory_space<vmem>> -> memref<1x16xf32, #tpu.memory_space<vmem>>
    %dma_start3A_729 = tpu.memref_squeeze %dma_start3A_728 : memref<1x16xf32, #tpu.memory_space<vmem>> -> memref<16xf32, #tpu.memory_space<vmem>>
    %dma_start3A_730 = arith.constant 0 : i32
    %dma_start3A_731 = tpu.memref_slice %arg3[%squeeze3A_706, %dma_start3A_730] : memref<100000x16xf32, #tpu.memory_space<hbm>> -> memref<1x16xf32, #tpu.memory_space<hbm>>
    %dma_start3A_732 = tpu.memref_squeeze %dma_start3A_731 : memref<1x16xf32, #tpu.memory_space<hbm>> -> memref<16xf32, #tpu.memory_space<hbm>>
    tpu.enqueue_dma source(%dma_start3A_732 : memref<16xf32, #tpu.memory_space<hbm>>) target(%dma_start3A_729 : memref<16xf32, #tpu.memory_space<vmem>>) target_semaphore(%arg11 : memref<!tpu.dma_semaphore, #tpu.memory_space<semaphore_mem>>)
    %slice3A_733 = vector.extract_strided_slice %get3A_452 {offsets = [10], sizes = [1], strides = [1]} : vector<16xi32> to vector<1xi32>
    %squeeze3A_734 = vector.extract %slice3A_733[0] : i32 from vector<1xi32>
    %dma_start3A_735 = arith.constant 26 : i32
    %dma_start3A_736 = arith.constant 0 : i32
    %dma_start3A_737 = tpu.memref_slice %arg8[%dma_start3A_735, %dma_start3A_736] : memref<64x784xf32, #tpu.memory_space<vmem>> -> memref<1x784xf32, #tpu.memory_space<vmem>>
    %dma_start3A_738 = tpu.memref_squeeze %dma_start3A_737 : memref<1x784xf32, #tpu.memory_space<vmem>> -> memref<784xf32, #tpu.memory_space<vmem>>
    %dma_start3A_739 = arith.constant 0 : i32
    %dma_start3A_740 = tpu.memref_slice %arg2[%squeeze3A_734, %dma_start3A_739] : memref<100000x784xf32, #tpu.memory_space<hbm>> -> memref<1x784xf32, #tpu.memory_space<hbm>>
    %dma_start3A_741 = tpu.memref_squeeze %dma_start3A_740 : memref<1x784xf32, #tpu.memory_space<hbm>> -> memref<784xf32, #tpu.memory_space<hbm>>
    %dma_start3A_742 = arith.constant 0 : i32
    %dma_start3A_743 = tpu.memref_slice %arg8[%dma_start3A_735, %dma_start3A_742] : memref<64x784xf32, #tpu.memory_space<vmem>> -> memref<1x784xf32, #tpu.memory_space<vmem>>
    %dma_start3A_744 = tpu.memref_squeeze %dma_start3A_743 : memref<1x784xf32, #tpu.memory_space<vmem>> -> memref<784xf32, #tpu.memory_space<vmem>>
    %dma_start3A_745 = arith.constant 0 : i32
    %dma_start3A_746 = tpu.memref_slice %arg2[%squeeze3A_734, %dma_start3A_745] : memref<100000x784xf32, #tpu.memory_space<hbm>> -> memref<1x784xf32, #tpu.memory_space<hbm>>
    %dma_start3A_747 = tpu.memref_squeeze %dma_start3A_746 : memref<1x784xf32, #tpu.memory_space<hbm>> -> memref<784xf32, #tpu.memory_space<hbm>>
    tpu.enqueue_dma source(%dma_start3A_747 : memref<784xf32, #tpu.memory_space<hbm>>) target(%dma_start3A_744 : memref<784xf32, #tpu.memory_space<vmem>>) target_semaphore(%arg10 : memref<!tpu.dma_semaphore, #tpu.memory_space<semaphore_mem>>)
    %dma_start3A_748 = arith.constant 26 : i32
    %dma_start3A_749 = arith.constant 0 : i32
    %dma_start3A_750 = tpu.memref_slice %arg9[%dma_start3A_748, %dma_start3A_749] : memref<64x16xf32, #tpu.memory_space<vmem>> -> memref<1x16xf32, #tpu.memory_space<vmem>>
    %dma_start3A_751 = tpu.memref_squeeze %dma_start3A_750 : memref<1x16xf32, #tpu.memory_space<vmem>> -> memref<16xf32, #tpu.memory_space<vmem>>
    %dma_start3A_752 = arith.constant 0 : i32
    %dma_start3A_753 = tpu.memref_slice %arg3[%squeeze3A_734, %dma_start3A_752] : memref<100000x16xf32, #tpu.memory_space<hbm>> -> memref<1x16xf32, #tpu.memory_space<hbm>>
    %dma_start3A_754 = tpu.memref_squeeze %dma_start3A_753 : memref<1x16xf32, #tpu.memory_space<hbm>> -> memref<16xf32, #tpu.memory_space<hbm>>
    %dma_start3A_755 = arith.constant 0 : i32
    %dma_start3A_756 = tpu.memref_slice %arg9[%dma_start3A_748, %dma_start3A_755] : memref<64x16xf32, #tpu.memory_space<vmem>> -> memref<1x16xf32, #tpu.memory_space<vmem>>
    %dma_start3A_757 = tpu.memref_squeeze %dma_start3A_756 : memref<1x16xf32, #tpu.memory_space<vmem>> -> memref<16xf32, #tpu.memory_space<vmem>>
    %dma_start3A_758 = arith.constant 0 : i32
    %dma_start3A_759 = tpu.memref_slice %arg3[%squeeze3A_734, %dma_start3A_758] : memref<100000x16xf32, #tpu.memory_space<hbm>> -> memref<1x16xf32, #tpu.memory_space<hbm>>
    %dma_start3A_760 = tpu.memref_squeeze %dma_start3A_759 : memref<1x16xf32, #tpu.memory_space<hbm>> -> memref<16xf32, #tpu.memory_space<hbm>>
    tpu.enqueue_dma source(%dma_start3A_760 : memref<16xf32, #tpu.memory_space<hbm>>) target(%dma_start3A_757 : memref<16xf32, #tpu.memory_space<vmem>>) target_semaphore(%arg11 : memref<!tpu.dma_semaphore, #tpu.memory_space<semaphore_mem>>)
    %slice3A_761 = vector.extract_strided_slice %get3A_452 {offsets = [11], sizes = [1], strides = [1]} : vector<16xi32> to vector<1xi32>
    %squeeze3A_762 = vector.extract %slice3A_761[0] : i32 from vector<1xi32>
    %dma_start3A_763 = arith.constant 27 : i32
    %dma_start3A_764 = arith.constant 0 : i32
    %dma_start3A_765 = tpu.memref_slice %arg8[%dma_start3A_763, %dma_start3A_764] : memref<64x784xf32, #tpu.memory_space<vmem>> -> memref<1x784xf32, #tpu.memory_space<vmem>>
    %dma_start3A_766 = tpu.memref_squeeze %dma_start3A_765 : memref<1x784xf32, #tpu.memory_space<vmem>> -> memref<784xf32, #tpu.memory_space<vmem>>
    %dma_start3A_767 = arith.constant 0 : i32
    %dma_start3A_768 = tpu.memref_slice %arg2[%squeeze3A_762, %dma_start3A_767] : memref<100000x784xf32, #tpu.memory_space<hbm>> -> memref<1x784xf32, #tpu.memory_space<hbm>>
    %dma_start3A_769 = tpu.memref_squeeze %dma_start3A_768 : memref<1x784xf32, #tpu.memory_space<hbm>> -> memref<784xf32, #tpu.memory_space<hbm>>
    %dma_start3A_770 = arith.constant 0 : i32
    %dma_start3A_771 = tpu.memref_slice %arg8[%dma_start3A_763, %dma_start3A_770] : memref<64x784xf32, #tpu.memory_space<vmem>> -> memref<1x784xf32, #tpu.memory_space<vmem>>
    %dma_start3A_772 = tpu.memref_squeeze %dma_start3A_771 : memref<1x784xf32, #tpu.memory_space<vmem>> -> memref<784xf32, #tpu.memory_space<vmem>>
    %dma_start3A_773 = arith.constant 0 : i32
    %dma_start3A_774 = tpu.memref_slice %arg2[%squeeze3A_762, %dma_start3A_773] : memref<100000x784xf32, #tpu.memory_space<hbm>> -> memref<1x784xf32, #tpu.memory_space<hbm>>
    %dma_start3A_775 = tpu.memref_squeeze %dma_start3A_774 : memref<1x784xf32, #tpu.memory_space<hbm>> -> memref<784xf32, #tpu.memory_space<hbm>>
    tpu.enqueue_dma source(%dma_start3A_775 : memref<784xf32, #tpu.memory_space<hbm>>) target(%dma_start3A_772 : memref<784xf32, #tpu.memory_space<vmem>>) target_semaphore(%arg10 : memref<!tpu.dma_semaphore, #tpu.memory_space<semaphore_mem>>)
    %dma_start3A_776 = arith.constant 27 : i32
    %dma_start3A_777 = arith.constant 0 : i32
    %dma_start3A_778 = tpu.memref_slice %arg9[%dma_start3A_776, %dma_start3A_777] : memref<64x16xf32, #tpu.memory_space<vmem>> -> memref<1x16xf32, #tpu.memory_space<vmem>>
    %dma_start3A_779 = tpu.memref_squeeze %dma_start3A_778 : memref<1x16xf32, #tpu.memory_space<vmem>> -> memref<16xf32, #tpu.memory_space<vmem>>
    %dma_start3A_780 = arith.constant 0 : i32
    %dma_start3A_781 = tpu.memref_slice %arg3[%squeeze3A_762, %dma_start3A_780] : memref<100000x16xf32, #tpu.memory_space<hbm>> -> memref<1x16xf32, #tpu.memory_space<hbm>>
    %dma_start3A_782 = tpu.memref_squeeze %dma_start3A_781 : memref<1x16xf32, #tpu.memory_space<hbm>> -> memref<16xf32, #tpu.memory_space<hbm>>
    %dma_start3A_783 = arith.constant 0 : i32
    %dma_start3A_784 = tpu.memref_slice %arg9[%dma_start3A_776, %dma_start3A_783] : memref<64x16xf32, #tpu.memory_space<vmem>> -> memref<1x16xf32, #tpu.memory_space<vmem>>
    %dma_start3A_785 = tpu.memref_squeeze %dma_start3A_784 : memref<1x16xf32, #tpu.memory_space<vmem>> -> memref<16xf32, #tpu.memory_space<vmem>>
    %dma_start3A_786 = arith.constant 0 : i32
    %dma_start3A_787 = tpu.memref_slice %arg3[%squeeze3A_762, %dma_start3A_786] : memref<100000x16xf32, #tpu.memory_space<hbm>> -> memref<1x16xf32, #tpu.memory_space<hbm>>
    %dma_start3A_788 = tpu.memref_squeeze %dma_start3A_787 : memref<1x16xf32, #tpu.memory_space<hbm>> -> memref<16xf32, #tpu.memory_space<hbm>>
    tpu.enqueue_dma source(%dma_start3A_788 : memref<16xf32, #tpu.memory_space<hbm>>) target(%dma_start3A_785 : memref<16xf32, #tpu.memory_space<vmem>>) target_semaphore(%arg11 : memref<!tpu.dma_semaphore, #tpu.memory_space<semaphore_mem>>)
    %slice3A_789 = vector.extract_strided_slice %get3A_452 {offsets = [12], sizes = [1], strides = [1]} : vector<16xi32> to vector<1xi32>
    %squeeze3A_790 = vector.extract %slice3A_789[0] : i32 from vector<1xi32>
    %dma_start3A_791 = arith.constant 28 : i32
    %dma_start3A_792 = arith.constant 0 : i32
    %dma_start3A_793 = tpu.memref_slice %arg8[%dma_start3A_791, %dma_start3A_792] : memref<64x784xf32, #tpu.memory_space<vmem>> -> memref<1x784xf32, #tpu.memory_space<vmem>>
    %dma_start3A_794 = tpu.memref_squeeze %dma_start3A_793 : memref<1x784xf32, #tpu.memory_space<vmem>> -> memref<784xf32, #tpu.memory_space<vmem>>
    %dma_start3A_795 = arith.constant 0 : i32
    %dma_start3A_796 = tpu.memref_slice %arg2[%squeeze3A_790, %dma_start3A_795] : memref<100000x784xf32, #tpu.memory_space<hbm>> -> memref<1x784xf32, #tpu.memory_space<hbm>>
    %dma_start3A_797 = tpu.memref_squeeze %dma_start3A_796 : memref<1x784xf32, #tpu.memory_space<hbm>> -> memref<784xf32, #tpu.memory_space<hbm>>
    %dma_start3A_798 = arith.constant 0 : i32
    %dma_start3A_799 = tpu.memref_slice %arg8[%dma_start3A_791, %dma_start3A_798] : memref<64x784xf32, #tpu.memory_space<vmem>> -> memref<1x784xf32, #tpu.memory_space<vmem>>
    %dma_start3A_800 = tpu.memref_squeeze %dma_start3A_799 : memref<1x784xf32, #tpu.memory_space<vmem>> -> memref<784xf32, #tpu.memory_space<vmem>>
    %dma_start3A_801 = arith.constant 0 : i32
    %dma_start3A_802 = tpu.memref_slice %arg2[%squeeze3A_790, %dma_start3A_801] : memref<100000x784xf32, #tpu.memory_space<hbm>> -> memref<1x784xf32, #tpu.memory_space<hbm>>
    %dma_start3A_803 = tpu.memref_squeeze %dma_start3A_802 : memref<1x784xf32, #tpu.memory_space<hbm>> -> memref<784xf32, #tpu.memory_space<hbm>>
    tpu.enqueue_dma source(%dma_start3A_803 : memref<784xf32, #tpu.memory_space<hbm>>) target(%dma_start3A_800 : memref<784xf32, #tpu.memory_space<vmem>>) target_semaphore(%arg10 : memref<!tpu.dma_semaphore, #tpu.memory_space<semaphore_mem>>)
    %dma_start3A_804 = arith.constant 28 : i32
    %dma_start3A_805 = arith.constant 0 : i32
    %dma_start3A_806 = tpu.memref_slice %arg9[%dma_start3A_804, %dma_start3A_805] : memref<64x16xf32, #tpu.memory_space<vmem>> -> memref<1x16xf32, #tpu.memory_space<vmem>>
    %dma_start3A_807 = tpu.memref_squeeze %dma_start3A_806 : memref<1x16xf32, #tpu.memory_space<vmem>> -> memref<16xf32, #tpu.memory_space<vmem>>
    %dma_start3A_808 = arith.constant 0 : i32
    %dma_start3A_809 = tpu.memref_slice %arg3[%squeeze3A_790, %dma_start3A_808] : memref<100000x16xf32, #tpu.memory_space<hbm>> -> memref<1x16xf32, #tpu.memory_space<hbm>>
    %dma_start3A_810 = tpu.memref_squeeze %dma_start3A_809 : memref<1x16xf32, #tpu.memory_space<hbm>> -> memref<16xf32, #tpu.memory_space<hbm>>
    %dma_start3A_811 = arith.constant 0 : i32
    %dma_start3A_812 = tpu.memref_slice %arg9[%dma_start3A_804, %dma_start3A_811] : memref<64x16xf32, #tpu.memory_space<vmem>> -> memref<1x16xf32, #tpu.memory_space<vmem>>
    %dma_start3A_813 = tpu.memref_squeeze %dma_start3A_812 : memref<1x16xf32, #tpu.memory_space<vmem>> -> memref<16xf32, #tpu.memory_space<vmem>>
    %dma_start3A_814 = arith.constant 0 : i32
    %dma_start3A_815 = tpu.memref_slice %arg3[%squeeze3A_790, %dma_start3A_814] : memref<100000x16xf32, #tpu.memory_space<hbm>> -> memref<1x16xf32, #tpu.memory_space<hbm>>
    %dma_start3A_816 = tpu.memref_squeeze %dma_start3A_815 : memref<1x16xf32, #tpu.memory_space<hbm>> -> memref<16xf32, #tpu.memory_space<hbm>>
    tpu.enqueue_dma source(%dma_start3A_816 : memref<16xf32, #tpu.memory_space<hbm>>) target(%dma_start3A_813 : memref<16xf32, #tpu.memory_space<vmem>>) target_semaphore(%arg11 : memref<!tpu.dma_semaphore, #tpu.memory_space<semaphore_mem>>)
    %slice3A_817 = vector.extract_strided_slice %get3A_452 {offsets = [13], sizes = [1], strides = [1]} : vector<16xi32> to vector<1xi32>
    %squeeze3A_818 = vector.extract %slice3A_817[0] : i32 from vector<1xi32>
    %dma_start3A_819 = arith.constant 29 : i32
    %dma_start3A_820 = arith.constant 0 : i32
    %dma_start3A_821 = tpu.memref_slice %arg8[%dma_start3A_819, %dma_start3A_820] : memref<64x784xf32, #tpu.memory_space<vmem>> -> memref<1x784xf32, #tpu.memory_space<vmem>>
    %dma_start3A_822 = tpu.memref_squeeze %dma_start3A_821 : memref<1x784xf32, #tpu.memory_space<vmem>> -> memref<784xf32, #tpu.memory_space<vmem>>
    %dma_start3A_823 = arith.constant 0 : i32
    %dma_start3A_824 = tpu.memref_slice %arg2[%squeeze3A_818, %dma_start3A_823] : memref<100000x784xf32, #tpu.memory_space<hbm>> -> memref<1x784xf32, #tpu.memory_space<hbm>>
    %dma_start3A_825 = tpu.memref_squeeze %dma_start3A_824 : memref<1x784xf32, #tpu.memory_space<hbm>> -> memref<784xf32, #tpu.memory_space<hbm>>
    %dma_start3A_826 = arith.constant 0 : i32
    %dma_start3A_827 = tpu.memref_slice %arg8[%dma_start3A_819, %dma_start3A_826] : memref<64x784xf32, #tpu.memory_space<vmem>> -> memref<1x784xf32, #tpu.memory_space<vmem>>
    %dma_start3A_828 = tpu.memref_squeeze %dma_start3A_827 : memref<1x784xf32, #tpu.memory_space<vmem>> -> memref<784xf32, #tpu.memory_space<vmem>>
    %dma_start3A_829 = arith.constant 0 : i32
    %dma_start3A_830 = tpu.memref_slice %arg2[%squeeze3A_818, %dma_start3A_829] : memref<100000x784xf32, #tpu.memory_space<hbm>> -> memref<1x784xf32, #tpu.memory_space<hbm>>
    %dma_start3A_831 = tpu.memref_squeeze %dma_start3A_830 : memref<1x784xf32, #tpu.memory_space<hbm>> -> memref<784xf32, #tpu.memory_space<hbm>>
    tpu.enqueue_dma source(%dma_start3A_831 : memref<784xf32, #tpu.memory_space<hbm>>) target(%dma_start3A_828 : memref<784xf32, #tpu.memory_space<vmem>>) target_semaphore(%arg10 : memref<!tpu.dma_semaphore, #tpu.memory_space<semaphore_mem>>)
    %dma_start3A_832 = arith.constant 29 : i32
    %dma_start3A_833 = arith.constant 0 : i32
    %dma_start3A_834 = tpu.memref_slice %arg9[%dma_start3A_832, %dma_start3A_833] : memref<64x16xf32, #tpu.memory_space<vmem>> -> memref<1x16xf32, #tpu.memory_space<vmem>>
    %dma_start3A_835 = tpu.memref_squeeze %dma_start3A_834 : memref<1x16xf32, #tpu.memory_space<vmem>> -> memref<16xf32, #tpu.memory_space<vmem>>
    %dma_start3A_836 = arith.constant 0 : i32
    %dma_start3A_837 = tpu.memref_slice %arg3[%squeeze3A_818, %dma_start3A_836] : memref<100000x16xf32, #tpu.memory_space<hbm>> -> memref<1x16xf32, #tpu.memory_space<hbm>>
    %dma_start3A_838 = tpu.memref_squeeze %dma_start3A_837 : memref<1x16xf32, #tpu.memory_space<hbm>> -> memref<16xf32, #tpu.memory_space<hbm>>
    %dma_start3A_839 = arith.constant 0 : i32
    %dma_start3A_840 = tpu.memref_slice %arg9[%dma_start3A_832, %dma_start3A_839] : memref<64x16xf32, #tpu.memory_space<vmem>> -> memref<1x16xf32, #tpu.memory_space<vmem>>
    %dma_start3A_841 = tpu.memref_squeeze %dma_start3A_840 : memref<1x16xf32, #tpu.memory_space<vmem>> -> memref<16xf32, #tpu.memory_space<vmem>>
    %dma_start3A_842 = arith.constant 0 : i32
    %dma_start3A_843 = tpu.memref_slice %arg3[%squeeze3A_818, %dma_start3A_842] : memref<100000x16xf32, #tpu.memory_space<hbm>> -> memref<1x16xf32, #tpu.memory_space<hbm>>
    %dma_start3A_844 = tpu.memref_squeeze %dma_start3A_843 : memref<1x16xf32, #tpu.memory_space<hbm>> -> memref<16xf32, #tpu.memory_space<hbm>>
    tpu.enqueue_dma source(%dma_start3A_844 : memref<16xf32, #tpu.memory_space<hbm>>) target(%dma_start3A_841 : memref<16xf32, #tpu.memory_space<vmem>>) target_semaphore(%arg11 : memref<!tpu.dma_semaphore, #tpu.memory_space<semaphore_mem>>)
    %slice3A_845 = vector.extract_strided_slice %get3A_452 {offsets = [14], sizes = [1], strides = [1]} : vector<16xi32> to vector<1xi32>
    %squeeze3A_846 = vector.extract %slice3A_845[0] : i32 from vector<1xi32>
    %dma_start3A_847 = arith.constant 30 : i32
    %dma_start3A_848 = arith.constant 0 : i32
    %dma_start3A_849 = tpu.memref_slice %arg8[%dma_start3A_847, %dma_start3A_848] : memref<64x784xf32, #tpu.memory_space<vmem>> -> memref<1x784xf32, #tpu.memory_space<vmem>>
    %dma_start3A_850 = tpu.memref_squeeze %dma_start3A_849 : memref<1x784xf32, #tpu.memory_space<vmem>> -> memref<784xf32, #tpu.memory_space<vmem>>
    %dma_start3A_851 = arith.constant 0 : i32
    %dma_start3A_852 = tpu.memref_slice %arg2[%squeeze3A_846, %dma_start3A_851] : memref<100000x784xf32, #tpu.memory_space<hbm>> -> memref<1x784xf32, #tpu.memory_space<hbm>>
    %dma_start3A_853 = tpu.memref_squeeze %dma_start3A_852 : memref<1x784xf32, #tpu.memory_space<hbm>> -> memref<784xf32, #tpu.memory_space<hbm>>
    %dma_start3A_854 = arith.constant 0 : i32
    %dma_start3A_855 = tpu.memref_slice %arg8[%dma_start3A_847, %dma_start3A_854] : memref<64x784xf32, #tpu.memory_space<vmem>> -> memref<1x784xf32, #tpu.memory_space<vmem>>
    %dma_start3A_856 = tpu.memref_squeeze %dma_start3A_855 : memref<1x784xf32, #tpu.memory_space<vmem>> -> memref<784xf32, #tpu.memory_space<vmem>>
    %dma_start3A_857 = arith.constant 0 : i32
    %dma_start3A_858 = tpu.memref_slice %arg2[%squeeze3A_846, %dma_start3A_857] : memref<100000x784xf32, #tpu.memory_space<hbm>> -> memref<1x784xf32, #tpu.memory_space<hbm>>
    %dma_start3A_859 = tpu.memref_squeeze %dma_start3A_858 : memref<1x784xf32, #tpu.memory_space<hbm>> -> memref<784xf32, #tpu.memory_space<hbm>>
    tpu.enqueue_dma source(%dma_start3A_859 : memref<784xf32, #tpu.memory_space<hbm>>) target(%dma_start3A_856 : memref<784xf32, #tpu.memory_space<vmem>>) target_semaphore(%arg10 : memref<!tpu.dma_semaphore, #tpu.memory_space<semaphore_mem>>)
    %dma_start3A_860 = arith.constant 30 : i32
    %dma_start3A_861 = arith.constant 0 : i32
    %dma_start3A_862 = tpu.memref_slice %arg9[%dma_start3A_860, %dma_start3A_861] : memref<64x16xf32, #tpu.memory_space<vmem>> -> memref<1x16xf32, #tpu.memory_space<vmem>>
    %dma_start3A_863 = tpu.memref_squeeze %dma_start3A_862 : memref<1x16xf32, #tpu.memory_space<vmem>> -> memref<16xf32, #tpu.memory_space<vmem>>
    %dma_start3A_864 = arith.constant 0 : i32
    %dma_start3A_865 = tpu.memref_slice %arg3[%squeeze3A_846, %dma_start3A_864] : memref<100000x16xf32, #tpu.memory_space<hbm>> -> memref<1x16xf32, #tpu.memory_space<hbm>>
    %dma_start3A_866 = tpu.memref_squeeze %dma_start3A_865 : memref<1x16xf32, #tpu.memory_space<hbm>> -> memref<16xf32, #tpu.memory_space<hbm>>
    %dma_start3A_867 = arith.constant 0 : i32
    %dma_start3A_868 = tpu.memref_slice %arg9[%dma_start3A_860, %dma_start3A_867] : memref<64x16xf32, #tpu.memory_space<vmem>> -> memref<1x16xf32, #tpu.memory_space<vmem>>
    %dma_start3A_869 = tpu.memref_squeeze %dma_start3A_868 : memref<1x16xf32, #tpu.memory_space<vmem>> -> memref<16xf32, #tpu.memory_space<vmem>>
    %dma_start3A_870 = arith.constant 0 : i32
    %dma_start3A_871 = tpu.memref_slice %arg3[%squeeze3A_846, %dma_start3A_870] : memref<100000x16xf32, #tpu.memory_space<hbm>> -> memref<1x16xf32, #tpu.memory_space<hbm>>
    %dma_start3A_872 = tpu.memref_squeeze %dma_start3A_871 : memref<1x16xf32, #tpu.memory_space<hbm>> -> memref<16xf32, #tpu.memory_space<hbm>>
    tpu.enqueue_dma source(%dma_start3A_872 : memref<16xf32, #tpu.memory_space<hbm>>) target(%dma_start3A_869 : memref<16xf32, #tpu.memory_space<vmem>>) target_semaphore(%arg11 : memref<!tpu.dma_semaphore, #tpu.memory_space<semaphore_mem>>)
    %slice3A_873 = vector.extract_strided_slice %get3A_452 {offsets = [15], sizes = [1], strides = [1]} : vector<16xi32> to vector<1xi32>
    %squeeze3A_874 = vector.extract %slice3A_873[0] : i32 from vector<1xi32>
    %dma_start3A_875 = arith.constant 31 : i32
    %dma_start3A_876 = arith.constant 0 : i32
    %dma_start3A_877 = tpu.memref_slice %arg8[%dma_start3A_875, %dma_start3A_876] : memref<64x784xf32, #tpu.memory_space<vmem>> -> memref<1x784xf32, #tpu.memory_space<vmem>>
    %dma_start3A_878 = tpu.memref_squeeze %dma_start3A_877 : memref<1x784xf32, #tpu.memory_space<vmem>> -> memref<784xf32, #tpu.memory_space<vmem>>
    %dma_start3A_879 = arith.constant 0 : i32
    %dma_start3A_880 = tpu.memref_slice %arg2[%squeeze3A_874, %dma_start3A_879] : memref<100000x784xf32, #tpu.memory_space<hbm>> -> memref<1x784xf32, #tpu.memory_space<hbm>>
    %dma_start3A_881 = tpu.memref_squeeze %dma_start3A_880 : memref<1x784xf32, #tpu.memory_space<hbm>> -> memref<784xf32, #tpu.memory_space<hbm>>
    %dma_start3A_882 = arith.constant 0 : i32
    %dma_start3A_883 = tpu.memref_slice %arg8[%dma_start3A_875, %dma_start3A_882] : memref<64x784xf32, #tpu.memory_space<vmem>> -> memref<1x784xf32, #tpu.memory_space<vmem>>
    %dma_start3A_884 = tpu.memref_squeeze %dma_start3A_883 : memref<1x784xf32, #tpu.memory_space<vmem>> -> memref<784xf32, #tpu.memory_space<vmem>>
    %dma_start3A_885 = arith.constant 0 : i32
    %dma_start3A_886 = tpu.memref_slice %arg2[%squeeze3A_874, %dma_start3A_885] : memref<100000x784xf32, #tpu.memory_space<hbm>> -> memref<1x784xf32, #tpu.memory_space<hbm>>
    %dma_start3A_887 = tpu.memref_squeeze %dma_start3A_886 : memref<1x784xf32, #tpu.memory_space<hbm>> -> memref<784xf32, #tpu.memory_space<hbm>>
    tpu.enqueue_dma source(%dma_start3A_887 : memref<784xf32, #tpu.memory_space<hbm>>) target(%dma_start3A_884 : memref<784xf32, #tpu.memory_space<vmem>>) target_semaphore(%arg10 : memref<!tpu.dma_semaphore, #tpu.memory_space<semaphore_mem>>)
    %dma_start3A_888 = arith.constant 31 : i32
    %dma_start3A_889 = arith.constant 0 : i32
    %dma_start3A_890 = tpu.memref_slice %arg9[%dma_start3A_888, %dma_start3A_889] : memref<64x16xf32, #tpu.memory_space<vmem>> -> memref<1x16xf32, #tpu.memory_space<vmem>>
    %dma_start3A_891 = tpu.memref_squeeze %dma_start3A_890 : memref<1x16xf32, #tpu.memory_space<vmem>> -> memref<16xf32, #tpu.memory_space<vmem>>
    %dma_start3A_892 = arith.constant 0 : i32
    %dma_start3A_893 = tpu.memref_slice %arg3[%squeeze3A_874, %dma_start3A_892] : memref<100000x16xf32, #tpu.memory_space<hbm>> -> memref<1x16xf32, #tpu.memory_space<hbm>>
    %dma_start3A_894 = tpu.memref_squeeze %dma_start3A_893 : memref<1x16xf32, #tpu.memory_space<hbm>> -> memref<16xf32, #tpu.memory_space<hbm>>
    %dma_start3A_895 = arith.constant 0 : i32
    %dma_start3A_896 = tpu.memref_slice %arg9[%dma_start3A_888, %dma_start3A_895] : memref<64x16xf32, #tpu.memory_space<vmem>> -> memref<1x16xf32, #tpu.memory_space<vmem>>
    %dma_start3A_897 = tpu.memref_squeeze %dma_start3A_896 : memref<1x16xf32, #tpu.memory_space<vmem>> -> memref<16xf32, #tpu.memory_space<vmem>>
    %dma_start3A_898 = arith.constant 0 : i32
    %dma_start3A_899 = tpu.memref_slice %arg3[%squeeze3A_874, %dma_start3A_898] : memref<100000x16xf32, #tpu.memory_space<hbm>> -> memref<1x16xf32, #tpu.memory_space<hbm>>
    %dma_start3A_900 = tpu.memref_squeeze %dma_start3A_899 : memref<1x16xf32, #tpu.memory_space<hbm>> -> memref<16xf32, #tpu.memory_space<hbm>>
    tpu.enqueue_dma source(%dma_start3A_900 : memref<16xf32, #tpu.memory_space<hbm>>) target(%dma_start3A_897 : memref<16xf32, #tpu.memory_space<vmem>>) target_semaphore(%arg11 : memref<!tpu.dma_semaphore, #tpu.memory_space<semaphore_mem>>)
    %get3A_901 = arith.constant 32 : index
    %get3A_902 = tpu.vector_load %arg7[%get3A_901] {strides = array<i32>} : memref<64xi32, #tpu.memory_space<vmem>>, vector<16xi32>,
    %get3A_903 = vector.shape_cast %get3A_902 : vector<16xi32> to vector<16xi32>
    %slice3A_904 = vector.extract_strided_slice %get3A_903 {offsets = [0], sizes = [1], strides = [1]} : vector<16xi32> to vector<1xi32>
    %squeeze3A_905 = vector.extract %slice3A_904[0] : i32 from vector<1xi32>
    %dma_start3A_906 = arith.constant 32 : i32
    %dma_start3A_907 = arith.constant 0 : i32
    %dma_start3A_908 = tpu.memref_slice %arg8[%dma_start3A_906, %dma_start3A_907] : memref<64x784xf32, #tpu.memory_space<vmem>> -> memref<1x784xf32, #tpu.memory_space<vmem>>
    %dma_start3A_909 = tpu.memref_squeeze %dma_start3A_908 : memref<1x784xf32, #tpu.memory_space<vmem>> -> memref<784xf32, #tpu.memory_space<vmem>>
    %dma_start3A_910 = arith.constant 0 : i32
    %dma_start3A_911 = tpu.memref_slice %arg2[%squeeze3A_905, %dma_start3A_910] : memref<100000x784xf32, #tpu.memory_space<hbm>> -> memref<1x784xf32, #tpu.memory_space<hbm>>
    %dma_start3A_912 = tpu.memref_squeeze %dma_start3A_911 : memref<1x784xf32, #tpu.memory_space<hbm>> -> memref<784xf32, #tpu.memory_space<hbm>>
    %dma_start3A_913 = arith.constant 0 : i32
    %dma_start3A_914 = tpu.memref_slice %arg8[%dma_start3A_906, %dma_start3A_913] : memref<64x784xf32, #tpu.memory_space<vmem>> -> memref<1x784xf32, #tpu.memory_space<vmem>>
    %dma_start3A_915 = tpu.memref_squeeze %dma_start3A_914 : memref<1x784xf32, #tpu.memory_space<vmem>> -> memref<784xf32, #tpu.memory_space<vmem>>
    %dma_start3A_916 = arith.constant 0 : i32
    %dma_start3A_917 = tpu.memref_slice %arg2[%squeeze3A_905, %dma_start3A_916] : memref<100000x784xf32, #tpu.memory_space<hbm>> -> memref<1x784xf32, #tpu.memory_space<hbm>>
    %dma_start3A_918 = tpu.memref_squeeze %dma_start3A_917 : memref<1x784xf32, #tpu.memory_space<hbm>> -> memref<784xf32, #tpu.memory_space<hbm>>
    tpu.enqueue_dma source(%dma_start3A_918 : memref<784xf32, #tpu.memory_space<hbm>>) target(%dma_start3A_915 : memref<784xf32, #tpu.memory_space<vmem>>) target_semaphore(%arg10 : memref<!tpu.dma_semaphore, #tpu.memory_space<semaphore_mem>>)
    %dma_start3A_919 = arith.constant 32 : i32
    %dma_start3A_920 = arith.constant 0 : i32
    %dma_start3A_921 = tpu.memref_slice %arg9[%dma_start3A_919, %dma_start3A_920] : memref<64x16xf32, #tpu.memory_space<vmem>> -> memref<1x16xf32, #tpu.memory_space<vmem>>
    %dma_start3A_922 = tpu.memref_squeeze %dma_start3A_921 : memref<1x16xf32, #tpu.memory_space<vmem>> -> memref<16xf32, #tpu.memory_space<vmem>>
    %dma_start3A_923 = arith.constant 0 : i32
    %dma_start3A_924 = tpu.memref_slice %arg3[%squeeze3A_905, %dma_start3A_923] : memref<100000x16xf32, #tpu.memory_space<hbm>> -> memref<1x16xf32, #tpu.memory_space<hbm>>
    %dma_start3A_925 = tpu.memref_squeeze %dma_start3A_924 : memref<1x16xf32, #tpu.memory_space<hbm>> -> memref<16xf32, #tpu.memory_space<hbm>>
    %dma_start3A_926 = arith.constant 0 : i32
    %dma_start3A_927 = tpu.memref_slice %arg9[%dma_start3A_919, %dma_start3A_926] : memref<64x16xf32, #tpu.memory_space<vmem>> -> memref<1x16xf32, #tpu.memory_space<vmem>>
    %dma_start3A_928 = tpu.memref_squeeze %dma_start3A_927 : memref<1x16xf32, #tpu.memory_space<vmem>> -> memref<16xf32, #tpu.memory_space<vmem>>
    %dma_start3A_929 = arith.constant 0 : i32
    %dma_start3A_930 = tpu.memref_slice %arg3[%squeeze3A_905, %dma_start3A_929] : memref<100000x16xf32, #tpu.memory_space<hbm>> -> memref<1x16xf32, #tpu.memory_space<hbm>>
    %dma_start3A_931 = tpu.memref_squeeze %dma_start3A_930 : memref<1x16xf32, #tpu.memory_space<hbm>> -> memref<16xf32, #tpu.memory_space<hbm>>
    tpu.enqueue_dma source(%dma_start3A_931 : memref<16xf32, #tpu.memory_space<hbm>>) target(%dma_start3A_928 : memref<16xf32, #tpu.memory_space<vmem>>) target_semaphore(%arg11 : memref<!tpu.dma_semaphore, #tpu.memory_space<semaphore_mem>>)
    %slice3A_932 = vector.extract_strided_slice %get3A_903 {offsets = [1], sizes = [1], strides = [1]} : vector<16xi32> to vector<1xi32>
    %squeeze3A_933 = vector.extract %slice3A_932[0] : i32 from vector<1xi32>
    %dma_start3A_934 = arith.constant 33 : i32
    %dma_start3A_935 = arith.constant 0 : i32
    %dma_start3A_936 = tpu.memref_slice %arg8[%dma_start3A_934, %dma_start3A_935] : memref<64x784xf32, #tpu.memory_space<vmem>> -> memref<1x784xf32, #tpu.memory_space<vmem>>
    %dma_start3A_937 = tpu.memref_squeeze %dma_start3A_936 : memref<1x784xf32, #tpu.memory_space<vmem>> -> memref<784xf32, #tpu.memory_space<vmem>>
    %dma_start3A_938 = arith.constant 0 : i32
    %dma_start3A_939 = tpu.memref_slice %arg2[%squeeze3A_933, %dma_start3A_938] : memref<100000x784xf32, #tpu.memory_space<hbm>> -> memref<1x784xf32, #tpu.memory_space<hbm>>
    %dma_start3A_940 = tpu.memref_squeeze %dma_start3A_939 : memref<1x784xf32, #tpu.memory_space<hbm>> -> memref<784xf32, #tpu.memory_space<hbm>>
    %dma_start3A_941 = arith.constant 0 : i32
    %dma_start3A_942 = tpu.memref_slice %arg8[%dma_start3A_934, %dma_start3A_941] : memref<64x784xf32, #tpu.memory_space<vmem>> -> memref<1x784xf32, #tpu.memory_space<vmem>>
    %dma_start3A_943 = tpu.memref_squeeze %dma_start3A_942 : memref<1x784xf32, #tpu.memory_space<vmem>> -> memref<784xf32, #tpu.memory_space<vmem>>
    %dma_start3A_944 = arith.constant 0 : i32
    %dma_start3A_945 = tpu.memref_slice %arg2[%squeeze3A_933, %dma_start3A_944] : memref<100000x784xf32, #tpu.memory_space<hbm>> -> memref<1x784xf32, #tpu.memory_space<hbm>>
    %dma_start3A_946 = tpu.memref_squeeze %dma_start3A_945 : memref<1x784xf32, #tpu.memory_space<hbm>> -> memref<784xf32, #tpu.memory_space<hbm>>
    tpu.enqueue_dma source(%dma_start3A_946 : memref<784xf32, #tpu.memory_space<hbm>>) target(%dma_start3A_943 : memref<784xf32, #tpu.memory_space<vmem>>) target_semaphore(%arg10 : memref<!tpu.dma_semaphore, #tpu.memory_space<semaphore_mem>>)
    %dma_start3A_947 = arith.constant 33 : i32
    %dma_start3A_948 = arith.constant 0 : i32
    %dma_start3A_949 = tpu.memref_slice %arg9[%dma_start3A_947, %dma_start3A_948] : memref<64x16xf32, #tpu.memory_space<vmem>> -> memref<1x16xf32, #tpu.memory_space<vmem>>
    %dma_start3A_950 = tpu.memref_squeeze %dma_start3A_949 : memref<1x16xf32, #tpu.memory_space<vmem>> -> memref<16xf32, #tpu.memory_space<vmem>>
    %dma_start3A_951 = arith.constant 0 : i32
    %dma_start3A_952 = tpu.memref_slice %arg3[%squeeze3A_933, %dma_start3A_951] : memref<100000x16xf32, #tpu.memory_space<hbm>> -> memref<1x16xf32, #tpu.memory_space<hbm>>
    %dma_start3A_953 = tpu.memref_squeeze %dma_start3A_952 : memref<1x16xf32, #tpu.memory_space<hbm>> -> memref<16xf32, #tpu.memory_space<hbm>>
    %dma_start3A_954 = arith.constant 0 : i32
    %dma_start3A_955 = tpu.memref_slice %arg9[%dma_start3A_947, %dma_start3A_954] : memref<64x16xf32, #tpu.memory_space<vmem>> -> memref<1x16xf32, #tpu.memory_space<vmem>>
    %dma_start3A_956 = tpu.memref_squeeze %dma_start3A_955 : memref<1x16xf32, #tpu.memory_space<vmem>> -> memref<16xf32, #tpu.memory_space<vmem>>
    %dma_start3A_957 = arith.constant 0 : i32
    %dma_start3A_958 = tpu.memref_slice %arg3[%squeeze3A_933, %dma_start3A_957] : memref<100000x16xf32, #tpu.memory_space<hbm>> -> memref<1x16xf32, #tpu.memory_space<hbm>>
    %dma_start3A_959 = tpu.memref_squeeze %dma_start3A_958 : memref<1x16xf32, #tpu.memory_space<hbm>> -> memref<16xf32, #tpu.memory_space<hbm>>
    tpu.enqueue_dma source(%dma_start3A_959 : memref<16xf32, #tpu.memory_space<hbm>>) target(%dma_start3A_956 : memref<16xf32, #tpu.memory_space<vmem>>) target_semaphore(%arg11 : memref<!tpu.dma_semaphore, #tpu.memory_space<semaphore_mem>>)
    %slice3A_960 = vector.extract_strided_slice %get3A_903 {offsets = [2], sizes = [1], strides = [1]} : vector<16xi32> to vector<1xi32>
    %squeeze3A_961 = vector.extract %slice3A_960[0] : i32 from vector<1xi32>
    %dma_start3A_962 = arith.constant 34 : i32
    %dma_start3A_963 = arith.constant 0 : i32
    %dma_start3A_964 = tpu.memref_slice %arg8[%dma_start3A_962, %dma_start3A_963] : memref<64x784xf32, #tpu.memory_space<vmem>> -> memref<1x784xf32, #tpu.memory_space<vmem>>
    %dma_start3A_965 = tpu.memref_squeeze %dma_start3A_964 : memref<1x784xf32, #tpu.memory_space<vmem>> -> memref<784xf32, #tpu.memory_space<vmem>>
    %dma_start3A_966 = arith.constant 0 : i32
    %dma_start3A_967 = tpu.memref_slice %arg2[%squeeze3A_961, %dma_start3A_966] : memref<100000x784xf32, #tpu.memory_space<hbm>> -> memref<1x784xf32, #tpu.memory_space<hbm>>
    %dma_start3A_968 = tpu.memref_squeeze %dma_start3A_967 : memref<1x784xf32, #tpu.memory_space<hbm>> -> memref<784xf32, #tpu.memory_space<hbm>>
    %dma_start3A_969 = arith.constant 0 : i32
    %dma_start3A_970 = tpu.memref_slice %arg8[%dma_start3A_962, %dma_start3A_969] : memref<64x784xf32, #tpu.memory_space<vmem>> -> memref<1x784xf32, #tpu.memory_space<vmem>>
    %dma_start3A_971 = tpu.memref_squeeze %dma_start3A_970 : memref<1x784xf32, #tpu.memory_space<vmem>> -> memref<784xf32, #tpu.memory_space<vmem>>
    %dma_start3A_972 = arith.constant 0 : i32
    %dma_start3A_973 = tpu.memref_slice %arg2[%squeeze3A_961, %dma_start3A_972] : memref<100000x784xf32, #tpu.memory_space<hbm>> -> memref<1x784xf32, #tpu.memory_space<hbm>>
    %dma_start3A_974 = tpu.memref_squeeze %dma_start3A_973 : memref<1x784xf32, #tpu.memory_space<hbm>> -> memref<784xf32, #tpu.memory_space<hbm>>
    tpu.enqueue_dma source(%dma_start3A_974 : memref<784xf32, #tpu.memory_space<hbm>>) target(%dma_start3A_971 : memref<784xf32, #tpu.memory_space<vmem>>) target_semaphore(%arg10 : memref<!tpu.dma_semaphore, #tpu.memory_space<semaphore_mem>>)
    %dma_start3A_975 = arith.constant 34 : i32
    %dma_start3A_976 = arith.constant 0 : i32
    %dma_start3A_977 = tpu.memref_slice %arg9[%dma_start3A_975, %dma_start3A_976] : memref<64x16xf32, #tpu.memory_space<vmem>> -> memref<1x16xf32, #tpu.memory_space<vmem>>
    %dma_start3A_978 = tpu.memref_squeeze %dma_start3A_977 : memref<1x16xf32, #tpu.memory_space<vmem>> -> memref<16xf32, #tpu.memory_space<vmem>>
    %dma_start3A_979 = arith.constant 0 : i32
    %dma_start3A_980 = tpu.memref_slice %arg3[%squeeze3A_961, %dma_start3A_979] : memref<100000x16xf32, #tpu.memory_space<hbm>> -> memref<1x16xf32, #tpu.memory_space<hbm>>
    %dma_start3A_981 = tpu.memref_squeeze %dma_start3A_980 : memref<1x16xf32, #tpu.memory_space<hbm>> -> memref<16xf32, #tpu.memory_space<hbm>>
    %dma_start3A_982 = arith.constant 0 : i32
    %dma_start3A_983 = tpu.memref_slice %arg9[%dma_start3A_975, %dma_start3A_982] : memref<64x16xf32, #tpu.memory_space<vmem>> -> memref<1x16xf32, #tpu.memory_space<vmem>>
    %dma_start3A_984 = tpu.memref_squeeze %dma_start3A_983 : memref<1x16xf32, #tpu.memory_space<vmem>> -> memref<16xf32, #tpu.memory_space<vmem>>
    %dma_start3A_985 = arith.constant 0 : i32
    %dma_start3A_986 = tpu.memref_slice %arg3[%squeeze3A_961, %dma_start3A_985] : memref<100000x16xf32, #tpu.memory_space<hbm>> -> memref<1x16xf32, #tpu.memory_space<hbm>>
    %dma_start3A_987 = tpu.memref_squeeze %dma_start3A_986 : memref<1x16xf32, #tpu.memory_space<hbm>> -> memref<16xf32, #tpu.memory_space<hbm>>
    tpu.enqueue_dma source(%dma_start3A_987 : memref<16xf32, #tpu.memory_space<hbm>>) target(%dma_start3A_984 : memref<16xf32, #tpu.memory_space<vmem>>) target_semaphore(%arg11 : memref<!tpu.dma_semaphore, #tpu.memory_space<semaphore_mem>>)
    %slice3A_988 = vector.extract_strided_slice %get3A_903 {offsets = [3], sizes = [1], strides = [1]} : vector<16xi32> to vector<1xi32>
    %squeeze3A_989 = vector.extract %slice3A_988[0] : i32 from vector<1xi32>
    %dma_start3A_990 = arith.constant 35 : i32
    %dma_start3A_991 = arith.constant 0 : i32
    %dma_start3A_992 = tpu.memref_slice %arg8[%dma_start3A_990, %dma_start3A_991] : memref<64x784xf32, #tpu.memory_space<vmem>> -> memref<1x784xf32, #tpu.memory_space<vmem>>
    %dma_start3A_993 = tpu.memref_squeeze %dma_start3A_992 : memref<1x784xf32, #tpu.memory_space<vmem>> -> memref<784xf32, #tpu.memory_space<vmem>>
    %dma_start3A_994 = arith.constant 0 : i32
    %dma_start3A_995 = tpu.memref_slice %arg2[%squeeze3A_989, %dma_start3A_994] : memref<100000x784xf32, #tpu.memory_space<hbm>> -> memref<1x784xf32, #tpu.memory_space<hbm>>
    %dma_start3A_996 = tpu.memref_squeeze %dma_start3A_995 : memref<1x784xf32, #tpu.memory_space<hbm>> -> memref<784xf32, #tpu.memory_space<hbm>>
    %dma_start3A_997 = arith.constant 0 : i32
    %dma_start3A_998 = tpu.memref_slice %arg8[%dma_start3A_990, %dma_start3A_997] : memref<64x784xf32, #tpu.memory_space<vmem>> -> memref<1x784xf32, #tpu.memory_space<vmem>>
    %dma_start3A_999 = tpu.memref_squeeze %dma_start3A_998 : memref<1x784xf32, #tpu.memory_space<vmem>> -> memref<784xf32, #tpu.memory_space<vmem>>
    %dma_start3A_1000 = arith.constant 0 : i32
    %dma_start3A_1001 = tpu.memref_slice %arg2[%squeeze3A_989, %dma_start3A_1000] : memref<100000x784xf32, #tpu.memory_space<hbm>> -> memref<1x784xf32, #tpu.memory_space<hbm>>
    %dma_start3A_1002 = tpu.memref_squeeze %dma_start3A_1001 : memref<1x784xf32, #tpu.memory_space<hbm>> -> memref<784xf32, #tpu.memory_space<hbm>>
    tpu.enqueue_dma source(%dma_start3A_1002 : memref<784xf32, #tpu.memory_space<hbm>>) target(%dma_start3A_999 : memref<784xf32, #tpu.memory_space<vmem>>) target_semaphore(%arg10 : memref<!tpu.dma_semaphore, #tpu.memory_space<semaphore_mem>>)
    %dma_start3A_1003 = arith.constant 35 : i32
    %dma_start3A_1004 = arith.constant 0 : i32
    %dma_start3A_1005 = tpu.memref_slice %arg9[%dma_start3A_1003, %dma_start3A_1004] : memref<64x16xf32, #tpu.memory_space<vmem>> -> memref<1x16xf32, #tpu.memory_space<vmem>>
    %dma_start3A_1006 = tpu.memref_squeeze %dma_start3A_1005 : memref<1x16xf32, #tpu.memory_space<vmem>> -> memref<16xf32, #tpu.memory_space<vmem>>
    %dma_start3A_1007 = arith.constant 0 : i32
    %dma_start3A_1008 = tpu.memref_slice %arg3[%squeeze3A_989, %dma_start3A_1007] : memref<100000x16xf32, #tpu.memory_space<hbm>> -> memref<1x16xf32, #tpu.memory_space<hbm>>
    %dma_start3A_1009 = tpu.memref_squeeze %dma_start3A_1008 : memref<1x16xf32, #tpu.memory_space<hbm>> -> memref<16xf32, #tpu.memory_space<hbm>>
    %dma_start3A_1010 = arith.constant 0 : i32
    %dma_start3A_1011 = tpu.memref_slice %arg9[%dma_start3A_1003, %dma_start3A_1010] : memref<64x16xf32, #tpu.memory_space<vmem>> -> memref<1x16xf32, #tpu.memory_space<vmem>>
    %dma_start3A_1012 = tpu.memref_squeeze %dma_start3A_1011 : memref<1x16xf32, #tpu.memory_space<vmem>> -> memref<16xf32, #tpu.memory_space<vmem>>
    %dma_start3A_1013 = arith.constant 0 : i32
    %dma_start3A_1014 = tpu.memref_slice %arg3[%squeeze3A_989, %dma_start3A_1013] : memref<100000x16xf32, #tpu.memory_space<hbm>> -> memref<1x16xf32, #tpu.memory_space<hbm>>
    %dma_start3A_1015 = tpu.memref_squeeze %dma_start3A_1014 : memref<1x16xf32, #tpu.memory_space<hbm>> -> memref<16xf32, #tpu.memory_space<hbm>>
    tpu.enqueue_dma source(%dma_start3A_1015 : memref<16xf32, #tpu.memory_space<hbm>>) target(%dma_start3A_1012 : memref<16xf32, #tpu.memory_space<vmem>>) target_semaphore(%arg11 : memref<!tpu.dma_semaphore, #tpu.memory_space<semaphore_mem>>)
    %slice3A_1016 = vector.extract_strided_slice %get3A_903 {offsets = [4], sizes = [1], strides = [1]} : vector<16xi32> to vector<1xi32>
    %squeeze3A_1017 = vector.extract %slice3A_1016[0] : i32 from vector<1xi32>
    %dma_start3A_1018 = arith.constant 36 : i32
    %dma_start3A_1019 = arith.constant 0 : i32
    %dma_start3A_1020 = tpu.memref_slice %arg8[%dma_start3A_1018, %dma_start3A_1019] : memref<64x784xf32, #tpu.memory_space<vmem>> -> memref<1x784xf32, #tpu.memory_space<vmem>>
    %dma_start3A_1021 = tpu.memref_squeeze %dma_start3A_1020 : memref<1x784xf32, #tpu.memory_space<vmem>> -> memref<784xf32, #tpu.memory_space<vmem>>
    %dma_start3A_1022 = arith.constant 0 : i32
    %dma_start3A_1023 = tpu.memref_slice %arg2[%squeeze3A_1017, %dma_start3A_1022] : memref<100000x784xf32, #tpu.memory_space<hbm>> -> memref<1x784xf32, #tpu.memory_space<hbm>>
    %dma_start3A_1024 = tpu.memref_squeeze %dma_start3A_1023 : memref<1x784xf32, #tpu.memory_space<hbm>> -> memref<784xf32, #tpu.memory_space<hbm>>
    %dma_start3A_1025 = arith.constant 0 : i32
    %dma_start3A_1026 = tpu.memref_slice %arg8[%dma_start3A_1018, %dma_start3A_1025] : memref<64x784xf32, #tpu.memory_space<vmem>> -> memref<1x784xf32, #tpu.memory_space<vmem>>
    %dma_start3A_1027 = tpu.memref_squeeze %dma_start3A_1026 : memref<1x784xf32, #tpu.memory_space<vmem>> -> memref<784xf32, #tpu.memory_space<vmem>>
    %dma_start3A_1028 = arith.constant 0 : i32
    %dma_start3A_1029 = tpu.memref_slice %arg2[%squeeze3A_1017, %dma_start3A_1028] : memref<100000x784xf32, #tpu.memory_space<hbm>> -> memref<1x784xf32, #tpu.memory_space<hbm>>
    %dma_start3A_1030 = tpu.memref_squeeze %dma_start3A_1029 : memref<1x784xf32, #tpu.memory_space<hbm>> -> memref<784xf32, #tpu.memory_space<hbm>>
    tpu.enqueue_dma source(%dma_start3A_1030 : memref<784xf32, #tpu.memory_space<hbm>>) target(%dma_start3A_1027 : memref<784xf32, #tpu.memory_space<vmem>>) target_semaphore(%arg10 : memref<!tpu.dma_semaphore, #tpu.memory_space<semaphore_mem>>)
    %dma_start3A_1031 = arith.constant 36 : i32
    %dma_start3A_1032 = arith.constant 0 : i32
    %dma_start3A_1033 = tpu.memref_slice %arg9[%dma_start3A_1031, %dma_start3A_1032] : memref<64x16xf32, #tpu.memory_space<vmem>> -> memref<1x16xf32, #tpu.memory_space<vmem>>
    %dma_start3A_1034 = tpu.memref_squeeze %dma_start3A_1033 : memref<1x16xf32, #tpu.memory_space<vmem>> -> memref<16xf32, #tpu.memory_space<vmem>>
    %dma_start3A_1035 = arith.constant 0 : i32
    %dma_start3A_1036 = tpu.memref_slice %arg3[%squeeze3A_1017, %dma_start3A_1035] : memref<100000x16xf32, #tpu.memory_space<hbm>> -> memref<1x16xf32, #tpu.memory_space<hbm>>
    %dma_start3A_1037 = tpu.memref_squeeze %dma_start3A_1036 : memref<1x16xf32, #tpu.memory_space<hbm>> -> memref<16xf32, #tpu.memory_space<hbm>>
    %dma_start3A_1038 = arith.constant 0 : i32
    %dma_start3A_1039 = tpu.memref_slice %arg9[%dma_start3A_1031, %dma_start3A_1038] : memref<64x16xf32, #tpu.memory_space<vmem>> -> memref<1x16xf32, #tpu.memory_space<vmem>>
    %dma_start3A_1040 = tpu.memref_squeeze %dma_start3A_1039 : memref<1x16xf32, #tpu.memory_space<vmem>> -> memref<16xf32, #tpu.memory_space<vmem>>
    %dma_start3A_1041 = arith.constant 0 : i32
    %dma_start3A_1042 = tpu.memref_slice %arg3[%squeeze3A_1017, %dma_start3A_1041] : memref<100000x16xf32, #tpu.memory_space<hbm>> -> memref<1x16xf32, #tpu.memory_space<hbm>>
    %dma_start3A_1043 = tpu.memref_squeeze %dma_start3A_1042 : memref<1x16xf32, #tpu.memory_space<hbm>> -> memref<16xf32, #tpu.memory_space<hbm>>
    tpu.enqueue_dma source(%dma_start3A_1043 : memref<16xf32, #tpu.memory_space<hbm>>) target(%dma_start3A_1040 : memref<16xf32, #tpu.memory_space<vmem>>) target_semaphore(%arg11 : memref<!tpu.dma_semaphore, #tpu.memory_space<semaphore_mem>>)
    %slice3A_1044 = vector.extract_strided_slice %get3A_903 {offsets = [5], sizes = [1], strides = [1]} : vector<16xi32> to vector<1xi32>
    %squeeze3A_1045 = vector.extract %slice3A_1044[0] : i32 from vector<1xi32>
    %dma_start3A_1046 = arith.constant 37 : i32
    %dma_start3A_1047 = arith.constant 0 : i32
    %dma_start3A_1048 = tpu.memref_slice %arg8[%dma_start3A_1046, %dma_start3A_1047] : memref<64x784xf32, #tpu.memory_space<vmem>> -> memref<1x784xf32, #tpu.memory_space<vmem>>
    %dma_start3A_1049 = tpu.memref_squeeze %dma_start3A_1048 : memref<1x784xf32, #tpu.memory_space<vmem>> -> memref<784xf32, #tpu.memory_space<vmem>>
    %dma_start3A_1050 = arith.constant 0 : i32
    %dma_start3A_1051 = tpu.memref_slice %arg2[%squeeze3A_1045, %dma_start3A_1050] : memref<100000x784xf32, #tpu.memory_space<hbm>> -> memref<1x784xf32, #tpu.memory_space<hbm>>
    %dma_start3A_1052 = tpu.memref_squeeze %dma_start3A_1051 : memref<1x784xf32, #tpu.memory_space<hbm>> -> memref<784xf32, #tpu.memory_space<hbm>>
    %dma_start3A_1053 = arith.constant 0 : i32
    %dma_start3A_1054 = tpu.memref_slice %arg8[%dma_start3A_1046, %dma_start3A_1053] : memref<64x784xf32, #tpu.memory_space<vmem>> -> memref<1x784xf32, #tpu.memory_space<vmem>>
    %dma_start3A_1055 = tpu.memref_squeeze %dma_start3A_1054 : memref<1x784xf32, #tpu.memory_space<vmem>> -> memref<784xf32, #tpu.memory_space<vmem>>
    %dma_start3A_1056 = arith.constant 0 : i32
    %dma_start3A_1057 = tpu.memref_slice %arg2[%squeeze3A_1045, %dma_start3A_1056] : memref<100000x784xf32, #tpu.memory_space<hbm>> -> memref<1x784xf32, #tpu.memory_space<hbm>>
    %dma_start3A_1058 = tpu.memref_squeeze %dma_start3A_1057 : memref<1x784xf32, #tpu.memory_space<hbm>> -> memref<784xf32, #tpu.memory_space<hbm>>
    tpu.enqueue_dma source(%dma_start3A_1058 : memref<784xf32, #tpu.memory_space<hbm>>) target(%dma_start3A_1055 : memref<784xf32, #tpu.memory_space<vmem>>) target_semaphore(%arg10 : memref<!tpu.dma_semaphore, #tpu.memory_space<semaphore_mem>>)
    %dma_start3A_1059 = arith.constant 37 : i32
    %dma_start3A_1060 = arith.constant 0 : i32
    %dma_start3A_1061 = tpu.memref_slice %arg9[%dma_start3A_1059, %dma_start3A_1060] : memref<64x16xf32, #tpu.memory_space<vmem>> -> memref<1x16xf32, #tpu.memory_space<vmem>>
    %dma_start3A_1062 = tpu.memref_squeeze %dma_start3A_1061 : memref<1x16xf32, #tpu.memory_space<vmem>> -> memref<16xf32, #tpu.memory_space<vmem>>
    %dma_start3A_1063 = arith.constant 0 : i32
    %dma_start3A_1064 = tpu.memref_slice %arg3[%squeeze3A_1045, %dma_start3A_1063] : memref<100000x16xf32, #tpu.memory_space<hbm>> -> memref<1x16xf32, #tpu.memory_space<hbm>>
    %dma_start3A_1065 = tpu.memref_squeeze %dma_start3A_1064 : memref<1x16xf32, #tpu.memory_space<hbm>> -> memref<16xf32, #tpu.memory_space<hbm>>
    %dma_start3A_1066 = arith.constant 0 : i32
    %dma_start3A_1067 = tpu.memref_slice %arg9[%dma_start3A_1059, %dma_start3A_1066] : memref<64x16xf32, #tpu.memory_space<vmem>> -> memref<1x16xf32, #tpu.memory_space<vmem>>
    %dma_start3A_1068 = tpu.memref_squeeze %dma_start3A_1067 : memref<1x16xf32, #tpu.memory_space<vmem>> -> memref<16xf32, #tpu.memory_space<vmem>>
    %dma_start3A_1069 = arith.constant 0 : i32
    %dma_start3A_1070 = tpu.memref_slice %arg3[%squeeze3A_1045, %dma_start3A_1069] : memref<100000x16xf32, #tpu.memory_space<hbm>> -> memref<1x16xf32, #tpu.memory_space<hbm>>
    %dma_start3A_1071 = tpu.memref_squeeze %dma_start3A_1070 : memref<1x16xf32, #tpu.memory_space<hbm>> -> memref<16xf32, #tpu.memory_space<hbm>>
    tpu.enqueue_dma source(%dma_start3A_1071 : memref<16xf32, #tpu.memory_space<hbm>>) target(%dma_start3A_1068 : memref<16xf32, #tpu.memory_space<vmem>>) target_semaphore(%arg11 : memref<!tpu.dma_semaphore, #tpu.memory_space<semaphore_mem>>)
    %slice3A_1072 = vector.extract_strided_slice %get3A_903 {offsets = [6], sizes = [1], strides = [1]} : vector<16xi32> to vector<1xi32>
    %squeeze3A_1073 = vector.extract %slice3A_1072[0] : i32 from vector<1xi32>
    %dma_start3A_1074 = arith.constant 38 : i32
    %dma_start3A_1075 = arith.constant 0 : i32
    %dma_start3A_1076 = tpu.memref_slice %arg8[%dma_start3A_1074, %dma_start3A_1075] : memref<64x784xf32, #tpu.memory_space<vmem>> -> memref<1x784xf32, #tpu.memory_space<vmem>>
    %dma_start3A_1077 = tpu.memref_squeeze %dma_start3A_1076 : memref<1x784xf32, #tpu.memory_space<vmem>> -> memref<784xf32, #tpu.memory_space<vmem>>
    %dma_start3A_1078 = arith.constant 0 : i32
    %dma_start3A_1079 = tpu.memref_slice %arg2[%squeeze3A_1073, %dma_start3A_1078] : memref<100000x784xf32, #tpu.memory_space<hbm>> -> memref<1x784xf32, #tpu.memory_space<hbm>>
    %dma_start3A_1080 = tpu.memref_squeeze %dma_start3A_1079 : memref<1x784xf32, #tpu.memory_space<hbm>> -> memref<784xf32, #tpu.memory_space<hbm>>
    %dma_start3A_1081 = arith.constant 0 : i32
    %dma_start3A_1082 = tpu.memref_slice %arg8[%dma_start3A_1074, %dma_start3A_1081] : memref<64x784xf32, #tpu.memory_space<vmem>> -> memref<1x784xf32, #tpu.memory_space<vmem>>
    %dma_start3A_1083 = tpu.memref_squeeze %dma_start3A_1082 : memref<1x784xf32, #tpu.memory_space<vmem>> -> memref<784xf32, #tpu.memory_space<vmem>>
    %dma_start3A_1084 = arith.constant 0 : i32
    %dma_start3A_1085 = tpu.memref_slice %arg2[%squeeze3A_1073, %dma_start3A_1084] : memref<100000x784xf32, #tpu.memory_space<hbm>> -> memref<1x784xf32, #tpu.memory_space<hbm>>
    %dma_start3A_1086 = tpu.memref_squeeze %dma_start3A_1085 : memref<1x784xf32, #tpu.memory_space<hbm>> -> memref<784xf32, #tpu.memory_space<hbm>>
    tpu.enqueue_dma source(%dma_start3A_1086 : memref<784xf32, #tpu.memory_space<hbm>>) target(%dma_start3A_1083 : memref<784xf32, #tpu.memory_space<vmem>>) target_semaphore(%arg10 : memref<!tpu.dma_semaphore, #tpu.memory_space<semaphore_mem>>)
    %dma_start3A_1087 = arith.constant 38 : i32
    %dma_start3A_1088 = arith.constant 0 : i32
    %dma_start3A_1089 = tpu.memref_slice %arg9[%dma_start3A_1087, %dma_start3A_1088] : memref<64x16xf32, #tpu.memory_space<vmem>> -> memref<1x16xf32, #tpu.memory_space<vmem>>
    %dma_start3A_1090 = tpu.memref_squeeze %dma_start3A_1089 : memref<1x16xf32, #tpu.memory_space<vmem>> -> memref<16xf32, #tpu.memory_space<vmem>>
    %dma_start3A_1091 = arith.constant 0 : i32
    %dma_start3A_1092 = tpu.memref_slice %arg3[%squeeze3A_1073, %dma_start3A_1091] : memref<100000x16xf32, #tpu.memory_space<hbm>> -> memref<1x16xf32, #tpu.memory_space<hbm>>
    %dma_start3A_1093 = tpu.memref_squeeze %dma_start3A_1092 : memref<1x16xf32, #tpu.memory_space<hbm>> -> memref<16xf32, #tpu.memory_space<hbm>>
    %dma_start3A_1094 = arith.constant 0 : i32
    %dma_start3A_1095 = tpu.memref_slice %arg9[%dma_start3A_1087, %dma_start3A_1094] : memref<64x16xf32, #tpu.memory_space<vmem>> -> memref<1x16xf32, #tpu.memory_space<vmem>>
    %dma_start3A_1096 = tpu.memref_squeeze %dma_start3A_1095 : memref<1x16xf32, #tpu.memory_space<vmem>> -> memref<16xf32, #tpu.memory_space<vmem>>
    %dma_start3A_1097 = arith.constant 0 : i32
    %dma_start3A_1098 = tpu.memref_slice %arg3[%squeeze3A_1073, %dma_start3A_1097] : memref<100000x16xf32, #tpu.memory_space<hbm>> -> memref<1x16xf32, #tpu.memory_space<hbm>>
    %dma_start3A_1099 = tpu.memref_squeeze %dma_start3A_1098 : memref<1x16xf32, #tpu.memory_space<hbm>> -> memref<16xf32, #tpu.memory_space<hbm>>
    tpu.enqueue_dma source(%dma_start3A_1099 : memref<16xf32, #tpu.memory_space<hbm>>) target(%dma_start3A_1096 : memref<16xf32, #tpu.memory_space<vmem>>) target_semaphore(%arg11 : memref<!tpu.dma_semaphore, #tpu.memory_space<semaphore_mem>>)
    %slice3A_1100 = vector.extract_strided_slice %get3A_903 {offsets = [7], sizes = [1], strides = [1]} : vector<16xi32> to vector<1xi32>
    %squeeze3A_1101 = vector.extract %slice3A_1100[0] : i32 from vector<1xi32>
    %dma_start3A_1102 = arith.constant 39 : i32
    %dma_start3A_1103 = arith.constant 0 : i32
    %dma_start3A_1104 = tpu.memref_slice %arg8[%dma_start3A_1102, %dma_start3A_1103] : memref<64x784xf32, #tpu.memory_space<vmem>> -> memref<1x784xf32, #tpu.memory_space<vmem>>
    %dma_start3A_1105 = tpu.memref_squeeze %dma_start3A_1104 : memref<1x784xf32, #tpu.memory_space<vmem>> -> memref<784xf32, #tpu.memory_space<vmem>>
    %dma_start3A_1106 = arith.constant 0 : i32
    %dma_start3A_1107 = tpu.memref_slice %arg2[%squeeze3A_1101, %dma_start3A_1106] : memref<100000x784xf32, #tpu.memory_space<hbm>> -> memref<1x784xf32, #tpu.memory_space<hbm>>
    %dma_start3A_1108 = tpu.memref_squeeze %dma_start3A_1107 : memref<1x784xf32, #tpu.memory_space<hbm>> -> memref<784xf32, #tpu.memory_space<hbm>>
    %dma_start3A_1109 = arith.constant 0 : i32
    %dma_start3A_1110 = tpu.memref_slice %arg8[%dma_start3A_1102, %dma_start3A_1109] : memref<64x784xf32, #tpu.memory_space<vmem>> -> memref<1x784xf32, #tpu.memory_space<vmem>>
    %dma_start3A_1111 = tpu.memref_squeeze %dma_start3A_1110 : memref<1x784xf32, #tpu.memory_space<vmem>> -> memref<784xf32, #tpu.memory_space<vmem>>
    %dma_start3A_1112 = arith.constant 0 : i32
    %dma_start3A_1113 = tpu.memref_slice %arg2[%squeeze3A_1101, %dma_start3A_1112] : memref<100000x784xf32, #tpu.memory_space<hbm>> -> memref<1x784xf32, #tpu.memory_space<hbm>>
    %dma_start3A_1114 = tpu.memref_squeeze %dma_start3A_1113 : memref<1x784xf32, #tpu.memory_space<hbm>> -> memref<784xf32, #tpu.memory_space<hbm>>
    tpu.enqueue_dma source(%dma_start3A_1114 : memref<784xf32, #tpu.memory_space<hbm>>) target(%dma_start3A_1111 : memref<784xf32, #tpu.memory_space<vmem>>) target_semaphore(%arg10 : memref<!tpu.dma_semaphore, #tpu.memory_space<semaphore_mem>>)
    %dma_start3A_1115 = arith.constant 39 : i32
    %dma_start3A_1116 = arith.constant 0 : i32
    %dma_start3A_1117 = tpu.memref_slice %arg9[%dma_start3A_1115, %dma_start3A_1116] : memref<64x16xf32, #tpu.memory_space<vmem>> -> memref<1x16xf32, #tpu.memory_space<vmem>>
    %dma_start3A_1118 = tpu.memref_squeeze %dma_start3A_1117 : memref<1x16xf32, #tpu.memory_space<vmem>> -> memref<16xf32, #tpu.memory_space<vmem>>
    %dma_start3A_1119 = arith.constant 0 : i32
    %dma_start3A_1120 = tpu.memref_slice %arg3[%squeeze3A_1101, %dma_start3A_1119] : memref<100000x16xf32, #tpu.memory_space<hbm>> -> memref<1x16xf32, #tpu.memory_space<hbm>>
    %dma_start3A_1121 = tpu.memref_squeeze %dma_start3A_1120 : memref<1x16xf32, #tpu.memory_space<hbm>> -> memref<16xf32, #tpu.memory_space<hbm>>
    %dma_start3A_1122 = arith.constant 0 : i32
    %dma_start3A_1123 = tpu.memref_slice %arg9[%dma_start3A_1115, %dma_start3A_1122] : memref<64x16xf32, #tpu.memory_space<vmem>> -> memref<1x16xf32, #tpu.memory_space<vmem>>
    %dma_start3A_1124 = tpu.memref_squeeze %dma_start3A_1123 : memref<1x16xf32, #tpu.memory_space<vmem>> -> memref<16xf32, #tpu.memory_space<vmem>>
    %dma_start3A_1125 = arith.constant 0 : i32
    %dma_start3A_1126 = tpu.memref_slice %arg3[%squeeze3A_1101, %dma_start3A_1125] : memref<100000x16xf32, #tpu.memory_space<hbm>> -> memref<1x16xf32, #tpu.memory_space<hbm>>
    %dma_start3A_1127 = tpu.memref_squeeze %dma_start3A_1126 : memref<1x16xf32, #tpu.memory_space<hbm>> -> memref<16xf32, #tpu.memory_space<hbm>>
    tpu.enqueue_dma source(%dma_start3A_1127 : memref<16xf32, #tpu.memory_space<hbm>>) target(%dma_start3A_1124 : memref<16xf32, #tpu.memory_space<vmem>>) target_semaphore(%arg11 : memref<!tpu.dma_semaphore, #tpu.memory_space<semaphore_mem>>)
    %slice3A_1128 = vector.extract_strided_slice %get3A_903 {offsets = [8], sizes = [1], strides = [1]} : vector<16xi32> to vector<1xi32>
    %squeeze3A_1129 = vector.extract %slice3A_1128[0] : i32 from vector<1xi32>
    %dma_start3A_1130 = arith.constant 40 : i32
    %dma_start3A_1131 = arith.constant 0 : i32
    %dma_start3A_1132 = tpu.memref_slice %arg8[%dma_start3A_1130, %dma_start3A_1131] : memref<64x784xf32, #tpu.memory_space<vmem>> -> memref<1x784xf32, #tpu.memory_space<vmem>>
    %dma_start3A_1133 = tpu.memref_squeeze %dma_start3A_1132 : memref<1x784xf32, #tpu.memory_space<vmem>> -> memref<784xf32, #tpu.memory_space<vmem>>
    %dma_start3A_1134 = arith.constant 0 : i32
    %dma_start3A_1135 = tpu.memref_slice %arg2[%squeeze3A_1129, %dma_start3A_1134] : memref<100000x784xf32, #tpu.memory_space<hbm>> -> memref<1x784xf32, #tpu.memory_space<hbm>>
    %dma_start3A_1136 = tpu.memref_squeeze %dma_start3A_1135 : memref<1x784xf32, #tpu.memory_space<hbm>> -> memref<784xf32, #tpu.memory_space<hbm>>
    %dma_start3A_1137 = arith.constant 0 : i32
    %dma_start3A_1138 = tpu.memref_slice %arg8[%dma_start3A_1130, %dma_start3A_1137] : memref<64x784xf32, #tpu.memory_space<vmem>> -> memref<1x784xf32, #tpu.memory_space<vmem>>
    %dma_start3A_1139 = tpu.memref_squeeze %dma_start3A_1138 : memref<1x784xf32, #tpu.memory_space<vmem>> -> memref<784xf32, #tpu.memory_space<vmem>>
    %dma_start3A_1140 = arith.constant 0 : i32
    %dma_start3A_1141 = tpu.memref_slice %arg2[%squeeze3A_1129, %dma_start3A_1140] : memref<100000x784xf32, #tpu.memory_space<hbm>> -> memref<1x784xf32, #tpu.memory_space<hbm>>
    %dma_start3A_1142 = tpu.memref_squeeze %dma_start3A_1141 : memref<1x784xf32, #tpu.memory_space<hbm>> -> memref<784xf32, #tpu.memory_space<hbm>>
    tpu.enqueue_dma source(%dma_start3A_1142 : memref<784xf32, #tpu.memory_space<hbm>>) target(%dma_start3A_1139 : memref<784xf32, #tpu.memory_space<vmem>>) target_semaphore(%arg10 : memref<!tpu.dma_semaphore, #tpu.memory_space<semaphore_mem>>)
    %dma_start3A_1143 = arith.constant 40 : i32
    %dma_start3A_1144 = arith.constant 0 : i32
    %dma_start3A_1145 = tpu.memref_slice %arg9[%dma_start3A_1143, %dma_start3A_1144] : memref<64x16xf32, #tpu.memory_space<vmem>> -> memref<1x16xf32, #tpu.memory_space<vmem>>
    %dma_start3A_1146 = tpu.memref_squeeze %dma_start3A_1145 : memref<1x16xf32, #tpu.memory_space<vmem>> -> memref<16xf32, #tpu.memory_space<vmem>>
    %dma_start3A_1147 = arith.constant 0 : i32
    %dma_start3A_1148 = tpu.memref_slice %arg3[%squeeze3A_1129, %dma_start3A_1147] : memref<100000x16xf32, #tpu.memory_space<hbm>> -> memref<1x16xf32, #tpu.memory_space<hbm>>
    %dma_start3A_1149 = tpu.memref_squeeze %dma_start3A_1148 : memref<1x16xf32, #tpu.memory_space<hbm>> -> memref<16xf32, #tpu.memory_space<hbm>>
    %dma_start3A_1150 = arith.constant 0 : i32
    %dma_start3A_1151 = tpu.memref_slice %arg9[%dma_start3A_1143, %dma_start3A_1150] : memref<64x16xf32, #tpu.memory_space<vmem>> -> memref<1x16xf32, #tpu.memory_space<vmem>>
    %dma_start3A_1152 = tpu.memref_squeeze %dma_start3A_1151 : memref<1x16xf32, #tpu.memory_space<vmem>> -> memref<16xf32, #tpu.memory_space<vmem>>
    %dma_start3A_1153 = arith.constant 0 : i32
    %dma_start3A_1154 = tpu.memref_slice %arg3[%squeeze3A_1129, %dma_start3A_1153] : memref<100000x16xf32, #tpu.memory_space<hbm>> -> memref<1x16xf32, #tpu.memory_space<hbm>>
    %dma_start3A_1155 = tpu.memref_squeeze %dma_start3A_1154 : memref<1x16xf32, #tpu.memory_space<hbm>> -> memref<16xf32, #tpu.memory_space<hbm>>
    tpu.enqueue_dma source(%dma_start3A_1155 : memref<16xf32, #tpu.memory_space<hbm>>) target(%dma_start3A_1152 : memref<16xf32, #tpu.memory_space<vmem>>) target_semaphore(%arg11 : memref<!tpu.dma_semaphore, #tpu.memory_space<semaphore_mem>>)
    %slice3A_1156 = vector.extract_strided_slice %get3A_903 {offsets = [9], sizes = [1], strides = [1]} : vector<16xi32> to vector<1xi32>
    %squeeze3A_1157 = vector.extract %slice3A_1156[0] : i32 from vector<1xi32>
    %dma_start3A_1158 = arith.constant 41 : i32
    %dma_start3A_1159 = arith.constant 0 : i32
    %dma_start3A_1160 = tpu.memref_slice %arg8[%dma_start3A_1158, %dma_start3A_1159] : memref<64x784xf32, #tpu.memory_space<vmem>> -> memref<1x784xf32, #tpu.memory_space<vmem>>
    %dma_start3A_1161 = tpu.memref_squeeze %dma_start3A_1160 : memref<1x784xf32, #tpu.memory_space<vmem>> -> memref<784xf32, #tpu.memory_space<vmem>>
    %dma_start3A_1162 = arith.constant 0 : i32
    %dma_start3A_1163 = tpu.memref_slice %arg2[%squeeze3A_1157, %dma_start3A_1162] : memref<100000x784xf32, #tpu.memory_space<hbm>> -> memref<1x784xf32, #tpu.memory_space<hbm>>
    %dma_start3A_1164 = tpu.memref_squeeze %dma_start3A_1163 : memref<1x784xf32, #tpu.memory_space<hbm>> -> memref<784xf32, #tpu.memory_space<hbm>>
    %dma_start3A_1165 = arith.constant 0 : i32
    %dma_start3A_1166 = tpu.memref_slice %arg8[%dma_start3A_1158, %dma_start3A_1165] : memref<64x784xf32, #tpu.memory_space<vmem>> -> memref<1x784xf32, #tpu.memory_space<vmem>>
    %dma_start3A_1167 = tpu.memref_squeeze %dma_start3A_1166 : memref<1x784xf32, #tpu.memory_space<vmem>> -> memref<784xf32, #tpu.memory_space<vmem>>
    %dma_start3A_1168 = arith.constant 0 : i32
    %dma_start3A_1169 = tpu.memref_slice %arg2[%squeeze3A_1157, %dma_start3A_1168] : memref<100000x784xf32, #tpu.memory_space<hbm>> -> memref<1x784xf32, #tpu.memory_space<hbm>>
    %dma_start3A_1170 = tpu.memref_squeeze %dma_start3A_1169 : memref<1x784xf32, #tpu.memory_space<hbm>> -> memref<784xf32, #tpu.memory_space<hbm>>
    tpu.enqueue_dma source(%dma_start3A_1170 : memref<784xf32, #tpu.memory_space<hbm>>) target(%dma_start3A_1167 : memref<784xf32, #tpu.memory_space<vmem>>) target_semaphore(%arg10 : memref<!tpu.dma_semaphore, #tpu.memory_space<semaphore_mem>>)
    %dma_start3A_1171 = arith.constant 41 : i32
    %dma_start3A_1172 = arith.constant 0 : i32
    %dma_start3A_1173 = tpu.memref_slice %arg9[%dma_start3A_1171, %dma_start3A_1172] : memref<64x16xf32, #tpu.memory_space<vmem>> -> memref<1x16xf32, #tpu.memory_space<vmem>>
    %dma_start3A_1174 = tpu.memref_squeeze %dma_start3A_1173 : memref<1x16xf32, #tpu.memory_space<vmem>> -> memref<16xf32, #tpu.memory_space<vmem>>
    %dma_start3A_1175 = arith.constant 0 : i32
    %dma_start3A_1176 = tpu.memref_slice %arg3[%squeeze3A_1157, %dma_start3A_1175] : memref<100000x16xf32, #tpu.memory_space<hbm>> -> memref<1x16xf32, #tpu.memory_space<hbm>>
    %dma_start3A_1177 = tpu.memref_squeeze %dma_start3A_1176 : memref<1x16xf32, #tpu.memory_space<hbm>> -> memref<16xf32, #tpu.memory_space<hbm>>
    %dma_start3A_1178 = arith.constant 0 : i32
    %dma_start3A_1179 = tpu.memref_slice %arg9[%dma_start3A_1171, %dma_start3A_1178] : memref<64x16xf32, #tpu.memory_space<vmem>> -> memref<1x16xf32, #tpu.memory_space<vmem>>
    %dma_start3A_1180 = tpu.memref_squeeze %dma_start3A_1179 : memref<1x16xf32, #tpu.memory_space<vmem>> -> memref<16xf32, #tpu.memory_space<vmem>>
    %dma_start3A_1181 = arith.constant 0 : i32
    %dma_start3A_1182 = tpu.memref_slice %arg3[%squeeze3A_1157, %dma_start3A_1181] : memref<100000x16xf32, #tpu.memory_space<hbm>> -> memref<1x16xf32, #tpu.memory_space<hbm>>
    %dma_start3A_1183 = tpu.memref_squeeze %dma_start3A_1182 : memref<1x16xf32, #tpu.memory_space<hbm>> -> memref<16xf32, #tpu.memory_space<hbm>>
    tpu.enqueue_dma source(%dma_start3A_1183 : memref<16xf32, #tpu.memory_space<hbm>>) target(%dma_start3A_1180 : memref<16xf32, #tpu.memory_space<vmem>>) target_semaphore(%arg11 : memref<!tpu.dma_semaphore, #tpu.memory_space<semaphore_mem>>)
    %slice3A_1184 = vector.extract_strided_slice %get3A_903 {offsets = [10], sizes = [1], strides = [1]} : vector<16xi32> to vector<1xi32>
    %squeeze3A_1185 = vector.extract %slice3A_1184[0] : i32 from vector<1xi32>
    %dma_start3A_1186 = arith.constant 42 : i32
    %dma_start3A_1187 = arith.constant 0 : i32
    %dma_start3A_1188 = tpu.memref_slice %arg8[%dma_start3A_1186, %dma_start3A_1187] : memref<64x784xf32, #tpu.memory_space<vmem>> -> memref<1x784xf32, #tpu.memory_space<vmem>>
    %dma_start3A_1189 = tpu.memref_squeeze %dma_start3A_1188 : memref<1x784xf32, #tpu.memory_space<vmem>> -> memref<784xf32, #tpu.memory_space<vmem>>
    %dma_start3A_1190 = arith.constant 0 : i32
    %dma_start3A_1191 = tpu.memref_slice %arg2[%squeeze3A_1185, %dma_start3A_1190] : memref<100000x784xf32, #tpu.memory_space<hbm>> -> memref<1x784xf32, #tpu.memory_space<hbm>>
    %dma_start3A_1192 = tpu.memref_squeeze %dma_start3A_1191 : memref<1x784xf32, #tpu.memory_space<hbm>> -> memref<784xf32, #tpu.memory_space<hbm>>
    %dma_start3A_1193 = arith.constant 0 : i32
    %dma_start3A_1194 = tpu.memref_slice %arg8[%dma_start3A_1186, %dma_start3A_1193] : memref<64x784xf32, #tpu.memory_space<vmem>> -> memref<1x784xf32, #tpu.memory_space<vmem>>
    %dma_start3A_1195 = tpu.memref_squeeze %dma_start3A_1194 : memref<1x784xf32, #tpu.memory_space<vmem>> -> memref<784xf32, #tpu.memory_space<vmem>>
    %dma_start3A_1196 = arith.constant 0 : i32
    %dma_start3A_1197 = tpu.memref_slice %arg2[%squeeze3A_1185, %dma_start3A_1196] : memref<100000x784xf32, #tpu.memory_space<hbm>> -> memref<1x784xf32, #tpu.memory_space<hbm>>
    %dma_start3A_1198 = tpu.memref_squeeze %dma_start3A_1197 : memref<1x784xf32, #tpu.memory_space<hbm>> -> memref<784xf32, #tpu.memory_space<hbm>>
    tpu.enqueue_dma source(%dma_start3A_1198 : memref<784xf32, #tpu.memory_space<hbm>>) target(%dma_start3A_1195 : memref<784xf32, #tpu.memory_space<vmem>>) target_semaphore(%arg10 : memref<!tpu.dma_semaphore, #tpu.memory_space<semaphore_mem>>)
    %dma_start3A_1199 = arith.constant 42 : i32
    %dma_start3A_1200 = arith.constant 0 : i32
    %dma_start3A_1201 = tpu.memref_slice %arg9[%dma_start3A_1199, %dma_start3A_1200] : memref<64x16xf32, #tpu.memory_space<vmem>> -> memref<1x16xf32, #tpu.memory_space<vmem>>
    %dma_start3A_1202 = tpu.memref_squeeze %dma_start3A_1201 : memref<1x16xf32, #tpu.memory_space<vmem>> -> memref<16xf32, #tpu.memory_space<vmem>>
    %dma_start3A_1203 = arith.constant 0 : i32
    %dma_start3A_1204 = tpu.memref_slice %arg3[%squeeze3A_1185, %dma_start3A_1203] : memref<100000x16xf32, #tpu.memory_space<hbm>> -> memref<1x16xf32, #tpu.memory_space<hbm>>
    %dma_start3A_1205 = tpu.memref_squeeze %dma_start3A_1204 : memref<1x16xf32, #tpu.memory_space<hbm>> -> memref<16xf32, #tpu.memory_space<hbm>>
    %dma_start3A_1206 = arith.constant 0 : i32
    %dma_start3A_1207 = tpu.memref_slice %arg9[%dma_start3A_1199, %dma_start3A_1206] : memref<64x16xf32, #tpu.memory_space<vmem>> -> memref<1x16xf32, #tpu.memory_space<vmem>>
    %dma_start3A_1208 = tpu.memref_squeeze %dma_start3A_1207 : memref<1x16xf32, #tpu.memory_space<vmem>> -> memref<16xf32, #tpu.memory_space<vmem>>
    %dma_start3A_1209 = arith.constant 0 : i32
    %dma_start3A_1210 = tpu.memref_slice %arg3[%squeeze3A_1185, %dma_start3A_1209] : memref<100000x16xf32, #tpu.memory_space<hbm>> -> memref<1x16xf32, #tpu.memory_space<hbm>>
    %dma_start3A_1211 = tpu.memref_squeeze %dma_start3A_1210 : memref<1x16xf32, #tpu.memory_space<hbm>> -> memref<16xf32, #tpu.memory_space<hbm>>
    tpu.enqueue_dma source(%dma_start3A_1211 : memref<16xf32, #tpu.memory_space<hbm>>) target(%dma_start3A_1208 : memref<16xf32, #tpu.memory_space<vmem>>) target_semaphore(%arg11 : memref<!tpu.dma_semaphore, #tpu.memory_space<semaphore_mem>>)
    %slice3A_1212 = vector.extract_strided_slice %get3A_903 {offsets = [11], sizes = [1], strides = [1]} : vector<16xi32> to vector<1xi32>
    %squeeze3A_1213 = vector.extract %slice3A_1212[0] : i32 from vector<1xi32>
    %dma_start3A_1214 = arith.constant 43 : i32
    %dma_start3A_1215 = arith.constant 0 : i32
    %dma_start3A_1216 = tpu.memref_slice %arg8[%dma_start3A_1214, %dma_start3A_1215] : memref<64x784xf32, #tpu.memory_space<vmem>> -> memref<1x784xf32, #tpu.memory_space<vmem>>
    %dma_start3A_1217 = tpu.memref_squeeze %dma_start3A_1216 : memref<1x784xf32, #tpu.memory_space<vmem>> -> memref<784xf32, #tpu.memory_space<vmem>>
    %dma_start3A_1218 = arith.constant 0 : i32
    %dma_start3A_1219 = tpu.memref_slice %arg2[%squeeze3A_1213, %dma_start3A_1218] : memref<100000x784xf32, #tpu.memory_space<hbm>> -> memref<1x784xf32, #tpu.memory_space<hbm>>
    %dma_start3A_1220 = tpu.memref_squeeze %dma_start3A_1219 : memref<1x784xf32, #tpu.memory_space<hbm>> -> memref<784xf32, #tpu.memory_space<hbm>>
    %dma_start3A_1221 = arith.constant 0 : i32
    %dma_start3A_1222 = tpu.memref_slice %arg8[%dma_start3A_1214, %dma_start3A_1221] : memref<64x784xf32, #tpu.memory_space<vmem>> -> memref<1x784xf32, #tpu.memory_space<vmem>>
    %dma_start3A_1223 = tpu.memref_squeeze %dma_start3A_1222 : memref<1x784xf32, #tpu.memory_space<vmem>> -> memref<784xf32, #tpu.memory_space<vmem>>
    %dma_start3A_1224 = arith.constant 0 : i32
    %dma_start3A_1225 = tpu.memref_slice %arg2[%squeeze3A_1213, %dma_start3A_1224] : memref<100000x784xf32, #tpu.memory_space<hbm>> -> memref<1x784xf32, #tpu.memory_space<hbm>>
    %dma_start3A_1226 = tpu.memref_squeeze %dma_start3A_1225 : memref<1x784xf32, #tpu.memory_space<hbm>> -> memref<784xf32, #tpu.memory_space<hbm>>
    tpu.enqueue_dma source(%dma_start3A_1226 : memref<784xf32, #tpu.memory_space<hbm>>) target(%dma_start3A_1223 : memref<784xf32, #tpu.memory_space<vmem>>) target_semaphore(%arg10 : memref<!tpu.dma_semaphore, #tpu.memory_space<semaphore_mem>>)
    %dma_start3A_1227 = arith.constant 43 : i32
    %dma_start3A_1228 = arith.constant 0 : i32
    %dma_start3A_1229 = tpu.memref_slice %arg9[%dma_start3A_1227, %dma_start3A_1228] : memref<64x16xf32, #tpu.memory_space<vmem>> -> memref<1x16xf32, #tpu.memory_space<vmem>>
    %dma_start3A_1230 = tpu.memref_squeeze %dma_start3A_1229 : memref<1x16xf32, #tpu.memory_space<vmem>> -> memref<16xf32, #tpu.memory_space<vmem>>
    %dma_start3A_1231 = arith.constant 0 : i32
    %dma_start3A_1232 = tpu.memref_slice %arg3[%squeeze3A_1213, %dma_start3A_1231] : memref<100000x16xf32, #tpu.memory_space<hbm>> -> memref<1x16xf32, #tpu.memory_space<hbm>>
    %dma_start3A_1233 = tpu.memref_squeeze %dma_start3A_1232 : memref<1x16xf32, #tpu.memory_space<hbm>> -> memref<16xf32, #tpu.memory_space<hbm>>
    %dma_start3A_1234 = arith.constant 0 : i32
    %dma_start3A_1235 = tpu.memref_slice %arg9[%dma_start3A_1227, %dma_start3A_1234] : memref<64x16xf32, #tpu.memory_space<vmem>> -> memref<1x16xf32, #tpu.memory_space<vmem>>
    %dma_start3A_1236 = tpu.memref_squeeze %dma_start3A_1235 : memref<1x16xf32, #tpu.memory_space<vmem>> -> memref<16xf32, #tpu.memory_space<vmem>>
    %dma_start3A_1237 = arith.constant 0 : i32
    %dma_start3A_1238 = tpu.memref_slice %arg3[%squeeze3A_1213, %dma_start3A_1237] : memref<100000x16xf32, #tpu.memory_space<hbm>> -> memref<1x16xf32, #tpu.memory_space<hbm>>
    %dma_start3A_1239 = tpu.memref_squeeze %dma_start3A_1238 : memref<1x16xf32, #tpu.memory_space<hbm>> -> memref<16xf32, #tpu.memory_space<hbm>>
    tpu.enqueue_dma source(%dma_start3A_1239 : memref<16xf32, #tpu.memory_space<hbm>>) target(%dma_start3A_1236 : memref<16xf32, #tpu.memory_space<vmem>>) target_semaphore(%arg11 : memref<!tpu.dma_semaphore, #tpu.memory_space<semaphore_mem>>)
    %slice3A_1240 = vector.extract_strided_slice %get3A_903 {offsets = [12], sizes = [1], strides = [1]} : vector<16xi32> to vector<1xi32>
    %squeeze3A_1241 = vector.extract %slice3A_1240[0] : i32 from vector<1xi32>
    %dma_start3A_1242 = arith.constant 44 : i32
    %dma_start3A_1243 = arith.constant 0 : i32
    %dma_start3A_1244 = tpu.memref_slice %arg8[%dma_start3A_1242, %dma_start3A_1243] : memref<64x784xf32, #tpu.memory_space<vmem>> -> memref<1x784xf32, #tpu.memory_space<vmem>>
    %dma_start3A_1245 = tpu.memref_squeeze %dma_start3A_1244 : memref<1x784xf32, #tpu.memory_space<vmem>> -> memref<784xf32, #tpu.memory_space<vmem>>
    %dma_start3A_1246 = arith.constant 0 : i32
    %dma_start3A_1247 = tpu.memref_slice %arg2[%squeeze3A_1241, %dma_start3A_1246] : memref<100000x784xf32, #tpu.memory_space<hbm>> -> memref<1x784xf32, #tpu.memory_space<hbm>>
    %dma_start3A_1248 = tpu.memref_squeeze %dma_start3A_1247 : memref<1x784xf32, #tpu.memory_space<hbm>> -> memref<784xf32, #tpu.memory_space<hbm>>
    %dma_start3A_1249 = arith.constant 0 : i32
    %dma_start3A_1250 = tpu.memref_slice %arg8[%dma_start3A_1242, %dma_start3A_1249] : memref<64x784xf32, #tpu.memory_space<vmem>> -> memref<1x784xf32, #tpu.memory_space<vmem>>
    %dma_start3A_1251 = tpu.memref_squeeze %dma_start3A_1250 : memref<1x784xf32, #tpu.memory_space<vmem>> -> memref<784xf32, #tpu.memory_space<vmem>>
    %dma_start3A_1252 = arith.constant 0 : i32
    %dma_start3A_1253 = tpu.memref_slice %arg2[%squeeze3A_1241, %dma_start3A_1252] : memref<100000x784xf32, #tpu.memory_space<hbm>> -> memref<1x784xf32, #tpu.memory_space<hbm>>
    %dma_start3A_1254 = tpu.memref_squeeze %dma_start3A_1253 : memref<1x784xf32, #tpu.memory_space<hbm>> -> memref<784xf32, #tpu.memory_space<hbm>>
    tpu.enqueue_dma source(%dma_start3A_1254 : memref<784xf32, #tpu.memory_space<hbm>>) target(%dma_start3A_1251 : memref<784xf32, #tpu.memory_space<vmem>>) target_semaphore(%arg10 : memref<!tpu.dma_semaphore, #tpu.memory_space<semaphore_mem>>)
    %dma_start3A_1255 = arith.constant 44 : i32
    %dma_start3A_1256 = arith.constant 0 : i32
    %dma_start3A_1257 = tpu.memref_slice %arg9[%dma_start3A_1255, %dma_start3A_1256] : memref<64x16xf32, #tpu.memory_space<vmem>> -> memref<1x16xf32, #tpu.memory_space<vmem>>
    %dma_start3A_1258 = tpu.memref_squeeze %dma_start3A_1257 : memref<1x16xf32, #tpu.memory_space<vmem>> -> memref<16xf32, #tpu.memory_space<vmem>>
    %dma_start3A_1259 = arith.constant 0 : i32
    %dma_start3A_1260 = tpu.memref_slice %arg3[%squeeze3A_1241, %dma_start3A_1259] : memref<100000x16xf32, #tpu.memory_space<hbm>> -> memref<1x16xf32, #tpu.memory_space<hbm>>
    %dma_start3A_1261 = tpu.memref_squeeze %dma_start3A_1260 : memref<1x16xf32, #tpu.memory_space<hbm>> -> memref<16xf32, #tpu.memory_space<hbm>>
    %dma_start3A_1262 = arith.constant 0 : i32
    %dma_start3A_1263 = tpu.memref_slice %arg9[%dma_start3A_1255, %dma_start3A_1262] : memref<64x16xf32, #tpu.memory_space<vmem>> -> memref<1x16xf32, #tpu.memory_space<vmem>>
    %dma_start3A_1264 = tpu.memref_squeeze %dma_start3A_1263 : memref<1x16xf32, #tpu.memory_space<vmem>> -> memref<16xf32, #tpu.memory_space<vmem>>
    %dma_start3A_1265 = arith.constant 0 : i32
    %dma_start3A_1266 = tpu.memref_slice %arg3[%squeeze3A_1241, %dma_start3A_1265] : memref<100000x16xf32, #tpu.memory_space<hbm>> -> memref<1x16xf32, #tpu.memory_space<hbm>>
    %dma_start3A_1267 = tpu.memref_squeeze %dma_start3A_1266 : memref<1x16xf32, #tpu.memory_space<hbm>> -> memref<16xf32, #tpu.memory_space<hbm>>
    tpu.enqueue_dma source(%dma_start3A_1267 : memref<16xf32, #tpu.memory_space<hbm>>) target(%dma_start3A_1264 : memref<16xf32, #tpu.memory_space<vmem>>) target_semaphore(%arg11 : memref<!tpu.dma_semaphore, #tpu.memory_space<semaphore_mem>>)
    %slice3A_1268 = vector.extract_strided_slice %get3A_903 {offsets = [13], sizes = [1], strides = [1]} : vector<16xi32> to vector<1xi32>
    %squeeze3A_1269 = vector.extract %slice3A_1268[0] : i32 from vector<1xi32>
    %dma_start3A_1270 = arith.constant 45 : i32
    %dma_start3A_1271 = arith.constant 0 : i32
    %dma_start3A_1272 = tpu.memref_slice %arg8[%dma_start3A_1270, %dma_start3A_1271] : memref<64x784xf32, #tpu.memory_space<vmem>> -> memref<1x784xf32, #tpu.memory_space<vmem>>
    %dma_start3A_1273 = tpu.memref_squeeze %dma_start3A_1272 : memref<1x784xf32, #tpu.memory_space<vmem>> -> memref<784xf32, #tpu.memory_space<vmem>>
    %dma_start3A_1274 = arith.constant 0 : i32
    %dma_start3A_1275 = tpu.memref_slice %arg2[%squeeze3A_1269, %dma_start3A_1274] : memref<100000x784xf32, #tpu.memory_space<hbm>> -> memref<1x784xf32, #tpu.memory_space<hbm>>
    %dma_start3A_1276 = tpu.memref_squeeze %dma_start3A_1275 : memref<1x784xf32, #tpu.memory_space<hbm>> -> memref<784xf32, #tpu.memory_space<hbm>>
    %dma_start3A_1277 = arith.constant 0 : i32
    %dma_start3A_1278 = tpu.memref_slice %arg8[%dma_start3A_1270, %dma_start3A_1277] : memref<64x784xf32, #tpu.memory_space<vmem>> -> memref<1x784xf32, #tpu.memory_space<vmem>>
    %dma_start3A_1279 = tpu.memref_squeeze %dma_start3A_1278 : memref<1x784xf32, #tpu.memory_space<vmem>> -> memref<784xf32, #tpu.memory_space<vmem>>
    %dma_start3A_1280 = arith.constant 0 : i32
    %dma_start3A_1281 = tpu.memref_slice %arg2[%squeeze3A_1269, %dma_start3A_1280] : memref<100000x784xf32, #tpu.memory_space<hbm>> -> memref<1x784xf32, #tpu.memory_space<hbm>>
    %dma_start3A_1282 = tpu.memref_squeeze %dma_start3A_1281 : memref<1x784xf32, #tpu.memory_space<hbm>> -> memref<784xf32, #tpu.memory_space<hbm>>
    tpu.enqueue_dma source(%dma_start3A_1282 : memref<784xf32, #tpu.memory_space<hbm>>) target(%dma_start3A_1279 : memref<784xf32, #tpu.memory_space<vmem>>) target_semaphore(%arg10 : memref<!tpu.dma_semaphore, #tpu.memory_space<semaphore_mem>>)
    %dma_start3A_1283 = arith.constant 45 : i32
    %dma_start3A_1284 = arith.constant 0 : i32
    %dma_start3A_1285 = tpu.memref_slice %arg9[%dma_start3A_1283, %dma_start3A_1284] : memref<64x16xf32, #tpu.memory_space<vmem>> -> memref<1x16xf32, #tpu.memory_space<vmem>>
    %dma_start3A_1286 = tpu.memref_squeeze %dma_start3A_1285 : memref<1x16xf32, #tpu.memory_space<vmem>> -> memref<16xf32, #tpu.memory_space<vmem>>
    %dma_start3A_1287 = arith.constant 0 : i32
    %dma_start3A_1288 = tpu.memref_slice %arg3[%squeeze3A_1269, %dma_start3A_1287] : memref<100000x16xf32, #tpu.memory_space<hbm>> -> memref<1x16xf32, #tpu.memory_space<hbm>>
    %dma_start3A_1289 = tpu.memref_squeeze %dma_start3A_1288 : memref<1x16xf32, #tpu.memory_space<hbm>> -> memref<16xf32, #tpu.memory_space<hbm>>
    %dma_start3A_1290 = arith.constant 0 : i32
    %dma_start3A_1291 = tpu.memref_slice %arg9[%dma_start3A_1283, %dma_start3A_1290] : memref<64x16xf32, #tpu.memory_space<vmem>> -> memref<1x16xf32, #tpu.memory_space<vmem>>
    %dma_start3A_1292 = tpu.memref_squeeze %dma_start3A_1291 : memref<1x16xf32, #tpu.memory_space<vmem>> -> memref<16xf32, #tpu.memory_space<vmem>>
    %dma_start3A_1293 = arith.constant 0 : i32
    %dma_start3A_1294 = tpu.memref_slice %arg3[%squeeze3A_1269, %dma_start3A_1293] : memref<100000x16xf32, #tpu.memory_space<hbm>> -> memref<1x16xf32, #tpu.memory_space<hbm>>
    %dma_start3A_1295 = tpu.memref_squeeze %dma_start3A_1294 : memref<1x16xf32, #tpu.memory_space<hbm>> -> memref<16xf32, #tpu.memory_space<hbm>>
    tpu.enqueue_dma source(%dma_start3A_1295 : memref<16xf32, #tpu.memory_space<hbm>>) target(%dma_start3A_1292 : memref<16xf32, #tpu.memory_space<vmem>>) target_semaphore(%arg11 : memref<!tpu.dma_semaphore, #tpu.memory_space<semaphore_mem>>)
    %slice3A_1296 = vector.extract_strided_slice %get3A_903 {offsets = [14], sizes = [1], strides = [1]} : vector<16xi32> to vector<1xi32>
    %squeeze3A_1297 = vector.extract %slice3A_1296[0] : i32 from vector<1xi32>
    %dma_start3A_1298 = arith.constant 46 : i32
    %dma_start3A_1299 = arith.constant 0 : i32
    %dma_start3A_1300 = tpu.memref_slice %arg8[%dma_start3A_1298, %dma_start3A_1299] : memref<64x784xf32, #tpu.memory_space<vmem>> -> memref<1x784xf32, #tpu.memory_space<vmem>>
    %dma_start3A_1301 = tpu.memref_squeeze %dma_start3A_1300 : memref<1x784xf32, #tpu.memory_space<vmem>> -> memref<784xf32, #tpu.memory_space<vmem>>
    %dma_start3A_1302 = arith.constant 0 : i32
    %dma_start3A_1303 = tpu.memref_slice %arg2[%squeeze3A_1297, %dma_start3A_1302] : memref<100000x784xf32, #tpu.memory_space<hbm>> -> memref<1x784xf32, #tpu.memory_space<hbm>>
    %dma_start3A_1304 = tpu.memref_squeeze %dma_start3A_1303 : memref<1x784xf32, #tpu.memory_space<hbm>> -> memref<784xf32, #tpu.memory_space<hbm>>
    %dma_start3A_1305 = arith.constant 0 : i32
    %dma_start3A_1306 = tpu.memref_slice %arg8[%dma_start3A_1298, %dma_start3A_1305] : memref<64x784xf32, #tpu.memory_space<vmem>> -> memref<1x784xf32, #tpu.memory_space<vmem>>
    %dma_start3A_1307 = tpu.memref_squeeze %dma_start3A_1306 : memref<1x784xf32, #tpu.memory_space<vmem>> -> memref<784xf32, #tpu.memory_space<vmem>>
    %dma_start3A_1308 = arith.constant 0 : i32
    %dma_start3A_1309 = tpu.memref_slice %arg2[%squeeze3A_1297, %dma_start3A_1308] : memref<100000x784xf32, #tpu.memory_space<hbm>> -> memref<1x784xf32, #tpu.memory_space<hbm>>
    %dma_start3A_1310 = tpu.memref_squeeze %dma_start3A_1309 : memref<1x784xf32, #tpu.memory_space<hbm>> -> memref<784xf32, #tpu.memory_space<hbm>>
    tpu.enqueue_dma source(%dma_start3A_1310 : memref<784xf32, #tpu.memory_space<hbm>>) target(%dma_start3A_1307 : memref<784xf32, #tpu.memory_space<vmem>>) target_semaphore(%arg10 : memref<!tpu.dma_semaphore, #tpu.memory_space<semaphore_mem>>)
    %dma_start3A_1311 = arith.constant 46 : i32
    %dma_start3A_1312 = arith.constant 0 : i32
    %dma_start3A_1313 = tpu.memref_slice %arg9[%dma_start3A_1311, %dma_start3A_1312] : memref<64x16xf32, #tpu.memory_space<vmem>> -> memref<1x16xf32, #tpu.memory_space<vmem>>
    %dma_start3A_1314 = tpu.memref_squeeze %dma_start3A_1313 : memref<1x16xf32, #tpu.memory_space<vmem>> -> memref<16xf32, #tpu.memory_space<vmem>>
    %dma_start3A_1315 = arith.constant 0 : i32
    %dma_start3A_1316 = tpu.memref_slice %arg3[%squeeze3A_1297, %dma_start3A_1315] : memref<100000x16xf32, #tpu.memory_space<hbm>> -> memref<1x16xf32, #tpu.memory_space<hbm>>
    %dma_start3A_1317 = tpu.memref_squeeze %dma_start3A_1316 : memref<1x16xf32, #tpu.memory_space<hbm>> -> memref<16xf32, #tpu.memory_space<hbm>>
    %dma_start3A_1318 = arith.constant 0 : i32
    %dma_start3A_1319 = tpu.memref_slice %arg9[%dma_start3A_1311, %dma_start3A_1318] : memref<64x16xf32, #tpu.memory_space<vmem>> -> memref<1x16xf32, #tpu.memory_space<vmem>>
    %dma_start3A_1320 = tpu.memref_squeeze %dma_start3A_1319 : memref<1x16xf32, #tpu.memory_space<vmem>> -> memref<16xf32, #tpu.memory_space<vmem>>
    %dma_start3A_1321 = arith.constant 0 : i32
    %dma_start3A_1322 = tpu.memref_slice %arg3[%squeeze3A_1297, %dma_start3A_1321] : memref<100000x16xf32, #tpu.memory_space<hbm>> -> memref<1x16xf32, #tpu.memory_space<hbm>>
    %dma_start3A_1323 = tpu.memref_squeeze %dma_start3A_1322 : memref<1x16xf32, #tpu.memory_space<hbm>> -> memref<16xf32, #tpu.memory_space<hbm>>
    tpu.enqueue_dma source(%dma_start3A_1323 : memref<16xf32, #tpu.memory_space<hbm>>) target(%dma_start3A_1320 : memref<16xf32, #tpu.memory_space<vmem>>) target_semaphore(%arg11 : memref<!tpu.dma_semaphore, #tpu.memory_space<semaphore_mem>>)
    %slice3A_1324 = vector.extract_strided_slice %get3A_903 {offsets = [15], sizes = [1], strides = [1]} : vector<16xi32> to vector<1xi32>
    %squeeze3A_1325 = vector.extract %slice3A_1324[0] : i32 from vector<1xi32>
    %dma_start3A_1326 = arith.constant 47 : i32
    %dma_start3A_1327 = arith.constant 0 : i32
    %dma_start3A_1328 = tpu.memref_slice %arg8[%dma_start3A_1326, %dma_start3A_1327] : memref<64x784xf32, #tpu.memory_space<vmem>> -> memref<1x784xf32, #tpu.memory_space<vmem>>
    %dma_start3A_1329 = tpu.memref_squeeze %dma_start3A_1328 : memref<1x784xf32, #tpu.memory_space<vmem>> -> memref<784xf32, #tpu.memory_space<vmem>>
    %dma_start3A_1330 = arith.constant 0 : i32
    %dma_start3A_1331 = tpu.memref_slice %arg2[%squeeze3A_1325, %dma_start3A_1330] : memref<100000x784xf32, #tpu.memory_space<hbm>> -> memref<1x784xf32, #tpu.memory_space<hbm>>
    %dma_start3A_1332 = tpu.memref_squeeze %dma_start3A_1331 : memref<1x784xf32, #tpu.memory_space<hbm>> -> memref<784xf32, #tpu.memory_space<hbm>>
    %dma_start3A_1333 = arith.constant 0 : i32
    %dma_start3A_1334 = tpu.memref_slice %arg8[%dma_start3A_1326, %dma_start3A_1333] : memref<64x784xf32, #tpu.memory_space<vmem>> -> memref<1x784xf32, #tpu.memory_space<vmem>>
    %dma_start3A_1335 = tpu.memref_squeeze %dma_start3A_1334 : memref<1x784xf32, #tpu.memory_space<vmem>> -> memref<784xf32, #tpu.memory_space<vmem>>
    %dma_start3A_1336 = arith.constant 0 : i32
    %dma_start3A_1337 = tpu.memref_slice %arg2[%squeeze3A_1325, %dma_start3A_1336] : memref<100000x784xf32, #tpu.memory_space<hbm>> -> memref<1x784xf32, #tpu.memory_space<hbm>>
    %dma_start3A_1338 = tpu.memref_squeeze %dma_start3A_1337 : memref<1x784xf32, #tpu.memory_space<hbm>> -> memref<784xf32, #tpu.memory_space<hbm>>
    tpu.enqueue_dma source(%dma_start3A_1338 : memref<784xf32, #tpu.memory_space<hbm>>) target(%dma_start3A_1335 : memref<784xf32, #tpu.memory_space<vmem>>) target_semaphore(%arg10 : memref<!tpu.dma_semaphore, #tpu.memory_space<semaphore_mem>>)
    %dma_start3A_1339 = arith.constant 47 : i32
    %dma_start3A_1340 = arith.constant 0 : i32
    %dma_start3A_1341 = tpu.memref_slice %arg9[%dma_start3A_1339, %dma_start3A_1340] : memref<64x16xf32, #tpu.memory_space<vmem>> -> memref<1x16xf32, #tpu.memory_space<vmem>>
    %dma_start3A_1342 = tpu.memref_squeeze %dma_start3A_1341 : memref<1x16xf32, #tpu.memory_space<vmem>> -> memref<16xf32, #tpu.memory_space<vmem>>
    %dma_start3A_1343 = arith.constant 0 : i32
    %dma_start3A_1344 = tpu.memref_slice %arg3[%squeeze3A_1325, %dma_start3A_1343] : memref<100000x16xf32, #tpu.memory_space<hbm>> -> memref<1x16xf32, #tpu.memory_space<hbm>>
    %dma_start3A_1345 = tpu.memref_squeeze %dma_start3A_1344 : memref<1x16xf32, #tpu.memory_space<hbm>> -> memref<16xf32, #tpu.memory_space<hbm>>
    %dma_start3A_1346 = arith.constant 0 : i32
    %dma_start3A_1347 = tpu.memref_slice %arg9[%dma_start3A_1339, %dma_start3A_1346] : memref<64x16xf32, #tpu.memory_space<vmem>> -> memref<1x16xf32, #tpu.memory_space<vmem>>
    %dma_start3A_1348 = tpu.memref_squeeze %dma_start3A_1347 : memref<1x16xf32, #tpu.memory_space<vmem>> -> memref<16xf32, #tpu.memory_space<vmem>>
    %dma_start3A_1349 = arith.constant 0 : i32
    %dma_start3A_1350 = tpu.memref_slice %arg3[%squeeze3A_1325, %dma_start3A_1349] : memref<100000x16xf32, #tpu.memory_space<hbm>> -> memref<1x16xf32, #tpu.memory_space<hbm>>
    %dma_start3A_1351 = tpu.memref_squeeze %dma_start3A_1350 : memref<1x16xf32, #tpu.memory_space<hbm>> -> memref<16xf32, #tpu.memory_space<hbm>>
    tpu.enqueue_dma source(%dma_start3A_1351 : memref<16xf32, #tpu.memory_space<hbm>>) target(%dma_start3A_1348 : memref<16xf32, #tpu.memory_space<vmem>>) target_semaphore(%arg11 : memref<!tpu.dma_semaphore, #tpu.memory_space<semaphore_mem>>)
    %get3A_1352 = arith.constant 48 : index
    %get3A_1353 = tpu.vector_load %arg7[%get3A_1352] {strides = array<i32>} : memref<64xi32, #tpu.memory_space<vmem>>, vector<16xi32>,
    %get3A_1354 = vector.shape_cast %get3A_1353 : vector<16xi32> to vector<16xi32>
    %slice3A_1355 = vector.extract_strided_slice %get3A_1354 {offsets = [0], sizes = [1], strides = [1]} : vector<16xi32> to vector<1xi32>
    %squeeze3A_1356 = vector.extract %slice3A_1355[0] : i32 from vector<1xi32>
    %dma_start3A_1357 = arith.constant 48 : i32
    %dma_start3A_1358 = arith.constant 0 : i32
    %dma_start3A_1359 = tpu.memref_slice %arg8[%dma_start3A_1357, %dma_start3A_1358] : memref<64x784xf32, #tpu.memory_space<vmem>> -> memref<1x784xf32, #tpu.memory_space<vmem>>
    %dma_start3A_1360 = tpu.memref_squeeze %dma_start3A_1359 : memref<1x784xf32, #tpu.memory_space<vmem>> -> memref<784xf32, #tpu.memory_space<vmem>>
    %dma_start3A_1361 = arith.constant 0 : i32
    %dma_start3A_1362 = tpu.memref_slice %arg2[%squeeze3A_1356, %dma_start3A_1361] : memref<100000x784xf32, #tpu.memory_space<hbm>> -> memref<1x784xf32, #tpu.memory_space<hbm>>
    %dma_start3A_1363 = tpu.memref_squeeze %dma_start3A_1362 : memref<1x784xf32, #tpu.memory_space<hbm>> -> memref<784xf32, #tpu.memory_space<hbm>>
    %dma_start3A_1364 = arith.constant 0 : i32
    %dma_start3A_1365 = tpu.memref_slice %arg8[%dma_start3A_1357, %dma_start3A_1364] : memref<64x784xf32, #tpu.memory_space<vmem>> -> memref<1x784xf32, #tpu.memory_space<vmem>>
    %dma_start3A_1366 = tpu.memref_squeeze %dma_start3A_1365 : memref<1x784xf32, #tpu.memory_space<vmem>> -> memref<784xf32, #tpu.memory_space<vmem>>
    %dma_start3A_1367 = arith.constant 0 : i32
    %dma_start3A_1368 = tpu.memref_slice %arg2[%squeeze3A_1356, %dma_start3A_1367] : memref<100000x784xf32, #tpu.memory_space<hbm>> -> memref<1x784xf32, #tpu.memory_space<hbm>>
    %dma_start3A_1369 = tpu.memref_squeeze %dma_start3A_1368 : memref<1x784xf32, #tpu.memory_space<hbm>> -> memref<784xf32, #tpu.memory_space<hbm>>
    tpu.enqueue_dma source(%dma_start3A_1369 : memref<784xf32, #tpu.memory_space<hbm>>) target(%dma_start3A_1366 : memref<784xf32, #tpu.memory_space<vmem>>) target_semaphore(%arg10 : memref<!tpu.dma_semaphore, #tpu.memory_space<semaphore_mem>>)
    %dma_start3A_1370 = arith.constant 48 : i32
    %dma_start3A_1371 = arith.constant 0 : i32
    %dma_start3A_1372 = tpu.memref_slice %arg9[%dma_start3A_1370, %dma_start3A_1371] : memref<64x16xf32, #tpu.memory_space<vmem>> -> memref<1x16xf32, #tpu.memory_space<vmem>>
    %dma_start3A_1373 = tpu.memref_squeeze %dma_start3A_1372 : memref<1x16xf32, #tpu.memory_space<vmem>> -> memref<16xf32, #tpu.memory_space<vmem>>
    %dma_start3A_1374 = arith.constant 0 : i32
    %dma_start3A_1375 = tpu.memref_slice %arg3[%squeeze3A_1356, %dma_start3A_1374] : memref<100000x16xf32, #tpu.memory_space<hbm>> -> memref<1x16xf32, #tpu.memory_space<hbm>>
    %dma_start3A_1376 = tpu.memref_squeeze %dma_start3A_1375 : memref<1x16xf32, #tpu.memory_space<hbm>> -> memref<16xf32, #tpu.memory_space<hbm>>
    %dma_start3A_1377 = arith.constant 0 : i32
    %dma_start3A_1378 = tpu.memref_slice %arg9[%dma_start3A_1370, %dma_start3A_1377] : memref<64x16xf32, #tpu.memory_space<vmem>> -> memref<1x16xf32, #tpu.memory_space<vmem>>
    %dma_start3A_1379 = tpu.memref_squeeze %dma_start3A_1378 : memref<1x16xf32, #tpu.memory_space<vmem>> -> memref<16xf32, #tpu.memory_space<vmem>>
    %dma_start3A_1380 = arith.constant 0 : i32
    %dma_start3A_1381 = tpu.memref_slice %arg3[%squeeze3A_1356, %dma_start3A_1380] : memref<100000x16xf32, #tpu.memory_space<hbm>> -> memref<1x16xf32, #tpu.memory_space<hbm>>
    %dma_start3A_1382 = tpu.memref_squeeze %dma_start3A_1381 : memref<1x16xf32, #tpu.memory_space<hbm>> -> memref<16xf32, #tpu.memory_space<hbm>>
    tpu.enqueue_dma source(%dma_start3A_1382 : memref<16xf32, #tpu.memory_space<hbm>>) target(%dma_start3A_1379 : memref<16xf32, #tpu.memory_space<vmem>>) target_semaphore(%arg11 : memref<!tpu.dma_semaphore, #tpu.memory_space<semaphore_mem>>)
    %slice3A_1383 = vector.extract_strided_slice %get3A_1354 {offsets = [1], sizes = [1], strides = [1]} : vector<16xi32> to vector<1xi32>
    %squeeze3A_1384 = vector.extract %slice3A_1383[0] : i32 from vector<1xi32>
    %dma_start3A_1385 = arith.constant 49 : i32
    %dma_start3A_1386 = arith.constant 0 : i32
    %dma_start3A_1387 = tpu.memref_slice %arg8[%dma_start3A_1385, %dma_start3A_1386] : memref<64x784xf32, #tpu.memory_space<vmem>> -> memref<1x784xf32, #tpu.memory_space<vmem>>
    %dma_start3A_1388 = tpu.memref_squeeze %dma_start3A_1387 : memref<1x784xf32, #tpu.memory_space<vmem>> -> memref<784xf32, #tpu.memory_space<vmem>>
    %dma_start3A_1389 = arith.constant 0 : i32
    %dma_start3A_1390 = tpu.memref_slice %arg2[%squeeze3A_1384, %dma_start3A_1389] : memref<100000x784xf32, #tpu.memory_space<hbm>> -> memref<1x784xf32, #tpu.memory_space<hbm>>
    %dma_start3A_1391 = tpu.memref_squeeze %dma_start3A_1390 : memref<1x784xf32, #tpu.memory_space<hbm>> -> memref<784xf32, #tpu.memory_space<hbm>>
    %dma_start3A_1392 = arith.constant 0 : i32
    %dma_start3A_1393 = tpu.memref_slice %arg8[%dma_start3A_1385, %dma_start3A_1392] : memref<64x784xf32, #tpu.memory_space<vmem>> -> memref<1x784xf32, #tpu.memory_space<vmem>>
    %dma_start3A_1394 = tpu.memref_squeeze %dma_start3A_1393 : memref<1x784xf32, #tpu.memory_space<vmem>> -> memref<784xf32, #tpu.memory_space<vmem>>
    %dma_start3A_1395 = arith.constant 0 : i32
    %dma_start3A_1396 = tpu.memref_slice %arg2[%squeeze3A_1384, %dma_start3A_1395] : memref<100000x784xf32, #tpu.memory_space<hbm>> -> memref<1x784xf32, #tpu.memory_space<hbm>>
    %dma_start3A_1397 = tpu.memref_squeeze %dma_start3A_1396 : memref<1x784xf32, #tpu.memory_space<hbm>> -> memref<784xf32, #tpu.memory_space<hbm>>
    tpu.enqueue_dma source(%dma_start3A_1397 : memref<784xf32, #tpu.memory_space<hbm>>) target(%dma_start3A_1394 : memref<784xf32, #tpu.memory_space<vmem>>) target_semaphore(%arg10 : memref<!tpu.dma_semaphore, #tpu.memory_space<semaphore_mem>>)
    %dma_start3A_1398 = arith.constant 49 : i32
    %dma_start3A_1399 = arith.constant 0 : i32
    %dma_start3A_1400 = tpu.memref_slice %arg9[%dma_start3A_1398, %dma_start3A_1399] : memref<64x16xf32, #tpu.memory_space<vmem>> -> memref<1x16xf32, #tpu.memory_space<vmem>>
    %dma_start3A_1401 = tpu.memref_squeeze %dma_start3A_1400 : memref<1x16xf32, #tpu.memory_space<vmem>> -> memref<16xf32, #tpu.memory_space<vmem>>
    %dma_start3A_1402 = arith.constant 0 : i32
    %dma_start3A_1403 = tpu.memref_slice %arg3[%squeeze3A_1384, %dma_start3A_1402] : memref<100000x16xf32, #tpu.memory_space<hbm>> -> memref<1x16xf32, #tpu.memory_space<hbm>>
    %dma_start3A_1404 = tpu.memref_squeeze %dma_start3A_1403 : memref<1x16xf32, #tpu.memory_space<hbm>> -> memref<16xf32, #tpu.memory_space<hbm>>
    %dma_start3A_1405 = arith.constant 0 : i32
    %dma_start3A_1406 = tpu.memref_slice %arg9[%dma_start3A_1398, %dma_start3A_1405] : memref<64x16xf32, #tpu.memory_space<vmem>> -> memref<1x16xf32, #tpu.memory_space<vmem>>
    %dma_start3A_1407 = tpu.memref_squeeze %dma_start3A_1406 : memref<1x16xf32, #tpu.memory_space<vmem>> -> memref<16xf32, #tpu.memory_space<vmem>>
    %dma_start3A_1408 = arith.constant 0 : i32
    %dma_start3A_1409 = tpu.memref_slice %arg3[%squeeze3A_1384, %dma_start3A_1408] : memref<100000x16xf32, #tpu.memory_space<hbm>> -> memref<1x16xf32, #tpu.memory_space<hbm>>
    %dma_start3A_1410 = tpu.memref_squeeze %dma_start3A_1409 : memref<1x16xf32, #tpu.memory_space<hbm>> -> memref<16xf32, #tpu.memory_space<hbm>>
    tpu.enqueue_dma source(%dma_start3A_1410 : memref<16xf32, #tpu.memory_space<hbm>>) target(%dma_start3A_1407 : memref<16xf32, #tpu.memory_space<vmem>>) target_semaphore(%arg11 : memref<!tpu.dma_semaphore, #tpu.memory_space<semaphore_mem>>)
    %slice3A_1411 = vector.extract_strided_slice %get3A_1354 {offsets = [2], sizes = [1], strides = [1]} : vector<16xi32> to vector<1xi32>
    %squeeze3A_1412 = vector.extract %slice3A_1411[0] : i32 from vector<1xi32>
    %dma_start3A_1413 = arith.constant 50 : i32
    %dma_start3A_1414 = arith.constant 0 : i32
    %dma_start3A_1415 = tpu.memref_slice %arg8[%dma_start3A_1413, %dma_start3A_1414] : memref<64x784xf32, #tpu.memory_space<vmem>> -> memref<1x784xf32, #tpu.memory_space<vmem>>
    %dma_start3A_1416 = tpu.memref_squeeze %dma_start3A_1415 : memref<1x784xf32, #tpu.memory_space<vmem>> -> memref<784xf32, #tpu.memory_space<vmem>>
    %dma_start3A_1417 = arith.constant 0 : i32
    %dma_start3A_1418 = tpu.memref_slice %arg2[%squeeze3A_1412, %dma_start3A_1417] : memref<100000x784xf32, #tpu.memory_space<hbm>> -> memref<1x784xf32, #tpu.memory_space<hbm>>
    %dma_start3A_1419 = tpu.memref_squeeze %dma_start3A_1418 : memref<1x784xf32, #tpu.memory_space<hbm>> -> memref<784xf32, #tpu.memory_space<hbm>>
    %dma_start3A_1420 = arith.constant 0 : i32
    %dma_start3A_1421 = tpu.memref_slice %arg8[%dma_start3A_1413, %dma_start3A_1420] : memref<64x784xf32, #tpu.memory_space<vmem>> -> memref<1x784xf32, #tpu.memory_space<vmem>>
    %dma_start3A_1422 = tpu.memref_squeeze %dma_start3A_1421 : memref<1x784xf32, #tpu.memory_space<vmem>> -> memref<784xf32, #tpu.memory_space<vmem>>
    %dma_start3A_1423 = arith.constant 0 : i32
    %dma_start3A_1424 = tpu.memref_slice %arg2[%squeeze3A_1412, %dma_start3A_1423] : memref<100000x784xf32, #tpu.memory_space<hbm>> -> memref<1x784xf32, #tpu.memory_space<hbm>>
    %dma_start3A_1425 = tpu.memref_squeeze %dma_start3A_1424 : memref<1x784xf32, #tpu.memory_space<hbm>> -> memref<784xf32, #tpu.memory_space<hbm>>
    tpu.enqueue_dma source(%dma_start3A_1425 : memref<784xf32, #tpu.memory_space<hbm>>) target(%dma_start3A_1422 : memref<784xf32, #tpu.memory_space<vmem>>) target_semaphore(%arg10 : memref<!tpu.dma_semaphore, #tpu.memory_space<semaphore_mem>>)
    %dma_start3A_1426 = arith.constant 50 : i32
    %dma_start3A_1427 = arith.constant 0 : i32
    %dma_start3A_1428 = tpu.memref_slice %arg9[%dma_start3A_1426, %dma_start3A_1427] : memref<64x16xf32, #tpu.memory_space<vmem>> -> memref<1x16xf32, #tpu.memory_space<vmem>>
    %dma_start3A_1429 = tpu.memref_squeeze %dma_start3A_1428 : memref<1x16xf32, #tpu.memory_space<vmem>> -> memref<16xf32, #tpu.memory_space<vmem>>
    %dma_start3A_1430 = arith.constant 0 : i32
    %dma_start3A_1431 = tpu.memref_slice %arg3[%squeeze3A_1412, %dma_start3A_1430] : memref<100000x16xf32, #tpu.memory_space<hbm>> -> memref<1x16xf32, #tpu.memory_space<hbm>>
    %dma_start3A_1432 = tpu.memref_squeeze %dma_start3A_1431 : memref<1x16xf32, #tpu.memory_space<hbm>> -> memref<16xf32, #tpu.memory_space<hbm>>
    %dma_start3A_1433 = arith.constant 0 : i32
    %dma_start3A_1434 = tpu.memref_slice %arg9[%dma_start3A_1426, %dma_start3A_1433] : memref<64x16xf32, #tpu.memory_space<vmem>> -> memref<1x16xf32, #tpu.memory_space<vmem>>
    %dma_start3A_1435 = tpu.memref_squeeze %dma_start3A_1434 : memref<1x16xf32, #tpu.memory_space<vmem>> -> memref<16xf32, #tpu.memory_space<vmem>>
    %dma_start3A_1436 = arith.constant 0 : i32
    %dma_start3A_1437 = tpu.memref_slice %arg3[%squeeze3A_1412, %dma_start3A_1436] : memref<100000x16xf32, #tpu.memory_space<hbm>> -> memref<1x16xf32, #tpu.memory_space<hbm>>
    %dma_start3A_1438 = tpu.memref_squeeze %dma_start3A_1437 : memref<1x16xf32, #tpu.memory_space<hbm>> -> memref<16xf32, #tpu.memory_space<hbm>>
    tpu.enqueue_dma source(%dma_start3A_1438 : memref<16xf32, #tpu.memory_space<hbm>>) target(%dma_start3A_1435 : memref<16xf32, #tpu.memory_space<vmem>>) target_semaphore(%arg11 : memref<!tpu.dma_semaphore, #tpu.memory_space<semaphore_mem>>)
    %slice3A_1439 = vector.extract_strided_slice %get3A_1354 {offsets = [3], sizes = [1], strides = [1]} : vector<16xi32> to vector<1xi32>
    %squeeze3A_1440 = vector.extract %slice3A_1439[0] : i32 from vector<1xi32>
    %dma_start3A_1441 = arith.constant 51 : i32
    %dma_start3A_1442 = arith.constant 0 : i32
    %dma_start3A_1443 = tpu.memref_slice %arg8[%dma_start3A_1441, %dma_start3A_1442] : memref<64x784xf32, #tpu.memory_space<vmem>> -> memref<1x784xf32, #tpu.memory_space<vmem>>
    %dma_start3A_1444 = tpu.memref_squeeze %dma_start3A_1443 : memref<1x784xf32, #tpu.memory_space<vmem>> -> memref<784xf32, #tpu.memory_space<vmem>>
    %dma_start3A_1445 = arith.constant 0 : i32
    %dma_start3A_1446 = tpu.memref_slice %arg2[%squeeze3A_1440, %dma_start3A_1445] : memref<100000x784xf32, #tpu.memory_space<hbm>> -> memref<1x784xf32, #tpu.memory_space<hbm>>
    %dma_start3A_1447 = tpu.memref_squeeze %dma_start3A_1446 : memref<1x784xf32, #tpu.memory_space<hbm>> -> memref<784xf32, #tpu.memory_space<hbm>>
    %dma_start3A_1448 = arith.constant 0 : i32
    %dma_start3A_1449 = tpu.memref_slice %arg8[%dma_start3A_1441, %dma_start3A_1448] : memref<64x784xf32, #tpu.memory_space<vmem>> -> memref<1x784xf32, #tpu.memory_space<vmem>>
    %dma_start3A_1450 = tpu.memref_squeeze %dma_start3A_1449 : memref<1x784xf32, #tpu.memory_space<vmem>> -> memref<784xf32, #tpu.memory_space<vmem>>
    %dma_start3A_1451 = arith.constant 0 : i32
    %dma_start3A_1452 = tpu.memref_slice %arg2[%squeeze3A_1440, %dma_start3A_1451] : memref<100000x784xf32, #tpu.memory_space<hbm>> -> memref<1x784xf32, #tpu.memory_space<hbm>>
    %dma_start3A_1453 = tpu.memref_squeeze %dma_start3A_1452 : memref<1x784xf32, #tpu.memory_space<hbm>> -> memref<784xf32, #tpu.memory_space<hbm>>
    tpu.enqueue_dma source(%dma_start3A_1453 : memref<784xf32, #tpu.memory_space<hbm>>) target(%dma_start3A_1450 : memref<784xf32, #tpu.memory_space<vmem>>) target_semaphore(%arg10 : memref<!tpu.dma_semaphore, #tpu.memory_space<semaphore_mem>>)
    %dma_start3A_1454 = arith.constant 51 : i32
    %dma_start3A_1455 = arith.constant 0 : i32
    %dma_start3A_1456 = tpu.memref_slice %arg9[%dma_start3A_1454, %dma_start3A_1455] : memref<64x16xf32, #tpu.memory_space<vmem>> -> memref<1x16xf32, #tpu.memory_space<vmem>>
    %dma_start3A_1457 = tpu.memref_squeeze %dma_start3A_1456 : memref<1x16xf32, #tpu.memory_space<vmem>> -> memref<16xf32, #tpu.memory_space<vmem>>
    %dma_start3A_1458 = arith.constant 0 : i32
    %dma_start3A_1459 = tpu.memref_slice %arg3[%squeeze3A_1440, %dma_start3A_1458] : memref<100000x16xf32, #tpu.memory_space<hbm>> -> memref<1x16xf32, #tpu.memory_space<hbm>>
    %dma_start3A_1460 = tpu.memref_squeeze %dma_start3A_1459 : memref<1x16xf32, #tpu.memory_space<hbm>> -> memref<16xf32, #tpu.memory_space<hbm>>
    %dma_start3A_1461 = arith.constant 0 : i32
    %dma_start3A_1462 = tpu.memref_slice %arg9[%dma_start3A_1454, %dma_start3A_1461] : memref<64x16xf32, #tpu.memory_space<vmem>> -> memref<1x16xf32, #tpu.memory_space<vmem>>
    %dma_start3A_1463 = tpu.memref_squeeze %dma_start3A_1462 : memref<1x16xf32, #tpu.memory_space<vmem>> -> memref<16xf32, #tpu.memory_space<vmem>>
    %dma_start3A_1464 = arith.constant 0 : i32
    %dma_start3A_1465 = tpu.memref_slice %arg3[%squeeze3A_1440, %dma_start3A_1464] : memref<100000x16xf32, #tpu.memory_space<hbm>> -> memref<1x16xf32, #tpu.memory_space<hbm>>
    %dma_start3A_1466 = tpu.memref_squeeze %dma_start3A_1465 : memref<1x16xf32, #tpu.memory_space<hbm>> -> memref<16xf32, #tpu.memory_space<hbm>>
    tpu.enqueue_dma source(%dma_start3A_1466 : memref<16xf32, #tpu.memory_space<hbm>>) target(%dma_start3A_1463 : memref<16xf32, #tpu.memory_space<vmem>>) target_semaphore(%arg11 : memref<!tpu.dma_semaphore, #tpu.memory_space<semaphore_mem>>)
    %slice3A_1467 = vector.extract_strided_slice %get3A_1354 {offsets = [4], sizes = [1], strides = [1]} : vector<16xi32> to vector<1xi32>
    %squeeze3A_1468 = vector.extract %slice3A_1467[0] : i32 from vector<1xi32>
    %dma_start3A_1469 = arith.constant 52 : i32
    %dma_start3A_1470 = arith.constant 0 : i32
    %dma_start3A_1471 = tpu.memref_slice %arg8[%dma_start3A_1469, %dma_start3A_1470] : memref<64x784xf32, #tpu.memory_space<vmem>> -> memref<1x784xf32, #tpu.memory_space<vmem>>
    %dma_start3A_1472 = tpu.memref_squeeze %dma_start3A_1471 : memref<1x784xf32, #tpu.memory_space<vmem>> -> memref<784xf32, #tpu.memory_space<vmem>>
    %dma_start3A_1473 = arith.constant 0 : i32
    %dma_start3A_1474 = tpu.memref_slice %arg2[%squeeze3A_1468, %dma_start3A_1473] : memref<100000x784xf32, #tpu.memory_space<hbm>> -> memref<1x784xf32, #tpu.memory_space<hbm>>
    %dma_start3A_1475 = tpu.memref_squeeze %dma_start3A_1474 : memref<1x784xf32, #tpu.memory_space<hbm>> -> memref<784xf32, #tpu.memory_space<hbm>>
    %dma_start3A_1476 = arith.constant 0 : i32
    %dma_start3A_1477 = tpu.memref_slice %arg8[%dma_start3A_1469, %dma_start3A_1476] : memref<64x784xf32, #tpu.memory_space<vmem>> -> memref<1x784xf32, #tpu.memory_space<vmem>>
    %dma_start3A_1478 = tpu.memref_squeeze %dma_start3A_1477 : memref<1x784xf32, #tpu.memory_space<vmem>> -> memref<784xf32, #tpu.memory_space<vmem>>
    %dma_start3A_1479 = arith.constant 0 : i32
    %dma_start3A_1480 = tpu.memref_slice %arg2[%squeeze3A_1468, %dma_start3A_1479] : memref<100000x784xf32, #tpu.memory_space<hbm>> -> memref<1x784xf32, #tpu.memory_space<hbm>>
    %dma_start3A_1481 = tpu.memref_squeeze %dma_start3A_1480 : memref<1x784xf32, #tpu.memory_space<hbm>> -> memref<784xf32, #tpu.memory_space<hbm>>
    tpu.enqueue_dma source(%dma_start3A_1481 : memref<784xf32, #tpu.memory_space<hbm>>) target(%dma_start3A_1478 : memref<784xf32, #tpu.memory_space<vmem>>) target_semaphore(%arg10 : memref<!tpu.dma_semaphore, #tpu.memory_space<semaphore_mem>>)
    %dma_start3A_1482 = arith.constant 52 : i32
    %dma_start3A_1483 = arith.constant 0 : i32
    %dma_start3A_1484 = tpu.memref_slice %arg9[%dma_start3A_1482, %dma_start3A_1483] : memref<64x16xf32, #tpu.memory_space<vmem>> -> memref<1x16xf32, #tpu.memory_space<vmem>>
    %dma_start3A_1485 = tpu.memref_squeeze %dma_start3A_1484 : memref<1x16xf32, #tpu.memory_space<vmem>> -> memref<16xf32, #tpu.memory_space<vmem>>
    %dma_start3A_1486 = arith.constant 0 : i32
    %dma_start3A_1487 = tpu.memref_slice %arg3[%squeeze3A_1468, %dma_start3A_1486] : memref<100000x16xf32, #tpu.memory_space<hbm>> -> memref<1x16xf32, #tpu.memory_space<hbm>>
    %dma_start3A_1488 = tpu.memref_squeeze %dma_start3A_1487 : memref<1x16xf32, #tpu.memory_space<hbm>> -> memref<16xf32, #tpu.memory_space<hbm>>
    %dma_start3A_1489 = arith.constant 0 : i32
    %dma_start3A_1490 = tpu.memref_slice %arg9[%dma_start3A_1482, %dma_start3A_1489] : memref<64x16xf32, #tpu.memory_space<vmem>> -> memref<1x16xf32, #tpu.memory_space<vmem>>
    %dma_start3A_1491 = tpu.memref_squeeze %dma_start3A_1490 : memref<1x16xf32, #tpu.memory_space<vmem>> -> memref<16xf32, #tpu.memory_space<vmem>>
    %dma_start3A_1492 = arith.constant 0 : i32
    %dma_start3A_1493 = tpu.memref_slice %arg3[%squeeze3A_1468, %dma_start3A_1492] : memref<100000x16xf32, #tpu.memory_space<hbm>> -> memref<1x16xf32, #tpu.memory_space<hbm>>
    %dma_start3A_1494 = tpu.memref_squeeze %dma_start3A_1493 : memref<1x16xf32, #tpu.memory_space<hbm>> -> memref<16xf32, #tpu.memory_space<hbm>>
    tpu.enqueue_dma source(%dma_start3A_1494 : memref<16xf32, #tpu.memory_space<hbm>>) target(%dma_start3A_1491 : memref<16xf32, #tpu.memory_space<vmem>>) target_semaphore(%arg11 : memref<!tpu.dma_semaphore, #tpu.memory_space<semaphore_mem>>)
    %slice3A_1495 = vector.extract_strided_slice %get3A_1354 {offsets = [5], sizes = [1], strides = [1]} : vector<16xi32> to vector<1xi32>
    %squeeze3A_1496 = vector.extract %slice3A_1495[0] : i32 from vector<1xi32>
    %dma_start3A_1497 = arith.constant 53 : i32
    %dma_start3A_1498 = arith.constant 0 : i32
    %dma_start3A_1499 = tpu.memref_slice %arg8[%dma_start3A_1497, %dma_start3A_1498] : memref<64x784xf32, #tpu.memory_space<vmem>> -> memref<1x784xf32, #tpu.memory_space<vmem>>
    %dma_start3A_1500 = tpu.memref_squeeze %dma_start3A_1499 : memref<1x784xf32, #tpu.memory_space<vmem>> -> memref<784xf32, #tpu.memory_space<vmem>>
    %dma_start3A_1501 = arith.constant 0 : i32
    %dma_start3A_1502 = tpu.memref_slice %arg2[%squeeze3A_1496, %dma_start3A_1501] : memref<100000x784xf32, #tpu.memory_space<hbm>> -> memref<1x784xf32, #tpu.memory_space<hbm>>
    %dma_start3A_1503 = tpu.memref_squeeze %dma_start3A_1502 : memref<1x784xf32, #tpu.memory_space<hbm>> -> memref<784xf32, #tpu.memory_space<hbm>>
    %dma_start3A_1504 = arith.constant 0 : i32
    %dma_start3A_1505 = tpu.memref_slice %arg8[%dma_start3A_1497, %dma_start3A_1504] : memref<64x784xf32, #tpu.memory_space<vmem>> -> memref<1x784xf32, #tpu.memory_space<vmem>>
    %dma_start3A_1506 = tpu.memref_squeeze %dma_start3A_1505 : memref<1x784xf32, #tpu.memory_space<vmem>> -> memref<784xf32, #tpu.memory_space<vmem>>
    %dma_start3A_1507 = arith.constant 0 : i32
    %dma_start3A_1508 = tpu.memref_slice %arg2[%squeeze3A_1496, %dma_start3A_1507] : memref<100000x784xf32, #tpu.memory_space<hbm>> -> memref<1x784xf32, #tpu.memory_space<hbm>>
    %dma_start3A_1509 = tpu.memref_squeeze %dma_start3A_1508 : memref<1x784xf32, #tpu.memory_space<hbm>> -> memref<784xf32, #tpu.memory_space<hbm>>
    tpu.enqueue_dma source(%dma_start3A_1509 : memref<784xf32, #tpu.memory_space<hbm>>) target(%dma_start3A_1506 : memref<784xf32, #tpu.memory_space<vmem>>) target_semaphore(%arg10 : memref<!tpu.dma_semaphore, #tpu.memory_space<semaphore_mem>>)
    %dma_start3A_1510 = arith.constant 53 : i32
    %dma_start3A_1511 = arith.constant 0 : i32
    %dma_start3A_1512 = tpu.memref_slice %arg9[%dma_start3A_1510, %dma_start3A_1511] : memref<64x16xf32, #tpu.memory_space<vmem>> -> memref<1x16xf32, #tpu.memory_space<vmem>>
    %dma_start3A_1513 = tpu.memref_squeeze %dma_start3A_1512 : memref<1x16xf32, #tpu.memory_space<vmem>> -> memref<16xf32, #tpu.memory_space<vmem>>
    %dma_start3A_1514 = arith.constant 0 : i32
    %dma_start3A_1515 = tpu.memref_slice %arg3[%squeeze3A_1496, %dma_start3A_1514] : memref<100000x16xf32, #tpu.memory_space<hbm>> -> memref<1x16xf32, #tpu.memory_space<hbm>>
    %dma_start3A_1516 = tpu.memref_squeeze %dma_start3A_1515 : memref<1x16xf32, #tpu.memory_space<hbm>> -> memref<16xf32, #tpu.memory_space<hbm>>
    %dma_start3A_1517 = arith.constant 0 : i32
    %dma_start3A_1518 = tpu.memref_slice %arg9[%dma_start3A_1510, %dma_start3A_1517] : memref<64x16xf32, #tpu.memory_space<vmem>> -> memref<1x16xf32, #tpu.memory_space<vmem>>
    %dma_start3A_1519 = tpu.memref_squeeze %dma_start3A_1518 : memref<1x16xf32, #tpu.memory_space<vmem>> -> memref<16xf32, #tpu.memory_space<vmem>>
    %dma_start3A_1520 = arith.constant 0 : i32
    %dma_start3A_1521 = tpu.memref_slice %arg3[%squeeze3A_1496, %dma_start3A_1520] : memref<100000x16xf32, #tpu.memory_space<hbm>> -> memref<1x16xf32, #tpu.memory_space<hbm>>
    %dma_start3A_1522 = tpu.memref_squeeze %dma_start3A_1521 : memref<1x16xf32, #tpu.memory_space<hbm>> -> memref<16xf32, #tpu.memory_space<hbm>>
    tpu.enqueue_dma source(%dma_start3A_1522 : memref<16xf32, #tpu.memory_space<hbm>>) target(%dma_start3A_1519 : memref<16xf32, #tpu.memory_space<vmem>>) target_semaphore(%arg11 : memref<!tpu.dma_semaphore, #tpu.memory_space<semaphore_mem>>)
    %slice3A_1523 = vector.extract_strided_slice %get3A_1354 {offsets = [6], sizes = [1], strides = [1]} : vector<16xi32> to vector<1xi32>
    %squeeze3A_1524 = vector.extract %slice3A_1523[0] : i32 from vector<1xi32>
    %dma_start3A_1525 = arith.constant 54 : i32
    %dma_start3A_1526 = arith.constant 0 : i32
    %dma_start3A_1527 = tpu.memref_slice %arg8[%dma_start3A_1525, %dma_start3A_1526] : memref<64x784xf32, #tpu.memory_space<vmem>> -> memref<1x784xf32, #tpu.memory_space<vmem>>
    %dma_start3A_1528 = tpu.memref_squeeze %dma_start3A_1527 : memref<1x784xf32, #tpu.memory_space<vmem>> -> memref<784xf32, #tpu.memory_space<vmem>>
    %dma_start3A_1529 = arith.constant 0 : i32
    %dma_start3A_1530 = tpu.memref_slice %arg2[%squeeze3A_1524, %dma_start3A_1529] : memref<100000x784xf32, #tpu.memory_space<hbm>> -> memref<1x784xf32, #tpu.memory_space<hbm>>
    %dma_start3A_1531 = tpu.memref_squeeze %dma_start3A_1530 : memref<1x784xf32, #tpu.memory_space<hbm>> -> memref<784xf32, #tpu.memory_space<hbm>>
    %dma_start3A_1532 = arith.constant 0 : i32
    %dma_start3A_1533 = tpu.memref_slice %arg8[%dma_start3A_1525, %dma_start3A_1532] : memref<64x784xf32, #tpu.memory_space<vmem>> -> memref<1x784xf32, #tpu.memory_space<vmem>>
    %dma_start3A_1534 = tpu.memref_squeeze %dma_start3A_1533 : memref<1x784xf32, #tpu.memory_space<vmem>> -> memref<784xf32, #tpu.memory_space<vmem>>
    %dma_start3A_1535 = arith.constant 0 : i32
    %dma_start3A_1536 = tpu.memref_slice %arg2[%squeeze3A_1524, %dma_start3A_1535] : memref<100000x784xf32, #tpu.memory_space<hbm>> -> memref<1x784xf32, #tpu.memory_space<hbm>>
    %dma_start3A_1537 = tpu.memref_squeeze %dma_start3A_1536 : memref<1x784xf32, #tpu.memory_space<hbm>> -> memref<784xf32, #tpu.memory_space<hbm>>
    tpu.enqueue_dma source(%dma_start3A_1537 : memref<784xf32, #tpu.memory_space<hbm>>) target(%dma_start3A_1534 : memref<784xf32, #tpu.memory_space<vmem>>) target_semaphore(%arg10 : memref<!tpu.dma_semaphore, #tpu.memory_space<semaphore_mem>>)
    %dma_start3A_1538 = arith.constant 54 : i32
    %dma_start3A_1539 = arith.constant 0 : i32
    %dma_start3A_1540 = tpu.memref_slice %arg9[%dma_start3A_1538, %dma_start3A_1539] : memref<64x16xf32, #tpu.memory_space<vmem>> -> memref<1x16xf32, #tpu.memory_space<vmem>>
    %dma_start3A_1541 = tpu.memref_squeeze %dma_start3A_1540 : memref<1x16xf32, #tpu.memory_space<vmem>> -> memref<16xf32, #tpu.memory_space<vmem>>
    %dma_start3A_1542 = arith.constant 0 : i32
    %dma_start3A_1543 = tpu.memref_slice %arg3[%squeeze3A_1524, %dma_start3A_1542] : memref<100000x16xf32, #tpu.memory_space<hbm>> -> memref<1x16xf32, #tpu.memory_space<hbm>>
    %dma_start3A_1544 = tpu.memref_squeeze %dma_start3A_1543 : memref<1x16xf32, #tpu.memory_space<hbm>> -> memref<16xf32, #tpu.memory_space<hbm>>
    %dma_start3A_1545 = arith.constant 0 : i32
    %dma_start3A_1546 = tpu.memref_slice %arg9[%dma_start3A_1538, %dma_start3A_1545] : memref<64x16xf32, #tpu.memory_space<vmem>> -> memref<1x16xf32, #tpu.memory_space<vmem>>
    %dma_start3A_1547 = tpu.memref_squeeze %dma_start3A_1546 : memref<1x16xf32, #tpu.memory_space<vmem>> -> memref<16xf32, #tpu.memory_space<vmem>>
    %dma_start3A_1548 = arith.constant 0 : i32
    %dma_start3A_1549 = tpu.memref_slice %arg3[%squeeze3A_1524, %dma_start3A_1548] : memref<100000x16xf32, #tpu.memory_space<hbm>> -> memref<1x16xf32, #tpu.memory_space<hbm>>
    %dma_start3A_1550 = tpu.memref_squeeze %dma_start3A_1549 : memref<1x16xf32, #tpu.memory_space<hbm>> -> memref<16xf32, #tpu.memory_space<hbm>>
    tpu.enqueue_dma source(%dma_start3A_1550 : memref<16xf32, #tpu.memory_space<hbm>>) target(%dma_start3A_1547 : memref<16xf32, #tpu.memory_space<vmem>>) target_semaphore(%arg11 : memref<!tpu.dma_semaphore, #tpu.memory_space<semaphore_mem>>)
    %slice3A_1551 = vector.extract_strided_slice %get3A_1354 {offsets = [7], sizes = [1], strides = [1]} : vector<16xi32> to vector<1xi32>
    %squeeze3A_1552 = vector.extract %slice3A_1551[0] : i32 from vector<1xi32>
    %dma_start3A_1553 = arith.constant 55 : i32
    %dma_start3A_1554 = arith.constant 0 : i32
    %dma_start3A_1555 = tpu.memref_slice %arg8[%dma_start3A_1553, %dma_start3A_1554] : memref<64x784xf32, #tpu.memory_space<vmem>> -> memref<1x784xf32, #tpu.memory_space<vmem>>
    %dma_start3A_1556 = tpu.memref_squeeze %dma_start3A_1555 : memref<1x784xf32, #tpu.memory_space<vmem>> -> memref<784xf32, #tpu.memory_space<vmem>>
    %dma_start3A_1557 = arith.constant 0 : i32
    %dma_start3A_1558 = tpu.memref_slice %arg2[%squeeze3A_1552, %dma_start3A_1557] : memref<100000x784xf32, #tpu.memory_space<hbm>> -> memref<1x784xf32, #tpu.memory_space<hbm>>
    %dma_start3A_1559 = tpu.memref_squeeze %dma_start3A_1558 : memref<1x784xf32, #tpu.memory_space<hbm>> -> memref<784xf32, #tpu.memory_space<hbm>>
    %dma_start3A_1560 = arith.constant 0 : i32
    %dma_start3A_1561 = tpu.memref_slice %arg8[%dma_start3A_1553, %dma_start3A_1560] : memref<64x784xf32, #tpu.memory_space<vmem>> -> memref<1x784xf32, #tpu.memory_space<vmem>>
    %dma_start3A_1562 = tpu.memref_squeeze %dma_start3A_1561 : memref<1x784xf32, #tpu.memory_space<vmem>> -> memref<784xf32, #tpu.memory_space<vmem>>
    %dma_start3A_1563 = arith.constant 0 : i32
    %dma_start3A_1564 = tpu.memref_slice %arg2[%squeeze3A_1552, %dma_start3A_1563] : memref<100000x784xf32, #tpu.memory_space<hbm>> -> memref<1x784xf32, #tpu.memory_space<hbm>>
    %dma_start3A_1565 = tpu.memref_squeeze %dma_start3A_1564 : memref<1x784xf32, #tpu.memory_space<hbm>> -> memref<784xf32, #tpu.memory_space<hbm>>
    tpu.enqueue_dma source(%dma_start3A_1565 : memref<784xf32, #tpu.memory_space<hbm>>) target(%dma_start3A_1562 : memref<784xf32, #tpu.memory_space<vmem>>) target_semaphore(%arg10 : memref<!tpu.dma_semaphore, #tpu.memory_space<semaphore_mem>>)
    %dma_start3A_1566 = arith.constant 55 : i32
    %dma_start3A_1567 = arith.constant 0 : i32
    %dma_start3A_1568 = tpu.memref_slice %arg9[%dma_start3A_1566, %dma_start3A_1567] : memref<64x16xf32, #tpu.memory_space<vmem>> -> memref<1x16xf32, #tpu.memory_space<vmem>>
    %dma_start3A_1569 = tpu.memref_squeeze %dma_start3A_1568 : memref<1x16xf32, #tpu.memory_space<vmem>> -> memref<16xf32, #tpu.memory_space<vmem>>
    %dma_start3A_1570 = arith.constant 0 : i32
    %dma_start3A_1571 = tpu.memref_slice %arg3[%squeeze3A_1552, %dma_start3A_1570] : memref<100000x16xf32, #tpu.memory_space<hbm>> -> memref<1x16xf32, #tpu.memory_space<hbm>>
    %dma_start3A_1572 = tpu.memref_squeeze %dma_start3A_1571 : memref<1x16xf32, #tpu.memory_space<hbm>> -> memref<16xf32, #tpu.memory_space<hbm>>
    %dma_start3A_1573 = arith.constant 0 : i32
    %dma_start3A_1574 = tpu.memref_slice %arg9[%dma_start3A_1566, %dma_start3A_1573] : memref<64x16xf32, #tpu.memory_space<vmem>> -> memref<1x16xf32, #tpu.memory_space<vmem>>
    %dma_start3A_1575 = tpu.memref_squeeze %dma_start3A_1574 : memref<1x16xf32, #tpu.memory_space<vmem>> -> memref<16xf32, #tpu.memory_space<vmem>>
    %dma_start3A_1576 = arith.constant 0 : i32
    %dma_start3A_1577 = tpu.memref_slice %arg3[%squeeze3A_1552, %dma_start3A_1576] : memref<100000x16xf32, #tpu.memory_space<hbm>> -> memref<1x16xf32, #tpu.memory_space<hbm>>
    %dma_start3A_1578 = tpu.memref_squeeze %dma_start3A_1577 : memref<1x16xf32, #tpu.memory_space<hbm>> -> memref<16xf32, #tpu.memory_space<hbm>>
    tpu.enqueue_dma source(%dma_start3A_1578 : memref<16xf32, #tpu.memory_space<hbm>>) target(%dma_start3A_1575 : memref<16xf32, #tpu.memory_space<vmem>>) target_semaphore(%arg11 : memref<!tpu.dma_semaphore, #tpu.memory_space<semaphore_mem>>)
    %slice3A_1579 = vector.extract_strided_slice %get3A_1354 {offsets = [8], sizes = [1], strides = [1]} : vector<16xi32> to vector<1xi32>
    %squeeze3A_1580 = vector.extract %slice3A_1579[0] : i32 from vector<1xi32>
    %dma_start3A_1581 = arith.constant 56 : i32
    %dma_start3A_1582 = arith.constant 0 : i32
    %dma_start3A_1583 = tpu.memref_slice %arg8[%dma_start3A_1581, %dma_start3A_1582] : memref<64x784xf32, #tpu.memory_space<vmem>> -> memref<1x784xf32, #tpu.memory_space<vmem>>
    %dma_start3A_1584 = tpu.memref_squeeze %dma_start3A_1583 : memref<1x784xf32, #tpu.memory_space<vmem>> -> memref<784xf32, #tpu.memory_space<vmem>>
    %dma_start3A_1585 = arith.constant 0 : i32
    %dma_start3A_1586 = tpu.memref_slice %arg2[%squeeze3A_1580, %dma_start3A_1585] : memref<100000x784xf32, #tpu.memory_space<hbm>> -> memref<1x784xf32, #tpu.memory_space<hbm>>
    %dma_start3A_1587 = tpu.memref_squeeze %dma_start3A_1586 : memref<1x784xf32, #tpu.memory_space<hbm>> -> memref<784xf32, #tpu.memory_space<hbm>>
    %dma_start3A_1588 = arith.constant 0 : i32
    %dma_start3A_1589 = tpu.memref_slice %arg8[%dma_start3A_1581, %dma_start3A_1588] : memref<64x784xf32, #tpu.memory_space<vmem>> -> memref<1x784xf32, #tpu.memory_space<vmem>>
    %dma_start3A_1590 = tpu.memref_squeeze %dma_start3A_1589 : memref<1x784xf32, #tpu.memory_space<vmem>> -> memref<784xf32, #tpu.memory_space<vmem>>
    %dma_start3A_1591 = arith.constant 0 : i32
    %dma_start3A_1592 = tpu.memref_slice %arg2[%squeeze3A_1580, %dma_start3A_1591] : memref<100000x784xf32, #tpu.memory_space<hbm>> -> memref<1x784xf32, #tpu.memory_space<hbm>>
    %dma_start3A_1593 = tpu.memref_squeeze %dma_start3A_1592 : memref<1x784xf32, #tpu.memory_space<hbm>> -> memref<784xf32, #tpu.memory_space<hbm>>
    tpu.enqueue_dma source(%dma_start3A_1593 : memref<784xf32, #tpu.memory_space<hbm>>) target(%dma_start3A_1590 : memref<784xf32, #tpu.memory_space<vmem>>) target_semaphore(%arg10 : memref<!tpu.dma_semaphore, #tpu.memory_space<semaphore_mem>>)
    %dma_start3A_1594 = arith.constant 56 : i32
    %dma_start3A_1595 = arith.constant 0 : i32
    %dma_start3A_1596 = tpu.memref_slice %arg9[%dma_start3A_1594, %dma_start3A_1595] : memref<64x16xf32, #tpu.memory_space<vmem>> -> memref<1x16xf32, #tpu.memory_space<vmem>>
    %dma_start3A_1597 = tpu.memref_squeeze %dma_start3A_1596 : memref<1x16xf32, #tpu.memory_space<vmem>> -> memref<16xf32, #tpu.memory_space<vmem>>
    %dma_start3A_1598 = arith.constant 0 : i32
    %dma_start3A_1599 = tpu.memref_slice %arg3[%squeeze3A_1580, %dma_start3A_1598] : memref<100000x16xf32, #tpu.memory_space<hbm>> -> memref<1x16xf32, #tpu.memory_space<hbm>>
    %dma_start3A_1600 = tpu.memref_squeeze %dma_start3A_1599 : memref<1x16xf32, #tpu.memory_space<hbm>> -> memref<16xf32, #tpu.memory_space<hbm>>
    %dma_start3A_1601 = arith.constant 0 : i32
    %dma_start3A_1602 = tpu.memref_slice %arg9[%dma_start3A_1594, %dma_start3A_1601] : memref<64x16xf32, #tpu.memory_space<vmem>> -> memref<1x16xf32, #tpu.memory_space<vmem>>
    %dma_start3A_1603 = tpu.memref_squeeze %dma_start3A_1602 : memref<1x16xf32, #tpu.memory_space<vmem>> -> memref<16xf32, #tpu.memory_space<vmem>>
    %dma_start3A_1604 = arith.constant 0 : i32
    %dma_start3A_1605 = tpu.memref_slice %arg3[%squeeze3A_1580, %dma_start3A_1604] : memref<100000x16xf32, #tpu.memory_space<hbm>> -> memref<1x16xf32, #tpu.memory_space<hbm>>
    %dma_start3A_1606 = tpu.memref_squeeze %dma_start3A_1605 : memref<1x16xf32, #tpu.memory_space<hbm>> -> memref<16xf32, #tpu.memory_space<hbm>>
    tpu.enqueue_dma source(%dma_start3A_1606 : memref<16xf32, #tpu.memory_space<hbm>>) target(%dma_start3A_1603 : memref<16xf32, #tpu.memory_space<vmem>>) target_semaphore(%arg11 : memref<!tpu.dma_semaphore, #tpu.memory_space<semaphore_mem>>)
    %slice3A_1607 = vector.extract_strided_slice %get3A_1354 {offsets = [9], sizes = [1], strides = [1]} : vector<16xi32> to vector<1xi32>
    %squeeze3A_1608 = vector.extract %slice3A_1607[0] : i32 from vector<1xi32>
    %dma_start3A_1609 = arith.constant 57 : i32
    %dma_start3A_1610 = arith.constant 0 : i32
    %dma_start3A_1611 = tpu.memref_slice %arg8[%dma_start3A_1609, %dma_start3A_1610] : memref<64x784xf32, #tpu.memory_space<vmem>> -> memref<1x784xf32, #tpu.memory_space<vmem>>
    %dma_start3A_1612 = tpu.memref_squeeze %dma_start3A_1611 : memref<1x784xf32, #tpu.memory_space<vmem>> -> memref<784xf32, #tpu.memory_space<vmem>>
    %dma_start3A_1613 = arith.constant 0 : i32
    %dma_start3A_1614 = tpu.memref_slice %arg2[%squeeze3A_1608, %dma_start3A_1613] : memref<100000x784xf32, #tpu.memory_space<hbm>> -> memref<1x784xf32, #tpu.memory_space<hbm>>
    %dma_start3A_1615 = tpu.memref_squeeze %dma_start3A_1614 : memref<1x784xf32, #tpu.memory_space<hbm>> -> memref<784xf32, #tpu.memory_space<hbm>>
    %dma_start3A_1616 = arith.constant 0 : i32
    %dma_start3A_1617 = tpu.memref_slice %arg8[%dma_start3A_1609, %dma_start3A_1616] : memref<64x784xf32, #tpu.memory_space<vmem>> -> memref<1x784xf32, #tpu.memory_space<vmem>>
    %dma_start3A_1618 = tpu.memref_squeeze %dma_start3A_1617 : memref<1x784xf32, #tpu.memory_space<vmem>> -> memref<784xf32, #tpu.memory_space<vmem>>
    %dma_start3A_1619 = arith.constant 0 : i32
    %dma_start3A_1620 = tpu.memref_slice %arg2[%squeeze3A_1608, %dma_start3A_1619] : memref<100000x784xf32, #tpu.memory_space<hbm>> -> memref<1x784xf32, #tpu.memory_space<hbm>>
    %dma_start3A_1621 = tpu.memref_squeeze %dma_start3A_1620 : memref<1x784xf32, #tpu.memory_space<hbm>> -> memref<784xf32, #tpu.memory_space<hbm>>
    tpu.enqueue_dma source(%dma_start3A_1621 : memref<784xf32, #tpu.memory_space<hbm>>) target(%dma_start3A_1618 : memref<784xf32, #tpu.memory_space<vmem>>) target_semaphore(%arg10 : memref<!tpu.dma_semaphore, #tpu.memory_space<semaphore_mem>>)
    %dma_start3A_1622 = arith.constant 57 : i32
    %dma_start3A_1623 = arith.constant 0 : i32
    %dma_start3A_1624 = tpu.memref_slice %arg9[%dma_start3A_1622, %dma_start3A_1623] : memref<64x16xf32, #tpu.memory_space<vmem>> -> memref<1x16xf32, #tpu.memory_space<vmem>>
    %dma_start3A_1625 = tpu.memref_squeeze %dma_start3A_1624 : memref<1x16xf32, #tpu.memory_space<vmem>> -> memref<16xf32, #tpu.memory_space<vmem>>
    %dma_start3A_1626 = arith.constant 0 : i32
    %dma_start3A_1627 = tpu.memref_slice %arg3[%squeeze3A_1608, %dma_start3A_1626] : memref<100000x16xf32, #tpu.memory_space<hbm>> -> memref<1x16xf32, #tpu.memory_space<hbm>>
    %dma_start3A_1628 = tpu.memref_squeeze %dma_start3A_1627 : memref<1x16xf32, #tpu.memory_space<hbm>> -> memref<16xf32, #tpu.memory_space<hbm>>
    %dma_start3A_1629 = arith.constant 0 : i32
    %dma_start3A_1630 = tpu.memref_slice %arg9[%dma_start3A_1622, %dma_start3A_1629] : memref<64x16xf32, #tpu.memory_space<vmem>> -> memref<1x16xf32, #tpu.memory_space<vmem>>
    %dma_start3A_1631 = tpu.memref_squeeze %dma_start3A_1630 : memref<1x16xf32, #tpu.memory_space<vmem>> -> memref<16xf32, #tpu.memory_space<vmem>>
    %dma_start3A_1632 = arith.constant 0 : i32
    %dma_start3A_1633 = tpu.memref_slice %arg3[%squeeze3A_1608, %dma_start3A_1632] : memref<100000x16xf32, #tpu.memory_space<hbm>> -> memref<1x16xf32, #tpu.memory_space<hbm>>
    %dma_start3A_1634 = tpu.memref_squeeze %dma_start3A_1633 : memref<1x16xf32, #tpu.memory_space<hbm>> -> memref<16xf32, #tpu.memory_space<hbm>>
    tpu.enqueue_dma source(%dma_start3A_1634 : memref<16xf32, #tpu.memory_space<hbm>>) target(%dma_start3A_1631 : memref<16xf32, #tpu.memory_space<vmem>>) target_semaphore(%arg11 : memref<!tpu.dma_semaphore, #tpu.memory_space<semaphore_mem>>)
    %slice3A_1635 = vector.extract_strided_slice %get3A_1354 {offsets = [10], sizes = [1], strides = [1]} : vector<16xi32> to vector<1xi32>
    %squeeze3A_1636 = vector.extract %slice3A_1635[0] : i32 from vector<1xi32>
    %dma_start3A_1637 = arith.constant 58 : i32
    %dma_start3A_1638 = arith.constant 0 : i32
    %dma_start3A_1639 = tpu.memref_slice %arg8[%dma_start3A_1637, %dma_start3A_1638] : memref<64x784xf32, #tpu.memory_space<vmem>> -> memref<1x784xf32, #tpu.memory_space<vmem>>
    %dma_start3A_1640 = tpu.memref_squeeze %dma_start3A_1639 : memref<1x784xf32, #tpu.memory_space<vmem>> -> memref<784xf32, #tpu.memory_space<vmem>>
    %dma_start3A_1641 = arith.constant 0 : i32
    %dma_start3A_1642 = tpu.memref_slice %arg2[%squeeze3A_1636, %dma_start3A_1641] : memref<100000x784xf32, #tpu.memory_space<hbm>> -> memref<1x784xf32, #tpu.memory_space<hbm>>
    %dma_start3A_1643 = tpu.memref_squeeze %dma_start3A_1642 : memref<1x784xf32, #tpu.memory_space<hbm>> -> memref<784xf32, #tpu.memory_space<hbm>>
    %dma_start3A_1644 = arith.constant 0 : i32
    %dma_start3A_1645 = tpu.memref_slice %arg8[%dma_start3A_1637, %dma_start3A_1644] : memref<64x784xf32, #tpu.memory_space<vmem>> -> memref<1x784xf32, #tpu.memory_space<vmem>>
    %dma_start3A_1646 = tpu.memref_squeeze %dma_start3A_1645 : memref<1x784xf32, #tpu.memory_space<vmem>> -> memref<784xf32, #tpu.memory_space<vmem>>
    %dma_start3A_1647 = arith.constant 0 : i32
    %dma_start3A_1648 = tpu.memref_slice %arg2[%squeeze3A_1636, %dma_start3A_1647] : memref<100000x784xf32, #tpu.memory_space<hbm>> -> memref<1x784xf32, #tpu.memory_space<hbm>>
    %dma_start3A_1649 = tpu.memref_squeeze %dma_start3A_1648 : memref<1x784xf32, #tpu.memory_space<hbm>> -> memref<784xf32, #tpu.memory_space<hbm>>
    tpu.enqueue_dma source(%dma_start3A_1649 : memref<784xf32, #tpu.memory_space<hbm>>) target(%dma_start3A_1646 : memref<784xf32, #tpu.memory_space<vmem>>) target_semaphore(%arg10 : memref<!tpu.dma_semaphore, #tpu.memory_space<semaphore_mem>>)
    %dma_start3A_1650 = arith.constant 58 : i32
    %dma_start3A_1651 = arith.constant 0 : i32
    %dma_start3A_1652 = tpu.memref_slice %arg9[%dma_start3A_1650, %dma_start3A_1651] : memref<64x16xf32, #tpu.memory_space<vmem>> -> memref<1x16xf32, #tpu.memory_space<vmem>>
    %dma_start3A_1653 = tpu.memref_squeeze %dma_start3A_1652 : memref<1x16xf32, #tpu.memory_space<vmem>> -> memref<16xf32, #tpu.memory_space<vmem>>
    %dma_start3A_1654 = arith.constant 0 : i32
    %dma_start3A_1655 = tpu.memref_slice %arg3[%squeeze3A_1636, %dma_start3A_1654] : memref<100000x16xf32, #tpu.memory_space<hbm>> -> memref<1x16xf32, #tpu.memory_space<hbm>>
    %dma_start3A_1656 = tpu.memref_squeeze %dma_start3A_1655 : memref<1x16xf32, #tpu.memory_space<hbm>> -> memref<16xf32, #tpu.memory_space<hbm>>
    %dma_start3A_1657 = arith.constant 0 : i32
    %dma_start3A_1658 = tpu.memref_slice %arg9[%dma_start3A_1650, %dma_start3A_1657] : memref<64x16xf32, #tpu.memory_space<vmem>> -> memref<1x16xf32, #tpu.memory_space<vmem>>
    %dma_start3A_1659 = tpu.memref_squeeze %dma_start3A_1658 : memref<1x16xf32, #tpu.memory_space<vmem>> -> memref<16xf32, #tpu.memory_space<vmem>>
    %dma_start3A_1660 = arith.constant 0 : i32
    %dma_start3A_1661 = tpu.memref_slice %arg3[%squeeze3A_1636, %dma_start3A_1660] : memref<100000x16xf32, #tpu.memory_space<hbm>> -> memref<1x16xf32, #tpu.memory_space<hbm>>
    %dma_start3A_1662 = tpu.memref_squeeze %dma_start3A_1661 : memref<1x16xf32, #tpu.memory_space<hbm>> -> memref<16xf32, #tpu.memory_space<hbm>>
    tpu.enqueue_dma source(%dma_start3A_1662 : memref<16xf32, #tpu.memory_space<hbm>>) target(%dma_start3A_1659 : memref<16xf32, #tpu.memory_space<vmem>>) target_semaphore(%arg11 : memref<!tpu.dma_semaphore, #tpu.memory_space<semaphore_mem>>)
    %slice3A_1663 = vector.extract_strided_slice %get3A_1354 {offsets = [11], sizes = [1], strides = [1]} : vector<16xi32> to vector<1xi32>
    %squeeze3A_1664 = vector.extract %slice3A_1663[0] : i32 from vector<1xi32>
    %dma_start3A_1665 = arith.constant 59 : i32
    %dma_start3A_1666 = arith.constant 0 : i32
    %dma_start3A_1667 = tpu.memref_slice %arg8[%dma_start3A_1665, %dma_start3A_1666] : memref<64x784xf32, #tpu.memory_space<vmem>> -> memref<1x784xf32, #tpu.memory_space<vmem>>
    %dma_start3A_1668 = tpu.memref_squeeze %dma_start3A_1667 : memref<1x784xf32, #tpu.memory_space<vmem>> -> memref<784xf32, #tpu.memory_space<vmem>>
    %dma_start3A_1669 = arith.constant 0 : i32
    %dma_start3A_1670 = tpu.memref_slice %arg2[%squeeze3A_1664, %dma_start3A_1669] : memref<100000x784xf32, #tpu.memory_space<hbm>> -> memref<1x784xf32, #tpu.memory_space<hbm>>
    %dma_start3A_1671 = tpu.memref_squeeze %dma_start3A_1670 : memref<1x784xf32, #tpu.memory_space<hbm>> -> memref<784xf32, #tpu.memory_space<hbm>>
    %dma_start3A_1672 = arith.constant 0 : i32
    %dma_start3A_1673 = tpu.memref_slice %arg8[%dma_start3A_1665, %dma_start3A_1672] : memref<64x784xf32, #tpu.memory_space<vmem>> -> memref<1x784xf32, #tpu.memory_space<vmem>>
    %dma_start3A_1674 = tpu.memref_squeeze %dma_start3A_1673 : memref<1x784xf32, #tpu.memory_space<vmem>> -> memref<784xf32, #tpu.memory_space<vmem>>
    %dma_start3A_1675 = arith.constant 0 : i32
    %dma_start3A_1676 = tpu.memref_slice %arg2[%squeeze3A_1664, %dma_start3A_1675] : memref<100000x784xf32, #tpu.memory_space<hbm>> -> memref<1x784xf32, #tpu.memory_space<hbm>>
    %dma_start3A_1677 = tpu.memref_squeeze %dma_start3A_1676 : memref<1x784xf32, #tpu.memory_space<hbm>> -> memref<784xf32, #tpu.memory_space<hbm>>
    tpu.enqueue_dma source(%dma_start3A_1677 : memref<784xf32, #tpu.memory_space<hbm>>) target(%dma_start3A_1674 : memref<784xf32, #tpu.memory_space<vmem>>) target_semaphore(%arg10 : memref<!tpu.dma_semaphore, #tpu.memory_space<semaphore_mem>>)
    %dma_start3A_1678 = arith.constant 59 : i32
    %dma_start3A_1679 = arith.constant 0 : i32
    %dma_start3A_1680 = tpu.memref_slice %arg9[%dma_start3A_1678, %dma_start3A_1679] : memref<64x16xf32, #tpu.memory_space<vmem>> -> memref<1x16xf32, #tpu.memory_space<vmem>>
    %dma_start3A_1681 = tpu.memref_squeeze %dma_start3A_1680 : memref<1x16xf32, #tpu.memory_space<vmem>> -> memref<16xf32, #tpu.memory_space<vmem>>
    %dma_start3A_1682 = arith.constant 0 : i32
    %dma_start3A_1683 = tpu.memref_slice %arg3[%squeeze3A_1664, %dma_start3A_1682] : memref<100000x16xf32, #tpu.memory_space<hbm>> -> memref<1x16xf32, #tpu.memory_space<hbm>>
    %dma_start3A_1684 = tpu.memref_squeeze %dma_start3A_1683 : memref<1x16xf32, #tpu.memory_space<hbm>> -> memref<16xf32, #tpu.memory_space<hbm>>
    %dma_start3A_1685 = arith.constant 0 : i32
    %dma_start3A_1686 = tpu.memref_slice %arg9[%dma_start3A_1678, %dma_start3A_1685] : memref<64x16xf32, #tpu.memory_space<vmem>> -> memref<1x16xf32, #tpu.memory_space<vmem>>
    %dma_start3A_1687 = tpu.memref_squeeze %dma_start3A_1686 : memref<1x16xf32, #tpu.memory_space<vmem>> -> memref<16xf32, #tpu.memory_space<vmem>>
    %dma_start3A_1688 = arith.constant 0 : i32
    %dma_start3A_1689 = tpu.memref_slice %arg3[%squeeze3A_1664, %dma_start3A_1688] : memref<100000x16xf32, #tpu.memory_space<hbm>> -> memref<1x16xf32, #tpu.memory_space<hbm>>
    %dma_start3A_1690 = tpu.memref_squeeze %dma_start3A_1689 : memref<1x16xf32, #tpu.memory_space<hbm>> -> memref<16xf32, #tpu.memory_space<hbm>>
    tpu.enqueue_dma source(%dma_start3A_1690 : memref<16xf32, #tpu.memory_space<hbm>>) target(%dma_start3A_1687 : memref<16xf32, #tpu.memory_space<vmem>>) target_semaphore(%arg11 : memref<!tpu.dma_semaphore, #tpu.memory_space<semaphore_mem>>)
    %slice3A_1691 = vector.extract_strided_slice %get3A_1354 {offsets = [12], sizes = [1], strides = [1]} : vector<16xi32> to vector<1xi32>
    %squeeze3A_1692 = vector.extract %slice3A_1691[0] : i32 from vector<1xi32>
    %dma_start3A_1693 = arith.constant 60 : i32
    %dma_start3A_1694 = arith.constant 0 : i32
    %dma_start3A_1695 = tpu.memref_slice %arg8[%dma_start3A_1693, %dma_start3A_1694] : memref<64x784xf32, #tpu.memory_space<vmem>> -> memref<1x784xf32, #tpu.memory_space<vmem>>
    %dma_start3A_1696 = tpu.memref_squeeze %dma_start3A_1695 : memref<1x784xf32, #tpu.memory_space<vmem>> -> memref<784xf32, #tpu.memory_space<vmem>>
    %dma_start3A_1697 = arith.constant 0 : i32
    %dma_start3A_1698 = tpu.memref_slice %arg2[%squeeze3A_1692, %dma_start3A_1697] : memref<100000x784xf32, #tpu.memory_space<hbm>> -> memref<1x784xf32, #tpu.memory_space<hbm>>
    %dma_start3A_1699 = tpu.memref_squeeze %dma_start3A_1698 : memref<1x784xf32, #tpu.memory_space<hbm>> -> memref<784xf32, #tpu.memory_space<hbm>>
    %dma_start3A_1700 = arith.constant 0 : i32
    %dma_start3A_1701 = tpu.memref_slice %arg8[%dma_start3A_1693, %dma_start3A_1700] : memref<64x784xf32, #tpu.memory_space<vmem>> -> memref<1x784xf32, #tpu.memory_space<vmem>>
    %dma_start3A_1702 = tpu.memref_squeeze %dma_start3A_1701 : memref<1x784xf32, #tpu.memory_space<vmem>> -> memref<784xf32, #tpu.memory_space<vmem>>
    %dma_start3A_1703 = arith.constant 0 : i32
    %dma_start3A_1704 = tpu.memref_slice %arg2[%squeeze3A_1692, %dma_start3A_1703] : memref<100000x784xf32, #tpu.memory_space<hbm>> -> memref<1x784xf32, #tpu.memory_space<hbm>>
    %dma_start3A_1705 = tpu.memref_squeeze %dma_start3A_1704 : memref<1x784xf32, #tpu.memory_space<hbm>> -> memref<784xf32, #tpu.memory_space<hbm>>
    tpu.enqueue_dma source(%dma_start3A_1705 : memref<784xf32, #tpu.memory_space<hbm>>) target(%dma_start3A_1702 : memref<784xf32, #tpu.memory_space<vmem>>) target_semaphore(%arg10 : memref<!tpu.dma_semaphore, #tpu.memory_space<semaphore_mem>>)
    %dma_start3A_1706 = arith.constant 60 : i32
    %dma_start3A_1707 = arith.constant 0 : i32
    %dma_start3A_1708 = tpu.memref_slice %arg9[%dma_start3A_1706, %dma_start3A_1707] : memref<64x16xf32, #tpu.memory_space<vmem>> -> memref<1x16xf32, #tpu.memory_space<vmem>>
    %dma_start3A_1709 = tpu.memref_squeeze %dma_start3A_1708 : memref<1x16xf32, #tpu.memory_space<vmem>> -> memref<16xf32, #tpu.memory_space<vmem>>
    %dma_start3A_1710 = arith.constant 0 : i32
    %dma_start3A_1711 = tpu.memref_slice %arg3[%squeeze3A_1692, %dma_start3A_1710] : memref<100000x16xf32, #tpu.memory_space<hbm>> -> memref<1x16xf32, #tpu.memory_space<hbm>>
    %dma_start3A_1712 = tpu.memref_squeeze %dma_start3A_1711 : memref<1x16xf32, #tpu.memory_space<hbm>> -> memref<16xf32, #tpu.memory_space<hbm>>
    %dma_start3A_1713 = arith.constant 0 : i32
    %dma_start3A_1714 = tpu.memref_slice %arg9[%dma_start3A_1706, %dma_start3A_1713] : memref<64x16xf32, #tpu.memory_space<vmem>> -> memref<1x16xf32, #tpu.memory_space<vmem>>
    %dma_start3A_1715 = tpu.memref_squeeze %dma_start3A_1714 : memref<1x16xf32, #tpu.memory_space<vmem>> -> memref<16xf32, #tpu.memory_space<vmem>>
    %dma_start3A_1716 = arith.constant 0 : i32
    %dma_start3A_1717 = tpu.memref_slice %arg3[%squeeze3A_1692, %dma_start3A_1716] : memref<100000x16xf32, #tpu.memory_space<hbm>> -> memref<1x16xf32, #tpu.memory_space<hbm>>
    %dma_start3A_1718 = tpu.memref_squeeze %dma_start3A_1717 : memref<1x16xf32, #tpu.memory_space<hbm>> -> memref<16xf32, #tpu.memory_space<hbm>>
    tpu.enqueue_dma source(%dma_start3A_1718 : memref<16xf32, #tpu.memory_space<hbm>>) target(%dma_start3A_1715 : memref<16xf32, #tpu.memory_space<vmem>>) target_semaphore(%arg11 : memref<!tpu.dma_semaphore, #tpu.memory_space<semaphore_mem>>)
    %slice3A_1719 = vector.extract_strided_slice %get3A_1354 {offsets = [13], sizes = [1], strides = [1]} : vector<16xi32> to vector<1xi32>
    %squeeze3A_1720 = vector.extract %slice3A_1719[0] : i32 from vector<1xi32>
    %dma_start3A_1721 = arith.constant 61 : i32
    %dma_start3A_1722 = arith.constant 0 : i32
    %dma_start3A_1723 = tpu.memref_slice %arg8[%dma_start3A_1721, %dma_start3A_1722] : memref<64x784xf32, #tpu.memory_space<vmem>> -> memref<1x784xf32, #tpu.memory_space<vmem>>
    %dma_start3A_1724 = tpu.memref_squeeze %dma_start3A_1723 : memref<1x784xf32, #tpu.memory_space<vmem>> -> memref<784xf32, #tpu.memory_space<vmem>>
    %dma_start3A_1725 = arith.constant 0 : i32
    %dma_start3A_1726 = tpu.memref_slice %arg2[%squeeze3A_1720, %dma_start3A_1725] : memref<100000x784xf32, #tpu.memory_space<hbm>> -> memref<1x784xf32, #tpu.memory_space<hbm>>
    %dma_start3A_1727 = tpu.memref_squeeze %dma_start3A_1726 : memref<1x784xf32, #tpu.memory_space<hbm>> -> memref<784xf32, #tpu.memory_space<hbm>>
    %dma_start3A_1728 = arith.constant 0 : i32
    %dma_start3A_1729 = tpu.memref_slice %arg8[%dma_start3A_1721, %dma_start3A_1728] : memref<64x784xf32, #tpu.memory_space<vmem>> -> memref<1x784xf32, #tpu.memory_space<vmem>>
    %dma_start3A_1730 = tpu.memref_squeeze %dma_start3A_1729 : memref<1x784xf32, #tpu.memory_space<vmem>> -> memref<784xf32, #tpu.memory_space<vmem>>
    %dma_start3A_1731 = arith.constant 0 : i32
    %dma_start3A_1732 = tpu.memref_slice %arg2[%squeeze3A_1720, %dma_start3A_1731] : memref<100000x784xf32, #tpu.memory_space<hbm>> -> memref<1x784xf32, #tpu.memory_space<hbm>>
    %dma_start3A_1733 = tpu.memref_squeeze %dma_start3A_1732 : memref<1x784xf32, #tpu.memory_space<hbm>> -> memref<784xf32, #tpu.memory_space<hbm>>
    tpu.enqueue_dma source(%dma_start3A_1733 : memref<784xf32, #tpu.memory_space<hbm>>) target(%dma_start3A_1730 : memref<784xf32, #tpu.memory_space<vmem>>) target_semaphore(%arg10 : memref<!tpu.dma_semaphore, #tpu.memory_space<semaphore_mem>>)
    %dma_start3A_1734 = arith.constant 61 : i32
    %dma_start3A_1735 = arith.constant 0 : i32
    %dma_start3A_1736 = tpu.memref_slice %arg9[%dma_start3A_1734, %dma_start3A_1735] : memref<64x16xf32, #tpu.memory_space<vmem>> -> memref<1x16xf32, #tpu.memory_space<vmem>>
    %dma_start3A_1737 = tpu.memref_squeeze %dma_start3A_1736 : memref<1x16xf32, #tpu.memory_space<vmem>> -> memref<16xf32, #tpu.memory_space<vmem>>
    %dma_start3A_1738 = arith.constant 0 : i32
    %dma_start3A_1739 = tpu.memref_slice %arg3[%squeeze3A_1720, %dma_start3A_1738] : memref<100000x16xf32, #tpu.memory_space<hbm>> -> memref<1x16xf32, #tpu.memory_space<hbm>>
    %dma_start3A_1740 = tpu.memref_squeeze %dma_start3A_1739 : memref<1x16xf32, #tpu.memory_space<hbm>> -> memref<16xf32, #tpu.memory_space<hbm>>
    %dma_start3A_1741 = arith.constant 0 : i32
    %dma_start3A_1742 = tpu.memref_slice %arg9[%dma_start3A_1734, %dma_start3A_1741] : memref<64x16xf32, #tpu.memory_space<vmem>> -> memref<1x16xf32, #tpu.memory_space<vmem>>
    %dma_start3A_1743 = tpu.memref_squeeze %dma_start3A_1742 : memref<1x16xf32, #tpu.memory_space<vmem>> -> memref<16xf32, #tpu.memory_space<vmem>>
    %dma_start3A_1744 = arith.constant 0 : i32
    %dma_start3A_1745 = tpu.memref_slice %arg3[%squeeze3A_1720, %dma_start3A_1744] : memref<100000x16xf32, #tpu.memory_space<hbm>> -> memref<1x16xf32, #tpu.memory_space<hbm>>
    %dma_start3A_1746 = tpu.memref_squeeze %dma_start3A_1745 : memref<1x16xf32, #tpu.memory_space<hbm>> -> memref<16xf32, #tpu.memory_space<hbm>>
    tpu.enqueue_dma source(%dma_start3A_1746 : memref<16xf32, #tpu.memory_space<hbm>>) target(%dma_start3A_1743 : memref<16xf32, #tpu.memory_space<vmem>>) target_semaphore(%arg11 : memref<!tpu.dma_semaphore, #tpu.memory_space<semaphore_mem>>)
    %slice3A_1747 = vector.extract_strided_slice %get3A_1354 {offsets = [14], sizes = [1], strides = [1]} : vector<16xi32> to vector<1xi32>
    %squeeze3A_1748 = vector.extract %slice3A_1747[0] : i32 from vector<1xi32>
    %dma_start3A_1749 = arith.constant 62 : i32
    %dma_start3A_1750 = arith.constant 0 : i32
    %dma_start3A_1751 = tpu.memref_slice %arg8[%dma_start3A_1749, %dma_start3A_1750] : memref<64x784xf32, #tpu.memory_space<vmem>> -> memref<1x784xf32, #tpu.memory_space<vmem>>
    %dma_start3A_1752 = tpu.memref_squeeze %dma_start3A_1751 : memref<1x784xf32, #tpu.memory_space<vmem>> -> memref<784xf32, #tpu.memory_space<vmem>>
    %dma_start3A_1753 = arith.constant 0 : i32
    %dma_start3A_1754 = tpu.memref_slice %arg2[%squeeze3A_1748, %dma_start3A_1753] : memref<100000x784xf32, #tpu.memory_space<hbm>> -> memref<1x784xf32, #tpu.memory_space<hbm>>
    %dma_start3A_1755 = tpu.memref_squeeze %dma_start3A_1754 : memref<1x784xf32, #tpu.memory_space<hbm>> -> memref<784xf32, #tpu.memory_space<hbm>>
    %dma_start3A_1756 = arith.constant 0 : i32
    %dma_start3A_1757 = tpu.memref_slice %arg8[%dma_start3A_1749, %dma_start3A_1756] : memref<64x784xf32, #tpu.memory_space<vmem>> -> memref<1x784xf32, #tpu.memory_space<vmem>>
    %dma_start3A_1758 = tpu.memref_squeeze %dma_start3A_1757 : memref<1x784xf32, #tpu.memory_space<vmem>> -> memref<784xf32, #tpu.memory_space<vmem>>
    %dma_start3A_1759 = arith.constant 0 : i32
    %dma_start3A_1760 = tpu.memref_slice %arg2[%squeeze3A_1748, %dma_start3A_1759] : memref<100000x784xf32, #tpu.memory_space<hbm>> -> memref<1x784xf32, #tpu.memory_space<hbm>>
    %dma_start3A_1761 = tpu.memref_squeeze %dma_start3A_1760 : memref<1x784xf32, #tpu.memory_space<hbm>> -> memref<784xf32, #tpu.memory_space<hbm>>
    tpu.enqueue_dma source(%dma_start3A_1761 : memref<784xf32, #tpu.memory_space<hbm>>) target(%dma_start3A_1758 : memref<784xf32, #tpu.memory_space<vmem>>) target_semaphore(%arg10 : memref<!tpu.dma_semaphore, #tpu.memory_space<semaphore_mem>>)
    %dma_start3A_1762 = arith.constant 62 : i32
    %dma_start3A_1763 = arith.constant 0 : i32
    %dma_start3A_1764 = tpu.memref_slice %arg9[%dma_start3A_1762, %dma_start3A_1763] : memref<64x16xf32, #tpu.memory_space<vmem>> -> memref<1x16xf32, #tpu.memory_space<vmem>>
    %dma_start3A_1765 = tpu.memref_squeeze %dma_start3A_1764 : memref<1x16xf32, #tpu.memory_space<vmem>> -> memref<16xf32, #tpu.memory_space<vmem>>
    %dma_start3A_1766 = arith.constant 0 : i32
    %dma_start3A_1767 = tpu.memref_slice %arg3[%squeeze3A_1748, %dma_start3A_1766] : memref<100000x16xf32, #tpu.memory_space<hbm>> -> memref<1x16xf32, #tpu.memory_space<hbm>>
    %dma_start3A_1768 = tpu.memref_squeeze %dma_start3A_1767 : memref<1x16xf32, #tpu.memory_space<hbm>> -> memref<16xf32, #tpu.memory_space<hbm>>
    %dma_start3A_1769 = arith.constant 0 : i32
    %dma_start3A_1770 = tpu.memref_slice %arg9[%dma_start3A_1762, %dma_start3A_1769] : memref<64x16xf32, #tpu.memory_space<vmem>> -> memref<1x16xf32, #tpu.memory_space<vmem>>
    %dma_start3A_1771 = tpu.memref_squeeze %dma_start3A_1770 : memref<1x16xf32, #tpu.memory_space<vmem>> -> memref<16xf32, #tpu.memory_space<vmem>>
    %dma_start3A_1772 = arith.constant 0 : i32
    %dma_start3A_1773 = tpu.memref_slice %arg3[%squeeze3A_1748, %dma_start3A_1772] : memref<100000x16xf32, #tpu.memory_space<hbm>> -> memref<1x16xf32, #tpu.memory_space<hbm>>
    %dma_start3A_1774 = tpu.memref_squeeze %dma_start3A_1773 : memref<1x16xf32, #tpu.memory_space<hbm>> -> memref<16xf32, #tpu.memory_space<hbm>>
    tpu.enqueue_dma source(%dma_start3A_1774 : memref<16xf32, #tpu.memory_space<hbm>>) target(%dma_start3A_1771 : memref<16xf32, #tpu.memory_space<vmem>>) target_semaphore(%arg11 : memref<!tpu.dma_semaphore, #tpu.memory_space<semaphore_mem>>)
    %slice3A_1775 = vector.extract_strided_slice %get3A_1354 {offsets = [15], sizes = [1], strides = [1]} : vector<16xi32> to vector<1xi32>
    %squeeze3A_1776 = vector.extract %slice3A_1775[0] : i32 from vector<1xi32>
    %dma_start3A_1777 = arith.constant 63 : i32
    %dma_start3A_1778 = arith.constant 0 : i32
    %dma_start3A_1779 = tpu.memref_slice %arg8[%dma_start3A_1777, %dma_start3A_1778] : memref<64x784xf32, #tpu.memory_space<vmem>> -> memref<1x784xf32, #tpu.memory_space<vmem>>
    %dma_start3A_1780 = tpu.memref_squeeze %dma_start3A_1779 : memref<1x784xf32, #tpu.memory_space<vmem>> -> memref<784xf32, #tpu.memory_space<vmem>>
    %dma_start3A_1781 = arith.constant 0 : i32
    %dma_start3A_1782 = tpu.memref_slice %arg2[%squeeze3A_1776, %dma_start3A_1781] : memref<100000x784xf32, #tpu.memory_space<hbm>> -> memref<1x784xf32, #tpu.memory_space<hbm>>
    %dma_start3A_1783 = tpu.memref_squeeze %dma_start3A_1782 : memref<1x784xf32, #tpu.memory_space<hbm>> -> memref<784xf32, #tpu.memory_space<hbm>>
    %dma_start3A_1784 = arith.constant 0 : i32
    %dma_start3A_1785 = tpu.memref_slice %arg8[%dma_start3A_1777, %dma_start3A_1784] : memref<64x784xf32, #tpu.memory_space<vmem>> -> memref<1x784xf32, #tpu.memory_space<vmem>>
    %dma_start3A_1786 = tpu.memref_squeeze %dma_start3A_1785 : memref<1x784xf32, #tpu.memory_space<vmem>> -> memref<784xf32, #tpu.memory_space<vmem>>
    %dma_start3A_1787 = arith.constant 0 : i32
    %dma_start3A_1788 = tpu.memref_slice %arg2[%squeeze3A_1776, %dma_start3A_1787] : memref<100000x784xf32, #tpu.memory_space<hbm>> -> memref<1x784xf32, #tpu.memory_space<hbm>>
    %dma_start3A_1789 = tpu.memref_squeeze %dma_start3A_1788 : memref<1x784xf32, #tpu.memory_space<hbm>> -> memref<784xf32, #tpu.memory_space<hbm>>
    tpu.enqueue_dma source(%dma_start3A_1789 : memref<784xf32, #tpu.memory_space<hbm>>) target(%dma_start3A_1786 : memref<784xf32, #tpu.memory_space<vmem>>) target_semaphore(%arg10 : memref<!tpu.dma_semaphore, #tpu.memory_space<semaphore_mem>>)
    %dma_start3A_1790 = arith.constant 63 : i32
    %dma_start3A_1791 = arith.constant 0 : i32
    %dma_start3A_1792 = tpu.memref_slice %arg9[%dma_start3A_1790, %dma_start3A_1791] : memref<64x16xf32, #tpu.memory_space<vmem>> -> memref<1x16xf32, #tpu.memory_space<vmem>>
    %dma_start3A_1793 = tpu.memref_squeeze %dma_start3A_1792 : memref<1x16xf32, #tpu.memory_space<vmem>> -> memref<16xf32, #tpu.memory_space<vmem>>
    %dma_start3A_1794 = arith.constant 0 : i32
    %dma_start3A_1795 = tpu.memref_slice %arg3[%squeeze3A_1776, %dma_start3A_1794] : memref<100000x16xf32, #tpu.memory_space<hbm>> -> memref<1x16xf32, #tpu.memory_space<hbm>>
    %dma_start3A_1796 = tpu.memref_squeeze %dma_start3A_1795 : memref<1x16xf32, #tpu.memory_space<hbm>> -> memref<16xf32, #tpu.memory_space<hbm>>
    %dma_start3A_1797 = arith.constant 0 : i32
    %dma_start3A_1798 = tpu.memref_slice %arg9[%dma_start3A_1790, %dma_start3A_1797] : memref<64x16xf32, #tpu.memory_space<vmem>> -> memref<1x16xf32, #tpu.memory_space<vmem>>
    %dma_start3A_1799 = tpu.memref_squeeze %dma_start3A_1798 : memref<1x16xf32, #tpu.memory_space<vmem>> -> memref<16xf32, #tpu.memory_space<vmem>>
    %dma_start3A_1800 = arith.constant 0 : i32
    %dma_start3A_1801 = tpu.memref_slice %arg3[%squeeze3A_1776, %dma_start3A_1800] : memref<100000x16xf32, #tpu.memory_space<hbm>> -> memref<1x16xf32, #tpu.memory_space<hbm>>
    %dma_start3A_1802 = tpu.memref_squeeze %dma_start3A_1801 : memref<1x16xf32, #tpu.memory_space<hbm>> -> memref<16xf32, #tpu.memory_space<hbm>>
    tpu.enqueue_dma source(%dma_start3A_1802 : memref<16xf32, #tpu.memory_space<hbm>>) target(%dma_start3A_1799 : memref<16xf32, #tpu.memory_space<vmem>>) target_semaphore(%arg11 : memref<!tpu.dma_semaphore, #tpu.memory_space<semaphore_mem>>)
    %dma_wait3A = arith.constant 0 : i32
    %dma_wait3A_1803 = arith.constant 0 : i32
    %dma_wait3A_1804 = tpu.memref_slice %arg2[%dma_wait3A, %dma_wait3A_1803] : memref<100000x784xf32, #tpu.memory_space<hbm>> -> memref<64x784xf32, #tpu.memory_space<hbm>>
    %dma_wait3A_1805 = arith.constant 0 : i32
    %dma_wait3A_1806 = arith.constant 0 : i32
    %dma_wait3A_1807 = tpu.memref_slice %arg2[%dma_wait3A_1805, %dma_wait3A_1806] : memref<100000x784xf32, #tpu.memory_space<hbm>> -> memref<64x784xf32, #tpu.memory_space<hbm>>
    tpu.wait_dma2 semaphore(%arg10 : memref<!tpu.dma_semaphore, #tpu.memory_space<semaphore_mem>>) src(%dma_wait3A_1807 : memref<64x784xf32, #tpu.memory_space<hbm>>) dst(%arg8 : memref<64x784xf32, #tpu.memory_space<vmem>>)
    %dma_wait3A_1808 = arith.constant 0 : i32
    %dma_wait3A_1809 = arith.constant 0 : i32
    %dma_wait3A_1810 = tpu.memref_slice %arg3[%dma_wait3A_1808, %dma_wait3A_1809] : memref<100000x16xf32, #tpu.memory_space<hbm>> -> memref<64x16xf32, #tpu.memory_space<hbm>>
    %dma_wait3A_1811 = arith.constant 0 : i32
    %dma_wait3A_1812 = arith.constant 0 : i32
    %dma_wait3A_1813 = tpu.memref_slice %arg3[%dma_wait3A_1811, %dma_wait3A_1812] : memref<100000x16xf32, #tpu.memory_space<hbm>> -> memref<64x16xf32, #tpu.memory_space<hbm>>
    tpu.wait_dma2 semaphore(%arg11 : memref<!tpu.dma_semaphore, #tpu.memory_space<semaphore_mem>>) src(%dma_wait3A_1813 : memref<64x16xf32, #tpu.memory_space<hbm>>) dst(%arg9 : memref<64x16xf32, #tpu.memory_space<vmem>>)
    "tpu.region"() ({
      %run_scoped3A = tpu.sem_alloc : memref<!tpu.dma_semaphore, #tpu.memory_space<semaphore_mem>>
      %dma_start3A_1814 = arith.constant 0 : i32
      %dma_start3A_1815 = tpu.memref_slice %arg5[%mul3A_2, %dma_start3A_1814] : memref<2048x784xf32, #tpu.memory_space<hbm>> -> memref<64x784xf32, #tpu.memory_space<hbm>>
      %dma_start3A_1816 = arith.constant 0 : i32
      %dma_start3A_1817 = tpu.memref_slice %arg5[%mul3A_2, %dma_start3A_1816] : memref<2048x784xf32, #tpu.memory_space<hbm>> -> memref<64x784xf32, #tpu.memory_space<hbm>>
      tpu.enqueue_dma source(%arg8 : memref<64x784xf32, #tpu.memory_space<vmem>>) target(%dma_start3A_1817 : memref<64x784xf32, #tpu.memory_space<hbm>>) target_semaphore(%run_scoped3A : memref<!tpu.dma_semaphore, #tpu.memory_space<semaphore_mem>>)
      %dma_wait3A_1818 = arith.constant 0 : i32
      %dma_wait3A_1819 = tpu.memref_slice %arg5[%mul3A_2, %dma_wait3A_1818] : memref<2048x784xf32, #tpu.memory_space<hbm>> -> memref<64x784xf32, #tpu.memory_space<hbm>>
      %dma_wait3A_1820 = arith.constant 0 : i32
      %dma_wait3A_1821 = tpu.memref_slice %arg5[%mul3A_2, %dma_wait3A_1820] : memref<2048x784xf32, #tpu.memory_space<hbm>> -> memref<64x784xf32, #tpu.memory_space<hbm>>
      tpu.wait_dma2 semaphore(%run_scoped3A : memref<!tpu.dma_semaphore, #tpu.memory_space<semaphore_mem>>) src(%arg8 : memref<64x784xf32, #tpu.memory_space<vmem>>) dst(%dma_wait3A_1821 : memref<64x784xf32, #tpu.memory_space<hbm>>)
      tpu.yield
    }) : () -> ()
    "tpu.region"() ({
      %run_scoped3A = tpu.sem_alloc : memref<!tpu.dma_semaphore, #tpu.memory_space<semaphore_mem>>
      %dma_start3A_1814 = arith.constant 0 : i32
      %dma_start3A_1815 = tpu.memref_slice %arg6[%mul3A_2, %dma_start3A_1814] : memref<2048x16xf32, #tpu.memory_space<hbm>> -> memref<64x16xf32, #tpu.memory_space<hbm>>
      %dma_start3A_1816 = arith.constant 0 : i32
      %dma_start3A_1817 = tpu.memref_slice %arg6[%mul3A_2, %dma_start3A_1816] : memref<2048x16xf32, #tpu.memory_space<hbm>> -> memref<64x16xf32, #tpu.memory_space<hbm>>
      tpu.enqueue_dma source(%arg9 : memref<64x16xf32, #tpu.memory_space<vmem>>) target(%dma_start3A_1817 : memref<64x16xf32, #tpu.memory_space<hbm>>) target_semaphore(%run_scoped3A : memref<!tpu.dma_semaphore, #tpu.memory_space<semaphore_mem>>)
      %dma_wait3A_1818 = arith.constant 0 : i32
      %dma_wait3A_1819 = tpu.memref_slice %arg6[%mul3A_2, %dma_wait3A_1818] : memref<2048x16xf32, #tpu.memory_space<hbm>> -> memref<64x16xf32, #tpu.memory_space<hbm>>
      %dma_wait3A_1820 = arith.constant 0 : i32
      %dma_wait3A_1821 = tpu.memref_slice %arg6[%mul3A_2, %dma_wait3A_1820] : memref<2048x16xf32, #tpu.memory_space<hbm>> -> memref<64x16xf32, #tpu.memory_space<hbm>>
      tpu.wait_dma2 semaphore(%run_scoped3A : memref<!tpu.dma_semaphore, #tpu.memory_space<semaphore_mem>>) src(%arg9 : memref<64x16xf32, #tpu.memory_space<vmem>>) dst(%dma_wait3A_1821 : memref<64x16xf32, #tpu.memory_space<hbm>>)
      tpu.yield
    }) : () -> ()
    return
  }
}

module attributes {stable_mosaic.version = 14 : i64} {
  func.func @_score_body(%arg0: i32, %arg1: memref<1024x784xf32, #tpu.memory_space<vmem>>, %arg2: memref<784x60xf32, #tpu.memory_space<vmem>>, %arg3: memref<60x640xf32, #tpu.memory_space<vmem>>, %arg4: memref<1000x784xf32, #tpu.memory_space<vmem>>, %arg5: memref<1x1x1000xi32, #tpu.memory_space<vmem>>, %arg6: memref<1x640xf32, #tpu.memory_space<vmem>>) attributes {dimension_semantics = [#tpu.dimension_semantics<arbitrary>], iteration_bounds = array<i64: 100>, scalar_prefetch = 0 : i64, scratch_operands = 1 : i64, tpu.core_type = #tpu.core_type<tc>, window_params = [{pipeline_mode = #tpu.pipeline_mode<synchronous>, transform_indices = @transform_0, window_bounds = array<i64: 1024, 784>}, {pipeline_mode = #tpu.pipeline_mode<synchronous>, transform_indices = @transform_1, window_bounds = array<i64: 784, 60>}, {pipeline_mode = #tpu.pipeline_mode<synchronous>, transform_indices = @transform_2, window_bounds = array<i64: 60, 640>}, {transform_indices = @transform_3, window_bounds = array<i64: 1000, 784>}, {transform_indices = @transform_4, window_bounds = array<i64: 1, 1, 1000>}]} {
    %eq3A = arith.constant 0 : i32
    %eq3A_0 = arith.cmpi eq, %arg0, %eq3A : i32
    %convert_element_type3A = arith.extui %eq3A_0 : i1 to i32
    %cond3A = arith.constant 0 : i32
    %cond3A_1 = arith.cmpi ne, %convert_element_type3A, %cond3A : i32
    scf.if %cond3A_1 {
      %get3A_44 = arith.constant 0 : index
      %get3A_45 = arith.constant 0 : index
      %get3A_46 = vector.load %arg1[%get3A_44, %get3A_45] : memref<1024x784xf32, #tpu.memory_space<vmem>>, vector<1024x784xf32>
      %get3A_47 = arith.constant 0 : index
      %get3A_48 = arith.constant 0 : index
      %get3A_49 = vector.load %arg2[%get3A_47, %get3A_48] : memref<784x60xf32, #tpu.memory_space<vmem>>, vector<784x60xf32>
      %dot_general3A_50 = arith.constant dense<0.000000e+00> : vector<1024x60xf32>
      %dot_general3A_51 = tpu.matmul %get3A_46, %get3A_49, %dot_general3A_50 {dimension_numbers = #tpu.dot_dimension_numbers<[1], [0], [0], [1], [0, 0, 1, 1], [], []>, transpose_lhs_hint = false} : vector<1024x784xf32>, vector<784x60xf32>, vector<1024x60xf32> -> vector<1024x60xf32>
      %gt3A_52 = arith.constant 0.000000e+00 : f32
      %gt3A_53 = vector.broadcast %gt3A_52 : f32 to vector<1024x60xf32>
      %gt3A_54 = arith.cmpf ogt, %dot_general3A_51, %gt3A_53 : vector<1024x60xf32>
      %jit3A_55 = arith.constant 1.000000e+00 : f32
      %jit3A_56 = arith.constant -1.000000e+00 : f32
      %broadcast_in_dim3A_57 = vector.broadcast %jit3A_55 : f32 to vector<1024x60xf32>
      %broadcast_in_dim3A_58 = vector.broadcast %jit3A_56 : f32 to vector<1024x60xf32>
      %select_n3A_59 = arith.select %gt3A_54, %broadcast_in_dim3A_57, %broadcast_in_dim3A_58 : vector<1024x60xi1>, vector<1024x60xf32>
      %get3A_60 = arith.constant 0 : index
      %get3A_61 = arith.constant 0 : index
      %get3A_62 = vector.load %arg3[%get3A_60, %get3A_61] : memref<60x640xf32, #tpu.memory_space<vmem>>, vector<60x640xf32>
      %dot_general3A_63 = arith.constant dense<0.000000e+00> : vector<1024x640xf32>
      %dot_general3A_64 = tpu.matmul %select_n3A_59, %get3A_62, %dot_general3A_63 {dimension_numbers = #tpu.dot_dimension_numbers<[1], [0], [0], [1], [0, 0, 1, 1], [], []>, transpose_lhs_hint = false} : vector<1024x60xf32>, vector<60x640xf32>, vector<1024x640xf32> -> vector<1024x640xf32>
      %eq3A_65 = arith.constant 6.000000e+00 : f32
      %eq3A_66 = vector.broadcast %eq3A_65 : f32 to vector<1024x640xf32>
      %eq3A_67 = arith.cmpf oeq, %dot_general3A_64, %eq3A_66 : vector<1024x640xf32>
      %jit3A_68 = arith.constant 1.000000e+00 : f32
      %jit3A_69 = arith.constant 0.000000e+00 : f32
      %broadcast_in_dim3A_70 = vector.broadcast %jit3A_68 : f32 to vector<1024x640xf32>
      %broadcast_in_dim3A_71 = vector.broadcast %jit3A_69 : f32 to vector<1024x640xf32>
      %select_n3A_72 = arith.select %eq3A_67, %broadcast_in_dim3A_70, %broadcast_in_dim3A_71 : vector<1024x640xi1>, vector<1024x640xf32>
      %reduce_sum3A_73 = arith.constant dense<0.000000e+00> : vector<640xf32>
      %reduce_sum3A_74 = vector.multi_reduction <add>, %select_n3A_72, %reduce_sum3A_73 [0] : vector<1024x640xf32> to vector<640xf32>
      %broadcast_in_dim3A_75 = vector.shape_cast %reduce_sum3A_74 : vector<640xf32> to vector<1x640xf32>
      %swap3A_76 = arith.constant 0 : index
      %swap3A_77 = arith.constant 0 : index
      %swap3A_78 = vector.load %arg6[%swap3A_76, %swap3A_77] : memref<1x640xf32, #tpu.memory_space<vmem>>, vector<1x640xf32>
      tpu.vector_store %arg6[%swap3A_76, %swap3A_77], %broadcast_in_dim3A_75 {strides = array<i32>} : memref<1x640xf32, #tpu.memory_space<vmem>>, vector<1x640xf32>,
    } else {
    }
    %get3A = arith.constant 0 : index
    %get3A_2 = arith.constant 0 : index
    %get3A_3 = vector.load %arg4[%get3A, %get3A_2] : memref<1000x784xf32, #tpu.memory_space<vmem>>, vector<1000x784xf32>
    %get3A_4 = arith.constant 0 : index
    %get3A_5 = arith.constant 0 : index
    %get3A_6 = vector.load %arg2[%get3A_4, %get3A_5] : memref<784x60xf32, #tpu.memory_space<vmem>>, vector<784x60xf32>
    %dot_general3A = arith.constant dense<0.000000e+00> : vector<1000x60xf32>
    %dot_general3A_7 = tpu.matmul %get3A_3, %get3A_6, %dot_general3A {dimension_numbers = #tpu.dot_dimension_numbers<[1], [0], [0], [1], [0, 0, 1, 1], [], []>, transpose_lhs_hint = false} : vector<1000x784xf32>, vector<784x60xf32>, vector<1000x60xf32> -> vector<1000x60xf32>
    %gt3A = arith.constant 0.000000e+00 : f32
    %gt3A_8 = vector.broadcast %gt3A : f32 to vector<1000x60xf32>
    %gt3A_9 = arith.cmpf ogt, %dot_general3A_7, %gt3A_8 : vector<1000x60xf32>
    %jit3A = arith.constant 1.000000e+00 : f32
    %jit3A_10 = arith.constant -1.000000e+00 : f32
    %broadcast_in_dim3A = vector.broadcast %jit3A : f32 to vector<1000x60xf32>
    %broadcast_in_dim3A_11 = vector.broadcast %jit3A_10 : f32 to vector<1000x60xf32>
    %select_n3A = arith.select %gt3A_9, %broadcast_in_dim3A, %broadcast_in_dim3A_11 : vector<1000x60xi1>, vector<1000x60xf32>
    %get3A_12 = arith.constant 0 : index
    %get3A_13 = arith.constant 0 : index
    %get3A_14 = vector.load %arg3[%get3A_12, %get3A_13] : memref<60x640xf32, #tpu.memory_space<vmem>>, vector<60x640xf32>
    %dot_general3A_15 = arith.constant dense<0.000000e+00> : vector<1000x640xf32>
    %dot_general3A_16 = tpu.matmul %select_n3A, %get3A_14, %dot_general3A_15 {dimension_numbers = #tpu.dot_dimension_numbers<[1], [0], [0], [1], [0, 0, 1, 1], [], []>, transpose_lhs_hint = false} : vector<1000x60xf32>, vector<60x640xf32>, vector<1000x640xf32> -> vector<1000x640xf32>
    %eq3A_17 = arith.constant 6.000000e+00 : f32
    %eq3A_18 = vector.broadcast %eq3A_17 : f32 to vector<1000x640xf32>
    %eq3A_19 = arith.cmpf oeq, %dot_general3A_16, %eq3A_18 : vector<1000x640xf32>
    %jit3A_20 = arith.constant 1.000000e+00 : f32
    %jit3A_21 = arith.constant 0.000000e+00 : f32
    %broadcast_in_dim3A_22 = vector.broadcast %jit3A_20 : f32 to vector<1000x640xf32>
    %broadcast_in_dim3A_23 = vector.broadcast %jit3A_21 : f32 to vector<1000x640xf32>
    %select_n3A_24 = arith.select %eq3A_19, %broadcast_in_dim3A_22, %broadcast_in_dim3A_23 : vector<1000x640xi1>, vector<1000x640xf32>
    %get3A_25 = arith.constant 0 : index
    %get3A_26 = arith.constant 0 : index
    %get3A_27 = vector.load %arg6[%get3A_25, %get3A_26] : memref<1x640xf32, #tpu.memory_space<vmem>>, vector<1x640xf32>
    %mul3A = vector.broadcast %get3A_27 : vector<1x640xf32> to vector<1000x640xf32>
    %mul3A_28 = arith.mulf %select_n3A_24, %mul3A : vector<1000x640xf32>
    %reduce_sum3A = arith.constant dense<0.000000e+00> : vector<1000xf32>
    %reduce_sum3A_29 = vector.multi_reduction <add>, %mul3A_28, %reduce_sum3A [1] : vector<1000x640xf32> to vector<1000xf32>
    %mul3A_30 = arith.constant 1000 : i32
    %mul3A_31 = arith.muli %arg0, %mul3A_30 : i32
    %iota3A = tpu.iota {dimensions = array<i32: 1>} : vector<1x1000xi32>
    %iota3A_32 = vector.shape_cast %iota3A : vector<1x1000xi32> to vector<1000xi32>
    %add3A = vector.broadcast %mul3A_31 : i32 to vector<1000xi32>
    %add3A_33 = arith.addi %add3A, %iota3A_32 : vector<1000xi32>
    %convert_element_type3A_34 = arith.fptosi %reduce_sum3A_29 : vector<1000xf32> to vector<1000xi32>
    %mul3A_35 = arith.constant 131072 : i32
    %mul3A_36 = vector.broadcast %mul3A_35 : i32 to vector<1000xi32>
    %mul3A_37 = arith.muli %convert_element_type3A_34, %mul3A_36 : vector<1000xi32>
    %sub3A = arith.constant 131071 : i32
    %sub3A_38 = vector.broadcast %sub3A : i32 to vector<1000xi32>
    %sub3A_39 = arith.subi %sub3A_38, %add3A_33 : vector<1000xi32>
    %add3A_40 = arith.addi %mul3A_37, %sub3A_39 : vector<1000xi32>
    %reshape3A = vector.shape_cast %add3A_40 : vector<1000xi32> to vector<1x1x1000xi32>
    %swap3A = arith.constant 0 : index
    %swap3A_41 = arith.constant 0 : index
    %swap3A_42 = arith.constant 0 : index
    %swap3A_43 = vector.load %arg5[%swap3A, %swap3A_41, %swap3A_42] : memref<1x1x1000xi32, #tpu.memory_space<vmem>>, vector<1x1x1000xi32>
    tpu.vector_store %arg5[%swap3A, %swap3A_41, %swap3A_42], %reshape3A {strides = array<i32>} : memref<1x1x1000xi32, #tpu.memory_space<vmem>>, vector<1x1x1000xi32>,
    return
  }
  func.func @transform_0(%arg0: i32) -> (i32, i32) {
    %c0_i32 = arith.constant 0 : i32
    %c0_i32_0 = arith.constant 0 : i32
    %c0_i32_1 = arith.constant 0 : i32
    return %c0_i32, %c0_i32_0 : i32, i32
  }
  func.func @transform_1(%arg0: i32) -> (i32, i32) {
    %c0_i32 = arith.constant 0 : i32
    %c0_i32_0 = arith.constant 0 : i32
    %c0_i32_1 = arith.constant 0 : i32
    return %c0_i32, %c0_i32_0 : i32, i32
  }
  func.func @transform_2(%arg0: i32) -> (i32, i32) {
    %c0_i32 = arith.constant 0 : i32
    %c0_i32_0 = arith.constant 0 : i32
    %c0_i32_1 = arith.constant 0 : i32
    return %c0_i32, %c0_i32_0 : i32, i32
  }
  func.func @transform_3(%arg0: i32) -> (i32, i32) {
    %c0_i32 = arith.constant 0 : i32
    %c0_i32_0 = arith.constant 0 : i32
    return %arg0, %c0_i32 : i32, i32
  }
  func.func @transform_4(%arg0: i32) -> (i32, i32, i32) {
    %c0_i32 = arith.constant 0 : i32
    %c0_i32_0 = arith.constant 0 : i32
    %c0_i32_1 = arith.constant 0 : i32
    return %arg0, %c0_i32, %c0_i32_0 : i32, i32, i32
  }
}

module attributes {stable_mosaic.version = 14 : i64} {
  func.func @_ffn_body(%arg0: memref<1024x784xf32, #tpu.memory_space<vmem>>, %arg1: memref<2048x784xf32, #tpu.memory_space<vmem>>, %arg2: memref<2048x16xf32, #tpu.memory_space<vmem>>, %arg3: memref<1x2048xf32, #tpu.memory_space<vmem>>, %arg4: memref<1x10xf32, #tpu.memory_space<vmem>>, %arg5: memref<1024x10xf32, #tpu.memory_space<vmem>>) attributes {dimension_semantics = [], scalar_prefetch = 0 : i64, scratch_operands = 0 : i64, tpu.core_type = #tpu.core_type<tc>} {
    %get3A = arith.constant 0 : index
    %get3A_0 = arith.constant 0 : index
    %get3A_1 = vector.load %arg0[%get3A, %get3A_0] : memref<1024x784xf32, #tpu.memory_space<vmem>>, vector<1024x784xf32>
    %get3A_2 = arith.constant 0 : index
    %get3A_3 = arith.constant 0 : index
    %get3A_4 = vector.load %arg1[%get3A_2, %get3A_3] : memref<2048x784xf32, #tpu.memory_space<vmem>>, vector<2048x784xf32>
    %dot_general3A = arith.constant dense<0.000000e+00> : vector<1024x2048xf32>
    %dot_general3A_5 = tpu.matmul %get3A_1, %get3A_4, %dot_general3A {dimension_numbers = #tpu.dot_dimension_numbers<[1], [1], [0], [0], [0, 0, 1, 0], [], []>, transpose_lhs_hint = false} : vector<1024x784xf32>, vector<2048x784xf32>, vector<1024x2048xf32> -> vector<1024x2048xf32>
    %get3A_6 = arith.constant 0 : index
    %get3A_7 = arith.constant 0 : index
    %get3A_8 = vector.load %arg3[%get3A_6, %get3A_7] : memref<1x2048xf32, #tpu.memory_space<vmem>>, vector<1x2048xf32>
    %add3A = vector.broadcast %get3A_8 : vector<1x2048xf32> to vector<1024x2048xf32>
    %add3A_9 = arith.addf %dot_general3A_5, %add3A : vector<1024x2048xf32>
    %max3A = arith.constant 0.000000e+00 : f32
    %max3A_10 = vector.broadcast %max3A : f32 to vector<1024x2048xf32>
    %max3A_11 = arith.maximumf %add3A_9, %max3A_10 : vector<1024x2048xf32>
    %get3A_12 = arith.constant 0 : index
    %get3A_13 = arith.constant 0 : index
    %get3A_14 = vector.load %arg2[%get3A_12, %get3A_13] : memref<2048x16xf32, #tpu.memory_space<vmem>>, vector<2048x10xf32>
    %dot_general3A_15 = arith.constant dense<0.000000e+00> : vector<1024x10xf32>
    %dot_general3A_16 = tpu.matmul %max3A_11, %get3A_14, %dot_general3A_15 {dimension_numbers = #tpu.dot_dimension_numbers<[1], [0], [0], [1], [0, 0, 1, 1], [], []>, transpose_lhs_hint = false} : vector<1024x2048xf32>, vector<2048x10xf32>, vector<1024x10xf32> -> vector<1024x10xf32>
    %get3A_17 = arith.constant 0 : index
    %get3A_18 = arith.constant 0 : index
    %get3A_19 = vector.load %arg4[%get3A_17, %get3A_18] : memref<1x10xf32, #tpu.memory_space<vmem>>, vector<1x10xf32>
    %add3A_20 = vector.broadcast %get3A_19 : vector<1x10xf32> to vector<1024x10xf32>
    %add3A_21 = arith.addf %dot_general3A_16, %add3A_20 : vector<1024x10xf32>
    %swap3A = arith.constant 0 : index
    %swap3A_22 = arith.constant 0 : index
    %swap3A_23 = vector.load %arg5[%swap3A, %swap3A_22] : memref<1024x10xf32, #tpu.memory_space<vmem>>, vector<1024x10xf32>
    tpu.vector_store %arg5[%swap3A, %swap3A_22], %add3A_21 {strides = array<i32>} : memref<1024x10xf32, #tpu.memory_space<vmem>>, vector<1024x10xf32>,
    return
  }
}

</mosaic_0001>

<sc_bundles>
// kernel: kernel.5.cloned.1.call-start
scs
__scs_entry_jumppad:
0x0: {  	(pc) =	sbr.rel $0x88, $3  }
0x1: {  	(tag) =	ssettag $0x0;
	lr =	simm.s32 $0x1  }
0x2: {  	[smem:$0x3F9B] =	sst lr;
	_ =	strace $0xD0000000  }
0x3: {  	_ = 	snop  }
0x4: {  	_ = 	snop  }
0x5: {  	_ = 	snop  }
0x6: {  	_ = 	snop  }
0x7: {  	_ = 	snop  }
__scs_overlays_trampoline_lowered:
0x8: {  	[smem:$0x3FAA] =	sst s0  }
0x9: {  	[smem:$0x3FAB] =	sst s1  }
0xa: {  	[smem:$0x3FAC] =	sst s2  }
0xb: {  	[smem:$0x3FAD] =	sst s3  }
0xc: {  	[smem:$0x3FAE] =	sst s4  }
0xd: {  	[smem:$0x3FAF] =	sst s5  }
0xe: {  	[smem:$0x3FB0] =	sst s6  }
0xf: {  	[smem:$0x3FB1] =	sst s7  }
0x10: {  	[smem:$0x3FB2] =	sst s8  }
0x11: {  	[smem:$0x3FB3] =	sst s9;
	s0 =	simm.s32 @!p0 $0x0  }
0x12: {  	s1 =	sld [smem:$0x3F99];
	s0 =	simm.s32 @p0 $0x1  }
0x13: {  	[smem:$0x3FB4] =	sst s0;
	s0 =	simm.s32 @!p1 $0x0  }
0x14: {  	s2 =	sld [smem:$0x3F98];
	s0 =	simm.s32 @p1 $0x1  }
0x15: {  	[smem:$0x3FB5] =	sst s0;
	s0 =	simm.s32 @!p2 $0x0  }
0x16: {  	s3 =	sld [smem:$0x3FDB];
	s0 =	simm.s32 @p2 $0x1  }
0x17: {  	s4 =	simm.s32 $0x1BF5;
	[smem:$0x3FB7] =	sst s0  }
0x18: {  	s0 =	sld [smem:$0x3F9A];
	_ =	swait.ge [sflag:s4], $0x0  }
0x19: {  	s7 =	sld [smem:$0x3F9B]  }
0x1a: {  	s8 =	sadd.s32 $0xFFFFE003, lr  }
0x1b: {  	s9 =	sadd.s32 $0xFFFFFEF7, lr;
	s5 =	simm.s32 $0xFFFFFFFF;
	p2 =	slt.u32 s8, $0xFFFFF086  }
0x1c: {  	p1 =	slt.u32 s9, $0xF7A;
	s5 =	simm.s32 @!p2 $0x0  }
0x1d: {  	s5 =	simm.s32 @p1 $0x1;
	p0 =	seq.s32 s7, s2  }
0x1e: {  	s7 =	smul.u32 @!p0 $0xF7A, s2;
	p2 =	seq.s32 @!p0 s5, $0x0  }
0x1f: {  	s9 =	smul.u32 $0xF7A, s1;
	s8 =	simm.s32 @!p0 $0x1BF5;
	p2 =	por !p2, p0  }
0x20: {  	[sflag:s8] =	ssyncset.s32 @!p0 $0xFFFFF086;
	s6 =	sadd.s32 @!p0 s3, s7;
	s7 =	simm.s32 @!p0 $0x108  }
0x21: {  	s3 =	sadd.s32 s3, s9;
	s6 =	sadd.s32 @!p0 $0x88, s6;
	s7 =	simm.s32 @p2 $0x1082  }
0x22: {  	[simem:s7], [sflag:s8] =	dma.local @!p0 [hbm:s6], $0xF7A  }
0x23: {  	s9 =	sor.u32 $0xD0000000, s2;
	s6 =	simm.s32 $0x108;
	_ =	swait.ge @!p0 [sflag:s8], $0x0  }
0x24: {  	s3 =	sadd.s32 $0x88, s3;
	s6 =	simm.s32 @!p1 $0x1082;
	[sflag:s4] =	ssyncset.s32 $0xFFFFF086  }
0x25: {  	[simem:s6], [sflag:s4] =	dma.local [hbm:s3], $0xF7A  }
0x26: {  	[smem:$0x3F9B] =	sst s1;
	(tag) =	ssettag s2;
	_ =	strace s9  }
0x27: {  	s1 =	sld [smem:$0x3FAB]  }
0x28: {  	s2 =	sld [smem:$0x3FAC]  }
0x29: {  	s4 =	sld [smem:$0x3FAE]  }
0x2a: {  	p0 =	seq.s32 s5, $0x0;
	s5 =	sld [smem:$0x3FAF]  }
0x2b: {  	s6 =	sld [smem:$0x3FB0]  }
0x2c: {  	s7 =	sld [smem:$0x3FB1]  }
0x2d: {  	s3 =	simm.s32 $0x108;
	s8 =	sld [smem:$0x3FB2]  }
0x2e: {  	s3 =	simm.s32 @!p0 $0x1082;
	s9 =	sld [smem:$0x3FB3]  }
0x2f: {  	lr =	sadd.s32 s0, s3;
	s0 =	sld [smem:$0x3FAA]  }
0x30: {  	s3 =	sld [smem:$0x3FAD]  }
0x31: {  	[smem:$0x3FB6] =	sst s10  }
0x32: {  	s10 =	sld [smem:$0x3FB4];
	_ =	sdelay $0x3  }
0x33: {  	p0 =	seq.s32 s10, $0x1;
	s10 =	sld [smem:$0x3FB6];
	_ =	sdelay $0x3  }
0x34: {  	[smem:$0x3FB6] =	sst s10  }
0x35: {  	s10 =	sld [smem:$0x3FB5];
	_ =	sdelay $0x3  }
0x36: {  	p1 =	seq.s32 s10, $0x1;
	s10 =	sld [smem:$0x3FB6];
	_ =	sdelay $0x3  }
0x37: {  	[smem:$0x3FB6] =	sst s10  }
0x38: {  	s10 =	sld [smem:$0x3FB7]  }
0x39: {  	_ = 	snop;
	(pc) =	sbr.ind lr, $3  }
0x3a: {  	_ = 	snop  }
0x3b: {  	_ = 	snop  }
0x3c: {  	p2 =	seq.s32 s10, $0x1;
	s10 =	sld [smem:$0x3FB6]  }
0x3d: {  	_ =	shalt  }
0x3e: {  	_ =	shalt  }
0x3f: {  	_ =	shalt  }
0x40: {  	_ =	shalt  }
0x41: {  	_ =	shalt  }
0x42: {  	_ =	shalt  }
0x43: {  	_ =	shalt  }
0x44: {  	_ =	shalt  }
0x45: {  	_ =	shalt  }
0x46: {  	_ =	shalt  }
0x47: {  	_ =	shalt  }
0x48: {  	_ =	shalt  }
0x49: {  	_ =	shalt  }
0x4a: {  	_ =	shalt  }
0x4b: {  	_ =	shalt  }
0x4c: {  	_ =	shalt  }
0x4d: {  	_ =	shalt  }
0x4e: {  	_ =	shalt  }
0x4f: {  	_ =	shalt  }
0x50: {  	_ =	shalt  }
0x51: {  	_ =	shalt  }
0x52: {  	_ =	shalt  }
0x53: {  	_ =	shalt  }
0x54: {  	_ =	shalt  }
0x55: {  	_ =	shalt  }
0x56: {  	_ =	shalt  }
0x57: {  	_ =	shalt  }
0x58: {  	_ =	shalt  }
0x59: {  	_ =	shalt  }
0x5a: {  	_ =	shalt  }
0x5b: {  	_ =	shalt  }
0x5c: {  	_ =	shalt  }
0x5d: {  	_ =	shalt  }
0x5e: {  	_ =	shalt  }
0x5f: {  	_ =	shalt  }
0x60: {  	_ =	shalt  }
0x61: {  	_ =	shalt  }
0x62: {  	_ =	shalt  }
0x63: {  	_ =	shalt  }
0x64: {  	_ =	shalt  }
0x65: {  	_ =	shalt  }
0x66: {  	_ =	shalt  }
0x67: {  	_ =	shalt  }
0x68: {  	_ =	shalt  }
0x69: {  	_ =	shalt  }
0x6a: {  	_ =	shalt  }
0x6b: {  	_ =	shalt  }
0x6c: {  	_ =	shalt  }
0x6d: {  	_ =	shalt  }
0x6e: {  	_ =	shalt  }
0x6f: {  	_ =	shalt  }
0x70: {  	_ =	shalt  }
0x71: {  	_ =	shalt  }
0x72: {  	_ =	shalt  }
0x73: {  	_ =	shalt  }
0x74: {  	_ =	shalt  }
0x75: {  	_ =	shalt  }
0x76: {  	_ =	shalt  }
0x77: {  	_ =	shalt  }
0x78: {  	_ =	shalt  }
0x79: {  	_ =	shalt  }
0x7a: {  	_ =	shalt  }
0x7b: {  	_ =	shalt  }
0x7c: {  	_ =	shalt  }
0x7d: {  	_ =	shalt  }
0x7e: {  	_ =	shalt  }
0x7f: {  	_ =	shalt  }
0x80: {  	_ =	shalt  }
0x81: {  	_ =	shalt  }
0x82: {  	_ =	shalt  }
0x83: {  	_ =	shalt  }
0x84: {  	_ =	shalt  }
0x85: {  	_ =	shalt  }
0x86: {  	_ =	shalt  }
0x87: {  	_ =	shalt  }
.Lfunc_end0:
.L_simem_size_0:
called_computation_lowered:
.L_overlay_start_0:
0x88: {  	s2 =	sld [smem:$0x3FD9]  }
0x89: {  	s3 =	sld [smem:$0x3FFE];
	_ =	sdelay $0x1  }
0x8a: {  	s1 =	srdreg.scid  }
0x8b: {  	s0 =	sand.u32 $0x1, s1  }
0x8c: {  	s17 =	sshll.u32 s0, $0xA;
	s2 =	sadd.s32 s3, s2  }
0x8d: {  	s2 =	sadd.s32 s2, s17  }
0x8e: {  	[smem:$0x3FC2] =	sst s2  }
0x8f: {  	_ = 	snop  }
0x90: {  	s2 =	sld [smem:$0x3FD0];
	(tm) =	ssettm $0x1  }
0x91: {  	s18 =	sld [smem:$0x3FFB];
	_ =	sdelay $0x3  }
0x92: {  	_ =	strace s18  }
0x93: {  	s3 =	sld [smem:$0x3FFC];
	_ =	sdelay $0x3  }
0x94: {  	_ =	strace s3  }
0x95: {  	s3 =	sld [smem:$0x3FFD];
	_ =	sdelay $0x3  }
0x96: {  	_ =	strace s3  }
0x97: {  	_ =	strace $0x8FFFFFFF  }
0x98: {  	s19 =	sld [smem:$0x3FDB];
	_ =	sdelay $0x1  }
0x99: {  	s4 =	simm.s32 $_scs_section_size  }
0x9a: {  	s5 =	simm.s32 $_size__tile_overlayer_lowered;
	s6 =	simm.s32 $_tile_overlayer_lowered  }
0x9b: {  	s22 =	simm.s32 $0x1BFF;
	s21 =	sshll.u32 s6, $0x1;
	s3 =	sadd.s32 s4, s19  }
0x9c: {  	s7 =	simm.s32 $0x0;
	s20 =	sshll.u32 s5, $0x1;
	s5 =	sadd.s32 s21, s3  }
0x9d: {  	[timem:s7], [sflag:s22] =	dma.local [hbm:s5], s20  }
0x9e: {  	_ =	swait.ge [sflag:s22], s20  }
0x9f: {  	s4 =	ssub.s32 $0x0, s20;
	[sflag:s22] =	ssyncset.done $0x0  }
0xa0: {  	[sflag:s22] =	ssyncadd.s32 s4;
	_ =	sdelay $0x1  }
0xa1: {  	s23 =	simm.s32 $0x1B8B  }
0xa2: {  	_ =	swait.ge [sflag:s23], $0x1  }
0xa3: {  	[sflag:s23] =	ssyncset.done $0x0  }
0xa4: {  	s25 =	simm.s32 $0x1B8E;
	s24 =	sld [smem:$0x3FFE];
	[sflag:s23] =	ssyncadd.s32 $0xFFFFFFFF  }
0xa5: {  	s26 =	simm.s32 $execute0_lowered;
	[smem:$0x3FD2] =	sst s25  }
0xa6: {  	s5 =	sshll.u32 s26, $0x1;
	_ =	strace $0x80000046;
	[dreg:$0x1] =	wrdreg $0xFFFFFFFF  }
0xa7: {  	s28 =	simm.s32 $_size_execute0_lowered;
	s3 =	sadd.s32 s3, s5;
	[dreg:$0x0] =	wrdreg $0x0  }
0xa8: {  	s5 =	sshll.u32 s28, $0x1;
	[dreg:$0x2] =	wrdreg s3  }
0xa9: {  	[dreg:$0x3] =	wrdreg s5  }
0xaa: {  	[dreg:$0x4] =	wrdreg $0xC0  }
0xab: {  	_ =	task [dreg:s7], $0x5FFFF  }
0xac: {  	[dreg:$0x1] =	wrdreg $0xFFFFFFFF  }
0xad: {  	[dreg:$0x0] =	wrdreg $0x60  }
0xae: {  	[dreg:$0x2] =	wrdreg s24  }
0xaf: {  	[dreg:$0x3] =	wrdreg s2  }
0xb0: {  	[dreg:$0x4] =	wrdreg $0x9  }
0xb1: {  	_ =	task.clear_ibuf [dreg:s7], $0x5FFFF;
	_ =	strace $0x90000046  }
0xb2: {  	s29 =	simm.s32 $0x9;
	_ =	strace $0x80000048  }
0xb3: {  	_ =	swait.ge [sflag:s29], $0x1  }
0xb4: {  	[sflag:s29] =	ssyncadd.s32 $0xFFFFFFFF  }
0xb5: {  	_ =	strace $0x90000048  }
0xb6: {  	_ =	sfence  }
0xb7: {  	s30 =	sld [smem:$0x0];
	_ =	sdelay $0x2  }
0xb8: {  	s31 =	sshll.u32 s1, $0xD;
	s1 =	sshrl.u32 s1, $0x2  }
0xb9: {  	s3 =	sand.u32 $0x4000, s31;
	s1 =	sadd.s32 s1, s30  }
0xba: {  	s0 =	sor.u32 s3, s0;
	s1 =	sshll.u32 s1, $0x11  }
0xbb: {  	s0 =	sor.u32 s1, s0  }
0xbc: {  	s0 =	sadd.s32 $0x8F2B, s0  }
0xbd: {  	[sflag:s0] =	ssyncadd.remote.s32 $0x1  }
0xbe: {  	_ =	sfence.sel $0xFFFF  }
0xbf: {  	[dreg:$0x0] =	wrdreg $0xFFFFFFFF;
	(pc) =	sbr.abs _section_cstart, $3  }
0xc0: {  	[dreg:$0x1] =	wrdreg $0xFFFFFFFF  }
0xc1: {  	_ =	task.clear_ibuf [dreg:s7], $0x2FFFF;
	_ =	strace $0x9FFFFFFF  }
0xc2: {  	(tm) =	ssettm $0x7FFFFFFF  }
0xc3: {  	_ =	shalt  }
tec
execute0_lowered:
.L_overlay_start_1:
0x0: {  	(tag) =	ssettag $0x1  }
0x1: {  	s1 =	srdreg.scid  }
0x2: {  	s0 =	stileid.u32;
	s4 =	rddreg [dreg:$0x0];
	s5 =	sand.u32 $0x1, s1  }
0x3: {  	s3 =	rddreg [dreg:$0x1];
	s10 =	sshll.u32 s0, $0x7;
	s2 =	sshll.u32 s5, $0x6  }
0x4: {  	s1 =	rddreg [dreg:$0x2];
	s6 =	sor.u32 s2, s10;
	s2 =	simm.s32 $0x0  }
0x5: {  	s13 =	simm.s32 $0x480;
	[smem:$0x7FF] =	sst s2  }
0x6: {  	s14 =	simm.s32 $0x880;
	_ =	strace $0x80000047;
	[dreg:$0x6] =	wrdreg s13  }
0x7: {  	s15 =	simm.s32 $0xC80;
	[dreg:$0x7] =	wrdreg s14  }
0x8: {  	s16 =	simm.s32 $0x1080;
	[dreg:$0x8] =	wrdreg s15  }
0x9: {  	s17 =	simm.s32 $0x1480;
	[dreg:$0x9] =	wrdreg s16  }
0xa: {  	s18 =	simm.s32 $0x1880;
	[dreg:$0xa] =	wrdreg s17  }
0xb: {  	s19 =	simm.s32 $0x100;
	[dreg:$0xb] =	wrdreg s18  }
0xc: {  	s20 =	simm.s32 $0x500;
	s21 =	simm.s32 $0x900;
	[dreg:$0xc] =	wrdreg s19  }
0xd: {  	s22 =	simm.s32 $0xD00;
	s7 =	sshrl.u32 s6, $0x3;
	[dreg:$0xd] =	wrdreg s20  }
0xe: {  	s6 =	sshll.u32 s6, $0x4;
	s8 =	smul.u32 $0x380, s7;
	[dreg:$0xe] =	wrdreg s21  }
0xf: {  	s3 =	sadd.s32 s3, s7;
	s6 =	sadd.s32 s6, s4;
	[dreg:$0xf] =	wrdreg s22  }
0x10: {  	[dreg:$0x3] =	wrdreg s3;
	s12 =	sadd.s32 $0xC8C200, s6;
	s8 =	sadd.s32 s8, s4  }
0x11: {  	[dreg:$0x5] =	wrdreg s12;
	s11 =	sadd.s32 $0xC54200, s8  }
0x12: {  	s23 =	simm.s32 $0x1100;
	[dreg:$0x4] =	wrdreg s11  }
0x13: {  	s24 =	simm.s32 $0x1500;
	[dreg:$0x10] =	wrdreg s23  }
0x14: {  	s25 =	simm.s32 $0x1900;
	[dreg:$0x11] =	wrdreg s24  }
0x15: {  	s26 =	simm.s32 $0xE100;
	[dreg:$0x12] =	wrdreg s25  }
0x16: {  	s28 =	simm.s32 $0x180;
	[dreg:$0x13] =	wrdreg s26  }
0x17: {  	s29 =	simm.s32 $0x580;
	[dreg:$0x14] =	wrdreg s28  }
0x18: {  	s30 =	simm.s32 $0x980;
	[dreg:$0x15] =	wrdreg s29  }
0x19: {  	s31 =	simm.s32 $0xD80;
	[dreg:$0x16] =	wrdreg s30  }
0x1a: {  	s6 =	simm.s32 $0x1180;
	[dreg:$0x17] =	wrdreg s31  }
0x1b: {  	s7 =	simm.s32 $0x1580;
	[dreg:$0x18] =	wrdreg s6  }
0x1c: {  	s8 =	simm.s32 $0x1980;
	[dreg:$0x19] =	wrdreg s7  }
0x1d: {  	s9 =	simm.s32 $0xE180;
	[dreg:$0x1a] =	wrdreg s8  }
0x1e: {  	s10 =	simm.s32 $0x200;
	[dreg:$0x1b] =	wrdreg s9  }
0x1f: {  	s12 =	simm.s32 $0xA00;
	[dreg:$0x1c] =	wrdreg s10  }
0x20: {  	s13 =	simm.s32 $0xE00;
	[dreg:$0x1e] =	wrdreg s12  }
0x21: {  	s14 =	simm.s32 $0x1200;
	[dreg:$0x1f] =	wrdreg s13  }
0x22: {  	s15 =	simm.s32 $0x1600;
	[smem:$0x61A] =	sst s14  }
0x23: {  	s16 =	simm.s32 $0x1A00;
	[smem:$0x61B] =	sst s15  }
0x24: {  	s17 =	simm.s32 $0xE200;
	[smem:$0x61C] =	sst s16  }
0x25: {  	s18 =	simm.s32 $0x280;
	[smem:$0x61D] =	sst s17  }
0x26: {  	s19 =	simm.s32 $0x680;
	[smem:$0x61E] =	sst s18  }
0x27: {  	s20 =	simm.s32 $0xA80;
	[smem:$0x61F] =	sst s19  }
0x28: {  	s21 =	simm.s32 $0xE80;
	[smem:$0x620] =	sst s20  }
0x29: {  	s22 =	simm.s32 $0x1280;
	[smem:$0x621] =	sst s21  }
0x2a: {  	s11 =	simm.s32 $0x600;
	[smem:$0x622] =	sst s22  }
0x2b: {  	s23 =	simm.s32 $0x1680;
	[dreg:$0x1d] =	wrdreg s11  }
0x2c: {  	s24 =	simm.s32 $0x1A80;
	[smem:$0x623] =	sst s23  }
0x2d: {  	s25 =	simm.s32 $0xE280;
	[smem:$0x624] =	sst s24  }
0x2e: {  	s26 =	simm.s32 $0x300;
	[smem:$0x625] =	sst s25  }
0x2f: {  	s28 =	simm.s32 $0x700;
	[smem:$0x626] =	sst s26  }
0x30: {  	s29 =	simm.s32 $0xB00;
	[smem:$0x627] =	sst s28  }
0x31: {  	s30 =	simm.s32 $0xF00;
	[smem:$0x628] =	sst s29  }
0x32: {  	s31 =	simm.s32 $0x1300;
	[smem:$0x629] =	sst s30  }
0x33: {  	s6 =	simm.s32 $0x1700;
	[smem:$0x62A] =	sst s31  }
0x34: {  	s7 =	simm.s32 $0x1B00;
	[smem:$0x62B] =	sst s6  }
0x35: {  	s8 =	simm.s32 $0xE300;
	[smem:$0x62C] =	sst s7  }
0x36: {  	s9 =	simm.s32 $0x380;
	[smem:$0x62D] =	sst s8  }
0x37: {  	s10 =	simm.s32 $0x780;
	[smem:$0x62E] =	sst s9  }
0x38: {  	s12 =	simm.s32 $0xF80;
	[smem:$0x62F] =	sst s10  }
0x39: {  	s13 =	simm.s32 $0x1380;
	[smem:$0x631] =	sst s12  }
0x3a: {  	s14 =	simm.s32 $0x1780;
	[smem:$0x632] =	sst s13  }
0x3b: {  	s15 =	simm.s32 $0x1B80;
	[smem:$0x633] =	sst s14  }
0x3c: {  	s16 =	simm.s32 $0xE380;
	[smem:$0x634] =	sst s15  }
0x3d: {  	s17 =	simm.s32 $0x400;
	[smem:$0x635] =	sst s16  }
0x3e: {  	s18 =	simm.s32 $0x800;
	[smem:$0x636] =	sst s17  }
0x3f: {  	s19 =	simm.s32 $0xC00;
	[smem:$0x637] =	sst s18  }
0x40: {  	s20 =	simm.s32 $0x1000;
	[smem:$0x638] =	sst s19  }
0x41: {  	s21 =	simm.s32 $0x1400;
	[smem:$0x639] =	sst s20  }
0x42: {  	s22 =	simm.s32 $0x1800;
	[smem:$0x63A] =	sst s21  }
0x43: {  	s11 =	simm.s32 $0xB80;
	[smem:$0x63B] =	sst s22  }
0x44: {  	s23 =	simm.s32 $0x1C00;
	[smem:$0x630] =	sst s11  }
0x45: {  	s24 =	simm.s32 $0xE400;
	[smem:$0x63C] =	sst s23  }
0x46: {  	s25 =	simm.s32 $0x1C80;
	[smem:$0x63D] =	sst s24  }
0x47: {  	s26 =	simm.s32 $0x2080;
	[smem:$0x63E] =	sst s25  }
0x48: {  	s28 =	simm.s32 $0x2480;
	[smem:$0x63F] =	sst s26  }
0x49: {  	s29 =	simm.s32 $0x2880;
	[smem:$0x640] =	sst s28  }
0x4a: {  	s30 =	simm.s32 $0x2C80;
	[smem:$0x641] =	sst s29  }
0x4b: {  	s31 =	simm.s32 $0x3080;
	[smem:$0x642] =	sst s30  }
0x4c: {  	s6 =	simm.s32 $0x3480;
	[smem:$0x643] =	sst s31  }
0x4d: {  	s7 =	simm.s32 $0xE480;
	[smem:$0x644] =	sst s6  }
0x4e: {  	s8 =	simm.s32 $0x1D00;
	[smem:$0x645] =	sst s7  }
0x4f: {  	s9 =	simm.s32 $0x2100;
	[smem:$0x646] =	sst s8  }
0x50: {  	s10 =	simm.s32 $0x2500;
	[smem:$0x647] =	sst s9  }
0x51: {  	s12 =	simm.s32 $0x2D00;
	[smem:$0x648] =	sst s10  }
0x52: {  	s13 =	simm.s32 $0x3100;
	[smem:$0x64A] =	sst s12  }
0x53: {  	s14 =	simm.s32 $0x3500;
	[smem:$0x64B] =	sst s13  }
0x54: {  	s15 =	simm.s32 $0xE500;
	[smem:$0x64C] =	sst s14  }
0x55: {  	s16 =	simm.s32 $0x1D80;
	[smem:$0x64D] =	sst s15  }
0x56: {  	s17 =	simm.s32 $0x2180;
	[smem:$0x64E] =	sst s16  }
0x57: {  	s18 =	simm.s32 $0x2580;
	[smem:$0x64F] =	sst s17  }
0x58: {  	s19 =	simm.s32 $0x2980;
	[smem:$0x650] =	sst s18  }
0x59: {  	s20 =	simm.s32 $0x2D80;
	[smem:$0x651] =	sst s19  }
0x5a: {  	s21 =	simm.s32 $0x3180;
	[smem:$0x652] =	sst s20  }
0x5b: {  	s22 =	simm.s32 $0x3580;
	[smem:$0x653] =	sst s21  }
0x5c: {  	s11 =	simm.s32 $0x2900;
	[smem:$0x654] =	sst s22  }
0x5d: {  	s23 =	simm.s32 $0xE580;
	[smem:$0x649] =	sst s11  }
0x5e: {  	s24 =	simm.s32 $0x1E00;
	[smem:$0x655] =	sst s23  }
0x5f: {  	s25 =	simm.s32 $0x2200;
	[smem:$0x656] =	sst s24  }
0x60: {  	s26 =	simm.s32 $0x2600;
	[smem:$0x657] =	sst s25  }
0x61: {  	s28 =	simm.s32 $0x2A00;
	[smem:$0x658] =	sst s26  }
0x62: {  	s29 =	simm.s32 $0x2E00;
	[smem:$0x659] =	sst s28  }
0x63: {  	s30 =	simm.s32 $0x3200;
	[smem:$0x65A] =	sst s29  }
0x64: {  	s31 =	simm.s32 $0x3600;
	[smem:$0x65B] =	sst s30  }
0x65: {  	s6 =	simm.s32 $0xE600;
	[smem:$0x65C] =	sst s31  }
0x66: {  	s7 =	simm.s32 $0x1E80;
	[smem:$0x65D] =	sst s6  }
0x67: {  	s8 =	simm.s32 $0x2280;
	[smem:$0x65E] =	sst s7  }
0x68: {  	s9 =	simm.s32 $0x2680;
	[smem:$0x65F] =	sst s8  }
0x69: {  	s10 =	simm.s32 $0x2A80;
	[smem:$0x660] =	sst s9  }
0x6a: {  	s12 =	simm.s32 $0x3280;
	[smem:$0x661] =	sst s10  }
0x6b: {  	s13 =	simm.s32 $0x3680;
	[smem:$0x663] =	sst s12  }
0x6c: {  	s14 =	simm.s32 $0xE680;
	[smem:$0x664] =	sst s13  }
0x6d: {  	s15 =	simm.s32 $0x1F00;
	[smem:$0x665] =	sst s14  }
0x6e: {  	s16 =	simm.s32 $0x2300;
	[smem:$0x666] =	sst s15  }
0x6f: {  	s17 =	simm.s32 $0x2700;
	[smem:$0x667] =	sst s16  }
0x70: {  	s18 =	simm.s32 $0x2B00;
	[smem:$0x668] =	sst s17  }
0x71: {  	s19 =	simm.s32 $0x2F00;
	[smem:$0x669] =	sst s18  }
0x72: {  	s20 =	simm.s32 $0x3300;
	[smem:$0x66A] =	sst s19  }
0x73: {  	s21 =	simm.s32 $0x3700;
	[smem:$0x66B] =	sst s20  }
0x74: {  	s22 =	simm.s32 $0xE700;
	[smem:$0x66C] =	sst s21  }
0x75: {  	s11 =	simm.s32 $0x2E80;
	[smem:$0x66D] =	sst s22  }
0x76: {  	s23 =	simm.s32 $0x1F80;
	[smem:$0x662] =	sst s11  }
0x77: {  	s24 =	simm.s32 $0x2380;
	[smem:$0x66E] =	sst s23  }
0x78: {  	s25 =	simm.s32 $0x2780;
	[smem:$0x66F] =	sst s24  }
0x79: {  	s26 =	simm.s32 $0x2B80;
	[smem:$0x670] =	sst s25  }
0x7a: {  	s28 =	simm.s32 $0x2F80;
	[smem:$0x671] =	sst s26  }
0x7b: {  	s29 =	simm.s32 $0x3380;
	[smem:$0x672] =	sst s28  }
0x7c: {  	s30 =	simm.s32 $0x3780;
	[smem:$0x673] =	sst s29  }
0x7d: {  	s31 =	simm.s32 $0xE780;
	[smem:$0x674] =	sst s30  }
0x7e: {  	s6 =	simm.s32 $0x2000;
	[smem:$0x675] =	sst s31  }
0x7f: {  	s7 =	simm.s32 $0x2400;
	[smem:$0x676] =	sst s6  }
0x80: {  	s8 =	simm.s32 $0x2800;
	[smem:$0x677] =	sst s7  }
0x81: {  	s9 =	simm.s32 $0x2C00;
	[smem:$0x678] =	sst s8  }
0x82: {  	s10 =	simm.s32 $0x3000;
	[smem:$0x679] =	sst s9  }
0x83: {  	s12 =	simm.s32 $0x3800;
	[smem:$0x67A] =	sst s10  }
0x84: {  	s13 =	simm.s32 $0xE800;
	[smem:$0x67C] =	sst s12  }
0x85: {  	s14 =	simm.s32 $0x3880;
	[smem:$0x67D] =	sst s13  }
0x86: {  	s15 =	simm.s32 $0x3C80;
	[smem:$0x67E] =	sst s14  }
0x87: {  	s16 =	simm.s32 $0x4080;
	[smem:$0x67F] =	sst s15  }
0x88: {  	s17 =	simm.s32 $0x4480;
	[smem:$0x680] =	sst s16  }
0x89: {  	s18 =	simm.s32 $0x4880;
	[smem:$0x681] =	sst s17  }
0x8a: {  	s19 =	simm.s32 $0x4C80;
	[smem:$0x682] =	sst s18  }
0x8b: {  	s20 =	simm.s32 $0x5080;
	[smem:$0x683] =	sst s19  }
0x8c: {  	s21 =	simm.s32 $0xE880;
	[smem:$0x684] =	sst s20  }
0x8d: {  	s22 =	simm.s32 $0x3900;
	[smem:$0x685] =	sst s21  }
0x8e: {  	s11 =	simm.s32 $0x3400;
	[smem:$0x686] =	sst s22  }
0x8f: {  	s23 =	simm.s32 $0x3D00;
	[smem:$0x67B] =	sst s11  }
0x90: {  	s24 =	simm.s32 $0x4100;
	[smem:$0x687] =	sst s23  }
0x91: {  	s25 =	simm.s32 $0x4500;
	[smem:$0x688] =	sst s24  }
0x92: {  	s26 =	simm.s32 $0x4900;
	[smem:$0x689] =	sst s25  }
0x93: {  	s28 =	simm.s32 $0x4D00;
	[smem:$0x68A] =	sst s26  }
0x94: {  	s29 =	simm.s32 $0x5100;
	[smem:$0x68B] =	sst s28  }
0x95: {  	s30 =	simm.s32 $0xE900;
	[smem:$0x68C] =	sst s29  }
0x96: {  	s31 =	simm.s32 $0x3980;
	[smem:$0x68D] =	sst s30  }
0x97: {  	s6 =	simm.s32 $0x3D80;
	[smem:$0x68E] =	sst s31  }
0x98: {  	s7 =	simm.s32 $0x4180;
	[smem:$0x68F] =	sst s6  }
0x99: {  	s8 =	simm.s32 $0x4580;
	[smem:$0x690] =	sst s7  }
0x9a: {  	s9 =	simm.s32 $0x4980;
	[smem:$0x691] =	sst s8  }
0x9b: {  	s10 =	simm.s32 $0x4D80;
	[smem:$0x692] =	sst s9  }
0x9c: {  	s12 =	simm.s32 $0xE980;
	[smem:$0x693] =	sst s10  }
0x9d: {  	s13 =	simm.s32 $0x3A00;
	[smem:$0x695] =	sst s12  }
0x9e: {  	s14 =	simm.s32 $0x3E00;
	[smem:$0x696] =	sst s13  }
0x9f: {  	s15 =	simm.s32 $0x4200;
	[smem:$0x697] =	sst s14  }
0xa0: {  	s16 =	simm.s32 $0x4600;
	[smem:$0x698] =	sst s15  }
0xa1: {  	s17 =	simm.s32 $0x4A00;
	[smem:$0x699] =	sst s16  }
0xa2: {  	s18 =	simm.s32 $0x4E00;
	[smem:$0x69A] =	sst s17  }
0xa3: {  	s19 =	simm.s32 $0x5200;
	[smem:$0x69B] =	sst s18  }
0xa4: {  	s20 =	simm.s32 $0xEA00;
	[smem:$0x69C] =	sst s19  }
0xa5: {  	s21 =	simm.s32 $0x3A80;
	[smem:$0x69D] =	sst s20  }
0xa6: {  	s22 =	simm.s32 $0x3E80;
	[smem:$0x69E] =	sst s21  }
0xa7: {  	s11 =	simm.s32 $0x5180;
	[smem:$0x69F] =	sst s22  }
0xa8: {  	s23 =	simm.s32 $0x4280;
	[smem:$0x694] =	sst s11  }
0xa9: {  	s24 =	simm.s32 $0x4680;
	[smem:$0x6A0] =	sst s23  }
0xaa: {  	s25 =	simm.s32 $0x4A80;
	[smem:$0x6A1] =	sst s24  }
0xab: {  	s26 =	simm.s32 $0x4E80;
	[smem:$0x6A2] =	sst s25  }
0xac: {  	s28 =	simm.s32 $0x5280;
	[smem:$0x6A3] =	sst s26  }
0xad: {  	s29 =	simm.s32 $0xEA80;
	[smem:$0x6A4] =	sst s28  }
0xae: {  	s30 =	simm.s32 $0x3B00;
	[smem:$0x6A5] =	sst s29  }
0xaf: {  	s31 =	simm.s32 $0x3F00;
	[smem:$0x6A6] =	sst s30  }
0xb0: {  	s6 =	simm.s32 $0x4300;
	[smem:$0x6A7] =	sst s31  }
0xb1: {  	s7 =	simm.s32 $0x4700;
	[smem:$0x6A8] =	sst s6  }
0xb2: {  	s8 =	simm.s32 $0x4B00;
	[smem:$0x6A9] =	sst s7  }
0xb3: {  	s9 =	simm.s32 $0x4F00;
	[smem:$0x6AA] =	sst s8  }
0xb4: {  	s10 =	simm.s32 $0x5300;
	[smem:$0x6AB] =	sst s9  }
0xb5: {  	s12 =	simm.s32 $0x3B80;
	[smem:$0x6AC] =	sst s10  }
0xb6: {  	s13 =	simm.s32 $0x3F80;
	[smem:$0x6AE] =	sst s12  }
0xb7: {  	s14 =	simm.s32 $0x4380;
	[smem:$0x6AF] =	sst s13  }
0xb8: {  	s15 =	simm.s32 $0x4780;
	[smem:$0x6B0] =	sst s14  }
0xb9: {  	s16 =	simm.s32 $0x4B80;
	[smem:$0x6B1] =	sst s15  }
0xba: {  	s17 =	simm.s32 $0x4F80;
	[smem:$0x6B2] =	sst s16  }
0xbb: {  	s18 =	simm.s32 $0x5380;
	[smem:$0x6B3] =	sst s17  }
0xbc: {  	s19 =	simm.s32 $0xEB80;
	[smem:$0x6B4] =	sst s18  }
0xbd: {  	s20 =	simm.s32 $0x3C00;
	[smem:$0x6B5] =	sst s19  }
0xbe: {  	s21 =	simm.s32 $0x4000;
	[smem:$0x6B6] =	sst s20  }
0xbf: {  	s22 =	simm.s32 $0x4400;
	[smem:$0x6B7] =	sst s21  }
0xc0: {  	s11 =	simm.s32 $0xEB00;
	[smem:$0x6B8] =	sst s22  }
0xc1: {  	s23 =	simm.s32 $0x4800;
	[smem:$0x6AD] =	sst s11  }
0xc2: {  	s24 =	simm.s32 $0x4C00;
	[smem:$0x6B9] =	sst s23  }
0xc3: {  	s25 =	simm.s32 $0x5000;
	[smem:$0x6BA] =	sst s24  }
0xc4: {  	s26 =	simm.s32 $0x5400;
	[smem:$0x6BB] =	sst s25  }
0xc5: {  	s28 =	simm.s32 $0xEC00;
	[smem:$0x6BC] =	sst s26  }
0xc6: {  	s29 =	simm.s32 $0x5480;
	[smem:$0x6BD] =	sst s28  }
0xc7: {  	s30 =	simm.s32 $0x5880;
	[smem:$0x6BE] =	sst s29  }
0xc8: {  	s31 =	simm.s32 $0x5C80;
	[smem:$0x6BF] =	sst s30  }
0xc9: {  	s6 =	simm.s32 $0x6080;
	[smem:$0x6C0] =	sst s31  }
0xca: {  	s7 =	simm.s32 $0x6480;
	[smem:$0x6C1] =	sst s6  }
0xcb: {  	s8 =	simm.s32 $0x6880;
	[smem:$0x6C2] =	sst s7  }
0xcc: {  	s9 =	simm.s32 $0x6C80;
	[smem:$0x6C3] =	sst s8  }
0xcd: {  	s10 =	simm.s32 $0xEC80;
	[smem:$0x6C4] =	sst s9  }
0xce: {  	s12 =	simm.s32 $0x5900;
	[smem:$0x6C5] =	sst s10  }
0xcf: {  	s13 =	simm.s32 $0x5D00;
	[smem:$0x6C7] =	sst s12  }
0xd0: {  	s14 =	simm.s32 $0x6100;
	[smem:$0x6C8] =	sst s13  }
0xd1: {  	s15 =	simm.s32 $0x6500;
	[smem:$0x6C9] =	sst s14  }
0xd2: {  	s16 =	simm.s32 $0x6900;
	[smem:$0x6CA] =	sst s15  }
0xd3: {  	s17 =	simm.s32 $0x6D00;
	[smem:$0x6CB] =	sst s16  }
0xd4: {  	s18 =	simm.s32 $0xED00;
	[smem:$0x6CC] =	sst s17  }
0xd5: {  	s19 =	simm.s32 $0x5580;
	[smem:$0x6CD] =	sst s18  }
0xd6: {  	s20 =	simm.s32 $0x5980;
	[smem:$0x6CE] =	sst s19  }
0xd7: {  	s21 =	simm.s32 $0x5D80;
	[smem:$0x6CF] =	sst s20  }
0xd8: {  	s22 =	simm.s32 $0x6180;
	[smem:$0x6D0] =	sst s21  }
0xd9: {  	s11 =	simm.s32 $0x5500;
	[smem:$0x6D1] =	sst s22  }
0xda: {  	s23 =	simm.s32 $0x6580;
	[smem:$0x6C6] =	sst s11  }
0xdb: {  	s24 =	simm.s32 $0x6980;
	[smem:$0x6D2] =	sst s23  }
0xdc: {  	s25 =	simm.s32 $0x6D80;
	[smem:$0x6D3] =	sst s24  }
0xdd: {  	s26 =	simm.s32 $0xED80;
	[smem:$0x6D4] =	sst s25  }
0xde: {  	s28 =	simm.s32 $0x5600;
	[smem:$0x6D5] =	sst s26  }
0xdf: {  	s29 =	simm.s32 $0x5A00;
	[smem:$0x6D6] =	sst s28  }
0xe0: {  	s30 =	simm.s32 $0x5E00;
	[smem:$0x6D7] =	sst s29  }
0xe1: {  	s31 =	simm.s32 $0x6200;
	[smem:$0x6D8] =	sst s30  }
0xe2: {  	s6 =	simm.s32 $0x6600;
	[smem:$0x6D9] =	sst s31  }
0xe3: {  	s7 =	simm.s32 $0x6A00;
	[smem:$0x6DA] =	sst s6  }
0xe4: {  	s8 =	simm.s32 $0x6E00;
	[smem:$0x6DB] =	sst s7  }
0xe5: {  	s9 =	simm.s32 $0xEE00;
	[smem:$0x6DC] =	sst s8  }
0xe6: {  	s10 =	simm.s32 $0x5680;
	[smem:$0x6DD] =	sst s9  }
0xe7: {  	s12 =	simm.s32 $0x5E80;
	[smem:$0x6DE] =	sst s10  }
0xe8: {  	s13 =	simm.s32 $0x6280;
	[smem:$0x6E0] =	sst s12  }
0xe9: {  	s14 =	simm.s32 $0x6680;
	[smem:$0x6E1] =	sst s13  }
0xea: {  	s15 =	simm.s32 $0x6A80;
	[smem:$0x6E2] =	sst s14  }
0xeb: {  	s16 =	simm.s32 $0x6E80;
	[smem:$0x6E3] =	sst s15  }
0xec: {  	s17 =	simm.s32 $0xEE80;
	[smem:$0x6E4] =	sst s16  }
0xed: {  	s18 =	simm.s32 $0x5700;
	[smem:$0x6E5] =	sst s17  }
0xee: {  	s19 =	simm.s32 $0x5B00;
	[smem:$0x6E6] =	sst s18  }
0xef: {  	s20 =	simm.s32 $0x5F00;
	[smem:$0x6E7] =	sst s19  }
0xf0: {  	s21 =	simm.s32 $0x6300;
	[smem:$0x6E8] =	sst s20  }
0xf1: {  	s22 =	simm.s32 $0x6700;
	[smem:$0x6E9] =	sst s21  }
0xf2: {  	s11 =	simm.s32 $0x5A80;
	[smem:$0x6EA] =	sst s22  }
0xf3: {  	s23 =	simm.s32 $0x6B00;
	[smem:$0x6DF] =	sst s11  }
0xf4: {  	s24 =	simm.s32 $0x6F00;
	[smem:$0x6EB] =	sst s23  }
0xf5: {  	s25 =	simm.s32 $0xEF00;
	[smem:$0x6EC] =	sst s24  }
0xf6: {  	s26 =	simm.s32 $0x5780;
	[smem:$0x6ED] =	sst s25  }
0xf7: {  	s28 =	simm.s32 $0x5B80;
	[smem:$0x6EE] =	sst s26  }
0xf8: {  	s29 =	simm.s32 $0x5F80;
	[smem:$0x6EF] =	sst s28  }
0xf9: {  	s30 =	simm.s32 $0x6380;
	[smem:$0x6F0] =	sst s29  }
0xfa: {  	s31 =	simm.s32 $0x6780;
	[smem:$0x6F1] =	sst s30  }
0xfb: {  	s6 =	simm.s32 $0x6B80;
	[smem:$0x6F2] =	sst s31  }
0xfc: {  	s7 =	simm.s32 $0x6F80;
	[smem:$0x6F3] =	sst s6  }
0xfd: {  	s8 =	simm.s32 $0xEF80;
	[smem:$0x6F4] =	sst s7  }
0xfe: {  	s9 =	simm.s32 $0x5800;
	[smem:$0x6F5] =	sst s8  }
0xff: {  	s10 =	simm.s32 $0x5C00;
	[smem:$0x6F6] =	sst s9  }
0x100: {  	s12 =	simm.s32 $0x6400;
	[smem:$0x6F7] =	sst s10  }
0x101: {  	s13 =	simm.s32 $0x6800;
	[smem:$0x6F9] =	sst s12  }
0x102: {  	s14 =	simm.s32 $0x6C00;
	[smem:$0x6FA] =	sst s13  }
0x103: {  	s15 =	simm.s32 $0x7000;
	[smem:$0x6FB] =	sst s14  }
0x104: {  	s16 =	simm.s32 $0xF000;
	[smem:$0x6FC] =	sst s15  }
0x105: {  	s17 =	simm.s32 $0x7080;
	[smem:$0x6FD] =	sst s16  }
0x106: {  	s18 =	simm.s32 $0x7480;
	[smem:$0x6FE] =	sst s17  }
0x107: {  	s19 =	simm.s32 $0x7880;
	[smem:$0x6FF] =	sst s18  }
0x108: {  	s20 =	simm.s32 $0x7C80;
	[smem:$0x700] =	sst s19  }
0x109: {  	s21 =	simm.s32 $0x8080;
	[smem:$0x701] =	sst s20  }
0x10a: {  	s22 =	simm.s32 $0x8480;
	[smem:$0x702] =	sst s21  }
0x10b: {  	s11 =	simm.s32 $0x6000;
	[smem:$0x703] =	sst s22  }
0x10c: {  	s23 =	simm.s32 $0x8880;
	[smem:$0x6F8] =	sst s11  }
0x10d: {  	s24 =	simm.s32 $0xF080;
	[smem:$0x704] =	sst s23  }
0x10e: {  	s25 =	simm.s32 $0x7100;
	[smem:$0x705] =	sst s24  }
0x10f: {  	s26 =	simm.s32 $0x7500;
	[smem:$0x706] =	sst s25  }
0x110: {  	s28 =	simm.s32 $0x7900;
	[smem:$0x707] =	sst s26  }
0x111: {  	s29 =	simm.s32 $0x7D00;
	[smem:$0x708] =	sst s28  }
0x112: {  	s30 =	simm.s32 $0x8100;
	[smem:$0x709] =	sst s29  }
0x113: {  	s31 =	simm.s32 $0x8500;
	[smem:$0x70A] =	sst s30  }
0x114: {  	s7 =	simm.s32 $0x8900;
	[smem:$0x70B] =	sst s31  }
0x115: {  	s8 =	simm.s32 $0xF100;
	[smem:$0x70C] =	sst s7  }
0x116: {  	s9 =	simm.s32 $0x7180;
	[smem:$0x70D] =	sst s8  }
0x117: {  	s10 =	simm.s32 $0x7580;
	[smem:$0x70E] =	sst s9  }
0x118: {  	s12 =	simm.s32 $0x7D80;
	[smem:$0x70F] =	sst s10  }
0x119: {  	s13 =	simm.s32 $0x8180;
	[smem:$0x711] =	sst s12  }
0x11a: {  	s14 =	simm.s32 $0x8580;
	[smem:$0x712] =	sst s13  }
0x11b: {  	s15 =	simm.s32 $0x8980;
	[smem:$0x713] =	sst s14  }
0x11c: {  	s16 =	simm.s32 $0xF180;
	[smem:$0x714] =	sst s15  }
0x11d: {  	s17 =	simm.s32 $0x7200;
	[smem:$0x715] =	sst s16  }
0x11e: {  	s18 =	simm.s32 $0x7600;
	[smem:$0x716] =	sst s17  }
0x11f: {  	s19 =	simm.s32 $0x7A00;
	[smem:$0x717] =	sst s18  }
0x120: {  	s20 =	simm.s32 $0x7E00;
	[smem:$0x718] =	sst s19  }
0x121: {  	s21 =	simm.s32 $0x8200;
	[smem:$0x719] =	sst s20  }
0x122: {  	s22 =	simm.s32 $0x8600;
	[smem:$0x71A] =	sst s21  }
0x123: {  	s6 =	simm.s32 $0xDE80;
	[smem:$0x71B] =	sst s22  }
0x124: {  	s11 =	simm.s32 $0x7980;
	[smem:$0x7E4] =	sst s6  }
0x125: {  	s23 =	simm.s32 $0x8A00;
	[smem:$0x710] =	sst s11  }
0x126: {  	s24 =	simm.s32 $0xF200;
	[smem:$0x71C] =	sst s23  }
0x127: {  	s25 =	simm.s32 $0x7280;
	[smem:$0x71D] =	sst s24  }
0x128: {  	s26 =	simm.s32 $0x7680;
	[smem:$0x71E] =	sst s25  }
0x129: {  	s28 =	simm.s32 $0x7A80;
	[smem:$0x71F] =	sst s26  }
0x12a: {  	s29 =	simm.s32 $0x7E80;
	[smem:$0x720] =	sst s28  }
0x12b: {  	s30 =	simm.s32 $0x8280;
	[smem:$0x721] =	sst s29  }
0x12c: {  	s31 =	simm.s32 $0x8680;
	[smem:$0x722] =	sst s30  }
0x12d: {  	s7 =	simm.s32 $0x8A80;
	[smem:$0x723] =	sst s31  }
0x12e: {  	s8 =	simm.s32 $0xF280;
	[smem:$0x724] =	sst s7  }
0x12f: {  	s9 =	simm.s32 $0x7300;
	[smem:$0x725] =	sst s8  }
0x130: {  	s10 =	simm.s32 $0x7700;
	[smem:$0x726] =	sst s9  }
0x131: {  	s12 =	simm.s32 $0x7F00;
	[smem:$0x727] =	sst s10  }
0x132: {  	s13 =	simm.s32 $0x8300;
	[smem:$0x729] =	sst s12  }
0x133: {  	s14 =	simm.s32 $0x8700;
	[smem:$0x72A] =	sst s13  }
0x134: {  	s15 =	simm.s32 $0x8B00;
	[smem:$0x72B] =	sst s14  }
0x135: {  	s16 =	simm.s32 $0xF300;
	[smem:$0x72C] =	sst s15  }
0x136: {  	s17 =	simm.s32 $0x7380;
	[smem:$0x72D] =	sst s16  }
0x137: {  	s18 =	simm.s32 $0x7780;
	[smem:$0x72E] =	sst s17  }
0x138: {  	s19 =	simm.s32 $0x7B80;
	[smem:$0x72F] =	sst s18  }
0x139: {  	s20 =	simm.s32 $0x7F80;
	[smem:$0x730] =	sst s19  }
0x13a: {  	s21 =	simm.s32 $0x8380;
	[smem:$0x731] =	sst s20  }
0x13b: {  	s22 =	simm.s32 $0x8780;
	[smem:$0x732] =	sst s21  }
0x13c: {  	s11 =	simm.s32 $0x7B00;
	[smem:$0x733] =	sst s22  }
0x13d: {  	s23 =	simm.s32 $0x8B80;
	[smem:$0x728] =	sst s11  }
0x13e: {  	s24 =	simm.s32 $0xF380;
	[smem:$0x734] =	sst s23  }
0x13f: {  	s25 =	simm.s32 $0x7400;
	[smem:$0x735] =	sst s24  }
0x140: {  	s26 =	simm.s32 $0x7800;
	[smem:$0x736] =	sst s25  }
0x141: {  	s28 =	simm.s32 $0x7C00;
	[smem:$0x737] =	sst s26  }
0x142: {  	s29 =	simm.s32 $0x8000;
	[smem:$0x738] =	sst s28  }
0x143: {  	s30 =	simm.s32 $0x8400;
	[smem:$0x739] =	sst s29  }
0x144: {  	s31 =	simm.s32 $0x8800;
	[smem:$0x73A] =	sst s30  }
0x145: {  	s7 =	simm.s32 $0x8C00;
	[smem:$0x73B] =	sst s31  }
0x146: {  	s8 =	simm.s32 $0xF400;
	[smem:$0x73C] =	sst s7  }
0x147: {  	s9 =	simm.s32 $0x8C80;
	[smem:$0x73D] =	sst s8  }
0x148: {  	s10 =	simm.s32 $0x9080;
	[smem:$0x73E] =	sst s9  }
0x149: {  	s12 =	simm.s32 $0x9880;
	[smem:$0x73F] =	sst s10  }
0x14a: {  	s13 =	simm.s32 $0x9C80;
	[smem:$0x741] =	sst s12  }
0x14b: {  	s14 =	simm.s32 $0xA080;
	[smem:$0x742] =	sst s13  }
0x14c: {  	s15 =	simm.s32 $0xA480;
	[smem:$0x743] =	sst s14  }
0x14d: {  	s16 =	simm.s32 $0xF480;
	[smem:$0x744] =	sst s15  }
0x14e: {  	s17 =	simm.s32 $0x8D00;
	[smem:$0x745] =	sst s16  }
0x14f: {  	s18 =	simm.s32 $0x9100;
	[smem:$0x746] =	sst s17  }
0x150: {  	s19 =	simm.s32 $0x9500;
	[smem:$0x747] =	sst s18  }
0x151: {  	s20 =	simm.s32 $0x9900;
	[smem:$0x748] =	sst s19  }
0x152: {  	s21 =	simm.s32 $0x9D00;
	[smem:$0x749] =	sst s20  }
0x153: {  	s22 =	simm.s32 $0xA100;
	[smem:$0x74A] =	sst s21  }
0x154: {  	s11 =	simm.s32 $0x9480;
	[smem:$0x74B] =	sst s22  }
0x155: {  	s23 =	simm.s32 $0xA500;
	[smem:$0x740] =	sst s11  }
0x156: {  	s24 =	simm.s32 $0xF500;
	[smem:$0x74C] =	sst s23  }
0x157: {  	s25 =	simm.s32 $0x8D80;
	[smem:$0x74D] =	sst s24  }
0x158: {  	s26 =	simm.s32 $0x9180;
	[smem:$0x74E] =	sst s25  }
0x159: {  	s28 =	simm.s32 $0x9580;
	[smem:$0x74F] =	sst s26  }
0x15a: {  	s29 =	simm.s32 $0x9980;
	[smem:$0x750] =	sst s28  }
0x15b: {  	s30 =	simm.s32 $0x9D80;
	[smem:$0x751] =	sst s29  }
0x15c: {  	s31 =	simm.s32 $0xA180;
	[smem:$0x752] =	sst s30  }
0x15d: {  	s7 =	simm.s32 $0xA580;
	[smem:$0x753] =	sst s31  }
0x15e: {  	s8 =	simm.s32 $0xF580;
	[smem:$0x754] =	sst s7  }
0x15f: {  	s9 =	simm.s32 $0x8E00;
	[smem:$0x755] =	sst s8  }
0x160: {  	s10 =	simm.s32 $0x9200;
	[smem:$0x756] =	sst s9  }
0x161: {  	s12 =	simm.s32 $0x9A00;
	[smem:$0x757] =	sst s10  }
0x162: {  	s13 =	simm.s32 $0x9E00;
	[smem:$0x759] =	sst s12  }
0x163: {  	s14 =	simm.s32 $0xA200;
	[smem:$0x75A] =	sst s13  }
0x164: {  	s15 =	simm.s32 $0xA600;
	[smem:$0x75B] =	sst s14  }
0x165: {  	s16 =	simm.s32 $0xF600;
	[smem:$0x75C] =	sst s15  }
0x166: {  	s17 =	simm.s32 $0x8E80;
	[smem:$0x75D] =	sst s16  }
0x167: {  	s18 =	simm.s32 $0x9280;
	[smem:$0x75E] =	sst s17  }
0x168: {  	s19 =	simm.s32 $0x9680;
	[smem:$0x75F] =	sst s18  }
0x169: {  	s20 =	simm.s32 $0x9A80;
	[smem:$0x760] =	sst s19  }
0x16a: {  	s21 =	simm.s32 $0x9E80;
	[smem:$0x761] =	sst s20  }
0x16b: {  	s22 =	simm.s32 $0xA280;
	[smem:$0x762] =	sst s21  }
0x16c: {  	s11 =	simm.s32 $0x9600;
	[smem:$0x763] =	sst s22  }
0x16d: {  	s23 =	simm.s32 $0xA680;
	[smem:$0x758] =	sst s11  }
0x16e: {  	s24 =	simm.s32 $0xF680;
	[smem:$0x764] =	sst s23  }
0x16f: {  	s25 =	simm.s32 $0x8F00;
	[smem:$0x765] =	sst s24  }
0x170: {  	s26 =	simm.s32 $0x9300;
	[smem:$0x766] =	sst s25  }
0x171: {  	s28 =	simm.s32 $0x9700;
	[smem:$0x767] =	sst s26  }
0x172: {  	s29 =	simm.s32 $0x9B00;
	[smem:$0x768] =	sst s28  }
0x173: {  	s30 =	simm.s32 $0x9F00;
	[smem:$0x769] =	sst s29  }
0x174: {  	s31 =	simm.s32 $0xA300;
	[smem:$0x76A] =	sst s30  }
0x175: {  	s7 =	simm.s32 $0xA700;
	[smem:$0x76B] =	sst s31  }
0x176: {  	s8 =	simm.s32 $0xF700;
	[smem:$0x76C] =	sst s7  }
0x177: {  	s9 =	simm.s32 $0x8F80;
	[smem:$0x76D] =	sst s8  }
0x178: {  	s10 =	simm.s32 $0x9380;
	[smem:$0x76E] =	sst s9  }
0x179: {  	s12 =	simm.s32 $0x9B80;
	[smem:$0x76F] =	sst s10  }
0x17a: {  	s13 =	simm.s32 $0x9F80;
	[smem:$0x771] =	sst s12  }
0x17b: {  	s14 =	simm.s32 $0xA380;
	[smem:$0x772] =	sst s13  }
0x17c: {  	s15 =	simm.s32 $0xA780;
	[smem:$0x773] =	sst s14  }
0x17d: {  	s16 =	simm.s32 $0xF780;
	[smem:$0x774] =	sst s15  }
0x17e: {  	s17 =	simm.s32 $0x9000;
	[smem:$0x775] =	sst s16  }
0x17f: {  	s18 =	simm.s32 $0x9400;
	[smem:$0x776] =	sst s17  }
0x180: {  	s19 =	simm.s32 $0x9800;
	[smem:$0x777] =	sst s18  }
0x181: {  	s20 =	simm.s32 $0x9C00;
	[smem:$0x778] =	sst s19  }
0x182: {  	s21 =	simm.s32 $0xA000;
	[smem:$0x779] =	sst s20  }
0x183: {  	s22 =	simm.s32 $0xA400;
	[smem:$0x77A] =	sst s21  }
0x184: {  	s11 =	simm.s32 $0x9780;
	[smem:$0x77B] =	sst s22  }
0x185: {  	s23 =	simm.s32 $0xA800;
	[smem:$0x770] =	sst s11  }
0x186: {  	s24 =	simm.s32 $0xF800;
	[smem:$0x77C] =	sst s23  }
0x187: {  	s25 =	simm.s32 $0xA880;
	[smem:$0x77D] =	sst s24  }
0x188: {  	s26 =	simm.s32 $0xAC80;
	[smem:$0x77E] =	sst s25  }
0x189: {  	s28 =	simm.s32 $0xB080;
	[smem:$0x77F] =	sst s26  }
0x18a: {  	s29 =	simm.s32 $0xB480;
	[smem:$0x780] =	sst s28  }
0x18b: {  	s30 =	simm.s32 $0xB880;
	[smem:$0x781] =	sst s29  }
0x18c: {  	s31 =	simm.s32 $0xBC80;
	[smem:$0x782] =	sst s30  }
0x18d: {  	s7 =	simm.s32 $0xC080;
	[smem:$0x783] =	sst s31  }
0x18e: {  	s8 =	simm.s32 $0xF880;
	[smem:$0x784] =	sst s7  }
0x18f: {  	s9 =	simm.s32 $0xA900;
	[smem:$0x785] =	sst s8  }
0x190: {  	s10 =	simm.s32 $0xAD00;
	[smem:$0x786] =	sst s9  }
0x191: {  	s12 =	simm.s32 $0xB500;
	[smem:$0x787] =	sst s10  }
0x192: {  	s13 =	simm.s32 $0xB900;
	[smem:$0x789] =	sst s12  }
0x193: {  	s14 =	simm.s32 $0xBD00;
	[smem:$0x78A] =	sst s13  }
0x194: {  	s15 =	simm.s32 $0xC100;
	[smem:$0x78B] =	sst s14  }
0x195: {  	s16 =	simm.s32 $0xF900;
	[smem:$0x78C] =	sst s15  }
0x196: {  	s17 =	simm.s32 $0xA980;
	[smem:$0x78D] =	sst s16  }
0x197: {  	s18 =	simm.s32 $0xAD80;
	[smem:$0x78E] =	sst s17  }
0x198: {  	s19 =	simm.s32 $0xB180;
	[smem:$0x78F] =	sst s18  }
0x199: {  	s20 =	simm.s32 $0xB580;
	[smem:$0x790] =	sst s19  }
0x19a: {  	s21 =	simm.s32 $0xB980;
	[smem:$0x791] =	sst s20  }
0x19b: {  	s22 =	simm.s32 $0xBD80;
	[smem:$0x792] =	sst s21  }
0x19c: {  	s11 =	simm.s32 $0xB100;
	[smem:$0x793] =	sst s22  }
0x19d: {  	s23 =	simm.s32 $0xC180;
	[smem:$0x788] =	sst s11  }
0x19e: {  	s24 =	simm.s32 $0xF980;
	[smem:$0x794] =	sst s23  }
0x19f: {  	s25 =	simm.s32 $0xAA00;
	[smem:$0x795] =	sst s24  }
0x1a0: {  	s26 =	simm.s32 $0xAE00;
	[smem:$0x796] =	sst s25  }
0x1a1: {  	s28 =	simm.s32 $0xB200;
	[smem:$0x797] =	sst s26  }
0x1a2: {  	s29 =	simm.s32 $0xB600;
	[smem:$0x798] =	sst s28  }
0x1a3: {  	s30 =	simm.s32 $0xBA00;
	[smem:$0x799] =	sst s29  }
0x1a4: {  	s31 =	simm.s32 $0xBE00;
	[smem:$0x79A] =	sst s30  }
0x1a5: {  	s7 =	simm.s32 $0xC200;
	[smem:$0x79B] =	sst s31  }
0x1a6: {  	s8 =	simm.s32 $0xFA00;
	[smem:$0x79C] =	sst s7  }
0x1a7: {  	s9 =	simm.s32 $0xAA80;
	[smem:$0x79D] =	sst s8  }
0x1a8: {  	s10 =	simm.s32 $0xAE80;
	[smem:$0x79E] =	sst s9  }
0x1a9: {  	s12 =	simm.s32 $0xB680;
	[smem:$0x79F] =	sst s10  }
0x1aa: {  	s13 =	simm.s32 $0xBA80;
	[smem:$0x7A1] =	sst s12  }
0x1ab: {  	s14 =	simm.s32 $0xBE80;
	[smem:$0x7A2] =	sst s13  }
0x1ac: {  	s15 =	simm.s32 $0xC280;
	[smem:$0x7A3] =	sst s14  }
0x1ad: {  	s16 =	simm.s32 $0xFA80;
	[smem:$0x7A4] =	sst s15  }
0x1ae: {  	s17 =	simm.s32 $0xAB00;
	[smem:$0x7A5] =	sst s16  }
0x1af: {  	s18 =	simm.s32 $0xAF00;
	[smem:$0x7A6] =	sst s17  }
0x1b0: {  	s19 =	simm.s32 $0xB300;
	[smem:$0x7A7] =	sst s18  }
0x1b1: {  	s20 =	simm.s32 $0xB700;
	[smem:$0x7A8] =	sst s19  }
0x1b2: {  	s21 =	simm.s32 $0xBB00;
	[smem:$0x7A9] =	sst s20  }
0x1b3: {  	s22 =	simm.s32 $0xBF00;
	[smem:$0x7AA] =	sst s21  }
0x1b4: {  	s11 =	simm.s32 $0xB280;
	[smem:$0x7AB] =	sst s22  }
0x1b5: {  	s23 =	simm.s32 $0xC300;
	[smem:$0x7A0] =	sst s11  }
0x1b6: {  	s24 =	simm.s32 $0xFB00;
	[smem:$0x7AC] =	sst s23  }
0x1b7: {  	s25 =	simm.s32 $0xAB80;
	[smem:$0x7AD] =	sst s24  }
0x1b8: {  	s26 =	simm.s32 $0xAF80;
	[smem:$0x7AE] =	sst s25  }
0x1b9: {  	s28 =	simm.s32 $0xB380;
	[smem:$0x7AF] =	sst s26  }
0x1ba: {  	s29 =	simm.s32 $0xB780;
	[smem:$0x7B0] =	sst s28  }
0x1bb: {  	s30 =	simm.s32 $0xBB80;
	[smem:$0x7B1] =	sst s29  }
0x1bc: {  	s31 =	simm.s32 $0xBF80;
	[smem:$0x7B2] =	sst s30  }
0x1bd: {  	s7 =	simm.s32 $0xC380;
	[smem:$0x7B3] =	sst s31  }
0x1be: {  	s8 =	simm.s32 $0xFB80;
	[smem:$0x7B4] =	sst s7  }
0x1bf: {  	s9 =	simm.s32 $0xAC00;
	[smem:$0x7B5] =	sst s8  }
0x1c0: {  	s10 =	simm.s32 $0xB000;
	[smem:$0x7B6] =	sst s9  }
0x1c1: {  	s12 =	simm.s32 $0xB800;
	[smem:$0x7B7] =	sst s10  }
0x1c2: {  	s13 =	simm.s32 $0xBC00;
	[smem:$0x7B9] =	sst s12  }
0x1c3: {  	s14 =	simm.s32 $0xC000;
	[smem:$0x7BA] =	sst s13  }
0x1c4: {  	s15 =	simm.s32 $0xC400;
	[smem:$0x7BB] =	sst s14  }
0x1c5: {  	s16 =	simm.s32 $0xFC00;
	[smem:$0x7BC] =	sst s15  }
0x1c6: {  	s17 =	simm.s32 $0xC480;
	[smem:$0x7BD] =	sst s16  }
0x1c7: {  	s18 =	simm.s32 $0xC880;
	[smem:$0x7BE] =	sst s17  }
0x1c8: {  	s19 =	simm.s32 $0xCC80;
	[smem:$0x7BF] =	sst s18  }
0x1c9: {  	s20 =	simm.s32 $0xD080;
	[smem:$0x7C0] =	sst s19  }
0x1ca: {  	s21 =	simm.s32 $0xD480;
	[smem:$0x7C1] =	sst s20  }
0x1cb: {  	s22 =	simm.s32 $0xD880;
	[smem:$0x7C2] =	sst s21  }
0x1cc: {  	s11 =	simm.s32 $0xB400;
	[smem:$0x7C3] =	sst s22  }
0x1cd: {  	s23 =	simm.s32 $0xDC80;
	[smem:$0x7B8] =	sst s11  }
0x1ce: {  	s24 =	simm.s32 $0xFC80;
	[smem:$0x7C4] =	sst s23  }
0x1cf: {  	s25 =	simm.s32 $0xC500;
	[smem:$0x7C5] =	sst s24  }
0x1d0: {  	s26 =	simm.s32 $0xC900;
	[smem:$0x7C6] =	sst s25  }
0x1d1: {  	s28 =	simm.s32 $0xCD00;
	[smem:$0x7C7] =	sst s26  }
0x1d2: {  	s29 =	simm.s32 $0xD100;
	[smem:$0x7C8] =	sst s28  }
0x1d3: {  	s30 =	simm.s32 $0xD500;
	[smem:$0x7C9] =	sst s29  }
0x1d4: {  	s31 =	simm.s32 $0xD900;
	[smem:$0x7CA] =	sst s30  }
0x1d5: {  	s7 =	simm.s32 $0xDD00;
	[smem:$0x7CB] =	sst s31  }
0x1d6: {  	s8 =	simm.s32 $0xFD00;
	[smem:$0x7CC] =	sst s7  }
0x1d7: {  	s9 =	simm.s32 $0xC580;
	[smem:$0x7CD] =	sst s8  }
0x1d8: {  	s10 =	simm.s32 $0xC980;
	[smem:$0x7CE] =	sst s9  }
0x1d9: {  	s12 =	simm.s32 $0xD180;
	[smem:$0x7CF] =	sst s10  }
0x1da: {  	s13 =	simm.s32 $0xD580;
	[smem:$0x7D1] =	sst s12  }
0x1db: {  	s14 =	simm.s32 $0xD980;
	[smem:$0x7D2] =	sst s13  }
0x1dc: {  	s15 =	simm.s32 $0xDD80;
	[smem:$0x7D3] =	sst s14  }
0x1dd: {  	s16 =	simm.s32 $0xFD80;
	[smem:$0x7D4] =	sst s15  }
0x1de: {  	s17 =	simm.s32 $0xC600;
	[smem:$0x7D5] =	sst s16  }
0x1df: {  	s18 =	simm.s32 $0xCA00;
	[smem:$0x7D6] =	sst s17  }
0x1e0: {  	s19 =	simm.s32 $0xCE00;
	[smem:$0x7D7] =	sst s18  }
0x1e1: {  	s20 =	simm.s32 $0xD200;
	[smem:$0x7D8] =	sst s19  }
0x1e2: {  	s21 =	simm.s32 $0xD600;
	[smem:$0x7D9] =	sst s20  }
0x1e3: {  	s22 =	simm.s32 $0xDA00;
	[smem:$0x7DA] =	sst s21  }
0x1e4: {  	s11 =	simm.s32 $0xCD80;
	[smem:$0x7DB] =	sst s22  }
0x1e5: {  	s23 =	simm.s32 $0xDE00;
	[smem:$0x7D0] =	sst s11  }
0x1e6: {  	s24 =	simm.s32 $0xFE00;
	[smem:$0x7DC] =	sst s23  }
0x1e7: {  	s25 =	simm.s32 $0xC680;
	[smem:$0x7DD] =	sst s24  }
0x1e8: {  	s26 =	simm.s32 $0xCA80;
	[smem:$0x7DE] =	sst s25  }
0x1e9: {  	s28 =	simm.s32 $0xCE80;
	[smem:$0x7DF] =	sst s26  }
0x1ea: {  	s29 =	simm.s32 $0xD280;
	[smem:$0x7E0] =	sst s28  }
0x1eb: {  	s30 =	simm.s32 $0xD680;
	[smem:$0x7E1] =	sst s29  }
0x1ec: {  	s31 =	simm.s32 $0xDA80;
	[smem:$0x7E2] =	sst s30  }
0x1ed: {  	s7 =	simm.s32 $0xFE80;
	[smem:$0x7E3] =	sst s31  }
0x1ee: {  	s8 =	simm.s32 $0xC700;
	[smem:$0x7E5] =	sst s7  }
0x1ef: {  	s9 =	simm.s32 $0xCB00;
	[smem:$0x7E6] =	sst s8  }
0x1f0: {  	s10 =	simm.s32 $0xCF00;
	[smem:$0x7E7] =	sst s9  }
0x1f1: {  	s12 =	simm.s32 $0xD700;
	[smem:$0x7E8] =	sst s10  }
0x1f2: {  	s13 =	simm.s32 $0xDB00;
	[smem:$0x7EA] =	sst s12  }
0x1f3: {  	s14 =	simm.s32 $0xDF00;
	[smem:$0x7EB] =	sst s13  }
0x1f4: {  	s15 =	simm.s32 $0xFF00;
	[smem:$0x7EC] =	sst s14  }
0x1f5: {  	s16 =	simm.s32 $0xC780;
	[smem:$0x7ED] =	sst s15  }
0x1f6: {  	s17 =	simm.s32 $0xCB80;
	[smem:$0x7EE] =	sst s16  }
0x1f7: {  	s18 =	simm.s32 $0xCF80;
	[smem:$0x7EF] =	sst s17  }
0x1f8: {  	s19 =	simm.s32 $0xD380;
	[smem:$0x7F0] =	sst s18  }
0x1f9: {  	s20 =	simm.s32 $0xD780;
	[smem:$0x7F1] =	sst s19  }
0x1fa: {  	s21 =	simm.s32 $0xDB80;
	[smem:$0x7F2] =	sst s20  }
0x1fb: {  	s22 =	simm.s32 $0xDF80;
	[smem:$0x7F3] =	sst s21  }
0x1fc: {  	s11 =	simm.s32 $0xD300;
	[smem:$0x7F4] =	sst s22  }
0x1fd: {  	s23 =	simm.s32 $0xFF80;
	[smem:$0x7E9] =	sst s11  }
0x1fe: {  	s24 =	simm.s32 $0xC800;
	[smem:$0x7F5] =	sst s23  }
0x1ff: {  	s25 =	simm.s32 $0xCC00;
	[smem:$0x7F6] =	sst s24  }
0x200: {  	s5 =	ssub.s32 $0x2, s5;
	s28 =	simm.s32 $0xD000;
	[smem:$0x7F7] =	sst s25  }
0x201: {  	s3 =	sadd.s32 $0x1A5C00, s4;
	s29 =	simm.s32 $0xDC00;
	[smem:$0x7F8] =	sst s28  }
0x202: {  	s4 =	sadd.s32 $0x1F200, s4;
	s30 =	simm.s32 $0xD800;
	[smem:$0x7F9] =	sst s29  }
0x203: {  	s6 =	simm.s32 $0x3;
	s31 =	simm.s32 $0xD400;
	[smem:$0x7FA] =	sst s30  }
0x204: {  	s26 =	sshrl.u32 s5, $0x1;
	s9 =	simm.s32 $0xE000;
	[smem:$0x7FB] =	sst s31  }
0x205: {  	s7 =	simm.s32 $0x80;
	s10 =	simm.s32 $0x10000;
	[smem:$0x7FC] =	sst s9  }
0x206: {  	s8 =	simm.s32 $0xE080;
	s5 =	ssub.s32 s5, s26;
	[smem:$0x7FD] =	sst s10  }
0x207: {  	s9 =	simm.s32 $0x1;
	s10 =	simm.s32 $0x2;
	s5 =	smax.u32 s5, $0x1  }
.LBB2_1:
0x208: {  	s11 =	rddreg [dreg:$0x3]  }
0x209: {  	[tilespmem:s2], [sflag:$0x3] =	stream.linear.gather [hbm4b:s11+s2], $0x40, $0x38;
	[tilespmem:$0x10080] =	vst v63  }
0x20a: {  	_ =	swait.ge [sflag:s6], $0x40  }
0x20b: {  	[sflag:s6] =	ssyncset.done $0x0  }
0x20c: {  	[sflag:s6] =	ssyncadd.s32 $0xFFFFFFC0  }
0x20d: {  	v0 =	vld [tilespmem:$0x0];
	_ =	sdelay $0x4  }
0x20e: {  	(v2sf) =	vpush v0, $0x0;
	_ =	sdelay $0xe  }
0x20f: {  	s20 =	spop (v2sf)  }
0x210: {  	s12 =	sshrl.u32 s20, $0x3  }
0x211: {  	s11 =	sshll.u32 s20, $0x7;
	s13 =	smul.u32 $0x1C00, s12  }
0x212: {  	(v2sf) =	vpush v0, $0x1;
	s11 =	sand.u32 $0x380, s11  }
0x213: {  	s13 =	sor.u32 s11, s13  }
0x214: {  	s13 =	sshrl.u32 s13, $0x3  }
0x215: {  	s14 =	rddreg [dreg:$0x6];
	s13 =	sadd.s32 s3, s13  }
0x216: {  	[tilespmem:s7], [sflag:$0x1] =	stream.linear.gather [hbm4b:s13+s2], $0x80, $0x38;
	[tilespmem:$0x10080] =	vst v63  }
0x217: {  	s16 =	rddreg [dreg:$0x7];
	s15 =	sadd.s32 $0x80, s13  }
0x218: {  	[tilespmem:s14], [sflag:$0x1] =	stream.linear.gather [hbm4b:s15+s2], $0x80, $0x38;
	[tilespmem:$0x10080] =	vst v63  }
0x219: {  	s22 =	rddreg [dreg:$0x8];
	s21 =	sadd.s32 $0x100, s13  }
0x21a: {  	[tilespmem:s16], [sflag:$0x1] =	stream.linear.gather [hbm4b:s21+s2], $0x80, $0x38;
	[tilespmem:$0x10080] =	vst v63  }
0x21b: {  	s24 =	rddreg [dreg:$0x9];
	s23 =	sadd.s32 $0x180, s13  }
0x21c: {  	[tilespmem:s22], [sflag:$0x1] =	stream.linear.gather [hbm4b:s23+s2], $0x80, $0x38;
	[tilespmem:$0x10080] =	vst v63  }
0x21d: {  	s26 =	rddreg [dreg:$0xa];
	s12 =	sshll.u32 s12, $0xA;
	s25 =	sadd.s32 $0x200, s13  }
0x21e: {  	[tilespmem:s24], [sflag:$0x1] =	stream.linear.gather [hbm4b:s25+s2], $0x80, $0x38;
	[tilespmem:$0x10080] =	vst v63  }
0x21f: {  	s29 =	rddreg [dreg:$0xb];
	s11 =	sor.u32 s11, s12;
	s28 =	sadd.s32 $0x280, s13  }
0x220: {  	[tilespmem:s26], [sflag:$0x1] =	stream.linear.gather [hbm4b:s28+s2], $0x80, $0x38;
	[tilespmem:$0x10080] =	vst v63  }
0x221: {  	s11 =	sshrl.u32 s11, $0x3;
	s13 =	sadd.s32 $0x300, s13;
	s30 =	spop (v2sf)  }
0x222: {  	[tilespmem:s29], [sflag:$0x1] =	stream.linear.gather [hbm4b:s13+s2], $0x80, $0x38;
	[tilespmem:$0x10080] =	vst v63  }
0x223: {  	s11 =	sadd.s32 s4, s11;
	s31 =	sshrl.u32 s30, $0x3  }
0x224: {  	[tilespmem:s8], [sflag:$0x2] =	stream.linear.gather [hbm4b:s11+s2], $0x80, $0x38;
	[tilespmem:$0x10080] =	vst v63  }
0x225: {  	s15 =	smul.u32 $0x1C00, s31;
	s11 =	sshll.u32 s30, $0x7  }
0x226: {  	(v2sf) =	vpush v0, $0x2;
	s11 =	sand.u32 $0x380, s11  }
0x227: {  	s13 =	sor.u32 s11, s15  }
0x228: {  	s17 =	rddreg [dreg:$0xd];
	s13 =	sshrl.u32 s13, $0x3  }
0x229: {  	s16 =	rddreg [dreg:$0xc];
	s13 =	sadd.s32 s3, s13  }
0x22a: {  	[tilespmem:s16], [sflag:$0x1] =	stream.linear.gather [hbm4b:s13+s2], $0x80, $0x38;
	[tilespmem:$0x10080] =	vst v63  }
0x22b: {  	s19 =	rddreg [dreg:$0xe];
	s18 =	sadd.s32 $0x80, s13  }
0x22c: {  	[tilespmem:s17], [sflag:$0x1] =	stream.linear.gather [hbm4b:s18+s2], $0x80, $0x38;
	[tilespmem:$0x10080] =	vst v63  }
0x22d: {  	s21 =	rddreg [dreg:$0xf];
	s20 =	sadd.s32 $0x100, s13  }
0x22e: {  	[tilespmem:s19], [sflag:$0x1] =	stream.linear.gather [hbm4b:s20+s2], $0x80, $0x38;
	[tilespmem:$0x10080] =	vst v63  }
0x22f: {  	s23 =	rddreg [dreg:$0x10];
	s22 =	sadd.s32 $0x180, s13  }
0x230: {  	[tilespmem:s21], [sflag:$0x1] =	stream.linear.gather [hbm4b:s22+s2], $0x80, $0x38;
	[tilespmem:$0x10080] =	vst v63  }
0x231: {  	s25 =	rddreg [dreg:$0x11];
	s12 =	sshll.u32 s31, $0xA;
	s24 =	sadd.s32 $0x200, s13  }
0x232: {  	[tilespmem:s23], [sflag:$0x1] =	stream.linear.gather [hbm4b:s24+s2], $0x80, $0x38;
	[tilespmem:$0x10080] =	vst v63  }
0x233: {  	s28 =	rddreg [dreg:$0x12];
	s11 =	sor.u32 s11, s12;
	s26 =	sadd.s32 $0x280, s13  }
0x234: {  	[tilespmem:s25], [sflag:$0x1] =	stream.linear.gather [hbm4b:s26+s2], $0x80, $0x38;
	[tilespmem:$0x10080] =	vst v63  }
0x235: {  	s11 =	sshrl.u32 s11, $0x3;
	s13 =	sadd.s32 $0x300, s13;
	s30 =	spop (v2sf)  }
0x236: {  	[tilespmem:s28], [sflag:$0x1] =	stream.linear.gather [hbm4b:s13+s2], $0x80, $0x38;
	[tilespmem:$0x10080] =	vst v63  }
0x237: {  	s29 =	rddreg [dreg:$0x13];
	s11 =	sadd.s32 s4, s11;
	s31 =	sshrl.u32 s30, $0x3  }
0x238: {  	[tilespmem:s29], [sflag:$0x2] =	stream.linear.gather [hbm4b:s11+s2], $0x80, $0x38;
	[tilespmem:$0x10080] =	vst v63  }
0x239: {  	s15 =	smul.u32 $0x1C00, s31;
	s11 =	sshll.u32 s30, $0x7  }
0x23a: {  	(v2sf) =	vpush v0, $0x3;
	s11 =	sand.u32 $0x380, s11  }
0x23b: {  	s13 =	sor.u32 s11, s15  }
0x23c: {  	s16 =	rddreg [dreg:$0x14];
	s13 =	sshrl.u32 s13, $0x3  }
0x23d: {  	s17 =	rddreg [dreg:$0x15];
	s13 =	sadd.s32 s3, s13  }
0x23e: {  	[tilespmem:s16], [sflag:$0x1] =	stream.linear.gather [hbm4b:s13+s2], $0x80, $0x38;
	[tilespmem:$0x10080] =	vst v63  }
0x23f: {  	s19 =	rddreg [dreg:$0x16];
	s18 =	sadd.s32 $0x80, s13  }
0x240: {  	[tilespmem:s17], [sflag:$0x1] =	stream.linear.gather [hbm4b:s18+s2], $0x80, $0x38;
	[tilespmem:$0x10080] =	vst v63  }
0x241: {  	s21 =	rddreg [dreg:$0x17];
	s20 =	sadd.s32 $0x100, s13  }
0x242: {  	[tilespmem:s19], [sflag:$0x1] =	stream.linear.gather [hbm4b:s20+s2], $0x80, $0x38;
	[tilespmem:$0x10080] =	vst v63  }
0x243: {  	s23 =	rddreg [dreg:$0x18];
	s22 =	sadd.s32 $0x180, s13  }
0x244: {  	[tilespmem:s21], [sflag:$0x1] =	stream.linear.gather [hbm4b:s22+s2], $0x80, $0x38;
	[tilespmem:$0x10080] =	vst v63  }
0x245: {  	s12 =	sshll.u32 s31, $0xA;
	s25 =	rddreg [dreg:$0x19];
	s24 =	sadd.s32 $0x200, s13  }
0x246: {  	[tilespmem:s23], [sflag:$0x1] =	stream.linear.gather [hbm4b:s24+s2], $0x80, $0x38;
	[tilespmem:$0x10080] =	vst v63  }
0x247: {  	s28 =	rddreg [dreg:$0x1a];
	s11 =	sor.u32 s11, s12;
	s26 =	sadd.s32 $0x280, s13  }
0x248: {  	[tilespmem:s25], [sflag:$0x1] =	stream.linear.gather [hbm4b:s26+s2], $0x80, $0x38;
	[tilespmem:$0x10080] =	vst v63  }
0x249: {  	s11 =	sshrl.u32 s11, $0x3;
	s13 =	sadd.s32 $0x300, s13;
	s30 =	spop (v2sf)  }
0x24a: {  	[tilespmem:s28], [sflag:$0x1] =	stream.linear.gather [hbm4b:s13+s2], $0x80, $0x38;
	[tilespmem:$0x10080] =	vst v63  }
0x24b: {  	s29 =	rddreg [dreg:$0x1b];
	s11 =	sadd.s32 s4, s11;
	s31 =	sshrl.u32 s30, $0x3  }
0x24c: {  	[tilespmem:s29], [sflag:$0x2] =	stream.linear.gather [hbm4b:s11+s2], $0x80, $0x38;
	[tilespmem:$0x10080] =	vst v63  }
0x24d: {  	s15 =	smul.u32 $0x1C00, s31;
	s11 =	sshll.u32 s30, $0x7  }
0x24e: {  	(v2sf) =	vpush v0, $0x4;
	s11 =	sand.u32 $0x380, s11  }
0x24f: {  	s16 =	rddreg [dreg:$0x1c];
	s13 =	sor.u32 s11, s15  }
0x250: {  	s17 =	rddreg [dreg:$0x1d];
	s13 =	sshrl.u32 s13, $0x3  }
0x251: {  	s19 =	rddreg [dreg:$0x1e];
	s13 =	sadd.s32 s3, s13  }
0x252: {  	[tilespmem:s16], [sflag:$0x1] =	stream.linear.gather [hbm4b:s13+s2], $0x80, $0x38;
	[tilespmem:$0x10080] =	vst v63  }
0x253: {  	s21 =	rddreg [dreg:$0x1f];
	s18 =	sadd.s32 $0x80, s13  }
0x254: {  	[tilespmem:s17], [sflag:$0x1] =	stream.linear.gather [hbm4b:s18+s2], $0x80, $0x38;
	[tilespmem:$0x10080] =	vst v63  }
0x255: {  	s23 =	sld [smem:$0x61A];
	s20 =	sadd.s32 $0x100, s13  }
0x256: {  	[tilespmem:s19], [sflag:$0x1] =	stream.linear.gather [hbm4b:s20+s2], $0x80, $0x38;
	[tilespmem:$0x10080] =	vst v63  }
0x257: {  	s25 =	sld [smem:$0x61B];
	s22 =	sadd.s32 $0x180, s13  }
0x258: {  	[tilespmem:s21], [sflag:$0x1] =	stream.linear.gather [hbm4b:s22+s2], $0x80, $0x38;
	[tilespmem:$0x10080] =	vst v63  }
0x259: {  	s12 =	sshll.u32 s31, $0xA;
	s28 =	sld [smem:$0x61C];
	s24 =	sadd.s32 $0x200, s13  }
0x25a: {  	[tilespmem:s23], [sflag:$0x1] =	stream.linear.gather [hbm4b:s24+s2], $0x80, $0x38;
	[tilespmem:$0x10080] =	vst v63  }
0x25b: {  	s29 =	sld [smem:$0x61D];
	s11 =	sor.u32 s11, s12;
	s26 =	sadd.s32 $0x280, s13  }
0x25c: {  	[tilespmem:s25], [sflag:$0x1] =	stream.linear.gather [hbm4b:s26+s2], $0x80, $0x38;
	[tilespmem:$0x10080] =	vst v63  }
0x25d: {  	s30 =	spop (v2sf);
	s11 =	sshrl.u32 s11, $0x3;
	s13 =	sadd.s32 $0x300, s13  }
0x25e: {  	[tilespmem:s28], [sflag:$0x1] =	stream.linear.gather [hbm4b:s13+s2], $0x80, $0x38;
	[tilespmem:$0x10080] =	vst v63  }
0x25f: {  	s31 =	sshrl.u32 s30, $0x3;
	s11 =	sadd.s32 s4, s11  }
0x260: {  	[tilespmem:s29], [sflag:$0x2] =	stream.linear.gather [hbm4b:s11+s2], $0x80, $0x38;
	[tilespmem:$0x10080] =	vst v63  }
0x261: {  	s15 =	smul.u32 $0x1C00, s31;
	s11 =	sshll.u32 s30, $0x7  }
0x262: {  	(v2sf) =	vpush v0, $0x5;
	s11 =	sand.u32 $0x380, s11  }
0x263: {  	s16 =	sld [smem:$0x61E];
	s13 =	sor.u32 s11, s15  }
0x264: {  	s17 =	sld [smem:$0x61F];
	s13 =	sshrl.u32 s13, $0x3  }
0x265: {  	s19 =	sld [smem:$0x620];
	s13 =	sadd.s32 s3, s13  }
0x266: {  	[tilespmem:s16], [sflag:$0x1] =	stream.linear.gather [hbm4b:s13+s2], $0x80, $0x38;
	[tilespmem:$0x10080] =	vst v63  }
0x267: {  	s21 =	sld [smem:$0x621];
	s18 =	sadd.s32 $0x80, s13  }
0x268: {  	[tilespmem:s17], [sflag:$0x1] =	stream.linear.gather [hbm4b:s18+s2], $0x80, $0x38;
	[tilespmem:$0x10080] =	vst v63  }
0x269: {  	s23 =	sld [smem:$0x622];
	s20 =	sadd.s32 $0x100, s13  }
0x26a: {  	[tilespmem:s19], [sflag:$0x1] =	stream.linear.gather [hbm4b:s20+s2], $0x80, $0x38;
	[tilespmem:$0x10080] =	vst v63  }
0x26b: {  	s25 =	sld [smem:$0x623];
	s22 =	sadd.s32 $0x180, s13  }
0x26c: {  	[tilespmem:s21], [sflag:$0x1] =	stream.linear.gather [hbm4b:s22+s2], $0x80, $0x38;
	[tilespmem:$0x10080] =	vst v63  }
0x26d: {  	s12 =	sshll.u32 s31, $0xA;
	s28 =	sld [smem:$0x624];
	s24 =	sadd.s32 $0x200, s13  }
0x26e: {  	[tilespmem:s23], [sflag:$0x1] =	stream.linear.gather [hbm4b:s24+s2], $0x80, $0x38;
	[tilespmem:$0x10080] =	vst v63  }
0x26f: {  	s29 =	sld [smem:$0x625];
	s11 =	sor.u32 s11, s12;
	s26 =	sadd.s32 $0x280, s13  }
0x270: {  	[tilespmem:s25], [sflag:$0x1] =	stream.linear.gather [hbm4b:s26+s2], $0x80, $0x38;
	[tilespmem:$0x10080] =	vst v63  }
0x271: {  	s30 =	spop (v2sf);
	s11 =	sshrl.u32 s11, $0x3;
	s13 =	sadd.s32 $0x300, s13  }
0x272: {  	[tilespmem:s28], [sflag:$0x1] =	stream.linear.gather [hbm4b:s13+s2], $0x80, $0x38;
	[tilespmem:$0x10080] =	vst v63  }
0x273: {  	s31 =	sshrl.u32 s30, $0x3;
	s11 =	sadd.s32 s4, s11  }
0x274: {  	[tilespmem:s29], [sflag:$0x2] =	stream.linear.gather [hbm4b:s11+s2], $0x80, $0x38;
	[tilespmem:$0x10080] =	vst v63  }
0x275: {  	s15 =	smul.u32 $0x1C00, s31;
	s11 =	sshll.u32 s30, $0x7  }
0x276: {  	(v2sf) =	vpush v0, $0x6;
	s11 =	sand.u32 $0x380, s11  }
0x277: {  	s16 =	sld [smem:$0x626];
	s13 =	sor.u32 s11, s15  }
0x278: {  	s17 =	sld [smem:$0x627];
	s13 =	sshrl.u32 s13, $0x3  }
0x279: {  	s19 =	sld [smem:$0x628];
	s13 =	sadd.s32 s3, s13  }
0x27a: {  	[tilespmem:s16], [sflag:$0x1] =	stream.linear.gather [hbm4b:s13+s2], $0x80, $0x38;
	[tilespmem:$0x10080] =	vst v63  }
0x27b: {  	s21 =	sld [smem:$0x629];
	s18 =	sadd.s32 $0x80, s13  }
0x27c: {  	[tilespmem:s17], [sflag:$0x1] =	stream.linear.gather [hbm4b:s18+s2], $0x80, $0x38;
	[tilespmem:$0x10080] =	vst v63  }
0x27d: {  	s23 =	sld [smem:$0x62A];
	s20 =	sadd.s32 $0x100, s13  }
0x27e: {  	[tilespmem:s19], [sflag:$0x1] =	stream.linear.gather [hbm4b:s20+s2], $0x80, $0x38;
	[tilespmem:$0x10080] =	vst v63  }
0x27f: {  	s25 =	sld [smem:$0x62B];
	s22 =	sadd.s32 $0x180, s13  }
0x280: {  	[tilespmem:s21], [sflag:$0x1] =	stream.linear.gather [hbm4b:s22+s2], $0x80, $0x38;
	[tilespmem:$0x10080] =	vst v63  }
0x281: {  	s12 =	sshll.u32 s31, $0xA;
	s28 =	sld [smem:$0x62C];
	s24 =	sadd.s32 $0x200, s13  }
0x282: {  	[tilespmem:s23], [sflag:$0x1] =	stream.linear.gather [hbm4b:s24+s2], $0x80, $0x38;
	[tilespmem:$0x10080] =	vst v63  }
0x283: {  	s29 =	sld [smem:$0x62D];
	s11 =	sor.u32 s11, s12;
	s26 =	sadd.s32 $0x280, s13  }
0x284: {  	[tilespmem:s25], [sflag:$0x1] =	stream.linear.gather [hbm4b:s26+s2], $0x80, $0x38;
	[tilespmem:$0x10080] =	vst v63  }
0x285: {  	s30 =	spop (v2sf);
	s11 =	sshrl.u32 s11, $0x3;
	s13 =	sadd.s32 $0x300, s13  }
0x286: {  	[tilespmem:s28], [sflag:$0x1] =	stream.linear.gather [hbm4b:s13+s2], $0x80, $0x38;
	[tilespmem:$0x10080] =	vst v63  }
0x287: {  	s31 =	sshrl.u32 s30, $0x3;
	s11 =	sadd.s32 s4, s11  }
0x288: {  	[tilespmem:s29], [sflag:$0x2] =	stream.linear.gather [hbm4b:s11+s2], $0x80, $0x38;
	[tilespmem:$0x10080] =	vst v63  }
0x289: {  	s15 =	smul.u32 $0x1C00, s31;
	s11 =	sshll.u32 s30, $0x7  }
0x28a: {  	(v2sf) =	vpush v0, $0x7;
	s11 =	sand.u32 $0x380, s11  }
0x28b: {  	s16 =	sld [smem:$0x62E];
	s13 =	sor.u32 s11, s15  }
0x28c: {  	s17 =	sld [smem:$0x62F];
	s13 =	sshrl.u32 s13, $0x3  }
0x28d: {  	s19 =	sld [smem:$0x630];
	s13 =	sadd.s32 s3, s13  }
0x28e: {  	[tilespmem:s16], [sflag:$0x1] =	stream.linear.gather [hbm4b:s13+s2], $0x80, $0x38;
	[tilespmem:$0x10080] =	vst v63  }
0x28f: {  	s21 =	sld [smem:$0x631];
	s18 =	sadd.s32 $0x80, s13  }
0x290: {  	[tilespmem:s17], [sflag:$0x1] =	stream.linear.gather [hbm4b:s18+s2], $0x80, $0x38;
	[tilespmem:$0x10080] =	vst v63  }
0x291: {  	s23 =	sld [smem:$0x632];
	s20 =	sadd.s32 $0x100, s13  }
0x292: {  	[tilespmem:s19], [sflag:$0x1] =	stream.linear.gather [hbm4b:s20+s2], $0x80, $0x38;
	[tilespmem:$0x10080] =	vst v63  }
0x293: {  	s25 =	sld [smem:$0x633];
	s22 =	sadd.s32 $0x180, s13  }
0x294: {  	[tilespmem:s21], [sflag:$0x1] =	stream.linear.gather [hbm4b:s22+s2], $0x80, $0x38;
	[tilespmem:$0x10080] =	vst v63  }
0x295: {  	s12 =	sshll.u32 s31, $0xA;
	s28 =	sld [smem:$0x634];
	s24 =	sadd.s32 $0x200, s13  }
0x296: {  	[tilespmem:s23], [sflag:$0x1] =	stream.linear.gather [hbm4b:s24+s2], $0x80, $0x38;
	[tilespmem:$0x10080] =	vst v63  }
0x297: {  	s29 =	sld [smem:$0x635];
	s11 =	sor.u32 s11, s12;
	s26 =	sadd.s32 $0x280, s13  }
0x298: {  	[tilespmem:s25], [sflag:$0x1] =	stream.linear.gather [hbm4b:s26+s2], $0x80, $0x38;
	[tilespmem:$0x10080] =	vst v63  }
0x299: {  	s30 =	spop (v2sf);
	s11 =	sshrl.u32 s11, $0x3;
	s13 =	sadd.s32 $0x300, s13  }
0x29a: {  	[tilespmem:s28], [sflag:$0x1] =	stream.linear.gather [hbm4b:s13+s2], $0x80, $0x38;
	[tilespmem:$0x10080] =	vst v63  }
0x29b: {  	s31 =	sshrl.u32 s30, $0x3;
	s11 =	sadd.s32 s4, s11  }
0x29c: {  	[tilespmem:s29], [sflag:$0x2] =	stream.linear.gather [hbm4b:s11+s2], $0x80, $0x38;
	[tilespmem:$0x10080] =	vst v63  }
0x29d: {  	s15 =	smul.u32 $0x1C00, s31;
	s11 =	sshll.u32 s30, $0x7  }
0x29e: {  	(v2sf) =	vpush v0, $0x8;
	s11 =	sand.u32 $0x380, s11  }
0x29f: {  	s16 =	sld [smem:$0x636];
	s13 =	sor.u32 s11, s15  }
0x2a0: {  	s17 =	sld [smem:$0x637];
	s13 =	sshrl.u32 s13, $0x3  }
0x2a1: {  	s19 =	sld [smem:$0x638];
	s13 =	sadd.s32 s3, s13  }
0x2a2: {  	[tilespmem:s16], [sflag:$0x1] =	stream.linear.gather [hbm4b:s13+s2], $0x80, $0x38;
	[tilespmem:$0x10080] =	vst v63  }
0x2a3: {  	s21 =	sld [smem:$0x639];
	s18 =	sadd.s32 $0x80, s13  }
0x2a4: {  	[tilespmem:s17], [sflag:$0x1] =	stream.linear.gather [hbm4b:s18+s2], $0x80, $0x38;
	[tilespmem:$0x10080] =	vst v63  }
0x2a5: {  	s23 =	sld [smem:$0x63A];
	s20 =	sadd.s32 $0x100, s13  }
0x2a6: {  	[tilespmem:s19], [sflag:$0x1] =	stream.linear.gather [hbm4b:s20+s2], $0x80, $0x38;
	[tilespmem:$0x10080] =	vst v63  }
0x2a7: {  	s25 =	sld [smem:$0x63B];
	s22 =	sadd.s32 $0x180, s13  }
0x2a8: {  	[tilespmem:s21], [sflag:$0x1] =	stream.linear.gather [hbm4b:s22+s2], $0x80, $0x38;
	[tilespmem:$0x10080] =	vst v63  }
0x2a9: {  	s12 =	sshll.u32 s31, $0xA;
	s28 =	sld [smem:$0x63C];
	s24 =	sadd.s32 $0x200, s13  }
0x2aa: {  	[tilespmem:s23], [sflag:$0x1] =	stream.linear.gather [hbm4b:s24+s2], $0x80, $0x38;
	[tilespmem:$0x10080] =	vst v63  }
0x2ab: {  	s29 =	sld [smem:$0x63D];
	s11 =	sor.u32 s11, s12;
	s26 =	sadd.s32 $0x280, s13  }
0x2ac: {  	[tilespmem:s25], [sflag:$0x1] =	stream.linear.gather [hbm4b:s26+s2], $0x80, $0x38;
	[tilespmem:$0x10080] =	vst v63  }
0x2ad: {  	s30 =	spop (v2sf);
	s11 =	sshrl.u32 s11, $0x3;
	s13 =	sadd.s32 $0x300, s13  }
0x2ae: {  	[tilespmem:s28], [sflag:$0x1] =	stream.linear.gather [hbm4b:s13+s2], $0x80, $0x38;
	[tilespmem:$0x10080] =	vst v63  }
0x2af: {  	s31 =	sshrl.u32 s30, $0x3;
	s11 =	sadd.s32 s4, s11  }
0x2b0: {  	[tilespmem:s29], [sflag:$0x2] =	stream.linear.gather [hbm4b:s11+s2], $0x80, $0x38;
	[tilespmem:$0x10080] =	vst v63  }
0x2b1: {  	s15 =	smul.u32 $0x1C00, s31;
	s11 =	sshll.u32 s30, $0x7  }
0x2b2: {  	(v2sf) =	vpush v0, $0x9;
	s11 =	sand.u32 $0x380, s11  }
0x2b3: {  	s16 =	sld [smem:$0x63E];
	s13 =	sor.u32 s11, s15  }
0x2b4: {  	s17 =	sld [smem:$0x63F];
	s13 =	sshrl.u32 s13, $0x3  }
0x2b5: {  	s19 =	sld [smem:$0x640];
	s13 =	sadd.s32 s3, s13  }
0x2b6: {  	[tilespmem:s16], [sflag:$0x1] =	stream.linear.gather [hbm4b:s13+s2], $0x80, $0x38;
	[tilespmem:$0x10080] =	vst v63  }
0x2b7: {  	s21 =	sld [smem:$0x641];
	s18 =	sadd.s32 $0x80, s13  }
0x2b8: {  	[tilespmem:s17], [sflag:$0x1] =	stream.linear.gather [hbm4b:s18+s2], $0x80, $0x38;
	[tilespmem:$0x10080] =	vst v63  }
0x2b9: {  	s23 =	sld [smem:$0x642];
	s20 =	sadd.s32 $0x100, s13  }
0x2ba: {  	[tilespmem:s19], [sflag:$0x1] =	stream.linear.gather [hbm4b:s20+s2], $0x80, $0x38;
	[tilespmem:$0x10080] =	vst v63  }
0x2bb: {  	s25 =	sld [smem:$0x643];
	s22 =	sadd.s32 $0x180, s13  }
0x2bc: {  	[tilespmem:s21], [sflag:$0x1] =	stream.linear.gather [hbm4b:s22+s2], $0x80, $0x38;
	[tilespmem:$0x10080] =	vst v63  }
0x2bd: {  	s12 =	sshll.u32 s31, $0xA;
	s28 =	sld [smem:$0x644];
	s24 =	sadd.s32 $0x200, s13  }
0x2be: {  	[tilespmem:s23], [sflag:$0x1] =	stream.linear.gather [hbm4b:s24+s2], $0x80, $0x38;
	[tilespmem:$0x10080] =	vst v63  }
0x2bf: {  	s29 =	sld [smem:$0x645];
	s11 =	sor.u32 s11, s12;
	s26 =	sadd.s32 $0x280, s13  }
0x2c0: {  	[tilespmem:s25], [sflag:$0x1] =	stream.linear.gather [hbm4b:s26+s2], $0x80, $0x38;
	[tilespmem:$0x10080] =	vst v63  }
0x2c1: {  	s30 =	spop (v2sf);
	s11 =	sshrl.u32 s11, $0x3;
	s13 =	sadd.s32 $0x300, s13  }
0x2c2: {  	[tilespmem:s28], [sflag:$0x1] =	stream.linear.gather [hbm4b:s13+s2], $0x80, $0x38;
	[tilespmem:$0x10080] =	vst v63  }
0x2c3: {  	s31 =	sshrl.u32 s30, $0x3;
	s11 =	sadd.s32 s4, s11  }
0x2c4: {  	[tilespmem:s29], [sflag:$0x2] =	stream.linear.gather [hbm4b:s11+s2], $0x80, $0x38;
	[tilespmem:$0x10080] =	vst v63  }
0x2c5: {  	s16 =	smul.u32 $0x1C00, s31;
	s11 =	sshll.u32 s30, $0x7  }
0x2c6: {  	s11 =	sand.u32 $0x380, s11  }
0x2c7: {  	s17 =	sld [smem:$0x646];
	s13 =	sor.u32 s11, s16  }
0x2c8: {  	s13 =	sshrl.u32 s13, $0x3  }
0x2c9: {  	s18 =	sld [smem:$0x647];
	s13 =	sadd.s32 s3, s13  }
0x2ca: {  	[tilespmem:s17], [sflag:$0x1] =	stream.linear.gather [hbm4b:s13+s2], $0x80, $0x38;
	[tilespmem:$0x10080] =	vst v63  }
0x2cb: {  	s19 =	sadd.s32 $0x80, s13  }
0x2cc: {  	[tilespmem:s18], [sflag:$0x1] =	stream.linear.gather [hbm4b:s19+s2], $0x80, $0x38;
	[tilespmem:$0x10080] =	vst v63  }
0x2cd: {  	(v2sf) =	vpush v0, $0xA  }
0x2ce: {  	s14 =	sld [smem:$0x648];
	_ =	sdelay $0x1  }
0x2cf: {  	s20 =	sadd.s32 $0x100, s13;
	s21 =	sld [smem:$0x649]  }
0x2d0: {  	[tilespmem:s14], [sflag:$0x1] =	stream.linear.gather [hbm4b:s20+s2], $0x80, $0x38;
	[tilespmem:$0x10080] =	vst v63  }
0x2d1: {  	s22 =	sadd.s32 $0x180, s13;
	s23 =	sld [smem:$0x64A]  }
0x2d2: {  	[tilespmem:s21], [sflag:$0x1] =	stream.linear.gather [hbm4b:s22+s2], $0x80, $0x38;
	[tilespmem:$0x10080] =	vst v63  }
0x2d3: {  	s12 =	sshll.u32 s31, $0xA;
	s24 =	sadd.s32 $0x200, s13;
	s25 =	sld [smem:$0x64B]  }
0x2d4: {  	[tilespmem:s23], [sflag:$0x1] =	stream.linear.gather [hbm4b:s24+s2], $0x80, $0x38;
	[tilespmem:$0x10080] =	vst v63  }
0x2d5: {  	s11 =	sor.u32 s11, s12;
	s26 =	sadd.s32 $0x280, s13;
	s28 =	sld [smem:$0x64C]  }
0x2d6: {  	[tilespmem:s25], [sflag:$0x1] =	stream.linear.gather [hbm4b:s26+s2], $0x80, $0x38;
	[tilespmem:$0x10080] =	vst v63  }
0x2d7: {  	s11 =	sshrl.u32 s11, $0x3;
	s13 =	sadd.s32 $0x300, s13;
	s29 =	sld [smem:$0x64D]  }
0x2d8: {  	[tilespmem:s28], [sflag:$0x1] =	stream.linear.gather [hbm4b:s13+s2], $0x80, $0x38;
	[tilespmem:$0x10080] =	vst v63  }
0x2d9: {  	s11 =	sadd.s32 s4, s11  }
0x2da: {  	[tilespmem:s29], [sflag:$0x2] =	stream.linear.gather [hbm4b:s11+s2], $0x80, $0x38;
	[tilespmem:$0x10080] =	vst v63  }
0x2db: {  	s30 =	spop (v2sf)  }
0x2dc: {  	s31 =	sshrl.u32 s30, $0x3  }
0x2dd: {  	s11 =	sshll.u32 s30, $0x7;
	s15 =	smul.u32 $0x1C00, s31  }
0x2de: {  	(v2sf) =	vpush v0, $0xB;
	s11 =	sand.u32 $0x380, s11  }
0x2df: {  	s16 =	sld [smem:$0x64E];
	s13 =	sor.u32 s11, s15  }
0x2e0: {  	s17 =	sld [smem:$0x64F];
	s13 =	sshrl.u32 s13, $0x3  }
0x2e1: {  	s19 =	sld [smem:$0x650];
	s13 =	sadd.s32 s3, s13  }
0x2e2: {  	[tilespmem:s16], [sflag:$0x1] =	stream.linear.gather [hbm4b:s13+s2], $0x80, $0x38;
	[tilespmem:$0x10080] =	vst v63  }
0x2e3: {  	s21 =	sld [smem:$0x651];
	s18 =	sadd.s32 $0x80, s13  }
0x2e4: {  	[tilespmem:s17], [sflag:$0x1] =	stream.linear.gather [hbm4b:s18+s2], $0x80, $0x38;
	[tilespmem:$0x10080] =	vst v63  }
0x2e5: {  	s23 =	sld [smem:$0x652];
	s20 =	sadd.s32 $0x100, s13  }
0x2e6: {  	[tilespmem:s19], [sflag:$0x1] =	stream.linear.gather [hbm4b:s20+s2], $0x80, $0x38;
	[tilespmem:$0x10080] =	vst v63  }
0x2e7: {  	s25 =	sld [smem:$0x653];
	s22 =	sadd.s32 $0x180, s13  }
0x2e8: {  	[tilespmem:s21], [sflag:$0x1] =	stream.linear.gather [hbm4b:s22+s2], $0x80, $0x38;
	[tilespmem:$0x10080] =	vst v63  }
0x2e9: {  	s28 =	sld [smem:$0x654];
	s12 =	sshll.u32 s31, $0xA;
	s24 =	sadd.s32 $0x200, s13  }
0x2ea: {  	[tilespmem:s23], [sflag:$0x1] =	stream.linear.gather [hbm4b:s24+s2], $0x80, $0x38;
	[tilespmem:$0x10080] =	vst v63  }
0x2eb: {  	s29 =	sld [smem:$0x655];
	s11 =	sor.u32 s11, s12;
	s26 =	sadd.s32 $0x280, s13  }
0x2ec: {  	[tilespmem:s25], [sflag:$0x1] =	stream.linear.gather [hbm4b:s26+s2], $0x80, $0x38;
	[tilespmem:$0x10080] =	vst v63  }
0x2ed: {  	s11 =	sshrl.u32 s11, $0x3;
	s13 =	sadd.s32 $0x300, s13;
	s30 =	spop (v2sf)  }
0x2ee: {  	[tilespmem:s28], [sflag:$0x1] =	stream.linear.gather [hbm4b:s13+s2], $0x80, $0x38;
	[tilespmem:$0x10080] =	vst v63  }
0x2ef: {  	s11 =	sadd.s32 s4, s11;
	s31 =	sshrl.u32 s30, $0x3  }
0x2f0: {  	[tilespmem:s29], [sflag:$0x2] =	stream.linear.gather [hbm4b:s11+s2], $0x80, $0x38;
	[tilespmem:$0x10080] =	vst v63  }
0x2f1: {  	s15 =	smul.u32 $0x1C00, s31;
	s11 =	sshll.u32 s30, $0x7  }
0x2f2: {  	(v2sf) =	vpush v0, $0xC;
	s11 =	sand.u32 $0x380, s11  }
0x2f3: {  	s16 =	sld [smem:$0x656];
	s13 =	sor.u32 s11, s15  }
0x2f4: {  	s17 =	sld [smem:$0x657];
	s13 =	sshrl.u32 s13, $0x3  }
0x2f5: {  	s19 =	sld [smem:$0x658];
	s13 =	sadd.s32 s3, s13  }
0x2f6: {  	[tilespmem:s16], [sflag:$0x1] =	stream.linear.gather [hbm4b:s13+s2], $0x80, $0x38;
	[tilespmem:$0x10080] =	vst v63  }
0x2f7: {  	s21 =	sld [smem:$0x659];
	s18 =	sadd.s32 $0x80, s13  }
0x2f8: {  	[tilespmem:s17], [sflag:$0x1] =	stream.linear.gather [hbm4b:s18+s2], $0x80, $0x38;
	[tilespmem:$0x10080] =	vst v63  }
0x2f9: {  	s23 =	sld [smem:$0x65A];
	s20 =	sadd.s32 $0x100, s13  }
0x2fa: {  	[tilespmem:s19], [sflag:$0x1] =	stream.linear.gather [hbm4b:s20+s2], $0x80, $0x38;
	[tilespmem:$0x10080] =	vst v63  }
0x2fb: {  	s25 =	sld [smem:$0x65B];
	s22 =	sadd.s32 $0x180, s13  }
0x2fc: {  	[tilespmem:s21], [sflag:$0x1] =	stream.linear.gather [hbm4b:s22+s2], $0x80, $0x38;
	[tilespmem:$0x10080] =	vst v63  }
0x2fd: {  	s12 =	sshll.u32 s31, $0xA;
	s28 =	sld [smem:$0x65C];
	s24 =	sadd.s32 $0x200, s13  }
0x2fe: {  	[tilespmem:s23], [sflag:$0x1] =	stream.linear.gather [hbm4b:s24+s2], $0x80, $0x38;
	[tilespmem:$0x10080] =	vst v63  }
0x2ff: {  	s29 =	sld [smem:$0x65D];
	s11 =	sor.u32 s11, s12;
	s26 =	sadd.s32 $0x280, s13  }
0x300: {  	[tilespmem:s25], [sflag:$0x1] =	stream.linear.gather [hbm4b:s26+s2], $0x80, $0x38;
	[tilespmem:$0x10080] =	vst v63  }
0x301: {  	s11 =	sshrl.u32 s11, $0x3;
	s13 =	sadd.s32 $0x300, s13;
	s30 =	spop (v2sf)  }
0x302: {  	[tilespmem:s28], [sflag:$0x1] =	stream.linear.gather [hbm4b:s13+s2], $0x80, $0x38;
	[tilespmem:$0x10080] =	vst v63  }
0x303: {  	s11 =	sadd.s32 s4, s11;
	s31 =	sshrl.u32 s30, $0x3  }
0x304: {  	[tilespmem:s29], [sflag:$0x2] =	stream.linear.gather [hbm4b:s11+s2], $0x80, $0x38;
	[tilespmem:$0x10080] =	vst v63  }
0x305: {  	s15 =	smul.u32 $0x1C00, s31;
	s11 =	sshll.u32 s30, $0x7  }
0x306: {  	(v2sf) =	vpush v0, $0xD;
	s11 =	sand.u32 $0x380, s11  }
0x307: {  	s16 =	sld [smem:$0x65E];
	s13 =	sor.u32 s11, s15  }
0x308: {  	s17 =	sld [smem:$0x65F];
	s13 =	sshrl.u32 s13, $0x3  }
0x309: {  	s19 =	sld [smem:$0x660];
	s13 =	sadd.s32 s3, s13  }
0x30a: {  	[tilespmem:s16], [sflag:$0x1] =	stream.linear.gather [hbm4b:s13+s2], $0x80, $0x38;
	[tilespmem:$0x10080] =	vst v63  }
0x30b: {  	s21 =	sld [smem:$0x661];
	s18 =	sadd.s32 $0x80, s13  }
0x30c: {  	[tilespmem:s17], [sflag:$0x1] =	stream.linear.gather [hbm4b:s18+s2], $0x80, $0x38;
	[tilespmem:$0x10080] =	vst v63  }
0x30d: {  	s23 =	sld [smem:$0x662];
	s20 =	sadd.s32 $0x100, s13  }
0x30e: {  	[tilespmem:s19], [sflag:$0x1] =	stream.linear.gather [hbm4b:s20+s2], $0x80, $0x38;
	[tilespmem:$0x10080] =	vst v63  }
0x30f: {  	s25 =	sld [smem:$0x663];
	s22 =	sadd.s32 $0x180, s13  }
0x310: {  	[tilespmem:s21], [sflag:$0x1] =	stream.linear.gather [hbm4b:s22+s2], $0x80, $0x38;
	[tilespmem:$0x10080] =	vst v63  }
0x311: {  	s12 =	sshll.u32 s31, $0xA;
	s28 =	sld [smem:$0x664];
	s24 =	sadd.s32 $0x200, s13  }
0x312: {  	[tilespmem:s23], [sflag:$0x1] =	stream.linear.gather [hbm4b:s24+s2], $0x80, $0x38;
	[tilespmem:$0x10080] =	vst v63  }
0x313: {  	s29 =	sld [smem:$0x665];
	s11 =	sor.u32 s11, s12;
	s26 =	sadd.s32 $0x280, s13  }
0x314: {  	[tilespmem:s25], [sflag:$0x1] =	stream.linear.gather [hbm4b:s26+s2], $0x80, $0x38;
	[tilespmem:$0x10080] =	vst v63  }
0x315: {  	s11 =	sshrl.u32 s11, $0x3;
	s13 =	sadd.s32 $0x300, s13;
	s30 =	spop (v2sf)  }
0x316: {  	[tilespmem:s28], [sflag:$0x1] =	stream.linear.gather [hbm4b:s13+s2], $0x80, $0x38;
	[tilespmem:$0x10080] =	vst v63  }
0x317: {  	s11 =	sadd.s32 s4, s11;
	s31 =	sshrl.u32 s30, $0x3  }
0x318: {  	[tilespmem:s29], [sflag:$0x2] =	stream.linear.gather [hbm4b:s11+s2], $0x80, $0x38;
	[tilespmem:$0x10080] =	vst v63  }
0x319: {  	s15 =	smul.u32 $0x1C00, s31;
	s11 =	sshll.u32 s30, $0x7  }
0x31a: {  	(v2sf) =	vpush v0, $0xE;
	s11 =	sand.u32 $0x380, s11  }
0x31b: {  	s16 =	sld [smem:$0x666];
	s13 =	sor.u32 s11, s15  }
0x31c: {  	s17 =	sld [smem:$0x667];
	s13 =	sshrl.u32 s13, $0x3  }
0x31d: {  	s19 =	sld [smem:$0x668];
	s13 =	sadd.s32 s3, s13  }
0x31e: {  	[tilespmem:s16], [sflag:$0x1] =	stream.linear.gather [hbm4b:s13+s2], $0x80, $0x38;
	[tilespmem:$0x10080] =	vst v63  }
0x31f: {  	s21 =	sld [smem:$0x669];
	s18 =	sadd.s32 $0x80, s13  }
0x320: {  	[tilespmem:s17], [sflag:$0x1] =	stream.linear.gather [hbm4b:s18+s2], $0x80, $0x38;
	[tilespmem:$0x10080] =	vst v63  }
0x321: {  	s23 =	sld [smem:$0x66A];
	s20 =	sadd.s32 $0x100, s13  }
0x322: {  	[tilespmem:s19], [sflag:$0x1] =	stream.linear.gather [hbm4b:s20+s2], $0x80, $0x38;
	[tilespmem:$0x10080] =	vst v63  }
0x323: {  	s25 =	sld [smem:$0x66B];
	s22 =	sadd.s32 $0x180, s13  }
0x324: {  	[tilespmem:s21], [sflag:$0x1] =	stream.linear.gather [hbm4b:s22+s2], $0x80, $0x38;
	[tilespmem:$0x10080] =	vst v63  }
0x325: {  	s12 =	sshll.u32 s31, $0xA;
	s28 =	sld [smem:$0x66C];
	s24 =	sadd.s32 $0x200, s13  }
0x326: {  	[tilespmem:s23], [sflag:$0x1] =	stream.linear.gather [hbm4b:s24+s2], $0x80, $0x38;
	[tilespmem:$0x10080] =	vst v63  }
0x327: {  	s29 =	sld [smem:$0x66D];
	s11 =	sor.u32 s11, s12;
	s26 =	sadd.s32 $0x280, s13  }
0x328: {  	[tilespmem:s25], [sflag:$0x1] =	stream.linear.gather [hbm4b:s26+s2], $0x80, $0x38;
	[tilespmem:$0x10080] =	vst v63  }
0x329: {  	s30 =	spop (v2sf);
	s11 =	sshrl.u32 s11, $0x3;
	s13 =	sadd.s32 $0x300, s13  }
0x32a: {  	[tilespmem:s28], [sflag:$0x1] =	stream.linear.gather [hbm4b:s13+s2], $0x80, $0x38;
	[tilespmem:$0x10080] =	vst v63  }
0x32b: {  	s31 =	sshrl.u32 s30, $0x3;
	s11 =	sadd.s32 s4, s11  }
0x32c: {  	[tilespmem:s29], [sflag:$0x2] =	stream.linear.gather [hbm4b:s11+s2], $0x80, $0x38;
	[tilespmem:$0x10080] =	vst v63  }
0x32d: {  	s15 =	smul.u32 $0x1C00, s31;
	s11 =	sshll.u32 s30, $0x7  }
0x32e: {  	(v2sf) =	vpush v0, $0xF;
	s11 =	sand.u32 $0x380, s11  }
0x32f: {  	s16 =	sld [smem:$0x66E];
	s13 =	sor.u32 s11, s15  }
0x330: {  	s17 =	sld [smem:$0x66F];
	s13 =	sshrl.u32 s13, $0x3  }
0x331: {  	s19 =	sld [smem:$0x670];
	s13 =	sadd.s32 s3, s13  }
0x332: {  	[tilespmem:s16], [sflag:$0x1] =	stream.linear.gather [hbm4b:s13+s2], $0x80, $0x38;
	[tilespmem:$0x10080] =	vst v63  }
0x333: {  	s21 =	sld [smem:$0x671];
	s18 =	sadd.s32 $0x80, s13  }
0x334: {  	[tilespmem:s17], [sflag:$0x1] =	stream.linear.gather [hbm4b:s18+s2], $0x80, $0x38;
	[tilespmem:$0x10080] =	vst v63  }
0x335: {  	s23 =	sld [smem:$0x672];
	s20 =	sadd.s32 $0x100, s13  }
0x336: {  	[tilespmem:s19], [sflag:$0x1] =	stream.linear.gather [hbm4b:s20+s2], $0x80, $0x38;
	[tilespmem:$0x10080] =	vst v63  }
0x337: {  	s25 =	sld [smem:$0x673];
	s22 =	sadd.s32 $0x180, s13  }
0x338: {  	[tilespmem:s21], [sflag:$0x1] =	stream.linear.gather [hbm4b:s22+s2], $0x80, $0x38;
	[tilespmem:$0x10080] =	vst v63  }
0x339: {  	s12 =	sshll.u32 s31, $0xA;
	s28 =	sld [smem:$0x674];
	s24 =	sadd.s32 $0x200, s13  }
0x33a: {  	[tilespmem:s23], [sflag:$0x1] =	stream.linear.gather [hbm4b:s24+s2], $0x80, $0x38;
	[tilespmem:$0x10080] =	vst v63  }
0x33b: {  	s29 =	sld [smem:$0x675];
	s11 =	sor.u32 s11, s12;
	s26 =	sadd.s32 $0x280, s13  }
0x33c: {  	[tilespmem:s25], [sflag:$0x1] =	stream.linear.gather [hbm4b:s26+s2], $0x80, $0x38;
	[tilespmem:$0x10080] =	vst v63  }
0x33d: {  	s30 =	spop (v2sf);
	s11 =	sshrl.u32 s11, $0x3;
	s13 =	sadd.s32 $0x300, s13  }
0x33e: {  	[tilespmem:s28], [sflag:$0x1] =	stream.linear.gather [hbm4b:s13+s2], $0x80, $0x38;
	[tilespmem:$0x10080] =	vst v63  }
0x33f: {  	s31 =	sshrl.u32 s30, $0x3;
	s11 =	sadd.s32 s4, s11  }
0x340: {  	[tilespmem:s29], [sflag:$0x2] =	stream.linear.gather [hbm4b:s11+s2], $0x80, $0x38;
	[tilespmem:$0x10080] =	vst v63  }
0x341: {  	s15 =	smul.u32 $0x1C00, s31;
	s11 =	sshll.u32 s30, $0x7  }
0x342: {  	s11 =	sand.u32 $0x380, s11  }
0x343: {  	s16 =	sld [smem:$0x676];
	s13 =	sor.u32 s11, s15  }
0x344: {  	s13 =	sshrl.u32 s13, $0x3  }
0x345: {  	s17 =	sld [smem:$0x677];
	s13 =	sadd.s32 s3, s13  }
0x346: {  	[tilespmem:s16], [sflag:$0x1] =	stream.linear.gather [hbm4b:s13+s2], $0x80, $0x38;
	[tilespmem:$0x10080] =	vst v63  }
0x347: {  	s19 =	sld [smem:$0x678];
	s18 =	sadd.s32 $0x80, s13  }
0x348: {  	[tilespmem:s17], [sflag:$0x1] =	stream.linear.gather [hbm4b:s18+s2], $0x80, $0x38;
	[tilespmem:$0x10080] =	vst v63  }
0x349: {  	s21 =	sld [smem:$0x679];
	s20 =	sadd.s32 $0x100, s13  }
0x34a: {  	[tilespmem:s19], [sflag:$0x1] =	stream.linear.gather [hbm4b:s20+s2], $0x80, $0x38;
	[tilespmem:$0x10080] =	vst v63  }
0x34b: {  	s23 =	sld [smem:$0x67A];
	s22 =	sadd.s32 $0x180, s13  }
0x34c: {  	[tilespmem:s21], [sflag:$0x1] =	stream.linear.gather [hbm4b:s22+s2], $0x80, $0x38;
	[tilespmem:$0x10080] =	vst v63  }
0x34d: {  	s12 =	sshll.u32 s31, $0xA;
	s25 =	sld [smem:$0x67B];
	s24 =	sadd.s32 $0x200, s13  }
0x34e: {  	[tilespmem:s23], [sflag:$0x1] =	stream.linear.gather [hbm4b:s24+s2], $0x80, $0x38;
	[tilespmem:$0x10080] =	vst v63  }
0x34f: {  	s28 =	sld [smem:$0x67C];
	s11 =	sor.u32 s11, s12;
	s26 =	sadd.s32 $0x280, s13  }
0x350: {  	[tilespmem:s25], [sflag:$0x1] =	stream.linear.gather [hbm4b:s26+s2], $0x80, $0x38;
	[tilespmem:$0x10080] =	vst v63  }
0x351: {  	s29 =	sld [smem:$0x67D];
	s11 =	sshrl.u32 s11, $0x3;
	s13 =	sadd.s32 $0x300, s13  }
0x352: {  	[tilespmem:s28], [sflag:$0x1] =	stream.linear.gather [hbm4b:s13+s2], $0x80, $0x38;
	[tilespmem:$0x10080] =	vst v63  }
0x353: {  	s11 =	sadd.s32 s4, s11  }
0x354: {  	[tilespmem:s29], [sflag:$0x2] =	stream.linear.gather [hbm4b:s11+s2], $0x80, $0x38;
	[tilespmem:$0x10080] =	vst v63  }
0x355: {  	v61 =	vld [tilespmem:$0x10];
	_ =	sdelay $0x4  }
0x356: {  	(v2sf) =	vpush v61, $0x0;
	_ =	sdelay $0xe  }
0x357: {  	s30 =	spop (v2sf)  }
0x358: {  	s31 =	sshrl.u32 s30, $0x3  }
0x359: {  	s11 =	sshll.u32 s30, $0x7;
	s15 =	smul.u32 $0x1C00, s31  }
0x35a: {  	(v2sf) =	vpush v61, $0x1;
	s11 =	sand.u32 $0x380, s11  }
0x35b: {  	s16 =	sld [smem:$0x67E];
	s13 =	sor.u32 s11, s15  }
0x35c: {  	s17 =	sld [smem:$0x67F];
	s13 =	sshrl.u32 s13, $0x3  }
0x35d: {  	s19 =	sld [smem:$0x680];
	s13 =	sadd.s32 s3, s13  }
0x35e: {  	[tilespmem:s16], [sflag:$0x1] =	stream.linear.gather [hbm4b:s13+s2], $0x80, $0x38;
	[tilespmem:$0x10080] =	vst v63  }
0x35f: {  	s21 =	sld [smem:$0x681];
	s18 =	sadd.s32 $0x80, s13  }
0x360: {  	[tilespmem:s17], [sflag:$0x1] =	stream.linear.gather [hbm4b:s18+s2], $0x80, $0x38;
	[tilespmem:$0x10080] =	vst v63  }
0x361: {  	s23 =	sld [smem:$0x682];
	s20 =	sadd.s32 $0x100, s13  }
0x362: {  	[tilespmem:s19], [sflag:$0x1] =	stream.linear.gather [hbm4b:s20+s2], $0x80, $0x38;
	[tilespmem:$0x10080] =	vst v63  }
0x363: {  	s25 =	sld [smem:$0x683];
	s22 =	sadd.s32 $0x180, s13  }
0x364: {  	[tilespmem:s21], [sflag:$0x1] =	stream.linear.gather [hbm4b:s22+s2], $0x80, $0x38;
	[tilespmem:$0x10080] =	vst v63  }
0x365: {  	s28 =	sld [smem:$0x684];
	s12 =	sshll.u32 s31, $0xA;
	s24 =	sadd.s32 $0x200, s13  }
0x366: {  	[tilespmem:s23], [sflag:$0x1] =	stream.linear.gather [hbm4b:s24+s2], $0x80, $0x38;
	[tilespmem:$0x10080] =	vst v63  }
0x367: {  	s29 =	sld [smem:$0x685];
	s11 =	sor.u32 s11, s12;
	s26 =	sadd.s32 $0x280, s13  }
0x368: {  	[tilespmem:s25], [sflag:$0x1] =	stream.linear.gather [hbm4b:s26+s2], $0x80, $0x38;
	[tilespmem:$0x10080] =	vst v63  }
0x369: {  	s11 =	sshrl.u32 s11, $0x3;
	s13 =	sadd.s32 $0x300, s13;
	s30 =	spop (v2sf)  }
0x36a: {  	[tilespmem:s28], [sflag:$0x1] =	stream.linear.gather [hbm4b:s13+s2], $0x80, $0x38;
	[tilespmem:$0x10080] =	vst v63  }
0x36b: {  	s11 =	sadd.s32 s4, s11;
	s31 =	sshrl.u32 s30, $0x3  }
0x36c: {  	[tilespmem:s29], [sflag:$0x2] =	stream.linear.gather [hbm4b:s11+s2], $0x80, $0x38;
	[tilespmem:$0x10080] =	vst v63  }
0x36d: {  	s15 =	smul.u32 $0x1C00, s31;
	s11 =	sshll.u32 s30, $0x7  }
0x36e: {  	(v2sf) =	vpush v61, $0x2;
	s11 =	sand.u32 $0x380, s11  }
0x36f: {  	s16 =	sld [smem:$0x686];
	s13 =	sor.u32 s11, s15  }
0x370: {  	s17 =	sld [smem:$0x687];
	s13 =	sshrl.u32 s13, $0x3  }
0x371: {  	s19 =	sld [smem:$0x688];
	s13 =	sadd.s32 s3, s13  }
0x372: {  	[tilespmem:s16], [sflag:$0x1] =	stream.linear.gather [hbm4b:s13+s2], $0x80, $0x38;
	[tilespmem:$0x10080] =	vst v63  }
0x373: {  	s21 =	sld [smem:$0x689];
	s18 =	sadd.s32 $0x80, s13  }
0x374: {  	[tilespmem:s17], [sflag:$0x1] =	stream.linear.gather [hbm4b:s18+s2], $0x80, $0x38;
	[tilespmem:$0x10080] =	vst v63  }
0x375: {  	s23 =	sld [smem:$0x68A];
	s20 =	sadd.s32 $0x100, s13  }
0x376: {  	[tilespmem:s19], [sflag:$0x1] =	stream.linear.gather [hbm4b:s20+s2], $0x80, $0x38;
	[tilespmem:$0x10080] =	vst v63  }
0x377: {  	s25 =	sld [smem:$0x68B];
	s22 =	sadd.s32 $0x180, s13  }
0x378: {  	[tilespmem:s21], [sflag:$0x1] =	stream.linear.gather [hbm4b:s22+s2], $0x80, $0x38;
	[tilespmem:$0x10080] =	vst v63  }
0x379: {  	s12 =	sshll.u32 s31, $0xA;
	s28 =	sld [smem:$0x68C];
	s24 =	sadd.s32 $0x200, s13  }
0x37a: {  	[tilespmem:s23], [sflag:$0x1] =	stream.linear.gather [hbm4b:s24+s2], $0x80, $0x38;
	[tilespmem:$0x10080] =	vst v63  }
0x37b: {  	s29 =	sld [smem:$0x68D];
	s11 =	sor.u32 s11, s12;
	s26 =	sadd.s32 $0x280, s13  }
0x37c: {  	[tilespmem:s25], [sflag:$0x1] =	stream.linear.gather [hbm4b:s26+s2], $0x80, $0x38;
	[tilespmem:$0x10080] =	vst v63  }
0x37d: {  	s11 =	sshrl.u32 s11, $0x3;
	s13 =	sadd.s32 $0x300, s13;
	s30 =	spop (v2sf)  }
0x37e: {  	[tilespmem:s28], [sflag:$0x1] =	stream.linear.gather [hbm4b:s13+s2], $0x80, $0x38;
	[tilespmem:$0x10080] =	vst v63  }
0x37f: {  	s11 =	sadd.s32 s4, s11;
	s31 =	sshrl.u32 s30, $0x3  }
0x380: {  	[tilespmem:s29], [sflag:$0x2] =	stream.linear.gather [hbm4b:s11+s2], $0x80, $0x38;
	[tilespmem:$0x10080] =	vst v63  }
0x381: {  	s15 =	smul.u32 $0x1C00, s31;
	s11 =	sshll.u32 s30, $0x7  }
0x382: {  	(v2sf) =	vpush v61, $0x3;
	s11 =	sand.u32 $0x380, s11  }
0x383: {  	s16 =	sld [smem:$0x68E];
	s13 =	sor.u32 s11, s15  }
0x384: {  	s17 =	sld [smem:$0x68F];
	s13 =	sshrl.u32 s13, $0x3  }
0x385: {  	s19 =	sld [smem:$0x690];
	s13 =	sadd.s32 s3, s13  }
0x386: {  	[tilespmem:s16], [sflag:$0x1] =	stream.linear.gather [hbm4b:s13+s2], $0x80, $0x38;
	[tilespmem:$0x10080] =	vst v63  }
0x387: {  	s21 =	sld [smem:$0x691];
	s18 =	sadd.s32 $0x80, s13  }
0x388: {  	[tilespmem:s17], [sflag:$0x1] =	stream.linear.gather [hbm4b:s18+s2], $0x80, $0x38;
	[tilespmem:$0x10080] =	vst v63  }
0x389: {  	s23 =	sld [smem:$0x692];
	s20 =	sadd.s32 $0x100, s13  }
0x38a: {  	[tilespmem:s19], [sflag:$0x1] =	stream.linear.gather [hbm4b:s20+s2], $0x80, $0x38;
	[tilespmem:$0x10080] =	vst v63  }
0x38b: {  	s25 =	sld [smem:$0x693];
	s22 =	sadd.s32 $0x180, s13  }
0x38c: {  	[tilespmem:s21], [sflag:$0x1] =	stream.linear.gather [hbm4b:s22+s2], $0x80, $0x38;
	[tilespmem:$0x10080] =	vst v63  }
0x38d: {  	s12 =	sshll.u32 s31, $0xA;
	s28 =	sld [smem:$0x694];
	s24 =	sadd.s32 $0x200, s13  }
0x38e: {  	[tilespmem:s23], [sflag:$0x1] =	stream.linear.gather [hbm4b:s24+s2], $0x80, $0x38;
	[tilespmem:$0x10080] =	vst v63  }
0x38f: {  	s29 =	sld [smem:$0x695];
	s11 =	sor.u32 s11, s12;
	s26 =	sadd.s32 $0x280, s13  }
0x390: {  	[tilespmem:s25], [sflag:$0x1] =	stream.linear.gather [hbm4b:s26+s2], $0x80, $0x38;
	[tilespmem:$0x10080] =	vst v63  }
0x391: {  	s11 =	sshrl.u32 s11, $0x3;
	s13 =	sadd.s32 $0x300, s13;
	s30 =	spop (v2sf)  }
0x392: {  	[tilespmem:s28], [sflag:$0x1] =	stream.linear.gather [hbm4b:s13+s2], $0x80, $0x38;
	[tilespmem:$0x10080] =	vst v63  }
0x393: {  	s11 =	sadd.s32 s4, s11;
	s31 =	sshrl.u32 s30, $0x3  }
0x394: {  	[tilespmem:s29], [sflag:$0x2] =	stream.linear.gather [hbm4b:s11+s2], $0x80, $0x38;
	[tilespmem:$0x10080] =	vst v63  }
0x395: {  	s15 =	smul.u32 $0x1C00, s31;
	s11 =	sshll.u32 s30, $0x7  }
0x396: {  	(v2sf) =	vpush v61, $0x4;
	s11 =	sand.u32 $0x380, s11  }
0x397: {  	s16 =	sld [smem:$0x696];
	s13 =	sor.u32 s11, s15  }
0x398: {  	s17 =	sld [smem:$0x697];
	s13 =	sshrl.u32 s13, $0x3  }
0x399: {  	s19 =	sld [smem:$0x698];
	s13 =	sadd.s32 s3, s13  }
0x39a: {  	[tilespmem:s16], [sflag:$0x1] =	stream.linear.gather [hbm4b:s13+s2], $0x80, $0x38;
	[tilespmem:$0x10080] =	vst v63  }
0x39b: {  	s21 =	sld [smem:$0x699];
	s18 =	sadd.s32 $0x80, s13  }
0x39c: {  	[tilespmem:s17], [sflag:$0x1] =	stream.linear.gather [hbm4b:s18+s2], $0x80, $0x38;
	[tilespmem:$0x10080] =	vst v63  }
0x39d: {  	s23 =	sld [smem:$0x69A];
	s20 =	sadd.s32 $0x100, s13  }
0x39e: {  	[tilespmem:s19], [sflag:$0x1] =	stream.linear.gather [hbm4b:s20+s2], $0x80, $0x38;
	[tilespmem:$0x10080] =	vst v63  }
0x39f: {  	s25 =	sld [smem:$0x69B];
	s22 =	sadd.s32 $0x180, s13  }
0x3a0: {  	[tilespmem:s21], [sflag:$0x1] =	stream.linear.gather [hbm4b:s22+s2], $0x80, $0x38;
	[tilespmem:$0x10080] =	vst v63  }
0x3a1: {  	s12 =	sshll.u32 s31, $0xA;
	s28 =	sld [smem:$0x69C];
	s24 =	sadd.s32 $0x200, s13  }
0x3a2: {  	[tilespmem:s23], [sflag:$0x1] =	stream.linear.gather [hbm4b:s24+s2], $0x80, $0x38;
	[tilespmem:$0x10080] =	vst v63  }
0x3a3: {  	s29 =	sld [smem:$0x69D];
	s11 =	sor.u32 s11, s12;
	s26 =	sadd.s32 $0x280, s13  }
0x3a4: {  	[tilespmem:s25], [sflag:$0x1] =	stream.linear.gather [hbm4b:s26+s2], $0x80, $0x38;
	[tilespmem:$0x10080] =	vst v63  }
0x3a5: {  	s30 =	spop (v2sf);
	s11 =	sshrl.u32 s11, $0x3;
	s13 =	sadd.s32 $0x300, s13  }
0x3a6: {  	[tilespmem:s28], [sflag:$0x1] =	stream.linear.gather [hbm4b:s13+s2], $0x80, $0x38;
	[tilespmem:$0x10080] =	vst v63  }
0x3a7: {  	s31 =	sshrl.u32 s30, $0x3;
	s11 =	sadd.s32 s4, s11  }
0x3a8: {  	[tilespmem:s29], [sflag:$0x2] =	stream.linear.gather [hbm4b:s11+s2], $0x80, $0x38;
	[tilespmem:$0x10080] =	vst v63  }
0x3a9: {  	s15 =	smul.u32 $0x1C00, s31;
	s11 =	sshll.u32 s30, $0x7  }
0x3aa: {  	(v2sf) =	vpush v61, $0x5;
	s11 =	sand.u32 $0x380, s11  }
0x3ab: {  	s16 =	sld [smem:$0x69E];
	s13 =	sor.u32 s11, s15  }
0x3ac: {  	s17 =	sld [smem:$0x69F];
	s13 =	sshrl.u32 s13, $0x3  }
0x3ad: {  	s19 =	sld [smem:$0x6A0];
	s13 =	sadd.s32 s3, s13  }
0x3ae: {  	[tilespmem:s16], [sflag:$0x1] =	stream.linear.gather [hbm4b:s13+s2], $0x80, $0x38;
	[tilespmem:$0x10080] =	vst v63  }
0x3af: {  	s21 =	sld [smem:$0x6A1];
	s18 =	sadd.s32 $0x80, s13  }
0x3b0: {  	[tilespmem:s17], [sflag:$0x1] =	stream.linear.gather [hbm4b:s18+s2], $0x80, $0x38;
	[tilespmem:$0x10080] =	vst v63  }
0x3b1: {  	s23 =	sld [smem:$0x6A2];
	s20 =	sadd.s32 $0x100, s13  }
0x3b2: {  	[tilespmem:s19], [sflag:$0x1] =	stream.linear.gather [hbm4b:s20+s2], $0x80, $0x38;
	[tilespmem:$0x10080] =	vst v63  }
0x3b3: {  	s25 =	sld [smem:$0x6A3];
	s22 =	sadd.s32 $0x180, s13  }
0x3b4: {  	[tilespmem:s21], [sflag:$0x1] =	stream.linear.gather [hbm4b:s22+s2], $0x80, $0x38;
	[tilespmem:$0x10080] =	vst v63  }
0x3b5: {  	s12 =	sshll.u32 s31, $0xA;
	s28 =	sld [smem:$0x6A4];
	s24 =	sadd.s32 $0x200, s13  }
0x3b6: {  	[tilespmem:s23], [sflag:$0x1] =	stream.linear.gather [hbm4b:s24+s2], $0x80, $0x38;
	[tilespmem:$0x10080] =	vst v63  }
0x3b7: {  	s29 =	sld [smem:$0x6A5];
	s11 =	sor.u32 s11, s12;
	s26 =	sadd.s32 $0x280, s13  }
0x3b8: {  	[tilespmem:s25], [sflag:$0x1] =	stream.linear.gather [hbm4b:s26+s2], $0x80, $0x38;
	[tilespmem:$0x10080] =	vst v63  }
0x3b9: {  	s30 =	spop (v2sf);
	s11 =	sshrl.u32 s11, $0x3;
	s13 =	sadd.s32 $0x300, s13  }
0x3ba: {  	[tilespmem:s28], [sflag:$0x1] =	stream.linear.gather [hbm4b:s13+s2], $0x80, $0x38;
	[tilespmem:$0x10080] =	vst v63  }
0x3bb: {  	s31 =	sshrl.u32 s30, $0x3;
	s11 =	sadd.s32 s4, s11  }
0x3bc: {  	[tilespmem:s29], [sflag:$0x2] =	stream.linear.gather [hbm4b:s11+s2], $0x80, $0x38;
	[tilespmem:$0x10080] =	vst v63  }
0x3bd: {  	s15 =	smul.u32 $0x1C00, s31;
	s11 =	sshll.u32 s30, $0x7  }
0x3be: {  	(v2sf) =	vpush v61, $0x6;
	s11 =	sand.u32 $0x380, s11  }
0x3bf: {  	s16 =	sld [smem:$0x6A6];
	s13 =	sor.u32 s11, s15  }
0x3c0: {  	s17 =	sld [smem:$0x6A7];
	s13 =	sshrl.u32 s13, $0x3  }
0x3c1: {  	s19 =	sld [smem:$0x6A8];
	s13 =	sadd.s32 s3, s13  }
0x3c2: {  	[tilespmem:s16], [sflag:$0x1] =	stream.linear.gather [hbm4b:s13+s2], $0x80, $0x38;
	[tilespmem:$0x10080] =	vst v63  }
0x3c3: {  	s21 =	sld [smem:$0x6A9];
	s18 =	sadd.s32 $0x80, s13  }
0x3c4: {  	[tilespmem:s17], [sflag:$0x1] =	stream.linear.gather [hbm4b:s18+s2], $0x80, $0x38;
	[tilespmem:$0x10080] =	vst v63  }
0x3c5: {  	s23 =	sld [smem:$0x6AA];
	s20 =	sadd.s32 $0x100, s13  }
0x3c6: {  	[tilespmem:s19], [sflag:$0x1] =	stream.linear.gather [hbm4b:s20+s2], $0x80, $0x38;
	[tilespmem:$0x10080] =	vst v63  }
0x3c7: {  	s25 =	sld [smem:$0x6AB];
	s22 =	sadd.s32 $0x180, s13  }
0x3c8: {  	[tilespmem:s21], [sflag:$0x1] =	stream.linear.gather [hbm4b:s22+s2], $0x80, $0x38;
	[tilespmem:$0x10080] =	vst v63  }
0x3c9: {  	s12 =	sshll.u32 s31, $0xA;
	s28 =	sld [smem:$0x6AC];
	s24 =	sadd.s32 $0x200, s13  }
0x3ca: {  	[tilespmem:s23], [sflag:$0x1] =	stream.linear.gather [hbm4b:s24+s2], $0x80, $0x38;
	[tilespmem:$0x10080] =	vst v63  }
0x3cb: {  	s29 =	sld [smem:$0x6AD];
	s11 =	sor.u32 s11, s12;
	s26 =	sadd.s32 $0x280, s13  }
0x3cc: {  	[tilespmem:s25], [sflag:$0x1] =	stream.linear.gather [hbm4b:s26+s2], $0x80, $0x38;
	[tilespmem:$0x10080] =	vst v63  }
0x3cd: {  	s30 =	spop (v2sf);
	s11 =	sshrl.u32 s11, $0x3;
	s13 =	sadd.s32 $0x300, s13  }
0x3ce: {  	[tilespmem:s28], [sflag:$0x1] =	stream.linear.gather [hbm4b:s13+s2], $0x80, $0x38;
	[tilespmem:$0x10080] =	vst v63  }
0x3cf: {  	s31 =	sshrl.u32 s30, $0x3;
	s11 =	sadd.s32 s4, s11  }
0x3d0: {  	[tilespmem:s29], [sflag:$0x2] =	stream.linear.gather [hbm4b:s11+s2], $0x80, $0x38;
	[tilespmem:$0x10080] =	vst v63  }
0x3d1: {  	s15 =	smul.u32 $0x1C00, s31;
	s11 =	sshll.u32 s30, $0x7  }
0x3d2: {  	(v2sf) =	vpush v61, $0x7;
	s11 =	sand.u32 $0x380, s11  }
0x3d3: {  	s16 =	sld [smem:$0x6AE];
	s13 =	sor.u32 s11, s15  }
0x3d4: {  	s17 =	sld [smem:$0x6AF];
	s13 =	sshrl.u32 s13, $0x3  }
0x3d5: {  	s19 =	sld [smem:$0x6B0];
	s13 =	sadd.s32 s3, s13  }
0x3d6: {  	[tilespmem:s16], [sflag:$0x1] =	stream.linear.gather [hbm4b:s13+s2], $0x80, $0x38;
	[tilespmem:$0x10080] =	vst v63  }
0x3d7: {  	s21 =	sld [smem:$0x6B1];
	s18 =	sadd.s32 $0x80, s13  }
0x3d8: {  	[tilespmem:s17], [sflag:$0x1] =	stream.linear.gather [hbm4b:s18+s2], $0x80, $0x38;
	[tilespmem:$0x10080] =	vst v63  }
0x3d9: {  	s23 =	sld [smem:$0x6B2];
	s20 =	sadd.s32 $0x100, s13  }
0x3da: {  	[tilespmem:s19], [sflag:$0x1] =	stream.linear.gather [hbm4b:s20+s2], $0x80, $0x38;
	[tilespmem:$0x10080] =	vst v63  }
0x3db: {  	s25 =	sld [smem:$0x6B3];
	s22 =	sadd.s32 $0x180, s13  }
0x3dc: {  	[tilespmem:s21], [sflag:$0x1] =	stream.linear.gather [hbm4b:s22+s2], $0x80, $0x38;
	[tilespmem:$0x10080] =	vst v63  }
0x3dd: {  	s12 =	sshll.u32 s31, $0xA;
	s28 =	sld [smem:$0x6B4];
	s24 =	sadd.s32 $0x200, s13  }
0x3de: {  	[tilespmem:s23], [sflag:$0x1] =	stream.linear.gather [hbm4b:s24+s2], $0x80, $0x38;
	[tilespmem:$0x10080] =	vst v63  }
0x3df: {  	s29 =	sld [smem:$0x6B5];
	s11 =	sor.u32 s11, s12;
	s26 =	sadd.s32 $0x280, s13  }
0x3e0: {  	[tilespmem:s25], [sflag:$0x1] =	stream.linear.gather [hbm4b:s26+s2], $0x80, $0x38;
	[tilespmem:$0x10080] =	vst v63  }
0x3e1: {  	s30 =	spop (v2sf);
	s11 =	sshrl.u32 s11, $0x3;
	s13 =	sadd.s32 $0x300, s13  }
0x3e2: {  	[tilespmem:s28], [sflag:$0x1] =	stream.linear.gather [hbm4b:s13+s2], $0x80, $0x38;
	[tilespmem:$0x10080] =	vst v63  }
0x3e3: {  	s31 =	sshrl.u32 s30, $0x3;
	s11 =	sadd.s32 s4, s11  }
0x3e4: {  	[tilespmem:s29], [sflag:$0x2] =	stream.linear.gather [hbm4b:s11+s2], $0x80, $0x38;
	[tilespmem:$0x10080] =	vst v63  }
0x3e5: {  	s15 =	smul.u32 $0x1C00, s31;
	s11 =	sshll.u32 s30, $0x7  }
0x3e6: {  	(v2sf) =	vpush v61, $0x8;
	s11 =	sand.u32 $0x380, s11  }
0x3e7: {  	s16 =	sld [smem:$0x6B6];
	s13 =	sor.u32 s11, s15  }
0x3e8: {  	s17 =	sld [smem:$0x6B7];
	s13 =	sshrl.u32 s13, $0x3  }
0x3e9: {  	s19 =	sld [smem:$0x6B8];
	s13 =	sadd.s32 s3, s13  }
0x3ea: {  	[tilespmem:s16], [sflag:$0x1] =	stream.linear.gather [hbm4b:s13+s2], $0x80, $0x38;
	[tilespmem:$0x10080] =	vst v63  }
0x3eb: {  	s21 =	sld [smem:$0x6B9];
	s18 =	sadd.s32 $0x80, s13  }
0x3ec: {  	[tilespmem:s17], [sflag:$0x1] =	stream.linear.gather [hbm4b:s18+s2], $0x80, $0x38;
	[tilespmem:$0x10080] =	vst v63  }
0x3ed: {  	s23 =	sld [smem:$0x6BA];
	s20 =	sadd.s32 $0x100, s13  }
0x3ee: {  	[tilespmem:s19], [sflag:$0x1] =	stream.linear.gather [hbm4b:s20+s2], $0x80, $0x38;
	[tilespmem:$0x10080] =	vst v63  }
0x3ef: {  	s25 =	sld [smem:$0x6BB];
	s22 =	sadd.s32 $0x180, s13  }
0x3f0: {  	[tilespmem:s21], [sflag:$0x1] =	stream.linear.gather [hbm4b:s22+s2], $0x80, $0x38;
	[tilespmem:$0x10080] =	vst v63  }
0x3f1: {  	s12 =	sshll.u32 s31, $0xA;
	s28 =	sld [smem:$0x6BC];
	s24 =	sadd.s32 $0x200, s13  }
0x3f2: {  	[tilespmem:s23], [sflag:$0x1] =	stream.linear.gather [hbm4b:s24+s2], $0x80, $0x38;
	[tilespmem:$0x10080] =	vst v63  }
0x3f3: {  	s29 =	sld [smem:$0x6BD];
	s11 =	sor.u32 s11, s12;
	s26 =	sadd.s32 $0x280, s13  }
0x3f4: {  	[tilespmem:s25], [sflag:$0x1] =	stream.linear.gather [hbm4b:s26+s2], $0x80, $0x38;
	[tilespmem:$0x10080] =	vst v63  }
0x3f5: {  	s30 =	spop (v2sf);
	s11 =	sshrl.u32 s11, $0x3;
	s13 =	sadd.s32 $0x300, s13  }
0x3f6: {  	[tilespmem:s28], [sflag:$0x1] =	stream.linear.gather [hbm4b:s13+s2], $0x80, $0x38;
	[tilespmem:$0x10080] =	vst v63  }
0x3f7: {  	s31 =	sshrl.u32 s30, $0x3;
	s11 =	sadd.s32 s4, s11  }
0x3f8: {  	[tilespmem:s29], [sflag:$0x2] =	stream.linear.gather [hbm4b:s11+s2], $0x80, $0x38;
	[tilespmem:$0x10080] =	vst v63  }
0x3f9: {  	s15 =	smul.u32 $0x1C00, s31;
	s11 =	sshll.u32 s30, $0x7  }
0x3fa: {  	(v2sf) =	vpush v61, $0x9;
	s11 =	sand.u32 $0x380, s11  }
0x3fb: {  	s16 =	sld [smem:$0x6BE];
	s13 =	sor.u32 s11, s15  }
0x3fc: {  	s17 =	sld [smem:$0x6BF];
	s13 =	sshrl.u32 s13, $0x3  }
0x3fd: {  	s19 =	sld [smem:$0x6C0];
	s13 =	sadd.s32 s3, s13  }
0x3fe: {  	[tilespmem:s16], [sflag:$0x1] =	stream.linear.gather [hbm4b:s13+s2], $0x80, $0x38;
	[tilespmem:$0x10080] =	vst v63  }
0x3ff: {  	s21 =	sld [smem:$0x6C1];
	s18 =	sadd.s32 $0x80, s13  }
0x400: {  	[tilespmem:s17], [sflag:$0x1] =	stream.linear.gather [hbm4b:s18+s2], $0x80, $0x38;
	[tilespmem:$0x10080] =	vst v63  }
0x401: {  	s23 =	sld [smem:$0x6C2];
	s20 =	sadd.s32 $0x100, s13  }
0x402: {  	[tilespmem:s19], [sflag:$0x1] =	stream.linear.gather [hbm4b:s20+s2], $0x80, $0x38;
	[tilespmem:$0x10080] =	vst v63  }
0x403: {  	s25 =	sld [smem:$0x6C3];
	s22 =	sadd.s32 $0x180, s13  }
0x404: {  	[tilespmem:s21], [sflag:$0x1] =	stream.linear.gather [hbm4b:s22+s2], $0x80, $0x38;
	[tilespmem:$0x10080] =	vst v63  }
0x405: {  	s12 =	sshll.u32 s31, $0xA;
	s28 =	sld [smem:$0x6C4];
	s24 =	sadd.s32 $0x200, s13  }
0x406: {  	[tilespmem:s23], [sflag:$0x1] =	stream.linear.gather [hbm4b:s24+s2], $0x80, $0x38;
	[tilespmem:$0x10080] =	vst v63  }
0x407: {  	s29 =	sld [smem:$0x6C5];
	s11 =	sor.u32 s11, s12;
	s26 =	sadd.s32 $0x280, s13  }
0x408: {  	[tilespmem:s25], [sflag:$0x1] =	stream.linear.gather [hbm4b:s26+s2], $0x80, $0x38;
	[tilespmem:$0x10080] =	vst v63  }
0x409: {  	s30 =	spop (v2sf);
	s11 =	sshrl.u32 s11, $0x3;
	s13 =	sadd.s32 $0x300, s13  }
0x40a: {  	[tilespmem:s28], [sflag:$0x1] =	stream.linear.gather [hbm4b:s13+s2], $0x80, $0x38;
	[tilespmem:$0x10080] =	vst v63  }
0x40b: {  	s31 =	sshrl.u32 s30, $0x3;
	s11 =	sadd.s32 s4, s11  }
0x40c: {  	[tilespmem:s29], [sflag:$0x2] =	stream.linear.gather [hbm4b:s11+s2], $0x80, $0x38;
	[tilespmem:$0x10080] =	vst v63  }
0x40d: {  	s15 =	smul.u32 $0x1C00, s31;
	s11 =	sshll.u32 s30, $0x7  }
0x40e: {  	(v2sf) =	vpush v61, $0xA;
	s11 =	sand.u32 $0x380, s11  }
0x40f: {  	s16 =	sld [smem:$0x6C6];
	s13 =	sor.u32 s11, s15  }
0x410: {  	s17 =	sld [smem:$0x6C7];
	s13 =	sshrl.u32 s13, $0x3  }
0x411: {  	s19 =	sld [smem:$0x6C8];
	s13 =	sadd.s32 s3, s13  }
0x412: {  	[tilespmem:s16], [sflag:$0x1] =	stream.linear.gather [hbm4b:s13+s2], $0x80, $0x38;
	[tilespmem:$0x10080] =	vst v63  }
0x413: {  	s21 =	sld [smem:$0x6C9];
	s18 =	sadd.s32 $0x80, s13  }
0x414: {  	[tilespmem:s17], [sflag:$0x1] =	stream.linear.gather [hbm4b:s18+s2], $0x80, $0x38;
	[tilespmem:$0x10080] =	vst v63  }
0x415: {  	s23 =	sld [smem:$0x6CA];
	s20 =	sadd.s32 $0x100, s13  }
0x416: {  	[tilespmem:s19], [sflag:$0x1] =	stream.linear.gather [hbm4b:s20+s2], $0x80, $0x38;
	[tilespmem:$0x10080] =	vst v63  }
0x417: {  	s25 =	sld [smem:$0x6CB];
	s22 =	sadd.s32 $0x180, s13  }
0x418: {  	[tilespmem:s21], [sflag:$0x1] =	stream.linear.gather [hbm4b:s22+s2], $0x80, $0x38;
	[tilespmem:$0x10080] =	vst v63  }
0x419: {  	s12 =	sshll.u32 s31, $0xA;
	s28 =	sld [smem:$0x6CC];
	s24 =	sadd.s32 $0x200, s13  }
0x41a: {  	[tilespmem:s23], [sflag:$0x1] =	stream.linear.gather [hbm4b:s24+s2], $0x80, $0x38;
	[tilespmem:$0x10080] =	vst v63  }
0x41b: {  	s29 =	sld [smem:$0x6CD];
	s11 =	sor.u32 s11, s12;
	s26 =	sadd.s32 $0x280, s13  }
0x41c: {  	[tilespmem:s25], [sflag:$0x1] =	stream.linear.gather [hbm4b:s26+s2], $0x80, $0x38;
	[tilespmem:$0x10080] =	vst v63  }
0x41d: {  	s30 =	spop (v2sf);
	s11 =	sshrl.u32 s11, $0x3;
	s13 =	sadd.s32 $0x300, s13  }
0x41e: {  	[tilespmem:s28], [sflag:$0x1] =	stream.linear.gather [hbm4b:s13+s2], $0x80, $0x38;
	[tilespmem:$0x10080] =	vst v63  }
0x41f: {  	s31 =	sshrl.u32 s30, $0x3;
	s11 =	sadd.s32 s4, s11  }
0x420: {  	[tilespmem:s29], [sflag:$0x2] =	stream.linear.gather [hbm4b:s11+s2], $0x80, $0x38;
	[tilespmem:$0x10080] =	vst v63  }
0x421: {  	s15 =	smul.u32 $0x1C00, s31;
	s11 =	sshll.u32 s30, $0x7  }
0x422: {  	(v2sf) =	vpush v61, $0xB;
	s11 =	sand.u32 $0x380, s11  }
0x423: {  	s16 =	sld [smem:$0x6CE];
	s13 =	sor.u32 s11, s15  }
0x424: {  	s17 =	sld [smem:$0x6CF];
	s13 =	sshrl.u32 s13, $0x3  }
0x425: {  	s19 =	sld [smem:$0x6D0];
	s13 =	sadd.s32 s3, s13  }
0x426: {  	[tilespmem:s16], [sflag:$0x1] =	stream.linear.gather [hbm4b:s13+s2], $0x80, $0x38;
	[tilespmem:$0x10080] =	vst v63  }
0x427: {  	s21 =	sld [smem:$0x6D1];
	s18 =	sadd.s32 $0x80, s13  }
0x428: {  	[tilespmem:s17], [sflag:$0x1] =	stream.linear.gather [hbm4b:s18+s2], $0x80, $0x38;
	[tilespmem:$0x10080] =	vst v63  }
0x429: {  	s23 =	sld [smem:$0x6D2];
	s20 =	sadd.s32 $0x100, s13  }
0x42a: {  	[tilespmem:s19], [sflag:$0x1] =	stream.linear.gather [hbm4b:s20+s2], $0x80, $0x38;
	[tilespmem:$0x10080] =	vst v63  }
0x42b: {  	s25 =	sld [smem:$0x6D3];
	s22 =	sadd.s32 $0x180, s13  }
0x42c: {  	[tilespmem:s21], [sflag:$0x1] =	stream.linear.gather [hbm4b:s22+s2], $0x80, $0x38;
	[tilespmem:$0x10080] =	vst v63  }
0x42d: {  	s12 =	sshll.u32 s31, $0xA;
	s28 =	sld [smem:$0x6D4];
	s24 =	sadd.s32 $0x200, s13  }
0x42e: {  	[tilespmem:s23], [sflag:$0x1] =	stream.linear.gather [hbm4b:s24+s2], $0x80, $0x38;
	[tilespmem:$0x10080] =	vst v63  }
0x42f: {  	s29 =	sld [smem:$0x6D5];
	s11 =	sor.u32 s11, s12;
	s26 =	sadd.s32 $0x280, s13  }
0x430: {  	[tilespmem:s25], [sflag:$0x1] =	stream.linear.gather [hbm4b:s26+s2], $0x80, $0x38;
	[tilespmem:$0x10080] =	vst v63  }
0x431: {  	s30 =	spop (v2sf);
	s11 =	sshrl.u32 s11, $0x3;
	s13 =	sadd.s32 $0x300, s13  }
0x432: {  	[tilespmem:s28], [sflag:$0x1] =	stream.linear.gather [hbm4b:s13+s2], $0x80, $0x38;
	[tilespmem:$0x10080] =	vst v63  }
0x433: {  	s31 =	sshrl.u32 s30, $0x3;
	s11 =	sadd.s32 s4, s11  }
0x434: {  	[tilespmem:s29], [sflag:$0x2] =	stream.linear.gather [hbm4b:s11+s2], $0x80, $0x38;
	[tilespmem:$0x10080] =	vst v63  }
0x435: {  	s15 =	smul.u32 $0x1C00, s31;
	s11 =	sshll.u32 s30, $0x7  }
0x436: {  	(v2sf) =	vpush v61, $0xC;
	s11 =	sand.u32 $0x380, s11  }
0x437: {  	s16 =	sld [smem:$0x6D6];
	s13 =	sor.u32 s11, s15  }
0x438: {  	s17 =	sld [smem:$0x6D7];
	s13 =	sshrl.u32 s13, $0x3  }
0x439: {  	s19 =	sld [smem:$0x6D8];
	s13 =	sadd.s32 s3, s13  }
0x43a: {  	[tilespmem:s16], [sflag:$0x1] =	stream.linear.gather [hbm4b:s13+s2], $0x80, $0x38;
	[tilespmem:$0x10080] =	vst v63  }
0x43b: {  	s21 =	sld [smem:$0x6D9];
	s18 =	sadd.s32 $0x80, s13  }
0x43c: {  	[tilespmem:s17], [sflag:$0x1] =	stream.linear.gather [hbm4b:s18+s2], $0x80, $0x38;
	[tilespmem:$0x10080] =	vst v63  }
0x43d: {  	s23 =	sld [smem:$0x6DA];
	s20 =	sadd.s32 $0x100, s13  }
0x43e: {  	[tilespmem:s19], [sflag:$0x1] =	stream.linear.gather [hbm4b:s20+s2], $0x80, $0x38;
	[tilespmem:$0x10080] =	vst v63  }
0x43f: {  	s25 =	sld [smem:$0x6DB];
	s22 =	sadd.s32 $0x180, s13  }
0x440: {  	[tilespmem:s21], [sflag:$0x1] =	stream.linear.gather [hbm4b:s22+s2], $0x80, $0x38;
	[tilespmem:$0x10080] =	vst v63  }
0x441: {  	s12 =	sshll.u32 s31, $0xA;
	s28 =	sld [smem:$0x6DC];
	s24 =	sadd.s32 $0x200, s13  }
0x442: {  	[tilespmem:s23], [sflag:$0x1] =	stream.linear.gather [hbm4b:s24+s2], $0x80, $0x38;
	[tilespmem:$0x10080] =	vst v63  }
0x443: {  	s29 =	sld [smem:$0x6DD];
	s11 =	sor.u32 s11, s12;
	s26 =	sadd.s32 $0x280, s13  }
0x444: {  	[tilespmem:s25], [sflag:$0x1] =	stream.linear.gather [hbm4b:s26+s2], $0x80, $0x38;
	[tilespmem:$0x10080] =	vst v63  }
0x445: {  	s30 =	spop (v2sf);
	s11 =	sshrl.u32 s11, $0x3;
	s13 =	sadd.s32 $0x300, s13  }
0x446: {  	[tilespmem:s28], [sflag:$0x1] =	stream.linear.gather [hbm4b:s13+s2], $0x80, $0x38;
	[tilespmem:$0x10080] =	vst v63  }
0x447: {  	s31 =	sshrl.u32 s30, $0x3;
	s11 =	sadd.s32 s4, s11  }
0x448: {  	[tilespmem:s29], [sflag:$0x2] =	stream.linear.gather [hbm4b:s11+s2], $0x80, $0x38;
	[tilespmem:$0x10080] =	vst v63  }
0x449: {  	s15 =	smul.u32 $0x1C00, s31;
	s11 =	sshll.u32 s30, $0x7  }
0x44a: {  	(v2sf) =	vpush v61, $0xD;
	s11 =	sand.u32 $0x380, s11  }
0x44b: {  	s16 =	sld [smem:$0x6DE];
	s13 =	sor.u32 s11, s15  }
0x44c: {  	s17 =	sld [smem:$0x6DF];
	s13 =	sshrl.u32 s13, $0x3  }
0x44d: {  	s19 =	sld [smem:$0x6E0];
	s13 =	sadd.s32 s3, s13  }
0x44e: {  	[tilespmem:s16], [sflag:$0x1] =	stream.linear.gather [hbm4b:s13+s2], $0x80, $0x38;
	[tilespmem:$0x10080] =	vst v63  }
0x44f: {  	s21 =	sld [smem:$0x6E1];
	s18 =	sadd.s32 $0x80, s13  }
0x450: {  	[tilespmem:s17], [sflag:$0x1] =	stream.linear.gather [hbm4b:s18+s2], $0x80, $0x38;
	[tilespmem:$0x10080] =	vst v63  }
0x451: {  	s23 =	sld [smem:$0x6E2];
	s20 =	sadd.s32 $0x100, s13  }
0x452: {  	[tilespmem:s19], [sflag:$0x1] =	stream.linear.gather [hbm4b:s20+s2], $0x80, $0x38;
	[tilespmem:$0x10080] =	vst v63  }
0x453: {  	s25 =	sld [smem:$0x6E3];
	s22 =	sadd.s32 $0x180, s13  }
0x454: {  	[tilespmem:s21], [sflag:$0x1] =	stream.linear.gather [hbm4b:s22+s2], $0x80, $0x38;
	[tilespmem:$0x10080] =	vst v63  }
0x455: {  	s12 =	sshll.u32 s31, $0xA;
	s28 =	sld [smem:$0x6E4];
	s24 =	sadd.s32 $0x200, s13  }
0x456: {  	[tilespmem:s23], [sflag:$0x1] =	stream.linear.gather [hbm4b:s24+s2], $0x80, $0x38;
	[tilespmem:$0x10080] =	vst v63  }
0x457: {  	s29 =	sld [smem:$0x6E5];
	s11 =	sor.u32 s11, s12;
	s26 =	sadd.s32 $0x280, s13  }
0x458: {  	[tilespmem:s25], [sflag:$0x1] =	stream.linear.gather [hbm4b:s26+s2], $0x80, $0x38;
	[tilespmem:$0x10080] =	vst v63  }
0x459: {  	s30 =	spop (v2sf);
	s11 =	sshrl.u32 s11, $0x3;
	s13 =	sadd.s32 $0x300, s13  }
0x45a: {  	[tilespmem:s28], [sflag:$0x1] =	stream.linear.gather [hbm4b:s13+s2], $0x80, $0x38;
	[tilespmem:$0x10080] =	vst v63  }
0x45b: {  	s31 =	sshrl.u32 s30, $0x3;
	s11 =	sadd.s32 s4, s11  }
0x45c: {  	[tilespmem:s29], [sflag:$0x2] =	stream.linear.gather [hbm4b:s11+s2], $0x80, $0x38;
	[tilespmem:$0x10080] =	vst v63  }
0x45d: {  	s15 =	smul.u32 $0x1C00, s31;
	s11 =	sshll.u32 s30, $0x7  }
0x45e: {  	(v2sf) =	vpush v61, $0xE;
	s11 =	sand.u32 $0x380, s11  }
0x45f: {  	s16 =	sld [smem:$0x6E6];
	s13 =	sor.u32 s11, s15  }
0x460: {  	s17 =	sld [smem:$0x6E7];
	s13 =	sshrl.u32 s13, $0x3  }
0x461: {  	s19 =	sld [smem:$0x6E8];
	s13 =	sadd.s32 s3, s13  }
0x462: {  	[tilespmem:s16], [sflag:$0x1] =	stream.linear.gather [hbm4b:s13+s2], $0x80, $0x38;
	[tilespmem:$0x10080] =	vst v63  }
0x463: {  	s21 =	sld [smem:$0x6E9];
	s18 =	sadd.s32 $0x80, s13  }
0x464: {  	[tilespmem:s17], [sflag:$0x1] =	stream.linear.gather [hbm4b:s18+s2], $0x80, $0x38;
	[tilespmem:$0x10080] =	vst v63  }
0x465: {  	s23 =	sld [smem:$0x6EA];
	s20 =	sadd.s32 $0x100, s13  }
0x466: {  	[tilespmem:s19], [sflag:$0x1] =	stream.linear.gather [hbm4b:s20+s2], $0x80, $0x38;
	[tilespmem:$0x10080] =	vst v63  }
0x467: {  	s25 =	sld [smem:$0x6EB];
	s22 =	sadd.s32 $0x180, s13  }
0x468: {  	[tilespmem:s21], [sflag:$0x1] =	stream.linear.gather [hbm4b:s22+s2], $0x80, $0x38;
	[tilespmem:$0x10080] =	vst v63  }
0x469: {  	s12 =	sshll.u32 s31, $0xA;
	s28 =	sld [smem:$0x6EC];
	s24 =	sadd.s32 $0x200, s13  }
0x46a: {  	[tilespmem:s23], [sflag:$0x1] =	stream.linear.gather [hbm4b:s24+s2], $0x80, $0x38;
	[tilespmem:$0x10080] =	vst v63  }
0x46b: {  	s29 =	sld [smem:$0x6ED];
	s11 =	sor.u32 s11, s12;
	s26 =	sadd.s32 $0x280, s13  }
0x46c: {  	[tilespmem:s25], [sflag:$0x1] =	stream.linear.gather [hbm4b:s26+s2], $0x80, $0x38;
	[tilespmem:$0x10080] =	vst v63  }
0x46d: {  	s30 =	spop (v2sf);
	s11 =	sshrl.u32 s11, $0x3;
	s13 =	sadd.s32 $0x300, s13  }
0x46e: {  	[tilespmem:s28], [sflag:$0x1] =	stream.linear.gather [hbm4b:s13+s2], $0x80, $0x38;
	[tilespmem:$0x10080] =	vst v63  }
0x46f: {  	s31 =	sshrl.u32 s30, $0x3;
	s11 =	sadd.s32 s4, s11  }
0x470: {  	[tilespmem:s29], [sflag:$0x2] =	stream.linear.gather [hbm4b:s11+s2], $0x80, $0x38;
	[tilespmem:$0x10080] =	vst v63  }
0x471: {  	s15 =	smul.u32 $0x1C00, s31;
	s11 =	sshll.u32 s30, $0x7  }
0x472: {  	(v2sf) =	vpush v61, $0xF;
	s11 =	sand.u32 $0x380, s11  }
0x473: {  	s16 =	sld [smem:$0x6EE];
	s13 =	sor.u32 s11, s15  }
0x474: {  	s17 =	sld [smem:$0x6EF];
	s13 =	sshrl.u32 s13, $0x3  }
0x475: {  	s19 =	sld [smem:$0x6F0];
	s13 =	sadd.s32 s3, s13  }
0x476: {  	[tilespmem:s16], [sflag:$0x1] =	stream.linear.gather [hbm4b:s13+s2], $0x80, $0x38;
	[tilespmem:$0x10080] =	vst v63  }
0x477: {  	s21 =	sld [smem:$0x6F1];
	s18 =	sadd.s32 $0x80, s13  }
0x478: {  	[tilespmem:s17], [sflag:$0x1] =	stream.linear.gather [hbm4b:s18+s2], $0x80, $0x38;
	[tilespmem:$0x10080] =	vst v63  }
0x479: {  	s23 =	sld [smem:$0x6F2];
	s20 =	sadd.s32 $0x100, s13  }
0x47a: {  	[tilespmem:s19], [sflag:$0x1] =	stream.linear.gather [hbm4b:s20+s2], $0x80, $0x38;
	[tilespmem:$0x10080] =	vst v63  }
0x47b: {  	s25 =	sld [smem:$0x6F3];
	s22 =	sadd.s32 $0x180, s13  }
0x47c: {  	[tilespmem:s21], [sflag:$0x1] =	stream.linear.gather [hbm4b:s22+s2], $0x80, $0x38;
	[tilespmem:$0x10080] =	vst v63  }
0x47d: {  	s12 =	sshll.u32 s31, $0xA;
	s28 =	sld [smem:$0x6F4];
	s24 =	sadd.s32 $0x200, s13  }
0x47e: {  	[tilespmem:s23], [sflag:$0x1] =	stream.linear.gather [hbm4b:s24+s2], $0x80, $0x38;
	[tilespmem:$0x10080] =	vst v63  }
0x47f: {  	s29 =	sld [smem:$0x6F5];
	s11 =	sor.u32 s11, s12;
	s26 =	sadd.s32 $0x280, s13  }
0x480: {  	[tilespmem:s25], [sflag:$0x1] =	stream.linear.gather [hbm4b:s26+s2], $0x80, $0x38;
	[tilespmem:$0x10080] =	vst v63  }
0x481: {  	s30 =	spop (v2sf);
	s11 =	sshrl.u32 s11, $0x3;
	s13 =	sadd.s32 $0x300, s13  }
0x482: {  	[tilespmem:s28], [sflag:$0x1] =	stream.linear.gather [hbm4b:s13+s2], $0x80, $0x38;
	[tilespmem:$0x10080] =	vst v63  }
0x483: {  	s31 =	sshrl.u32 s30, $0x3;
	s11 =	sadd.s32 s4, s11  }
0x484: {  	[tilespmem:s29], [sflag:$0x2] =	stream.linear.gather [hbm4b:s11+s2], $0x80, $0x38;
	[tilespmem:$0x10080] =	vst v63  }
0x485: {  	s15 =	smul.u32 $0x1C00, s31;
	s11 =	sshll.u32 s30, $0x7  }
0x486: {  	s11 =	sand.u32 $0x380, s11  }
0x487: {  	s16 =	sld [smem:$0x6F6];
	s13 =	sor.u32 s11, s15  }
0x488: {  	s13 =	sshrl.u32 s13, $0x3  }
0x489: {  	s17 =	sld [smem:$0x6F7];
	s13 =	sadd.s32 s3, s13  }
0x48a: {  	[tilespmem:s16], [sflag:$0x1] =	stream.linear.gather [hbm4b:s13+s2], $0x80, $0x38;
	[tilespmem:$0x10080] =	vst v63  }
0x48b: {  	s19 =	sld [smem:$0x6F8];
	s18 =	sadd.s32 $0x80, s13  }
0x48c: {  	[tilespmem:s17], [sflag:$0x1] =	stream.linear.gather [hbm4b:s18+s2], $0x80, $0x38;
	[tilespmem:$0x10080] =	vst v63  }
0x48d: {  	s21 =	sld [smem:$0x6F9];
	s20 =	sadd.s32 $0x100, s13  }
0x48e: {  	[tilespmem:s19], [sflag:$0x1] =	stream.linear.gather [hbm4b:s20+s2], $0x80, $0x38;
	[tilespmem:$0x10080] =	vst v63  }
0x48f: {  	s23 =	sld [smem:$0x6FA];
	s22 =	sadd.s32 $0x180, s13  }
0x490: {  	[tilespmem:s21], [sflag:$0x1] =	stream.linear.gather [hbm4b:s22+s2], $0x80, $0x38;
	[tilespmem:$0x10080] =	vst v63  }
0x491: {  	s12 =	sshll.u32 s31, $0xA;
	s25 =	sld [smem:$0x6FB];
	s24 =	sadd.s32 $0x200, s13  }
0x492: {  	[tilespmem:s23], [sflag:$0x1] =	stream.linear.gather [hbm4b:s24+s2], $0x80, $0x38;
	[tilespmem:$0x10080] =	vst v63  }
0x493: {  	s28 =	sld [smem:$0x6FC];
	s11 =	sor.u32 s11, s12;
	s26 =	sadd.s32 $0x280, s13  }
0x494: {  	[tilespmem:s25], [sflag:$0x1] =	stream.linear.gather [hbm4b:s26+s2], $0x80, $0x38;
	[tilespmem:$0x10080] =	vst v63  }
0x495: {  	s29 =	sld [smem:$0x6FD];
	s11 =	sshrl.u32 s11, $0x3;
	s13 =	sadd.s32 $0x300, s13  }
0x496: {  	[tilespmem:s28], [sflag:$0x1] =	stream.linear.gather [hbm4b:s13+s2], $0x80, $0x38;
	[tilespmem:$0x10080] =	vst v63  }
0x497: {  	s11 =	sadd.s32 s4, s11  }
0x498: {  	[tilespmem:s29], [sflag:$0x2] =	stream.linear.gather [hbm4b:s11+s2], $0x80, $0x38;
	[tilespmem:$0x10080] =	vst v63  }
0x499: {  	v62 =	vld [tilespmem:$0x20];
	_ =	sdelay $0x4  }
0x49a: {  	(v2sf) =	vpush v62, $0x0;
	_ =	sdelay $0xe  }
0x49b: {  	s30 =	spop (v2sf)  }
0x49c: {  	s31 =	sshrl.u32 s30, $0x3  }
0x49d: {  	s11 =	sshll.u32 s30, $0x7;
	s15 =	smul.u32 $0x1C00, s31  }
0x49e: {  	(v2sf) =	vpush v62, $0x1;
	s11 =	sand.u32 $0x380, s11  }
0x49f: {  	s16 =	sld [smem:$0x6FE];
	s13 =	sor.u32 s11, s15  }
0x4a0: {  	s17 =	sld [smem:$0x6FF];
	s13 =	sshrl.u32 s13, $0x3  }
0x4a1: {  	s19 =	sld [smem:$0x700];
	s13 =	sadd.s32 s3, s13  }
0x4a2: {  	[tilespmem:s16], [sflag:$0x1] =	stream.linear.gather [hbm4b:s13+s2], $0x80, $0x38;
	[tilespmem:$0x10080] =	vst v63  }
0x4a3: {  	s21 =	sld [smem:$0x701];
	s18 =	sadd.s32 $0x80, s13  }
0x4a4: {  	[tilespmem:s17], [sflag:$0x1] =	stream.linear.gather [hbm4b:s18+s2], $0x80, $0x38;
	[tilespmem:$0x10080] =	vst v63  }
0x4a5: {  	s23 =	sld [smem:$0x702];
	s20 =	sadd.s32 $0x100, s13  }
0x4a6: {  	[tilespmem:s19], [sflag:$0x1] =	stream.linear.gather [hbm4b:s20+s2], $0x80, $0x38;
	[tilespmem:$0x10080] =	vst v63  }
0x4a7: {  	s25 =	sld [smem:$0x703];
	s22 =	sadd.s32 $0x180, s13  }
0x4a8: {  	[tilespmem:s21], [sflag:$0x1] =	stream.linear.gather [hbm4b:s22+s2], $0x80, $0x38;
	[tilespmem:$0x10080] =	vst v63  }
0x4a9: {  	s28 =	sld [smem:$0x704];
	s12 =	sshll.u32 s31, $0xA;
	s24 =	sadd.s32 $0x200, s13  }
0x4aa: {  	[tilespmem:s23], [sflag:$0x1] =	stream.linear.gather [hbm4b:s24+s2], $0x80, $0x38;
	[tilespmem:$0x10080] =	vst v63  }
0x4ab: {  	s29 =	sld [smem:$0x705];
	s11 =	sor.u32 s11, s12;
	s26 =	sadd.s32 $0x280, s13  }
0x4ac: {  	[tilespmem:s25], [sflag:$0x1] =	stream.linear.gather [hbm4b:s26+s2], $0x80, $0x38;
	[tilespmem:$0x10080] =	vst v63  }
0x4ad: {  	s11 =	sshrl.u32 s11, $0x3;
	s13 =	sadd.s32 $0x300, s13;
	s30 =	spop (v2sf)  }
0x4ae: {  	[tilespmem:s28], [sflag:$0x1] =	stream.linear.gather [hbm4b:s13+s2], $0x80, $0x38;
	[tilespmem:$0x10080] =	vst v63  }
0x4af: {  	s11 =	sadd.s32 s4, s11;
	s31 =	sshrl.u32 s30, $0x3  }
0x4b0: {  	[tilespmem:s29], [sflag:$0x2] =	stream.linear.gather [hbm4b:s11+s2], $0x80, $0x38;
	[tilespmem:$0x10080] =	vst v63  }
0x4b1: {  	s15 =	smul.u32 $0x1C00, s31;
	s11 =	sshll.u32 s30, $0x7  }
0x4b2: {  	(v2sf) =	vpush v62, $0x2;
	s11 =	sand.u32 $0x380, s11  }
0x4b3: {  	s16 =	sld [smem:$0x706];
	s13 =	sor.u32 s11, s15  }
0x4b4: {  	s17 =	sld [smem:$0x707];
	s13 =	sshrl.u32 s13, $0x3  }
0x4b5: {  	s19 =	sld [smem:$0x708];
	s13 =	sadd.s32 s3, s13  }
0x4b6: {  	[tilespmem:s16], [sflag:$0x1] =	stream.linear.gather [hbm4b:s13+s2], $0x80, $0x38;
	[tilespmem:$0x10080] =	vst v63  }
0x4b7: {  	s21 =	sld [smem:$0x709];
	s18 =	sadd.s32 $0x80, s13  }
0x4b8: {  	[tilespmem:s17], [sflag:$0x1] =	stream.linear.gather [hbm4b:s18+s2], $0x80, $0x38;
	[tilespmem:$0x10080] =	vst v63  }
0x4b9: {  	s23 =	sld [smem:$0x70A];
	s20 =	sadd.s32 $0x100, s13  }
0x4ba: {  	[tilespmem:s19], [sflag:$0x1] =	stream.linear.gather [hbm4b:s20+s2], $0x80, $0x38;
	[tilespmem:$0x10080] =	vst v63  }
0x4bb: {  	s25 =	sld [smem:$0x70B];
	s22 =	sadd.s32 $0x180, s13  }
0x4bc: {  	[tilespmem:s21], [sflag:$0x1] =	stream.linear.gather [hbm4b:s22+s2], $0x80, $0x38;
	[tilespmem:$0x10080] =	vst v63  }
0x4bd: {  	s12 =	sshll.u32 s31, $0xA;
	s28 =	sld [smem:$0x70C];
	s24 =	sadd.s32 $0x200, s13  }
0x4be: {  	[tilespmem:s23], [sflag:$0x1] =	stream.linear.gather [hbm4b:s24+s2], $0x80, $0x38;
	[tilespmem:$0x10080] =	vst v63  }
0x4bf: {  	s29 =	sld [smem:$0x70D];
	s11 =	sor.u32 s11, s12;
	s26 =	sadd.s32 $0x280, s13  }
0x4c0: {  	[tilespmem:s25], [sflag:$0x1] =	stream.linear.gather [hbm4b:s26+s2], $0x80, $0x38;
	[tilespmem:$0x10080] =	vst v63  }
0x4c1: {  	s11 =	sshrl.u32 s11, $0x3;
	s13 =	sadd.s32 $0x300, s13;
	s30 =	spop (v2sf)  }
0x4c2: {  	[tilespmem:s28], [sflag:$0x1] =	stream.linear.gather [hbm4b:s13+s2], $0x80, $0x38;
	[tilespmem:$0x10080] =	vst v63  }
0x4c3: {  	s11 =	sadd.s32 s4, s11;
	s31 =	sshrl.u32 s30, $0x3  }
0x4c4: {  	[tilespmem:s29], [sflag:$0x2] =	stream.linear.gather [hbm4b:s11+s2], $0x80, $0x38;
	[tilespmem:$0x10080] =	vst v63  }
0x4c5: {  	s15 =	smul.u32 $0x1C00, s31;
	s11 =	sshll.u32 s30, $0x7  }
0x4c6: {  	(v2sf) =	vpush v62, $0x3;
	s11 =	sand.u32 $0x380, s11  }
0x4c7: {  	s16 =	sld [smem:$0x70E];
	s13 =	sor.u32 s11, s15  }
0x4c8: {  	s17 =	sld [smem:$0x70F];
	s13 =	sshrl.u32 s13, $0x3  }
0x4c9: {  	s19 =	sld [smem:$0x710];
	s13 =	sadd.s32 s3, s13  }
0x4ca: {  	[tilespmem:s16], [sflag:$0x1] =	stream.linear.gather [hbm4b:s13+s2], $0x80, $0x38;
	[tilespmem:$0x10080] =	vst v63  }
0x4cb: {  	s21 =	sld [smem:$0x711];
	s18 =	sadd.s32 $0x80, s13  }
0x4cc: {  	[tilespmem:s17], [sflag:$0x1] =	stream.linear.gather [hbm4b:s18+s2], $0x80, $0x38;
	[tilespmem:$0x10080] =	vst v63  }
0x4cd: {  	s23 =	sld [smem:$0x712];
	s20 =	sadd.s32 $0x100, s13  }
0x4ce: {  	[tilespmem:s19], [sflag:$0x1] =	stream.linear.gather [hbm4b:s20+s2], $0x80, $0x38;
	[tilespmem:$0x10080] =	vst v63  }
0x4cf: {  	s25 =	sld [smem:$0x713];
	s22 =	sadd.s32 $0x180, s13  }
0x4d0: {  	[tilespmem:s21], [sflag:$0x1] =	stream.linear.gather [hbm4b:s22+s2], $0x80, $0x38;
	[tilespmem:$0x10080] =	vst v63  }
0x4d1: {  	s12 =	sshll.u32 s31, $0xA;
	s28 =	sld [smem:$0x714];
	s24 =	sadd.s32 $0x200, s13  }
0x4d2: {  	[tilespmem:s23], [sflag:$0x1] =	stream.linear.gather [hbm4b:s24+s2], $0x80, $0x38;
	[tilespmem:$0x10080] =	vst v63  }
0x4d3: {  	s29 =	sld [smem:$0x715];
	s11 =	sor.u32 s11, s12;
	s26 =	sadd.s32 $0x280, s13  }
0x4d4: {  	[tilespmem:s25], [sflag:$0x1] =	stream.linear.gather [hbm4b:s26+s2], $0x80, $0x38;
	[tilespmem:$0x10080] =	vst v63  }
0x4d5: {  	s11 =	sshrl.u32 s11, $0x3;
	s13 =	sadd.s32 $0x300, s13;
	s30 =	spop (v2sf)  }
0x4d6: {  	[tilespmem:s28], [sflag:$0x1] =	stream.linear.gather [hbm4b:s13+s2], $0x80, $0x38;
	[tilespmem:$0x10080] =	vst v63  }
0x4d7: {  	s11 =	sadd.s32 s4, s11;
	s31 =	sshrl.u32 s30, $0x3  }
0x4d8: {  	[tilespmem:s29], [sflag:$0x2] =	stream.linear.gather [hbm4b:s11+s2], $0x80, $0x38;
	[tilespmem:$0x10080] =	vst v63  }
0x4d9: {  	s15 =	smul.u32 $0x1C00, s31;
	s11 =	sshll.u32 s30, $0x7  }
0x4da: {  	(v2sf) =	vpush v62, $0x4;
	s11 =	sand.u32 $0x380, s11  }
0x4db: {  	s16 =	sld [smem:$0x716];
	s13 =	sor.u32 s11, s15  }
0x4dc: {  	s17 =	sld [smem:$0x717];
	s13 =	sshrl.u32 s13, $0x3  }
0x4dd: {  	s19 =	sld [smem:$0x718];
	s13 =	sadd.s32 s3, s13  }
0x4de: {  	[tilespmem:s16], [sflag:$0x1] =	stream.linear.gather [hbm4b:s13+s2], $0x80, $0x38;
	[tilespmem:$0x10080] =	vst v63  }
0x4df: {  	s21 =	sld [smem:$0x719];
	s18 =	sadd.s32 $0x80, s13  }
0x4e0: {  	[tilespmem:s17], [sflag:$0x1] =	stream.linear.gather [hbm4b:s18+s2], $0x80, $0x38;
	[tilespmem:$0x10080] =	vst v63  }
0x4e1: {  	s23 =	sld [smem:$0x71A];
	s20 =	sadd.s32 $0x100, s13  }
0x4e2: {  	[tilespmem:s19], [sflag:$0x1] =	stream.linear.gather [hbm4b:s20+s2], $0x80, $0x38;
	[tilespmem:$0x10080] =	vst v63  }
0x4e3: {  	s25 =	sld [smem:$0x71B];
	s22 =	sadd.s32 $0x180, s13  }
0x4e4: {  	[tilespmem:s21], [sflag:$0x1] =	stream.linear.gather [hbm4b:s22+s2], $0x80, $0x38;
	[tilespmem:$0x10080] =	vst v63  }
0x4e5: {  	s12 =	sshll.u32 s31, $0xA;
	s28 =	sld [smem:$0x71C];
	s24 =	sadd.s32 $0x200, s13  }
0x4e6: {  	[tilespmem:s23], [sflag:$0x1] =	stream.linear.gather [hbm4b:s24+s2], $0x80, $0x38;
	[tilespmem:$0x10080] =	vst v63  }
0x4e7: {  	s29 =	sld [smem:$0x71D];
	s11 =	sor.u32 s11, s12;
	s26 =	sadd.s32 $0x280, s13  }
0x4e8: {  	[tilespmem:s25], [sflag:$0x1] =	stream.linear.gather [hbm4b:s26+s2], $0x80, $0x38;
	[tilespmem:$0x10080] =	vst v63  }
0x4e9: {  	s30 =	spop (v2sf);
	s11 =	sshrl.u32 s11, $0x3;
	s13 =	sadd.s32 $0x300, s13  }
0x4ea: {  	[tilespmem:s28], [sflag:$0x1] =	stream.linear.gather [hbm4b:s13+s2], $0x80, $0x38;
	[tilespmem:$0x10080] =	vst v63  }
0x4eb: {  	s31 =	sshrl.u32 s30, $0x3;
	s11 =	sadd.s32 s4, s11  }
0x4ec: {  	[tilespmem:s29], [sflag:$0x2] =	stream.linear.gather [hbm4b:s11+s2], $0x80, $0x38;
	[tilespmem:$0x10080] =	vst v63  }
0x4ed: {  	s16 =	smul.u32 $0x1C00, s31;
	s11 =	sshll.u32 s30, $0x7  }
0x4ee: {  	s11 =	sand.u32 $0x380, s11  }
0x4ef: {  	s17 =	sld [smem:$0x71E];
	s13 =	sor.u32 s11, s16  }
0x4f0: {  	s13 =	sshrl.u32 s13, $0x3  }
0x4f1: {  	s18 =	sld [smem:$0x71F];
	s13 =	sadd.s32 s3, s13  }
0x4f2: {  	[tilespmem:s17], [sflag:$0x1] =	stream.linear.gather [hbm4b:s13+s2], $0x80, $0x38;
	[tilespmem:$0x10080] =	vst v63  }
0x4f3: {  	s20 =	sld [smem:$0x720];
	s19 =	sadd.s32 $0x80, s13  }
0x4f4: {  	[tilespmem:s18], [sflag:$0x1] =	stream.linear.gather [hbm4b:s19+s2], $0x80, $0x38;
	[tilespmem:$0x10080] =	vst v63  }
0x4f5: {  	s22 =	sld [smem:$0x721];
	s21 =	sadd.s32 $0x100, s13  }
0x4f6: {  	[tilespmem:s20], [sflag:$0x1] =	stream.linear.gather [hbm4b:s21+s2], $0x80, $0x38;
	[tilespmem:$0x10080] =	vst v63  }
0x4f7: {  	s24 =	sld [smem:$0x722];
	s23 =	sadd.s32 $0x180, s13  }
0x4f8: {  	[tilespmem:s22], [sflag:$0x1] =	stream.linear.gather [hbm4b:s23+s2], $0x80, $0x38;
	[tilespmem:$0x10080] =	vst v63  }
0x4f9: {  	s12 =	sshll.u32 s31, $0xA;
	s26 =	sld [smem:$0x723];
	s25 =	sadd.s32 $0x200, s13  }
0x4fa: {  	[tilespmem:s24], [sflag:$0x1] =	stream.linear.gather [hbm4b:s25+s2], $0x80, $0x38;
	[tilespmem:$0x10080] =	vst v63  }
0x4fb: {  	s29 =	sld [smem:$0x724];
	s11 =	sor.u32 s11, s12;
	s28 =	sadd.s32 $0x280, s13  }
0x4fc: {  	[tilespmem:s26], [sflag:$0x1] =	stream.linear.gather [hbm4b:s28+s2], $0x80, $0x38;
	[tilespmem:$0x10080] =	vst v63  }
0x4fd: {  	s30 =	sld [smem:$0x725];
	s11 =	sshrl.u32 s11, $0x3;
	s13 =	sadd.s32 $0x300, s13  }
0x4fe: {  	[tilespmem:s29], [sflag:$0x1] =	stream.linear.gather [hbm4b:s13+s2], $0x80, $0x38;
	[tilespmem:$0x10080] =	vst v63  }
0x4ff: {  	s11 =	sadd.s32 s4, s11  }
0x500: {  	[tilespmem:s30], [sflag:$0x2] =	stream.linear.gather [hbm4b:s11+s2], $0x80, $0x38;
	[tilespmem:$0x10080] =	vst v63  }
0x501: {  	(v2sf) =	vpush v62, $0x5;
	_ =	sdelay $0xe  }
0x502: {  	s11 =	spop (v2sf)  }
0x503: {  	s31 =	sshrl.u32 s11, $0x3  }
0x504: {  	s11 =	sshll.u32 s11, $0x7;
	s15 =	smul.u32 $0x1C00, s31  }
0x505: {  	(v2sf) =	vpush v62, $0x6;
	s11 =	sand.u32 $0x380, s11  }
0x506: {  	s16 =	sld [smem:$0x726];
	s13 =	sor.u32 s11, s15  }
0x507: {  	s17 =	sld [smem:$0x727];
	s13 =	sshrl.u32 s13, $0x3  }
0x508: {  	s19 =	sld [smem:$0x728];
	s13 =	sadd.s32 s3, s13  }
0x509: {  	[tilespmem:s16], [sflag:$0x1] =	stream.linear.gather [hbm4b:s13+s2], $0x80, $0x38;
	[tilespmem:$0x10080] =	vst v63  }
0x50a: {  	s21 =	sld [smem:$0x729];
	s18 =	sadd.s32 $0x80, s13  }
0x50b: {  	[tilespmem:s17], [sflag:$0x1] =	stream.linear.gather [hbm4b:s18+s2], $0x80, $0x38;
	[tilespmem:$0x10080] =	vst v63  }
0x50c: {  	s23 =	sld [smem:$0x72A];
	s20 =	sadd.s32 $0x100, s13  }
0x50d: {  	[tilespmem:s19], [sflag:$0x1] =	stream.linear.gather [hbm4b:s20+s2], $0x80, $0x38;
	[tilespmem:$0x10080] =	vst v63  }
0x50e: {  	s25 =	sld [smem:$0x72B];
	s22 =	sadd.s32 $0x180, s13  }
0x50f: {  	[tilespmem:s21], [sflag:$0x1] =	stream.linear.gather [hbm4b:s22+s2], $0x80, $0x38;
	[tilespmem:$0x10080] =	vst v63  }
0x510: {  	s28 =	sld [smem:$0x72C];
	s12 =	sshll.u32 s31, $0xA;
	s24 =	sadd.s32 $0x200, s13  }
0x511: {  	[tilespmem:s23], [sflag:$0x1] =	stream.linear.gather [hbm4b:s24+s2], $0x80, $0x38;
	[tilespmem:$0x10080] =	vst v63  }
0x512: {  	s29 =	sld [smem:$0x72D];
	s11 =	sor.u32 s11, s12;
	s26 =	sadd.s32 $0x280, s13  }
0x513: {  	[tilespmem:s25], [sflag:$0x1] =	stream.linear.gather [hbm4b:s26+s2], $0x80, $0x38;
	[tilespmem:$0x10080] =	vst v63  }
0x514: {  	s11 =	sshrl.u32 s11, $0x3;
	s13 =	sadd.s32 $0x300, s13;
	s30 =	spop (v2sf)  }
0x515: {  	[tilespmem:s28], [sflag:$0x1] =	stream.linear.gather [hbm4b:s13+s2], $0x80, $0x38;
	[tilespmem:$0x10080] =	vst v63  }
0x516: {  	s11 =	sadd.s32 s4, s11;
	s31 =	sshrl.u32 s30, $0x3  }
0x517: {  	[tilespmem:s29], [sflag:$0x2] =	stream.linear.gather [hbm4b:s11+s2], $0x80, $0x38;
	[tilespmem:$0x10080] =	vst v63  }
0x518: {  	s15 =	smul.u32 $0x1C00, s31;
	s11 =	sshll.u32 s30, $0x7  }
0x519: {  	(v2sf) =	vpush v62, $0x7;
	s11 =	sand.u32 $0x380, s11  }
0x51a: {  	s16 =	sld [smem:$0x72E];
	s13 =	sor.u32 s11, s15  }
0x51b: {  	s17 =	sld [smem:$0x72F];
	s13 =	sshrl.u32 s13, $0x3  }
0x51c: {  	s19 =	sld [smem:$0x730];
	s13 =	sadd.s32 s3, s13  }
0x51d: {  	[tilespmem:s16], [sflag:$0x1] =	stream.linear.gather [hbm4b:s13+s2], $0x80, $0x38;
	[tilespmem:$0x10080] =	vst v63  }
0x51e: {  	s21 =	sld [smem:$0x731];
	s18 =	sadd.s32 $0x80, s13  }
0x51f: {  	[tilespmem:s17], [sflag:$0x1] =	stream.linear.gather [hbm4b:s18+s2], $0x80, $0x38;
	[tilespmem:$0x10080] =	vst v63  }
0x520: {  	s23 =	sld [smem:$0x732];
	s20 =	sadd.s32 $0x100, s13  }
0x521: {  	[tilespmem:s19], [sflag:$0x1] =	stream.linear.gather [hbm4b:s20+s2], $0x80, $0x38;
	[tilespmem:$0x10080] =	vst v63  }
0x522: {  	s25 =	sld [smem:$0x733];
	s22 =	sadd.s32 $0x180, s13  }
0x523: {  	[tilespmem:s21], [sflag:$0x1] =	stream.linear.gather [hbm4b:s22+s2], $0x80, $0x38;
	[tilespmem:$0x10080] =	vst v63  }
0x524: {  	s12 =	sshll.u32 s31, $0xA;
	s28 =	sld [smem:$0x734];
	s24 =	sadd.s32 $0x200, s13  }
0x525: {  	[tilespmem:s23], [sflag:$0x1] =	stream.linear.gather [hbm4b:s24+s2], $0x80, $0x38;
	[tilespmem:$0x10080] =	vst v63  }
0x526: {  	s29 =	sld [smem:$0x735];
	s11 =	sor.u32 s11, s12;
	s26 =	sadd.s32 $0x280, s13  }
0x527: {  	[tilespmem:s25], [sflag:$0x1] =	stream.linear.gather [hbm4b:s26+s2], $0x80, $0x38;
	[tilespmem:$0x10080] =	vst v63  }
0x528: {  	s11 =	sshrl.u32 s11, $0x3;
	s13 =	sadd.s32 $0x300, s13;
	s30 =	spop (v2sf)  }
0x529: {  	[tilespmem:s28], [sflag:$0x1] =	stream.linear.gather [hbm4b:s13+s2], $0x80, $0x38;
	[tilespmem:$0x10080] =	vst v63  }
0x52a: {  	s11 =	sadd.s32 s4, s11;
	s31 =	sshrl.u32 s30, $0x3  }
0x52b: {  	[tilespmem:s29], [sflag:$0x2] =	stream.linear.gather [hbm4b:s11+s2], $0x80, $0x38;
	[tilespmem:$0x10080] =	vst v63  }
0x52c: {  	s15 =	smul.u32 $0x1C00, s31;
	s11 =	sshll.u32 s30, $0x7  }
0x52d: {  	(v2sf) =	vpush v62, $0x8;
	s11 =	sand.u32 $0x380, s11  }
0x52e: {  	s16 =	sld [smem:$0x736];
	s13 =	sor.u32 s11, s15  }
0x52f: {  	s17 =	sld [smem:$0x737];
	s13 =	sshrl.u32 s13, $0x3  }
0x530: {  	s19 =	sld [smem:$0x738];
	s13 =	sadd.s32 s3, s13  }
0x531: {  	[tilespmem:s16], [sflag:$0x1] =	stream.linear.gather [hbm4b:s13+s2], $0x80, $0x38;
	[tilespmem:$0x10080] =	vst v63  }
0x532: {  	s21 =	sld [smem:$0x739];
	s18 =	sadd.s32 $0x80, s13  }
0x533: {  	[tilespmem:s17], [sflag:$0x1] =	stream.linear.gather [hbm4b:s18+s2], $0x80, $0x38;
	[tilespmem:$0x10080] =	vst v63  }
0x534: {  	s23 =	sld [smem:$0x73A];
	s20 =	sadd.s32 $0x100, s13  }
0x535: {  	[tilespmem:s19], [sflag:$0x1] =	stream.linear.gather [hbm4b:s20+s2], $0x80, $0x38;
	[tilespmem:$0x10080] =	vst v63  }
0x536: {  	s25 =	sld [smem:$0x73B];
	s22 =	sadd.s32 $0x180, s13  }
0x537: {  	[tilespmem:s21], [sflag:$0x1] =	stream.linear.gather [hbm4b:s22+s2], $0x80, $0x38;
	[tilespmem:$0x10080] =	vst v63  }
0x538: {  	s12 =	sshll.u32 s31, $0xA;
	s28 =	sld [smem:$0x73C];
	s24 =	sadd.s32 $0x200, s13  }
0x539: {  	[tilespmem:s23], [sflag:$0x1] =	stream.linear.gather [hbm4b:s24+s2], $0x80, $0x38;
	[tilespmem:$0x10080] =	vst v63  }
0x53a: {  	s29 =	sld [smem:$0x73D];
	s11 =	sor.u32 s11, s12;
	s26 =	sadd.s32 $0x280, s13  }
0x53b: {  	[tilespmem:s25], [sflag:$0x1] =	stream.linear.gather [hbm4b:s26+s2], $0x80, $0x38;
	[tilespmem:$0x10080] =	vst v63  }
0x53c: {  	s11 =	sshrl.u32 s11, $0x3;
	s13 =	sadd.s32 $0x300, s13;
	s30 =	spop (v2sf)  }
0x53d: {  	[tilespmem:s28], [sflag:$0x1] =	stream.linear.gather [hbm4b:s13+s2], $0x80, $0x38;
	[tilespmem:$0x10080] =	vst v63  }
0x53e: {  	s11 =	sadd.s32 s4, s11;
	s31 =	sshrl.u32 s30, $0x3  }
0x53f: {  	[tilespmem:s29], [sflag:$0x2] =	stream.linear.gather [hbm4b:s11+s2], $0x80, $0x38;
	[tilespmem:$0x10080] =	vst v63  }
0x540: {  	s15 =	smul.u32 $0x1C00, s31;
	s11 =	sshll.u32 s30, $0x7  }
0x541: {  	(v2sf) =	vpush v62, $0x9;
	s11 =	sand.u32 $0x380, s11  }
0x542: {  	s16 =	sld [smem:$0x73E];
	s13 =	sor.u32 s11, s15  }
0x543: {  	s17 =	sld [smem:$0x73F];
	s13 =	sshrl.u32 s13, $0x3  }
0x544: {  	s19 =	sld [smem:$0x740];
	s13 =	sadd.s32 s3, s13  }
0x545: {  	[tilespmem:s16], [sflag:$0x1] =	stream.linear.gather [hbm4b:s13+s2], $0x80, $0x38;
	[tilespmem:$0x10080] =	vst v63  }
0x546: {  	s21 =	sld [smem:$0x741];
	s18 =	sadd.s32 $0x80, s13  }
0x547: {  	[tilespmem:s17], [sflag:$0x1] =	stream.linear.gather [hbm4b:s18+s2], $0x80, $0x38;
	[tilespmem:$0x10080] =	vst v63  }
0x548: {  	s23 =	sld [smem:$0x742];
	s20 =	sadd.s32 $0x100, s13  }
0x549: {  	[tilespmem:s19], [sflag:$0x1] =	stream.linear.gather [hbm4b:s20+s2], $0x80, $0x38;
	[tilespmem:$0x10080] =	vst v63  }
0x54a: {  	s25 =	sld [smem:$0x743];
	s22 =	sadd.s32 $0x180, s13  }
0x54b: {  	[tilespmem:s21], [sflag:$0x1] =	stream.linear.gather [hbm4b:s22+s2], $0x80, $0x38;
	[tilespmem:$0x10080] =	vst v63  }
0x54c: {  	s12 =	sshll.u32 s31, $0xA;
	s28 =	sld [smem:$0x744];
	s24 =	sadd.s32 $0x200, s13  }
0x54d: {  	[tilespmem:s23], [sflag:$0x1] =	stream.linear.gather [hbm4b:s24+s2], $0x80, $0x38;
	[tilespmem:$0x10080] =	vst v63  }
0x54e: {  	s29 =	sld [smem:$0x745];
	s11 =	sor.u32 s11, s12;
	s26 =	sadd.s32 $0x280, s13  }
0x54f: {  	[tilespmem:s25], [sflag:$0x1] =	stream.linear.gather [hbm4b:s26+s2], $0x80, $0x38;
	[tilespmem:$0x10080] =	vst v63  }
0x550: {  	s30 =	spop (v2sf);
	s11 =	sshrl.u32 s11, $0x3;
	s13 =	sadd.s32 $0x300, s13  }
0x551: {  	[tilespmem:s28], [sflag:$0x1] =	stream.linear.gather [hbm4b:s13+s2], $0x80, $0x38;
	[tilespmem:$0x10080] =	vst v63  }
0x552: {  	s31 =	sshrl.u32 s30, $0x3;
	s11 =	sadd.s32 s4, s11  }
0x553: {  	[tilespmem:s29], [sflag:$0x2] =	stream.linear.gather [hbm4b:s11+s2], $0x80, $0x38;
	[tilespmem:$0x10080] =	vst v63  }
0x554: {  	s15 =	smul.u32 $0x1C00, s31;
	s11 =	sshll.u32 s30, $0x7  }
0x555: {  	(v2sf) =	vpush v62, $0xA;
	s11 =	sand.u32 $0x380, s11  }
0x556: {  	s16 =	sld [smem:$0x746];
	s13 =	sor.u32 s11, s15  }
0x557: {  	s17 =	sld [smem:$0x747];
	s13 =	sshrl.u32 s13, $0x3  }
0x558: {  	s19 =	sld [smem:$0x748];
	s13 =	sadd.s32 s3, s13  }
0x559: {  	[tilespmem:s16], [sflag:$0x1] =	stream.linear.gather [hbm4b:s13+s2], $0x80, $0x38;
	[tilespmem:$0x10080] =	vst v63  }
0x55a: {  	s21 =	sld [smem:$0x749];
	s18 =	sadd.s32 $0x80, s13  }
0x55b: {  	[tilespmem:s17], [sflag:$0x1] =	stream.linear.gather [hbm4b:s18+s2], $0x80, $0x38;
	[tilespmem:$0x10080] =	vst v63  }
0x55c: {  	s23 =	sld [smem:$0x74A];
	s20 =	sadd.s32 $0x100, s13  }
0x55d: {  	[tilespmem:s19], [sflag:$0x1] =	stream.linear.gather [hbm4b:s20+s2], $0x80, $0x38;
	[tilespmem:$0x10080] =	vst v63  }
0x55e: {  	s25 =	sld [smem:$0x74B];
	s22 =	sadd.s32 $0x180, s13  }
0x55f: {  	[tilespmem:s21], [sflag:$0x1] =	stream.linear.gather [hbm4b:s22+s2], $0x80, $0x38;
	[tilespmem:$0x10080] =	vst v63  }
0x560: {  	s12 =	sshll.u32 s31, $0xA;
	s28 =	sld [smem:$0x74C];
	s24 =	sadd.s32 $0x200, s13  }
0x561: {  	[tilespmem:s23], [sflag:$0x1] =	stream.linear.gather [hbm4b:s24+s2], $0x80, $0x38;
	[tilespmem:$0x10080] =	vst v63  }
0x562: {  	s29 =	sld [smem:$0x74D];
	s11 =	sor.u32 s11, s12;
	s26 =	sadd.s32 $0x280, s13  }
0x563: {  	[tilespmem:s25], [sflag:$0x1] =	stream.linear.gather [hbm4b:s26+s2], $0x80, $0x38;
	[tilespmem:$0x10080] =	vst v63  }
0x564: {  	s30 =	spop (v2sf);
	s11 =	sshrl.u32 s11, $0x3;
	s13 =	sadd.s32 $0x300, s13  }
0x565: {  	[tilespmem:s28], [sflag:$0x1] =	stream.linear.gather [hbm4b:s13+s2], $0x80, $0x38;
	[tilespmem:$0x10080] =	vst v63  }
0x566: {  	s31 =	sshrl.u32 s30, $0x3;
	s11 =	sadd.s32 s4, s11  }
0x567: {  	[tilespmem:s29], [sflag:$0x2] =	stream.linear.gather [hbm4b:s11+s2], $0x80, $0x38;
	[tilespmem:$0x10080] =	vst v63  }
0x568: {  	s15 =	smul.u32 $0x1C00, s31;
	s11 =	sshll.u32 s30, $0x7  }
0x569: {  	(v2sf) =	vpush v62, $0xB;
	s11 =	sand.u32 $0x380, s11  }
0x56a: {  	s16 =	sld [smem:$0x74E];
	s13 =	sor.u32 s11, s15  }
0x56b: {  	s17 =	sld [smem:$0x74F];
	s13 =	sshrl.u32 s13, $0x3  }
0x56c: {  	s19 =	sld [smem:$0x750];
	s13 =	sadd.s32 s3, s13  }
0x56d: {  	[tilespmem:s16], [sflag:$0x1] =	stream.linear.gather [hbm4b:s13+s2], $0x80, $0x38;
	[tilespmem:$0x10080] =	vst v63  }
0x56e: {  	s21 =	sld [smem:$0x751];
	s18 =	sadd.s32 $0x80, s13  }
0x56f: {  	[tilespmem:s17], [sflag:$0x1] =	stream.linear.gather [hbm4b:s18+s2], $0x80, $0x38;
	[tilespmem:$0x10080] =	vst v63  }
0x570: {  	s23 =	sld [smem:$0x752];
	s20 =	sadd.s32 $0x100, s13  }
0x571: {  	[tilespmem:s19], [sflag:$0x1] =	stream.linear.gather [hbm4b:s20+s2], $0x80, $0x38;
	[tilespmem:$0x10080] =	vst v63  }
0x572: {  	s25 =	sld [smem:$0x753];
	s22 =	sadd.s32 $0x180, s13  }
0x573: {  	[tilespmem:s21], [sflag:$0x1] =	stream.linear.gather [hbm4b:s22+s2], $0x80, $0x38;
	[tilespmem:$0x10080] =	vst v63  }
0x574: {  	s12 =	sshll.u32 s31, $0xA;
	s28 =	sld [smem:$0x754];
	s24 =	sadd.s32 $0x200, s13  }
0x575: {  	[tilespmem:s23], [sflag:$0x1] =	stream.linear.gather [hbm4b:s24+s2], $0x80, $0x38;
	[tilespmem:$0x10080] =	vst v63  }
0x576: {  	s29 =	sld [smem:$0x755];
	s11 =	sor.u32 s11, s12;
	s26 =	sadd.s32 $0x280, s13  }
0x577: {  	[tilespmem:s25], [sflag:$0x1] =	stream.linear.gather [hbm4b:s26+s2], $0x80, $0x38;
	[tilespmem:$0x10080] =	vst v63  }
0x578: {  	s30 =	spop (v2sf);
	s11 =	sshrl.u32 s11, $0x3;
	s13 =	sadd.s32 $0x300, s13  }
0x579: {  	[tilespmem:s28], [sflag:$0x1] =	stream.linear.gather [hbm4b:s13+s2], $0x80, $0x38;
	[tilespmem:$0x10080] =	vst v63  }
0x57a: {  	s31 =	sshrl.u32 s30, $0x3;
	s11 =	sadd.s32 s4, s11  }
0x57b: {  	[tilespmem:s29], [sflag:$0x2] =	stream.linear.gather [hbm4b:s11+s2], $0x80, $0x38;
	[tilespmem:$0x10080] =	vst v63  }
0x57c: {  	s15 =	smul.u32 $0x1C00, s31;
	s11 =	sshll.u32 s30, $0x7  }
0x57d: {  	(v2sf) =	vpush v62, $0xC;
	s11 =	sand.u32 $0x380, s11  }
0x57e: {  	s16 =	sld [smem:$0x756];
	s13 =	sor.u32 s11, s15  }
0x57f: {  	s17 =	sld [smem:$0x757];
	s13 =	sshrl.u32 s13, $0x3  }
0x580: {  	s19 =	sld [smem:$0x758];
	s13 =	sadd.s32 s3, s13  }
0x581: {  	[tilespmem:s16], [sflag:$0x1] =	stream.linear.gather [hbm4b:s13+s2], $0x80, $0x38;
	[tilespmem:$0x10080] =	vst v63  }
0x582: {  	s21 =	sld [smem:$0x759];
	s18 =	sadd.s32 $0x80, s13  }
0x583: {  	[tilespmem:s17], [sflag:$0x1] =	stream.linear.gather [hbm4b:s18+s2], $0x80, $0x38;
	[tilespmem:$0x10080] =	vst v63  }
0x584: {  	s23 =	sld [smem:$0x75A];
	s20 =	sadd.s32 $0x100, s13  }
0x585: {  	[tilespmem:s19], [sflag:$0x1] =	stream.linear.gather [hbm4b:s20+s2], $0x80, $0x38;
	[tilespmem:$0x10080] =	vst v63  }
0x586: {  	s25 =	sld [smem:$0x75B];
	s22 =	sadd.s32 $0x180, s13  }
0x587: {  	[tilespmem:s21], [sflag:$0x1] =	stream.linear.gather [hbm4b:s22+s2], $0x80, $0x38;
	[tilespmem:$0x10080] =	vst v63  }
0x588: {  	s12 =	sshll.u32 s31, $0xA;
	s28 =	sld [smem:$0x75C];
	s24 =	sadd.s32 $0x200, s13  }
0x589: {  	[tilespmem:s23], [sflag:$0x1] =	stream.linear.gather [hbm4b:s24+s2], $0x80, $0x38;
	[tilespmem:$0x10080] =	vst v63  }
0x58a: {  	s29 =	sld [smem:$0x75D];
	s11 =	sor.u32 s11, s12;
	s26 =	sadd.s32 $0x280, s13  }
0x58b: {  	[tilespmem:s25], [sflag:$0x1] =	stream.linear.gather [hbm4b:s26+s2], $0x80, $0x38;
	[tilespmem:$0x10080] =	vst v63  }
0x58c: {  	s30 =	spop (v2sf);
	s11 =	sshrl.u32 s11, $0x3;
	s13 =	sadd.s32 $0x300, s13  }
0x58d: {  	[tilespmem:s28], [sflag:$0x1] =	stream.linear.gather [hbm4b:s13+s2], $0x80, $0x38;
	[tilespmem:$0x10080] =	vst v63  }
0x58e: {  	s31 =	sshrl.u32 s30, $0x3;
	s11 =	sadd.s32 s4, s11  }
0x58f: {  	[tilespmem:s29], [sflag:$0x2] =	stream.linear.gather [hbm4b:s11+s2], $0x80, $0x38;
	[tilespmem:$0x10080] =	vst v63  }
0x590: {  	s15 =	smul.u32 $0x1C00, s31;
	s11 =	sshll.u32 s30, $0x7  }
0x591: {  	(v2sf) =	vpush v62, $0xD;
	s11 =	sand.u32 $0x380, s11  }
0x592: {  	s16 =	sld [smem:$0x75E];
	s13 =	sor.u32 s11, s15  }
0x593: {  	s17 =	sld [smem:$0x75F];
	s13 =	sshrl.u32 s13, $0x3  }
0x594: {  	s19 =	sld [smem:$0x760];
	s13 =	sadd.s32 s3, s13  }
0x595: {  	[tilespmem:s16], [sflag:$0x1] =	stream.linear.gather [hbm4b:s13+s2], $0x80, $0x38;
	[tilespmem:$0x10080] =	vst v63  }
0x596: {  	s21 =	sld [smem:$0x761];
	s18 =	sadd.s32 $0x80, s13  }
0x597: {  	[tilespmem:s17], [sflag:$0x1] =	stream.linear.gather [hbm4b:s18+s2], $0x80, $0x38;
	[tilespmem:$0x10080] =	vst v63  }
0x598: {  	s23 =	sld [smem:$0x762];
	s20 =	sadd.s32 $0x100, s13  }
0x599: {  	[tilespmem:s19], [sflag:$0x1] =	stream.linear.gather [hbm4b:s20+s2], $0x80, $0x38;
	[tilespmem:$0x10080] =	vst v63  }
0x59a: {  	s25 =	sld [smem:$0x763];
	s22 =	sadd.s32 $0x180, s13  }
0x59b: {  	[tilespmem:s21], [sflag:$0x1] =	stream.linear.gather [hbm4b:s22+s2], $0x80, $0x38;
	[tilespmem:$0x10080] =	vst v63  }
0x59c: {  	s12 =	sshll.u32 s31, $0xA;
	s28 =	sld [smem:$0x764];
	s24 =	sadd.s32 $0x200, s13  }
0x59d: {  	[tilespmem:s23], [sflag:$0x1] =	stream.linear.gather [hbm4b:s24+s2], $0x80, $0x38;
	[tilespmem:$0x10080] =	vst v63  }
0x59e: {  	s29 =	sld [smem:$0x765];
	s11 =	sor.u32 s11, s12;
	s26 =	sadd.s32 $0x280, s13  }
0x59f: {  	[tilespmem:s25], [sflag:$0x1] =	stream.linear.gather [hbm4b:s26+s2], $0x80, $0x38;
	[tilespmem:$0x10080] =	vst v63  }
0x5a0: {  	s30 =	spop (v2sf);
	s11 =	sshrl.u32 s11, $0x3;
	s13 =	sadd.s32 $0x300, s13  }
0x5a1: {  	[tilespmem:s28], [sflag:$0x1] =	stream.linear.gather [hbm4b:s13+s2], $0x80, $0x38;
	[tilespmem:$0x10080] =	vst v63  }
0x5a2: {  	s31 =	sshrl.u32 s30, $0x3;
	s11 =	sadd.s32 s4, s11  }
0x5a3: {  	[tilespmem:s29], [sflag:$0x2] =	stream.linear.gather [hbm4b:s11+s2], $0x80, $0x38;
	[tilespmem:$0x10080] =	vst v63  }
0x5a4: {  	s15 =	smul.u32 $0x1C00, s31;
	s11 =	sshll.u32 s30, $0x7  }
0x5a5: {  	(v2sf) =	vpush v62, $0xE;
	s11 =	sand.u32 $0x380, s11  }
0x5a6: {  	s16 =	sld [smem:$0x766];
	s13 =	sor.u32 s11, s15  }
0x5a7: {  	s17 =	sld [smem:$0x767];
	s13 =	sshrl.u32 s13, $0x3  }
0x5a8: {  	s19 =	sld [smem:$0x768];
	s13 =	sadd.s32 s3, s13  }
0x5a9: {  	[tilespmem:s16], [sflag:$0x1] =	stream.linear.gather [hbm4b:s13+s2], $0x80, $0x38;
	[tilespmem:$0x10080] =	vst v63  }
0x5aa: {  	s21 =	sld [smem:$0x769];
	s18 =	sadd.s32 $0x80, s13  }
0x5ab: {  	[tilespmem:s17], [sflag:$0x1] =	stream.linear.gather [hbm4b:s18+s2], $0x80, $0x38;
	[tilespmem:$0x10080] =	vst v63  }
0x5ac: {  	s23 =	sld [smem:$0x76A];
	s20 =	sadd.s32 $0x100, s13  }
0x5ad: {  	[tilespmem:s19], [sflag:$0x1] =	stream.linear.gather [hbm4b:s20+s2], $0x80, $0x38;
	[tilespmem:$0x10080] =	vst v63  }
0x5ae: {  	s25 =	sld [smem:$0x76B];
	s22 =	sadd.s32 $0x180, s13  }
0x5af: {  	[tilespmem:s21], [sflag:$0x1] =	stream.linear.gather [hbm4b:s22+s2], $0x80, $0x38;
	[tilespmem:$0x10080] =	vst v63  }
0x5b0: {  	s12 =	sshll.u32 s31, $0xA;
	s28 =	sld [smem:$0x76C];
	s24 =	sadd.s32 $0x200, s13  }
0x5b1: {  	[tilespmem:s23], [sflag:$0x1] =	stream.linear.gather [hbm4b:s24+s2], $0x80, $0x38;
	[tilespmem:$0x10080] =	vst v63  }
0x5b2: {  	s29 =	sld [smem:$0x76D];
	s11 =	sor.u32 s11, s12;
	s26 =	sadd.s32 $0x280, s13  }
0x5b3: {  	[tilespmem:s25], [sflag:$0x1] =	stream.linear.gather [hbm4b:s26+s2], $0x80, $0x38;
	[tilespmem:$0x10080] =	vst v63  }
0x5b4: {  	s30 =	spop (v2sf);
	s11 =	sshrl.u32 s11, $0x3;
	s13 =	sadd.s32 $0x300, s13  }
0x5b5: {  	[tilespmem:s28], [sflag:$0x1] =	stream.linear.gather [hbm4b:s13+s2], $0x80, $0x38;
	[tilespmem:$0x10080] =	vst v63  }
0x5b6: {  	s31 =	sshrl.u32 s30, $0x3;
	s11 =	sadd.s32 s4, s11  }
0x5b7: {  	[tilespmem:s29], [sflag:$0x2] =	stream.linear.gather [hbm4b:s11+s2], $0x80, $0x38;
	[tilespmem:$0x10080] =	vst v63  }
0x5b8: {  	s15 =	smul.u32 $0x1C00, s31;
	s11 =	sshll.u32 s30, $0x7  }
0x5b9: {  	(v2sf) =	vpush v62, $0xF;
	s11 =	sand.u32 $0x380, s11  }
0x5ba: {  	s16 =	sld [smem:$0x76E];
	s13 =	sor.u32 s11, s15  }
0x5bb: {  	s17 =	sld [smem:$0x76F];
	s13 =	sshrl.u32 s13, $0x3  }
0x5bc: {  	s19 =	sld [smem:$0x770];
	s13 =	sadd.s32 s3, s13  }
0x5bd: {  	[tilespmem:s16], [sflag:$0x1] =	stream.linear.gather [hbm4b:s13+s2], $0x80, $0x38;
	[tilespmem:$0x10080] =	vst v63  }
0x5be: {  	s21 =	sld [smem:$0x771];
	s18 =	sadd.s32 $0x80, s13  }
0x5bf: {  	[tilespmem:s17], [sflag:$0x1] =	stream.linear.gather [hbm4b:s18+s2], $0x80, $0x38;
	[tilespmem:$0x10080] =	vst v63  }
0x5c0: {  	s23 =	sld [smem:$0x772];
	s20 =	sadd.s32 $0x100, s13  }
0x5c1: {  	[tilespmem:s19], [sflag:$0x1] =	stream.linear.gather [hbm4b:s20+s2], $0x80, $0x38;
	[tilespmem:$0x10080] =	vst v63  }
0x5c2: {  	s25 =	sld [smem:$0x773];
	s22 =	sadd.s32 $0x180, s13  }
0x5c3: {  	[tilespmem:s21], [sflag:$0x1] =	stream.linear.gather [hbm4b:s22+s2], $0x80, $0x38;
	[tilespmem:$0x10080] =	vst v63  }
0x5c4: {  	s12 =	sshll.u32 s31, $0xA;
	s28 =	sld [smem:$0x774];
	s24 =	sadd.s32 $0x200, s13  }
0x5c5: {  	[tilespmem:s23], [sflag:$0x1] =	stream.linear.gather [hbm4b:s24+s2], $0x80, $0x38;
	[tilespmem:$0x10080] =	vst v63  }
0x5c6: {  	s29 =	sld [smem:$0x775];
	s11 =	sor.u32 s11, s12;
	s26 =	sadd.s32 $0x280, s13  }
0x5c7: {  	[tilespmem:s25], [sflag:$0x1] =	stream.linear.gather [hbm4b:s26+s2], $0x80, $0x38;
	[tilespmem:$0x10080] =	vst v63  }
0x5c8: {  	s30 =	spop (v2sf);
	s11 =	sshrl.u32 s11, $0x3;
	s13 =	sadd.s32 $0x300, s13  }
0x5c9: {  	[tilespmem:s28], [sflag:$0x1] =	stream.linear.gather [hbm4b:s13+s2], $0x80, $0x38;
	[tilespmem:$0x10080] =	vst v63  }
0x5ca: {  	s31 =	sshrl.u32 s30, $0x3;
	s11 =	sadd.s32 s4, s11  }
0x5cb: {  	[tilespmem:s29], [sflag:$0x2] =	stream.linear.gather [hbm4b:s11+s2], $0x80, $0x38;
	[tilespmem:$0x10080] =	vst v63  }
0x5cc: {  	s15 =	smul.u32 $0x1C00, s31;
	s11 =	sshll.u32 s30, $0x7  }
0x5cd: {  	s11 =	sand.u32 $0x380, s11  }
0x5ce: {  	s16 =	sld [smem:$0x776];
	s13 =	sor.u32 s11, s15  }
0x5cf: {  	s13 =	sshrl.u32 s13, $0x3  }
0x5d0: {  	s17 =	sld [smem:$0x777];
	s13 =	sadd.s32 s3, s13  }
0x5d1: {  	[tilespmem:s16], [sflag:$0x1] =	stream.linear.gather [hbm4b:s13+s2], $0x80, $0x38;
	[tilespmem:$0x10080] =	vst v63  }
0x5d2: {  	s19 =	sld [smem:$0x778];
	s18 =	sadd.s32 $0x80, s13  }
0x5d3: {  	[tilespmem:s17], [sflag:$0x1] =	stream.linear.gather [hbm4b:s18+s2], $0x80, $0x38;
	[tilespmem:$0x10080] =	vst v63  }
0x5d4: {  	s21 =	sld [smem:$0x779];
	s20 =	sadd.s32 $0x100, s13  }
0x5d5: {  	[tilespmem:s19], [sflag:$0x1] =	stream.linear.gather [hbm4b:s20+s2], $0x80, $0x38;
	[tilespmem:$0x10080] =	vst v63  }
0x5d6: {  	s23 =	sld [smem:$0x77A];
	s22 =	sadd.s32 $0x180, s13  }
0x5d7: {  	[tilespmem:s21], [sflag:$0x1] =	stream.linear.gather [hbm4b:s22+s2], $0x80, $0x38;
	[tilespmem:$0x10080] =	vst v63  }
0x5d8: {  	s12 =	sshll.u32 s31, $0xA;
	s25 =	sld [smem:$0x77B];
	s24 =	sadd.s32 $0x200, s13  }
0x5d9: {  	[tilespmem:s23], [sflag:$0x1] =	stream.linear.gather [hbm4b:s24+s2], $0x80, $0x38;
	[tilespmem:$0x10080] =	vst v63  }
0x5da: {  	s28 =	sld [smem:$0x77C];
	s11 =	sor.u32 s11, s12;
	s26 =	sadd.s32 $0x280, s13  }
0x5db: {  	[tilespmem:s25], [sflag:$0x1] =	stream.linear.gather [hbm4b:s26+s2], $0x80, $0x38;
	[tilespmem:$0x10080] =	vst v63  }
0x5dc: {  	s29 =	sld [smem:$0x77D];
	s11 =	sshrl.u32 s11, $0x3;
	s13 =	sadd.s32 $0x300, s13  }
0x5dd: {  	[tilespmem:s28], [sflag:$0x1] =	stream.linear.gather [hbm4b:s13+s2], $0x80, $0x38;
	[tilespmem:$0x10080] =	vst v63  }
0x5de: {  	s11 =	sadd.s32 s4, s11  }
0x5df: {  	[tilespmem:s29], [sflag:$0x2] =	stream.linear.gather [hbm4b:s11+s2], $0x80, $0x38;
	[tilespmem:$0x10080] =	vst v63  }
0x5e0: {  	v63 =	vld [tilespmem:$0x30];
	_ =	sdelay $0x4  }
0x5e1: {  	(v2sf) =	vpush v63, $0x0;
	_ =	sdelay $0xe  }
0x5e2: {  	s30 =	spop (v2sf)  }
0x5e3: {  	s31 =	sshrl.u32 s30, $0x3  }
0x5e4: {  	s11 =	sshll.u32 s30, $0x7;
	s15 =	smul.u32 $0x1C00, s31  }
0x5e5: {  	(v2sf) =	vpush v63, $0x1;
	s11 =	sand.u32 $0x380, s11  }
0x5e6: {  	s16 =	sld [smem:$0x77E];
	s13 =	sor.u32 s11, s15  }
0x5e7: {  	s17 =	sld [smem:$0x77F];
	s13 =	sshrl.u32 s13, $0x3  }
0x5e8: {  	s19 =	sld [smem:$0x780];
	s13 =	sadd.s32 s3, s13  }
0x5e9: {  	[tilespmem:s16], [sflag:$0x1] =	stream.linear.gather [hbm4b:s13+s2], $0x80, $0x38;
	[tilespmem:$0x10080] =	vst v63  }
0x5ea: {  	s21 =	sld [smem:$0x781];
	s18 =	sadd.s32 $0x80, s13  }
0x5eb: {  	[tilespmem:s17], [sflag:$0x1] =	stream.linear.gather [hbm4b:s18+s2], $0x80, $0x38;
	[tilespmem:$0x10080] =	vst v63  }
0x5ec: {  	s23 =	sld [smem:$0x782];
	s20 =	sadd.s32 $0x100, s13  }
0x5ed: {  	[tilespmem:s19], [sflag:$0x1] =	stream.linear.gather [hbm4b:s20+s2], $0x80, $0x38;
	[tilespmem:$0x10080] =	vst v63  }
0x5ee: {  	s25 =	sld [smem:$0x783];
	s22 =	sadd.s32 $0x180, s13  }
0x5ef: {  	[tilespmem:s21], [sflag:$0x1] =	stream.linear.gather [hbm4b:s22+s2], $0x80, $0x38;
	[tilespmem:$0x10080] =	vst v63  }
0x5f0: {  	s28 =	sld [smem:$0x784];
	s12 =	sshll.u32 s31, $0xA;
	s24 =	sadd.s32 $0x200, s13  }
0x5f1: {  	[tilespmem:s23], [sflag:$0x1] =	stream.linear.gather [hbm4b:s24+s2], $0x80, $0x38;
	[tilespmem:$0x10080] =	vst v63  }
0x5f2: {  	s29 =	sld [smem:$0x785];
	s11 =	sor.u32 s11, s12;
	s26 =	sadd.s32 $0x280, s13  }
0x5f3: {  	[tilespmem:s25], [sflag:$0x1] =	stream.linear.gather [hbm4b:s26+s2], $0x80, $0x38;
	[tilespmem:$0x10080] =	vst v63  }
0x5f4: {  	s11 =	sshrl.u32 s11, $0x3;
	s13 =	sadd.s32 $0x300, s13;
	s30 =	spop (v2sf)  }
0x5f5: {  	[tilespmem:s28], [sflag:$0x1] =	stream.linear.gather [hbm4b:s13+s2], $0x80, $0x38;
	[tilespmem:$0x10080] =	vst v63  }
0x5f6: {  	s11 =	sadd.s32 s4, s11;
	s31 =	sshrl.u32 s30, $0x3  }
0x5f7: {  	[tilespmem:s29], [sflag:$0x2] =	stream.linear.gather [hbm4b:s11+s2], $0x80, $0x38;
	[tilespmem:$0x10080] =	vst v63  }
0x5f8: {  	s15 =	smul.u32 $0x1C00, s31;
	s11 =	sshll.u32 s30, $0x7  }
0x5f9: {  	(v2sf) =	vpush v63, $0x2;
	s11 =	sand.u32 $0x380, s11  }
0x5fa: {  	s16 =	sld [smem:$0x786];
	s13 =	sor.u32 s11, s15  }
0x5fb: {  	s17 =	sld [smem:$0x787];
	s13 =	sshrl.u32 s13, $0x3  }
0x5fc: {  	s19 =	sld [smem:$0x788];
	s13 =	sadd.s32 s3, s13  }
0x5fd: {  	[tilespmem:s16], [sflag:$0x1] =	stream.linear.gather [hbm4b:s13+s2], $0x80, $0x38;
	[tilespmem:$0x10080] =	vst v63  }
0x5fe: {  	s21 =	sld [smem:$0x789];
	s18 =	sadd.s32 $0x80, s13  }
0x5ff: {  	[tilespmem:s17], [sflag:$0x1] =	stream.linear.gather [hbm4b:s18+s2], $0x80, $0x38;
	[tilespmem:$0x10080] =	vst v63  }
0x600: {  	s23 =	sld [smem:$0x78A];
	s20 =	sadd.s32 $0x100, s13  }
0x601: {  	[tilespmem:s19], [sflag:$0x1] =	stream.linear.gather [hbm4b:s20+s2], $0x80, $0x38;
	[tilespmem:$0x10080] =	vst v63  }
0x602: {  	s25 =	sld [smem:$0x78B];
	s22 =	sadd.s32 $0x180, s13  }
0x603: {  	[tilespmem:s21], [sflag:$0x1] =	stream.linear.gather [hbm4b:s22+s2], $0x80, $0x38;
	[tilespmem:$0x10080] =	vst v63  }
0x604: {  	s12 =	sshll.u32 s31, $0xA;
	s28 =	sld [smem:$0x78C];
	s24 =	sadd.s32 $0x200, s13  }
0x605: {  	[tilespmem:s23], [sflag:$0x1] =	stream.linear.gather [hbm4b:s24+s2], $0x80, $0x38;
	[tilespmem:$0x10080] =	vst v63  }
0x606: {  	s29 =	sld [smem:$0x78D];
	s11 =	sor.u32 s11, s12;
	s26 =	sadd.s32 $0x280, s13  }
0x607: {  	[tilespmem:s25], [sflag:$0x1] =	stream.linear.gather [hbm4b:s26+s2], $0x80, $0x38;
	[tilespmem:$0x10080] =	vst v63  }
0x608: {  	s11 =	sshrl.u32 s11, $0x3;
	s13 =	sadd.s32 $0x300, s13;
	s30 =	spop (v2sf)  }
0x609: {  	[tilespmem:s28], [sflag:$0x1] =	stream.linear.gather [hbm4b:s13+s2], $0x80, $0x38;
	[tilespmem:$0x10080] =	vst v63  }
0x60a: {  	s11 =	sadd.s32 s4, s11;
	s31 =	sshrl.u32 s30, $0x3  }
0x60b: {  	[tilespmem:s29], [sflag:$0x2] =	stream.linear.gather [hbm4b:s11+s2], $0x80, $0x38;
	[tilespmem:$0x10080] =	vst v63  }
0x60c: {  	s15 =	smul.u32 $0x1C00, s31;
	s11 =	sshll.u32 s30, $0x7  }
0x60d: {  	(v2sf) =	vpush v63, $0x3;
	s11 =	sand.u32 $0x380, s11  }
0x60e: {  	s16 =	sld [smem:$0x78E];
	s13 =	sor.u32 s11, s15  }
0x60f: {  	s17 =	sld [smem:$0x78F];
	s13 =	sshrl.u32 s13, $0x3  }
0x610: {  	s19 =	sld [smem:$0x790];
	s13 =	sadd.s32 s3, s13  }
0x611: {  	[tilespmem:s16], [sflag:$0x1] =	stream.linear.gather [hbm4b:s13+s2], $0x80, $0x38;
	[tilespmem:$0x10080] =	vst v63  }
0x612: {  	s21 =	sld [smem:$0x791];
	s18 =	sadd.s32 $0x80, s13  }
0x613: {  	[tilespmem:s17], [sflag:$0x1] =	stream.linear.gather [hbm4b:s18+s2], $0x80, $0x38;
	[tilespmem:$0x10080] =	vst v63  }
0x614: {  	s23 =	sld [smem:$0x792];
	s20 =	sadd.s32 $0x100, s13  }
0x615: {  	[tilespmem:s19], [sflag:$0x1] =	stream.linear.gather [hbm4b:s20+s2], $0x80, $0x38;
	[tilespmem:$0x10080] =	vst v63  }
0x616: {  	s25 =	sld [smem:$0x793];
	s22 =	sadd.s32 $0x180, s13  }
0x617: {  	[tilespmem:s21], [sflag:$0x1] =	stream.linear.gather [hbm4b:s22+s2], $0x80, $0x38;
	[tilespmem:$0x10080] =	vst v63  }
0x618: {  	s12 =	sshll.u32 s31, $0xA;
	s28 =	sld [smem:$0x794];
	s24 =	sadd.s32 $0x200, s13  }
0x619: {  	[tilespmem:s23], [sflag:$0x1] =	stream.linear.gather [hbm4b:s24+s2], $0x80, $0x38;
	[tilespmem:$0x10080] =	vst v63  }
0x61a: {  	s29 =	sld [smem:$0x795];
	s11 =	sor.u32 s11, s12;
	s26 =	sadd.s32 $0x280, s13  }
0x61b: {  	[tilespmem:s25], [sflag:$0x1] =	stream.linear.gather [hbm4b:s26+s2], $0x80, $0x38;
	[tilespmem:$0x10080] =	vst v63  }
0x61c: {  	s11 =	sshrl.u32 s11, $0x3;
	s13 =	sadd.s32 $0x300, s13;
	s30 =	spop (v2sf)  }
0x61d: {  	[tilespmem:s28], [sflag:$0x1] =	stream.linear.gather [hbm4b:s13+s2], $0x80, $0x38;
	[tilespmem:$0x10080] =	vst v63  }
0x61e: {  	s11 =	sadd.s32 s4, s11;
	s31 =	sshrl.u32 s30, $0x3  }
0x61f: {  	[tilespmem:s29], [sflag:$0x2] =	stream.linear.gather [hbm4b:s11+s2], $0x80, $0x38;
	[tilespmem:$0x10080] =	vst v63  }
0x620: {  	s15 =	smul.u32 $0x1C00, s31;
	s11 =	sshll.u32 s30, $0x7  }
0x621: {  	(v2sf) =	vpush v63, $0x4;
	s11 =	sand.u32 $0x380, s11  }
0x622: {  	s16 =	sld [smem:$0x796];
	s13 =	sor.u32 s11, s15  }
0x623: {  	s17 =	sld [smem:$0x797];
	s13 =	sshrl.u32 s13, $0x3  }
0x624: {  	s19 =	sld [smem:$0x798];
	s13 =	sadd.s32 s3, s13  }
0x625: {  	[tilespmem:s16], [sflag:$0x1] =	stream.linear.gather [hbm4b:s13+s2], $0x80, $0x38;
	[tilespmem:$0x10080] =	vst v63  }
0x626: {  	s21 =	sld [smem:$0x799];
	s18 =	sadd.s32 $0x80, s13  }
0x627: {  	[tilespmem:s17], [sflag:$0x1] =	stream.linear.gather [hbm4b:s18+s2], $0x80, $0x38;
	[tilespmem:$0x10080] =	vst v63  }
0x628: {  	s23 =	sld [smem:$0x79A];
	s20 =	sadd.s32 $0x100, s13  }
0x629: {  	[tilespmem:s19], [sflag:$0x1] =	stream.linear.gather [hbm4b:s20+s2], $0x80, $0x38;
	[tilespmem:$0x10080] =	vst v63  }
0x62a: {  	s25 =	sld [smem:$0x79B];
	s22 =	sadd.s32 $0x180, s13  }
0x62b: {  	[tilespmem:s21], [sflag:$0x1] =	stream.linear.gather [hbm4b:s22+s2], $0x80, $0x38;
	[tilespmem:$0x10080] =	vst v63  }
0x62c: {  	s12 =	sshll.u32 s31, $0xA;
	s28 =	sld [smem:$0x79C];
	s24 =	sadd.s32 $0x200, s13  }
0x62d: {  	[tilespmem:s23], [sflag:$0x1] =	stream.linear.gather [hbm4b:s24+s2], $0x80, $0x38;
	[tilespmem:$0x10080] =	vst v63  }
0x62e: {  	s29 =	sld [smem:$0x79D];
	s11 =	sor.u32 s11, s12;
	s26 =	sadd.s32 $0x280, s13  }
0x62f: {  	[tilespmem:s25], [sflag:$0x1] =	stream.linear.gather [hbm4b:s26+s2], $0x80, $0x38;
	[tilespmem:$0x10080] =	vst v63  }
0x630: {  	s30 =	spop (v2sf);
	s11 =	sshrl.u32 s11, $0x3;
	s13 =	sadd.s32 $0x300, s13  }
0x631: {  	[tilespmem:s28], [sflag:$0x1] =	stream.linear.gather [hbm4b:s13+s2], $0x80, $0x38;
	[tilespmem:$0x10080] =	vst v63  }
0x632: {  	s31 =	sshrl.u32 s30, $0x3;
	s11 =	sadd.s32 s4, s11  }
0x633: {  	[tilespmem:s29], [sflag:$0x2] =	stream.linear.gather [hbm4b:s11+s2], $0x80, $0x38;
	[tilespmem:$0x10080] =	vst v63  }
0x634: {  	s15 =	smul.u32 $0x1C00, s31;
	s11 =	sshll.u32 s30, $0x7  }
0x635: {  	(v2sf) =	vpush v63, $0x5;
	s11 =	sand.u32 $0x380, s11  }
0x636: {  	s16 =	sld [smem:$0x79E];
	s13 =	sor.u32 s11, s15  }
0x637: {  	s17 =	sld [smem:$0x79F];
	s13 =	sshrl.u32 s13, $0x3  }
0x638: {  	s19 =	sld [smem:$0x7A0];
	s13 =	sadd.s32 s3, s13  }
0x639: {  	[tilespmem:s16], [sflag:$0x1] =	stream.linear.gather [hbm4b:s13+s2], $0x80, $0x38;
	[tilespmem:$0x10080] =	vst v63  }
0x63a: {  	s21 =	sld [smem:$0x7A1];
	s18 =	sadd.s32 $0x80, s13  }
0x63b: {  	[tilespmem:s17], [sflag:$0x1] =	stream.linear.gather [hbm4b:s18+s2], $0x80, $0x38;
	[tilespmem:$0x10080] =	vst v63  }
0x63c: {  	s23 =	sld [smem:$0x7A2];
	s20 =	sadd.s32 $0x100, s13  }
0x63d: {  	[tilespmem:s19], [sflag:$0x1] =	stream.linear.gather [hbm4b:s20+s2], $0x80, $0x38;
	[tilespmem:$0x10080] =	vst v63  }
0x63e: {  	s25 =	sld [smem:$0x7A3];
	s22 =	sadd.s32 $0x180, s13  }
0x63f: {  	[tilespmem:s21], [sflag:$0x1] =	stream.linear.gather [hbm4b:s22+s2], $0x80, $0x38;
	[tilespmem:$0x10080] =	vst v63  }
0x640: {  	s12 =	sshll.u32 s31, $0xA;
	s28 =	sld [smem:$0x7A4];
	s24 =	sadd.s32 $0x200, s13  }
0x641: {  	[tilespmem:s23], [sflag:$0x1] =	stream.linear.gather [hbm4b:s24+s2], $0x80, $0x38;
	[tilespmem:$0x10080] =	vst v63  }
0x642: {  	s29 =	sld [smem:$0x7A5];
	s11 =	sor.u32 s11, s12;
	s26 =	sadd.s32 $0x280, s13  }
0x643: {  	[tilespmem:s25], [sflag:$0x1] =	stream.linear.gather [hbm4b:s26+s2], $0x80, $0x38;
	[tilespmem:$0x10080] =	vst v63  }
0x644: {  	s30 =	spop (v2sf);
	s11 =	sshrl.u32 s11, $0x3;
	s13 =	sadd.s32 $0x300, s13  }
0x645: {  	[tilespmem:s28], [sflag:$0x1] =	stream.linear.gather [hbm4b:s13+s2], $0x80, $0x38;
	[tilespmem:$0x10080] =	vst v63  }
0x646: {  	s31 =	sshrl.u32 s30, $0x3;
	s11 =	sadd.s32 s4, s11  }
0x647: {  	[tilespmem:s29], [sflag:$0x2] =	stream.linear.gather [hbm4b:s11+s2], $0x80, $0x38;
	[tilespmem:$0x10080] =	vst v63  }
0x648: {  	s15 =	smul.u32 $0x1C00, s31;
	s11 =	sshll.u32 s30, $0x7  }
0x649: {  	(v2sf) =	vpush v63, $0x6;
	s11 =	sand.u32 $0x380, s11  }
0x64a: {  	s16 =	sld [smem:$0x7A6];
	s13 =	sor.u32 s11, s15  }
0x64b: {  	s17 =	sld [smem:$0x7A7];
	s13 =	sshrl.u32 s13, $0x3  }
0x64c: {  	s19 =	sld [smem:$0x7A8];
	s13 =	sadd.s32 s3, s13  }
0x64d: {  	[tilespmem:s16], [sflag:$0x1] =	stream.linear.gather [hbm4b:s13+s2], $0x80, $0x38;
	[tilespmem:$0x10080] =	vst v63  }
0x64e: {  	s21 =	sld [smem:$0x7A9];
	s18 =	sadd.s32 $0x80, s13  }
0x64f: {  	[tilespmem:s17], [sflag:$0x1] =	stream.linear.gather [hbm4b:s18+s2], $0x80, $0x38;
	[tilespmem:$0x10080] =	vst v63  }
0x650: {  	s23 =	sld [smem:$0x7AA];
	s20 =	sadd.s32 $0x100, s13  }
0x651: {  	[tilespmem:s19], [sflag:$0x1] =	stream.linear.gather [hbm4b:s20+s2], $0x80, $0x38;
	[tilespmem:$0x10080] =	vst v63  }
0x652: {  	s25 =	sld [smem:$0x7AB];
	s22 =	sadd.s32 $0x180, s13  }
0x653: {  	[tilespmem:s21], [sflag:$0x1] =	stream.linear.gather [hbm4b:s22+s2], $0x80, $0x38;
	[tilespmem:$0x10080] =	vst v63  }
0x654: {  	s12 =	sshll.u32 s31, $0xA;
	s28 =	sld [smem:$0x7AC];
	s24 =	sadd.s32 $0x200, s13  }
0x655: {  	[tilespmem:s23], [sflag:$0x1] =	stream.linear.gather [hbm4b:s24+s2], $0x80, $0x38;
	[tilespmem:$0x10080] =	vst v63  }
0x656: {  	s29 =	sld [smem:$0x7AD];
	s11 =	sor.u32 s11, s12;
	s26 =	sadd.s32 $0x280, s13  }
0x657: {  	[tilespmem:s25], [sflag:$0x1] =	stream.linear.gather [hbm4b:s26+s2], $0x80, $0x38;
	[tilespmem:$0x10080] =	vst v63  }
0x658: {  	s30 =	spop (v2sf);
	s11 =	sshrl.u32 s11, $0x3;
	s13 =	sadd.s32 $0x300, s13  }
0x659: {  	[tilespmem:s28], [sflag:$0x1] =	stream.linear.gather [hbm4b:s13+s2], $0x80, $0x38;
	[tilespmem:$0x10080] =	vst v63  }
0x65a: {  	s31 =	sshrl.u32 s30, $0x3;
	s11 =	sadd.s32 s4, s11  }
0x65b: {  	[tilespmem:s29], [sflag:$0x2] =	stream.linear.gather [hbm4b:s11+s2], $0x80, $0x38;
	[tilespmem:$0x10080] =	vst v63  }
0x65c: {  	s15 =	smul.u32 $0x1C00, s31;
	s11 =	sshll.u32 s30, $0x7  }
0x65d: {  	(v2sf) =	vpush v63, $0x7;
	s11 =	sand.u32 $0x380, s11  }
0x65e: {  	s16 =	sld [smem:$0x7AE];
	s13 =	sor.u32 s11, s15  }
0x65f: {  	s17 =	sld [smem:$0x7AF];
	s13 =	sshrl.u32 s13, $0x3  }
0x660: {  	s19 =	sld [smem:$0x7B0];
	s13 =	sadd.s32 s3, s13  }
0x661: {  	[tilespmem:s16], [sflag:$0x1] =	stream.linear.gather [hbm4b:s13+s2], $0x80, $0x38;
	[tilespmem:$0x10080] =	vst v63  }
0x662: {  	s21 =	sld [smem:$0x7B1];
	s18 =	sadd.s32 $0x80, s13  }
0x663: {  	[tilespmem:s17], [sflag:$0x1] =	stream.linear.gather [hbm4b:s18+s2], $0x80, $0x38;
	[tilespmem:$0x10080] =	vst v63  }
0x664: {  	s23 =	sld [smem:$0x7B2];
	s20 =	sadd.s32 $0x100, s13  }
0x665: {  	[tilespmem:s19], [sflag:$0x1] =	stream.linear.gather [hbm4b:s20+s2], $0x80, $0x38;
	[tilespmem:$0x10080] =	vst v63  }
0x666: {  	s25 =	sld [smem:$0x7B3];
	s22 =	sadd.s32 $0x180, s13  }
0x667: {  	[tilespmem:s21], [sflag:$0x1] =	stream.linear.gather [hbm4b:s22+s2], $0x80, $0x38;
	[tilespmem:$0x10080] =	vst v63  }
0x668: {  	s12 =	sshll.u32 s31, $0xA;
	s28 =	sld [smem:$0x7B4];
	s24 =	sadd.s32 $0x200, s13  }
0x669: {  	[tilespmem:s23], [sflag:$0x1] =	stream.linear.gather [hbm4b:s24+s2], $0x80, $0x38;
	[tilespmem:$0x10080] =	vst v63  }
0x66a: {  	s29 =	sld [smem:$0x7B5];
	s11 =	sor.u32 s11, s12;
	s26 =	sadd.s32 $0x280, s13  }
0x66b: {  	[tilespmem:s25], [sflag:$0x1] =	stream.linear.gather [hbm4b:s26+s2], $0x80, $0x38;
	[tilespmem:$0x10080] =	vst v63  }
0x66c: {  	s30 =	spop (v2sf);
	s11 =	sshrl.u32 s11, $0x3;
	s13 =	sadd.s32 $0x300, s13  }
0x66d: {  	[tilespmem:s28], [sflag:$0x1] =	stream.linear.gather [hbm4b:s13+s2], $0x80, $0x38;
	[tilespmem:$0x10080] =	vst v63  }
0x66e: {  	s31 =	sshrl.u32 s30, $0x3;
	s11 =	sadd.s32 s4, s11  }
0x66f: {  	[tilespmem:s29], [sflag:$0x2] =	stream.linear.gather [hbm4b:s11+s2], $0x80, $0x38;
	[tilespmem:$0x10080] =	vst v63  }
0x670: {  	s15 =	smul.u32 $0x1C00, s31;
	s11 =	sshll.u32 s30, $0x7  }
0x671: {  	(v2sf) =	vpush v63, $0x8;
	s11 =	sand.u32 $0x380, s11  }
0x672: {  	s16 =	sld [smem:$0x7B6];
	s13 =	sor.u32 s11, s15  }
0x673: {  	s17 =	sld [smem:$0x7B7];
	s13 =	sshrl.u32 s13, $0x3  }
0x674: {  	s19 =	sld [smem:$0x7B8];
	s13 =	sadd.s32 s3, s13  }
0x675: {  	[tilespmem:s16], [sflag:$0x1] =	stream.linear.gather [hbm4b:s13+s2], $0x80, $0x38;
	[tilespmem:$0x10080] =	vst v63  }
0x676: {  	s21 =	sld [smem:$0x7B9];
	s18 =	sadd.s32 $0x80, s13  }
0x677: {  	[tilespmem:s17], [sflag:$0x1] =	stream.linear.gather [hbm4b:s18+s2], $0x80, $0x38;
	[tilespmem:$0x10080] =	vst v63  }
0x678: {  	s23 =	sld [smem:$0x7BA];
	s20 =	sadd.s32 $0x100, s13  }
0x679: {  	[tilespmem:s19], [sflag:$0x1] =	stream.linear.gather [hbm4b:s20+s2], $0x80, $0x38;
	[tilespmem:$0x10080] =	vst v63  }
0x67a: {  	s25 =	sld [smem:$0x7BB];
	s22 =	sadd.s32 $0x180, s13  }
0x67b: {  	[tilespmem:s21], [sflag:$0x1] =	stream.linear.gather [hbm4b:s22+s2], $0x80, $0x38;
	[tilespmem:$0x10080] =	vst v63  }
0x67c: {  	s12 =	sshll.u32 s31, $0xA;
	s28 =	sld [smem:$0x7BC];
	s24 =	sadd.s32 $0x200, s13  }
0x67d: {  	[tilespmem:s23], [sflag:$0x1] =	stream.linear.gather [hbm4b:s24+s2], $0x80, $0x38;
	[tilespmem:$0x10080] =	vst v63  }
0x67e: {  	s29 =	sld [smem:$0x7BD];
	s11 =	sor.u32 s11, s12;
	s26 =	sadd.s32 $0x280, s13  }
0x67f: {  	[tilespmem:s25], [sflag:$0x1] =	stream.linear.gather [hbm4b:s26+s2], $0x80, $0x38;
	[tilespmem:$0x10080] =	vst v63  }
0x680: {  	s30 =	spop (v2sf);
	s11 =	sshrl.u32 s11, $0x3;
	s13 =	sadd.s32 $0x300, s13  }
0x681: {  	[tilespmem:s28], [sflag:$0x1] =	stream.linear.gather [hbm4b:s13+s2], $0x80, $0x38;
	[tilespmem:$0x10080] =	vst v63  }
0x682: {  	s31 =	sshrl.u32 s30, $0x3;
	s11 =	sadd.s32 s4, s11  }
0x683: {  	[tilespmem:s29], [sflag:$0x2] =	stream.linear.gather [hbm4b:s11+s2], $0x80, $0x38;
	[tilespmem:$0x10080] =	vst v63  }
0x684: {  	s15 =	smul.u32 $0x1C00, s31;
	s11 =	sshll.u32 s30, $0x7  }
0x685: {  	(v2sf) =	vpush v63, $0x9;
	s11 =	sand.u32 $0x380, s11  }
0x686: {  	s16 =	sld [smem:$0x7BE];
	s13 =	sor.u32 s11, s15  }
0x687: {  	s17 =	sld [smem:$0x7BF];
	s13 =	sshrl.u32 s13, $0x3  }
0x688: {  	s19 =	sld [smem:$0x7C0];
	s13 =	sadd.s32 s3, s13  }
0x689: {  	[tilespmem:s16], [sflag:$0x1] =	stream.linear.gather [hbm4b:s13+s2], $0x80, $0x38;
	[tilespmem:$0x10080] =	vst v63  }
0x68a: {  	s21 =	sld [smem:$0x7C1];
	s18 =	sadd.s32 $0x80, s13  }
0x68b: {  	[tilespmem:s17], [sflag:$0x1] =	stream.linear.gather [hbm4b:s18+s2], $0x80, $0x38;
	[tilespmem:$0x10080] =	vst v63  }
0x68c: {  	s23 =	sld [smem:$0x7C2];
	s20 =	sadd.s32 $0x100, s13  }
0x68d: {  	[tilespmem:s19], [sflag:$0x1] =	stream.linear.gather [hbm4b:s20+s2], $0x80, $0x38;
	[tilespmem:$0x10080] =	vst v63  }
0x68e: {  	s25 =	sld [smem:$0x7C3];
	s22 =	sadd.s32 $0x180, s13  }
0x68f: {  	[tilespmem:s21], [sflag:$0x1] =	stream.linear.gather [hbm4b:s22+s2], $0x80, $0x38;
	[tilespmem:$0x10080] =	vst v63  }
0x690: {  	s12 =	sshll.u32 s31, $0xA;
	s28 =	sld [smem:$0x7C4];
	s24 =	sadd.s32 $0x200, s13  }
0x691: {  	[tilespmem:s23], [sflag:$0x1] =	stream.linear.gather [hbm4b:s24+s2], $0x80, $0x38;
	[tilespmem:$0x10080] =	vst v63  }
0x692: {  	s29 =	sld [smem:$0x7C5];
	s11 =	sor.u32 s11, s12;
	s26 =	sadd.s32 $0x280, s13  }
0x693: {  	[tilespmem:s25], [sflag:$0x1] =	stream.linear.gather [hbm4b:s26+s2], $0x80, $0x38;
	[tilespmem:$0x10080] =	vst v63  }
0x694: {  	s30 =	spop (v2sf);
	s11 =	sshrl.u32 s11, $0x3;
	s13 =	sadd.s32 $0x300, s13  }
0x695: {  	[tilespmem:s28], [sflag:$0x1] =	stream.linear.gather [hbm4b:s13+s2], $0x80, $0x38;
	[tilespmem:$0x10080] =	vst v63  }
0x696: {  	s31 =	sshrl.u32 s30, $0x3;
	s11 =	sadd.s32 s4, s11  }
0x697: {  	[tilespmem:s29], [sflag:$0x2] =	stream.linear.gather [hbm4b:s11+s2], $0x80, $0x38;
	[tilespmem:$0x10080] =	vst v63  }
0x698: {  	s15 =	smul.u32 $0x1C00, s31;
	s11 =	sshll.u32 s30, $0x7  }
0x699: {  	(v2sf) =	vpush v63, $0xA;
	s11 =	sand.u32 $0x380, s11  }
0x69a: {  	s16 =	sld [smem:$0x7C6];
	s13 =	sor.u32 s11, s15  }
0x69b: {  	s17 =	sld [smem:$0x7C7];
	s13 =	sshrl.u32 s13, $0x3  }
0x69c: {  	s19 =	sld [smem:$0x7C8];
	s13 =	sadd.s32 s3, s13  }
0x69d: {  	[tilespmem:s16], [sflag:$0x1] =	stream.linear.gather [hbm4b:s13+s2], $0x80, $0x38;
	[tilespmem:$0x10080] =	vst v63  }
0x69e: {  	s21 =	sld [smem:$0x7C9];
	s18 =	sadd.s32 $0x80, s13  }
0x69f: {  	[tilespmem:s17], [sflag:$0x1] =	stream.linear.gather [hbm4b:s18+s2], $0x80, $0x38;
	[tilespmem:$0x10080] =	vst v63  }
0x6a0: {  	s23 =	sld [smem:$0x7CA];
	s20 =	sadd.s32 $0x100, s13  }
0x6a1: {  	[tilespmem:s19], [sflag:$0x1] =	stream.linear.gather [hbm4b:s20+s2], $0x80, $0x38;
	[tilespmem:$0x10080] =	vst v63  }
0x6a2: {  	s25 =	sld [smem:$0x7CB];
	s22 =	sadd.s32 $0x180, s13  }
0x6a3: {  	[tilespmem:s21], [sflag:$0x1] =	stream.linear.gather [hbm4b:s22+s2], $0x80, $0x38;
	[tilespmem:$0x10080] =	vst v63  }
0x6a4: {  	s12 =	sshll.u32 s31, $0xA;
	s28 =	sld [smem:$0x7CC];
	s24 =	sadd.s32 $0x200, s13  }
0x6a5: {  	[tilespmem:s23], [sflag:$0x1] =	stream.linear.gather [hbm4b:s24+s2], $0x80, $0x38;
	[tilespmem:$0x10080] =	vst v63  }
0x6a6: {  	s29 =	sld [smem:$0x7CD];
	s11 =	sor.u32 s11, s12;
	s26 =	sadd.s32 $0x280, s13  }
0x6a7: {  	[tilespmem:s25], [sflag:$0x1] =	stream.linear.gather [hbm4b:s26+s2], $0x80, $0x38;
	[tilespmem:$0x10080] =	vst v63  }
0x6a8: {  	s30 =	spop (v2sf);
	s11 =	sshrl.u32 s11, $0x3;
	s13 =	sadd.s32 $0x300, s13  }
0x6a9: {  	[tilespmem:s28], [sflag:$0x1] =	stream.linear.gather [hbm4b:s13+s2], $0x80, $0x38;
	[tilespmem:$0x10080] =	vst v63  }
0x6aa: {  	s31 =	sshrl.u32 s30, $0x3;
	s11 =	sadd.s32 s4, s11  }
0x6ab: {  	[tilespmem:s29], [sflag:$0x2] =	stream.linear.gather [hbm4b:s11+s2], $0x80, $0x38;
	[tilespmem:$0x10080] =	vst v63  }
0x6ac: {  	s15 =	smul.u32 $0x1C00, s31;
	s11 =	sshll.u32 s30, $0x7  }
0x6ad: {  	(v2sf) =	vpush v63, $0xB;
	s11 =	sand.u32 $0x380, s11  }
0x6ae: {  	s16 =	sld [smem:$0x7CE];
	s13 =	sor.u32 s11, s15  }
0x6af: {  	s17 =	sld [smem:$0x7CF];
	s13 =	sshrl.u32 s13, $0x3  }
0x6b0: {  	s19 =	sld [smem:$0x7D0];
	s13 =	sadd.s32 s3, s13  }
0x6b1: {  	[tilespmem:s16], [sflag:$0x1] =	stream.linear.gather [hbm4b:s13+s2], $0x80, $0x38;
	[tilespmem:$0x10080] =	vst v63  }
0x6b2: {  	s21 =	sld [smem:$0x7D1];
	s18 =	sadd.s32 $0x80, s13  }
0x6b3: {  	[tilespmem:s17], [sflag:$0x1] =	stream.linear.gather [hbm4b:s18+s2], $0x80, $0x38;
	[tilespmem:$0x10080] =	vst v63  }
0x6b4: {  	s23 =	sld [smem:$0x7D2];
	s20 =	sadd.s32 $0x100, s13  }
0x6b5: {  	[tilespmem:s19], [sflag:$0x1] =	stream.linear.gather [hbm4b:s20+s2], $0x80, $0x38;
	[tilespmem:$0x10080] =	vst v63  }
0x6b6: {  	s25 =	sld [smem:$0x7D3];
	s22 =	sadd.s32 $0x180, s13  }
0x6b7: {  	[tilespmem:s21], [sflag:$0x1] =	stream.linear.gather [hbm4b:s22+s2], $0x80, $0x38;
	[tilespmem:$0x10080] =	vst v63  }
0x6b8: {  	s12 =	sshll.u32 s31, $0xA;
	s28 =	sld [smem:$0x7D4];
	s24 =	sadd.s32 $0x200, s13  }
0x6b9: {  	[tilespmem:s23], [sflag:$0x1] =	stream.linear.gather [hbm4b:s24+s2], $0x80, $0x38;
	[tilespmem:$0x10080] =	vst v63  }
0x6ba: {  	s29 =	sld [smem:$0x7D5];
	s11 =	sor.u32 s11, s12;
	s26 =	sadd.s32 $0x280, s13  }
0x6bb: {  	[tilespmem:s25], [sflag:$0x1] =	stream.linear.gather [hbm4b:s26+s2], $0x80, $0x38;
	[tilespmem:$0x10080] =	vst v63  }
0x6bc: {  	s30 =	spop (v2sf);
	s11 =	sshrl.u32 s11, $0x3;
	s13 =	sadd.s32 $0x300, s13  }
0x6bd: {  	[tilespmem:s28], [sflag:$0x1] =	stream.linear.gather [hbm4b:s13+s2], $0x80, $0x38;
	[tilespmem:$0x10080] =	vst v63  }
0x6be: {  	s31 =	sshrl.u32 s30, $0x3;
	s11 =	sadd.s32 s4, s11  }
0x6bf: {  	[tilespmem:s29], [sflag:$0x2] =	stream.linear.gather [hbm4b:s11+s2], $0x80, $0x38;
	[tilespmem:$0x10080] =	vst v63  }
0x6c0: {  	s15 =	smul.u32 $0x1C00, s31;
	s11 =	sshll.u32 s30, $0x7  }
0x6c1: {  	(v2sf) =	vpush v63, $0xC;
	s11 =	sand.u32 $0x380, s11  }
0x6c2: {  	s16 =	sld [smem:$0x7D6];
	s13 =	sor.u32 s11, s15  }
0x6c3: {  	s17 =	sld [smem:$0x7D7];
	s13 =	sshrl.u32 s13, $0x3  }
0x6c4: {  	s19 =	sld [smem:$0x7D8];
	s13 =	sadd.s32 s3, s13  }
0x6c5: {  	[tilespmem:s16], [sflag:$0x1] =	stream.linear.gather [hbm4b:s13+s2], $0x80, $0x38;
	[tilespmem:$0x10080] =	vst v63  }
0x6c6: {  	s21 =	sld [smem:$0x7D9];
	s18 =	sadd.s32 $0x80, s13  }
0x6c7: {  	[tilespmem:s17], [sflag:$0x1] =	stream.linear.gather [hbm4b:s18+s2], $0x80, $0x38;
	[tilespmem:$0x10080] =	vst v63  }
0x6c8: {  	s23 =	sld [smem:$0x7DA];
	s20 =	sadd.s32 $0x100, s13  }
0x6c9: {  	[tilespmem:s19], [sflag:$0x1] =	stream.linear.gather [hbm4b:s20+s2], $0x80, $0x38;
	[tilespmem:$0x10080] =	vst v63  }
0x6ca: {  	s25 =	sld [smem:$0x7DB];
	s22 =	sadd.s32 $0x180, s13  }
0x6cb: {  	[tilespmem:s21], [sflag:$0x1] =	stream.linear.gather [hbm4b:s22+s2], $0x80, $0x38;
	[tilespmem:$0x10080] =	vst v63  }
0x6cc: {  	s12 =	sshll.u32 s31, $0xA;
	s28 =	sld [smem:$0x7DC];
	s24 =	sadd.s32 $0x200, s13  }
0x6cd: {  	[tilespmem:s23], [sflag:$0x1] =	stream.linear.gather [hbm4b:s24+s2], $0x80, $0x38;
	[tilespmem:$0x10080] =	vst v63  }
0x6ce: {  	s29 =	sld [smem:$0x7DD];
	s11 =	sor.u32 s11, s12;
	s26 =	sadd.s32 $0x280, s13  }
0x6cf: {  	[tilespmem:s25], [sflag:$0x1] =	stream.linear.gather [hbm4b:s26+s2], $0x80, $0x38;
	[tilespmem:$0x10080] =	vst v63  }
0x6d0: {  	s30 =	spop (v2sf);
	s11 =	sshrl.u32 s11, $0x3;
	s13 =	sadd.s32 $0x300, s13  }
0x6d1: {  	[tilespmem:s28], [sflag:$0x1] =	stream.linear.gather [hbm4b:s13+s2], $0x80, $0x38;
	[tilespmem:$0x10080] =	vst v63  }
0x6d2: {  	s31 =	sshrl.u32 s30, $0x3;
	s11 =	sadd.s32 s4, s11  }
0x6d3: {  	[tilespmem:s29], [sflag:$0x2] =	stream.linear.gather [hbm4b:s11+s2], $0x80, $0x38;
	[tilespmem:$0x10080] =	vst v63  }
0x6d4: {  	s15 =	smul.u32 $0x1C00, s31;
	s11 =	sshll.u32 s30, $0x7  }
0x6d5: {  	(v2sf) =	vpush v63, $0xD;
	s11 =	sand.u32 $0x380, s11  }
0x6d6: {  	s16 =	sld [smem:$0x7DE];
	s13 =	sor.u32 s11, s15  }
0x6d7: {  	s17 =	sld [smem:$0x7DF];
	s13 =	sshrl.u32 s13, $0x3  }
0x6d8: {  	s19 =	sld [smem:$0x7E0];
	s13 =	sadd.s32 s3, s13  }
0x6d9: {  	[tilespmem:s16], [sflag:$0x1] =	stream.linear.gather [hbm4b:s13+s2], $0x80, $0x38;
	[tilespmem:$0x10080] =	vst v63  }
0x6da: {  	s21 =	sld [smem:$0x7E1];
	s18 =	sadd.s32 $0x80, s13  }
0x6db: {  	[tilespmem:s17], [sflag:$0x1] =	stream.linear.gather [hbm4b:s18+s2], $0x80, $0x38;
	[tilespmem:$0x10080] =	vst v63  }
0x6dc: {  	s23 =	sld [smem:$0x7E2];
	s20 =	sadd.s32 $0x100, s13  }
0x6dd: {  	[tilespmem:s19], [sflag:$0x1] =	stream.linear.gather [hbm4b:s20+s2], $0x80, $0x38;
	[tilespmem:$0x10080] =	vst v63  }
0x6de: {  	s25 =	sld [smem:$0x7E3];
	s22 =	sadd.s32 $0x180, s13  }
0x6df: {  	[tilespmem:s21], [sflag:$0x1] =	stream.linear.gather [hbm4b:s22+s2], $0x80, $0x38;
	[tilespmem:$0x10080] =	vst v63  }
0x6e0: {  	s12 =	sshll.u32 s31, $0xA;
	s28 =	sld [smem:$0x7E4];
	s24 =	sadd.s32 $0x200, s13  }
0x6e1: {  	[tilespmem:s23], [sflag:$0x1] =	stream.linear.gather [hbm4b:s24+s2], $0x80, $0x38;
	[tilespmem:$0x10080] =	vst v63  }
0x6e2: {  	s29 =	sld [smem:$0x7E5];
	s11 =	sor.u32 s11, s12;
	s26 =	sadd.s32 $0x280, s13  }
0x6e3: {  	[tilespmem:s25], [sflag:$0x1] =	stream.linear.gather [hbm4b:s26+s2], $0x80, $0x38;
	[tilespmem:$0x10080] =	vst v63  }
0x6e4: {  	s30 =	spop (v2sf);
	s11 =	sshrl.u32 s11, $0x3;
	s13 =	sadd.s32 $0x300, s13  }
0x6e5: {  	[tilespmem:s28], [sflag:$0x1] =	stream.linear.gather [hbm4b:s13+s2], $0x80, $0x38;
	[tilespmem:$0x10080] =	vst v63  }
0x6e6: {  	s31 =	sshrl.u32 s30, $0x3;
	s11 =	sadd.s32 s4, s11  }
0x6e7: {  	[tilespmem:s29], [sflag:$0x2] =	stream.linear.gather [hbm4b:s11+s2], $0x80, $0x38;
	[tilespmem:$0x10080] =	vst v63  }
0x6e8: {  	s15 =	smul.u32 $0x1C00, s31;
	s11 =	sshll.u32 s30, $0x7  }
0x6e9: {  	(v2sf) =	vpush v63, $0xE;
	s11 =	sand.u32 $0x380, s11  }
0x6ea: {  	s16 =	sld [smem:$0x7E6];
	s13 =	sor.u32 s11, s15  }
0x6eb: {  	s17 =	sld [smem:$0x7E7];
	s13 =	sshrl.u32 s13, $0x3  }
0x6ec: {  	s19 =	sld [smem:$0x7E8];
	s13 =	sadd.s32 s3, s13  }
0x6ed: {  	[tilespmem:s16], [sflag:$0x1] =	stream.linear.gather [hbm4b:s13+s2], $0x80, $0x38;
	[tilespmem:$0x10080] =	vst v63  }
0x6ee: {  	s21 =	sld [smem:$0x7E9];
	s18 =	sadd.s32 $0x80, s13  }
0x6ef: {  	[tilespmem:s17], [sflag:$0x1] =	stream.linear.gather [hbm4b:s18+s2], $0x80, $0x38;
	[tilespmem:$0x10080] =	vst v63  }
0x6f0: {  	s23 =	sld [smem:$0x7EA];
	s20 =	sadd.s32 $0x100, s13  }
0x6f1: {  	[tilespmem:s19], [sflag:$0x1] =	stream.linear.gather [hbm4b:s20+s2], $0x80, $0x38;
	[tilespmem:$0x10080] =	vst v63  }
0x6f2: {  	s25 =	sld [smem:$0x7EB];
	s22 =	sadd.s32 $0x180, s13  }
0x6f3: {  	[tilespmem:s21], [sflag:$0x1] =	stream.linear.gather [hbm4b:s22+s2], $0x80, $0x38;
	[tilespmem:$0x10080] =	vst v63  }
0x6f4: {  	s12 =	sshll.u32 s31, $0xA;
	s28 =	sld [smem:$0x7EC];
	s24 =	sadd.s32 $0x200, s13  }
0x6f5: {  	[tilespmem:s23], [sflag:$0x1] =	stream.linear.gather [hbm4b:s24+s2], $0x80, $0x38;
	[tilespmem:$0x10080] =	vst v63  }
0x6f6: {  	s29 =	sld [smem:$0x7ED];
	s11 =	sor.u32 s11, s12;
	s26 =	sadd.s32 $0x280, s13  }
0x6f7: {  	[tilespmem:s25], [sflag:$0x1] =	stream.linear.gather [hbm4b:s26+s2], $0x80, $0x38;
	[tilespmem:$0x10080] =	vst v63  }
0x6f8: {  	s30 =	spop (v2sf);
	s11 =	sshrl.u32 s11, $0x3;
	s13 =	sadd.s32 $0x300, s13  }
0x6f9: {  	[tilespmem:s28], [sflag:$0x1] =	stream.linear.gather [hbm4b:s13+s2], $0x80, $0x38;
	[tilespmem:$0x10080] =	vst v63  }
0x6fa: {  	s31 =	sshrl.u32 s30, $0x3;
	s11 =	sadd.s32 s4, s11  }
0x6fb: {  	[tilespmem:s29], [sflag:$0x2] =	stream.linear.gather [hbm4b:s11+s2], $0x80, $0x38;
	[tilespmem:$0x10080] =	vst v63  }
0x6fc: {  	s15 =	smul.u32 $0x1C00, s31;
	s11 =	sshll.u32 s30, $0x7  }
0x6fd: {  	(v2sf) =	vpush v63, $0xF;
	s11 =	sand.u32 $0x380, s11  }
0x6fe: {  	s16 =	sld [smem:$0x7EE];
	s13 =	sor.u32 s11, s15  }
0x6ff: {  	s17 =	sld [smem:$0x7EF];
	s13 =	sshrl.u32 s13, $0x3  }
0x700: {  	s19 =	sld [smem:$0x7F0];
	s13 =	sadd.s32 s3, s13  }
0x701: {  	[tilespmem:s16], [sflag:$0x1] =	stream.linear.gather [hbm4b:s13+s2], $0x80, $0x38;
	[tilespmem:$0x10080] =	vst v63  }
0x702: {  	s21 =	sld [smem:$0x7F1];
	s18 =	sadd.s32 $0x80, s13  }
0x703: {  	[tilespmem:s17], [sflag:$0x1] =	stream.linear.gather [hbm4b:s18+s2], $0x80, $0x38;
	[tilespmem:$0x10080] =	vst v63  }
0x704: {  	s23 =	sld [smem:$0x7F2];
	s20 =	sadd.s32 $0x100, s13  }
0x705: {  	[tilespmem:s19], [sflag:$0x1] =	stream.linear.gather [hbm4b:s20+s2], $0x80, $0x38;
	[tilespmem:$0x10080] =	vst v63  }
0x706: {  	s25 =	sld [smem:$0x7F3];
	s22 =	sadd.s32 $0x180, s13  }
0x707: {  	[tilespmem:s21], [sflag:$0x1] =	stream.linear.gather [hbm4b:s22+s2], $0x80, $0x38;
	[tilespmem:$0x10080] =	vst v63  }
0x708: {  	s12 =	sshll.u32 s31, $0xA;
	s28 =	sld [smem:$0x7F4];
	s24 =	sadd.s32 $0x200, s13  }
0x709: {  	[tilespmem:s23], [sflag:$0x1] =	stream.linear.gather [hbm4b:s24+s2], $0x80, $0x38;
	[tilespmem:$0x10080] =	vst v63  }
0x70a: {  	s29 =	sld [smem:$0x7F5];
	s11 =	sor.u32 s11, s12;
	s26 =	sadd.s32 $0x280, s13  }
0x70b: {  	[tilespmem:s25], [sflag:$0x1] =	stream.linear.gather [hbm4b:s26+s2], $0x80, $0x38;
	[tilespmem:$0x10080] =	vst v63  }
0x70c: {  	s30 =	spop (v2sf);
	s11 =	sshrl.u32 s11, $0x3;
	s13 =	sadd.s32 $0x300, s13  }
0x70d: {  	[tilespmem:s28], [sflag:$0x1] =	stream.linear.gather [hbm4b:s13+s2], $0x80, $0x38;
	[tilespmem:$0x10080] =	vst v63  }
0x70e: {  	s31 =	sshrl.u32 s30, $0x3;
	s11 =	sadd.s32 s4, s11  }
0x70f: {  	[tilespmem:s29], [sflag:$0x2] =	stream.linear.gather [hbm4b:s11+s2], $0x80, $0x38;
	[tilespmem:$0x10080] =	vst v63  }
0x710: {  	s15 =	smul.u32 $0x1C00, s31;
	s11 =	sshll.u32 s30, $0x7  }
0x711: {  	s11 =	sand.u32 $0x380, s11  }
0x712: {  	s16 =	sld [smem:$0x7F6];
	s13 =	sor.u32 s11, s15  }
0x713: {  	s13 =	sshrl.u32 s13, $0x3  }
0x714: {  	s17 =	sld [smem:$0x7F7];
	s13 =	sadd.s32 s3, s13  }
0x715: {  	[tilespmem:s16], [sflag:$0x1] =	stream.linear.gather [hbm4b:s13+s2], $0x80, $0x38;
	[tilespmem:$0x10080] =	vst v63  }
0x716: {  	s19 =	sld [smem:$0x7F8];
	s18 =	sadd.s32 $0x80, s13  }
0x717: {  	[tilespmem:s17], [sflag:$0x1] =	stream.linear.gather [hbm4b:s18+s2], $0x80, $0x38;
	[tilespmem:$0x10080] =	vst v63  }
0x718: {  	s21 =	sld [smem:$0x7FB];
	s20 =	sadd.s32 $0x100, s13  }
0x719: {  	[tilespmem:s19], [sflag:$0x1] =	stream.linear.gather [hbm4b:s20+s2], $0x80, $0x38;
	[tilespmem:$0x10080] =	vst v63  }
0x71a: {  	s23 =	sld [smem:$0x7FA];
	s22 =	sadd.s32 $0x180, s13  }
0x71b: {  	[tilespmem:s21], [sflag:$0x1] =	stream.linear.gather [hbm4b:s22+s2], $0x80, $0x38;
	[tilespmem:$0x10080] =	vst v63  }
0x71c: {  	s12 =	sshll.u32 s31, $0xA;
	s25 =	sld [smem:$0x7F9];
	s24 =	sadd.s32 $0x200, s13  }
0x71d: {  	[tilespmem:s23], [sflag:$0x1] =	stream.linear.gather [hbm4b:s24+s2], $0x80, $0x38;
	[tilespmem:$0x10080] =	vst v63  }
0x71e: {  	s28 =	sld [smem:$0x7FC];
	s11 =	sor.u32 s11, s12;
	s26 =	sadd.s32 $0x280, s13  }
0x71f: {  	[tilespmem:s25], [sflag:$0x1] =	stream.linear.gather [hbm4b:s26+s2], $0x80, $0x38;
	[tilespmem:$0x10080] =	vst v63  }
0x720: {  	s29 =	sld [smem:$0x7FD];
	s11 =	sshrl.u32 s11, $0x3;
	s13 =	sadd.s32 $0x300, s13  }
0x721: {  	[tilespmem:s28], [sflag:$0x1] =	stream.linear.gather [hbm4b:s13+s2], $0x80, $0x38;
	[tilespmem:$0x10080] =	vst v63  }
0x722: {  	s11 =	sadd.s32 s4, s11  }
0x723: {  	[tilespmem:s29], [sflag:$0x2] =	stream.linear.gather [hbm4b:s11+s2], $0x80, $0x38;
	[tilespmem:$0x10080] =	vst v63  }
0x724: {  	_ =	swait.ge [sflag:s9], $0xE000  }
0x725: {  	[sflag:s9] =	ssyncset.done $0x0  }
0x726: {  	[sflag:s9] =	ssyncadd.s32 $0xFFFF2000  }
0x727: {  	_ =	swait.ge [sflag:s10], $0x2000  }
0x728: {  	[sflag:s10] =	ssyncset.done $0x0  }
0x729: {  	s30 =	rddreg [dreg:$0x4];
	[sflag:s10] =	ssyncadd.s32 $0xFFFFE000  }
0x72a: {  	[hbm4b:s30+s2] =	stream.linear.scatter [tilespmem:s7], [sflag:$0x3], $0xE000, $0x38;
	[tilespmem:$0x10080] =	vst v63  }
0x72b: {  	_ =	swait.ge [sflag:s6], $0xE000  }
0x72c: {  	p0 =	sne.s32 s5, $0x1;
	[sflag:s6] =	ssyncset.done $0x0  }
.Ltmp0:
0x72d: {  	s31 =	rddreg [dreg:$0x5];
	[sflag:s6] =	ssyncadd.s32 $0xFFFF2000;
	(pc) =	sbr.rel @p0 .LBB2_1-.Ltmp0, $4  }
0x72e: {  	[hbm4b:s31+s2] =	stream.linear.scatter [tilespmem:s8], [sflag:$0x3], $0x2000, $0x38;
	[tilespmem:$0x10080] =	vst v63  }
0x72f: {  	_ =	swait.ge [sflag:s6], $0x2000  }
0x730: {  	[sflag:s6] =	ssyncset.done $0x0  }
0x731: {  	s5 =	sadd.s32 $0xFFFFFFFF, s5;
	[sflag:s6] =	ssyncadd.s32 $0xFFFFE000  }
0x732: {  	_ =	sfence.sel $0x180000  }
0x733: {  	[bflag:$0x0] =	sbarrier.arrive $0xFFFF  }
0x734: {  	p0 =	sne.s32 s0, $0x0;
	_ =	strace $0x90000047  }
0x735: {  	s0 =	sadd.s32 @!p0 $0x100000, s1;
	[bflag:$0x2] =	sbarrier.arrive $0xFFFF  }
0x736: {  	[sflag:s0] =	ssyncadd.tile.s32 @!p0 $0x1;
	_ =	shalt  }
.Lfunc_end2:
_tile_overlayer_lowered:
.L_overlay_start_2:
0x737: {  	(tag) =	ssettag $0x2  }
0x738: {  	s0 =	rddreg [dreg:$0x0];
	s2 =	stileid.u32  }
0x739: {  	s1 =	rddreg [dreg:$0x1];
	p0 =	sne.s32 s2, $0x0  }
0x73a: {  	s3 =	rddreg [dreg:$0x2];
	[bflag:$0x3] =	sbarrier.arrive $0xFFFF;
	s2 =	simm.s32 @!p0 $0x1C03  }
0x73b: {  	[timem:s3], [sflag:s2] =	dma.local @!p0 [hbm:s0], s1  }
0x73c: {  	s0 =	simm.s32 @!p0 $0x3  }
0x73d: {  	_ =	swait.ge @!p0 [sflag:s0], s1  }
0x73e: {  	s1 =	ssub.s32 @!p0 $0x0, s1;
	[sflag:s0] =	ssyncset.done @!p0 $0x0  }
0x73f: {  	[sflag:s0] =	ssyncadd.s32 @!p0 s1  }
0x740: {  	[bflag:$0x3] =	sbarrier.arrive $0xFFFF  }
0x741: {  	_ =	shalt  }

</sc_bundles>
